<compile_context>
chip_gen: v7x
topology: tpu7x:2x2x1
jax: 0.10.2.dev20260603
libtpu: 0.0.44.dev20260713+nightly
codegen_flags: <defaults>
</compile_context>

<pallas_src>
import functools

import jax
import jax.numpy as jnp
from jax import lax
from jax.experimental import pallas as pl
from jax.experimental.pallas import tpu as pltpu
from jax.experimental.pallas import tpu_sc as plsc

E = 64
C = 8
K = 16
L = 16
NC = 2
NS = 16
NW = NC * NS


def _build_sc_kernel(B: int):
  R = B // NW
  mesh = plsc.VectorSubcoreMesh(core_axis_name="c", subcore_axis_name="s")

  @functools.partial(
      pl.kernel,
      out_type=(
          jax.ShapeDtypeStruct((B, K), jnp.int32),
          jax.ShapeDtypeStruct((B, K), jnp.float32),
      ),
      mesh=mesh,
      compiler_params=pltpu.CompilerParams(
          needs_layout_passes=False, use_tc_tiling_on_sc=False),
      scratch_types=[
          pltpu.VMEM((E, E), jnp.float32),
          pltpu.VMEM((R, C), jnp.int32),
          pltpu.VMEM((R, C), jnp.float32),
          pltpu.VMEM((L,), jnp.int32),
          pltpu.VMEM((L,), jnp.float32),
          pltpu.VMEM((R, K), jnp.int32),
          pltpu.VMEM((R, K), jnp.float32),
          pltpu.VMEM((2, 5, L), jnp.float32),
          pltpu.VMEM((2, L), jnp.int32),
          pltpu.SemaphoreType.DMA,
      ],
  )
  def sc_kernel(scores_hbm, cooc_hbm, ids_hbm, dvi_hbm, dvf_hbm,
                oi_hbm, os_hbm,
                cooc_v, ids_v, sc_v, di_v, df_v, oi_v, os_v, pf_v, pi_v,
                dsem):
    wid = lax.axis_index("s") * NC + lax.axis_index("c")
    base = wid * R
    copies = [
        pltpu.make_async_copy(cooc_hbm, cooc_v, dsem),
        pltpu.make_async_copy(ids_hbm.at[pl.ds(base, R)], ids_v, dsem),
        pltpu.make_async_copy(scores_hbm.at[pl.ds(base, R)], sc_v, dsem),
        pltpu.make_async_copy(dvi_hbm, di_v, dsem),
        pltpu.make_async_copy(dvf_hbm, df_v, dsem),
    ]
    for cp in copies:
      cp.start()
    for cp in copies:
      cp.wait()

    lane = lax.iota(jnp.int32, L)
    mask_lo = lane < C
    neg_inf = jnp.full((L,), -jnp.inf, jnp.float32)
    vals = [lane + j * L for j in range(E // L)]
    col8 = lane & (C - 1)
    ocol = col8 + C
    splats = [jnp.full((L,), i, jnp.int32) for i in range(C)]
    di = di_v[...]
    df = df_v[...]

    def accum(r):
      rvec = jnp.full((L,), 0, jnp.int32) + r
      prods = [[] for _ in range(E // L)]
      masks = [[] for _ in range(E // L)]
      for i in range(C):
        idv = plsc.load_gather(ids_v, [rvec, splats[i]])
        sv = plsc.load_gather(sc_v, [rvec, splats[i]])
        for j in range(E // L):
          rowj = plsc.load_gather(cooc_v, [idv, vals[j]])
          prods[j].append(sv * rowj)
          masks[j].append(vals[j] == idv)

      def tree(xs, op):
        while len(xs) > 1:
          xs = [op(xs[k], xs[k + 1]) for k in range(0, len(xs) - 1, 2)] + (
              [xs[-1]] if len(xs) & 1 else [])
        return xs[0]

      accs = tuple(
          jnp.where(tree(masks[j], jnp.logical_or), neg_inf,
                    tree(prods[j], jnp.add))
          for j in range(E // L))
      ids16 = plsc.load_gather(ids_v, [rvec, col8])
      s16 = plsc.load_gather(sc_v, [rvec, col8])
      return accs + (ids16, s16)

    def level1(state):
      a0, a1, a2, a3, ids16, s16 = state
      s0 = plsc.sort_key_val(a0, vals[0], descending=True)
      s1 = plsc.sort_key_val(a1, vals[1], descending=False)
      s2 = plsc.sort_key_val(a2, vals[2], descending=True)
      s3 = plsc.sort_key_val(a3, vals[3], descending=False)
      return s0, s1, s2, s3, ids16, s16

    def finish(r, state):
      (s0k, s0v), (s1k, s1v), (s2k, s2v), (s3k, s3v), ids16, s16 = state
      t01k, t01v = plsc.sort_key_val(jnp.where(mask_lo, s0k, s1k),
                                     jnp.where(mask_lo, s0v, s1v),
                                     descending=True)
      t23k, t23v = plsc.sort_key_val(jnp.where(mask_lo, s2k, s3k),
                                     jnp.where(mask_lo, s2v, s3v),
                                     descending=False)
      fk, fv = plsc.sort_key_val(jnp.where(mask_lo, t01k, t23k),
                                 jnp.where(mask_lo, t01v, t23v),
                                 descending=True)
      rvec = jnp.full((L,), 0, jnp.int32) + r
      oi_v[r] = ids16 + di
      os_v[r] = s16 + df
      plsc.store_scatter(oi_v, [rvec, ocol], fv + di, mask=mask_lo)
      plsc.store_scatter(os_v, [rvec, ocol], fk + df, mask=mask_lo)

    def stash(slot, st):
      a0, a1, a2, a3, ids16, s16 = st
      pf_v[slot, 0] = a0
      pf_v[slot, 1] = a1
      pf_v[slot, 2] = a2
      pf_v[slot, 3] = a3
      pf_v[slot, 4] = s16
      pi_v[slot] = ids16

    def unstash(slot):
      return (pf_v[slot, 0], pf_v[slot, 1], pf_v[slot, 2], pf_v[slot, 3],
              pi_v[slot], pf_v[slot, 4])

    stash(1, accum(0))

    def row_body(r, carry):
      sorted1 = level1(unstash((r + 1) & 1))
      stash(r & 1, accum(jnp.minimum(r, R - 1)))
      finish(jnp.maximum(r - 1, 0), sorted1)
      return carry

    lax.fori_loop(0, R + 1, row_body, 0)
    pltpu.sync_copy(oi_v, oi_hbm.at[pl.ds(base, R)])
    pltpu.sync_copy(os_v, os_hbm.at[pl.ds(base, R)])

  return sc_kernel


@functools.cache
def _get_sc_kernel(B: int):
  return _build_sc_kernel(B)


def kernel(candidate_scores, cooccurrence, candidate_ids, target_size):
  B, _ = candidate_ids.shape
  delta_i = jnp.asarray(target_size, jnp.int32) - K
  dvi = jnp.full((L,), delta_i, jnp.int32)
  dvf = jnp.full((L,), delta_i.astype(jnp.float32), jnp.float32)
  n_chunks = 4
  h = B // n_chunks
  f = _get_sc_kernel(h)
  outs = [f(candidate_scores[c * h:(c + 1) * h], cooccurrence,
            candidate_ids[c * h:(c + 1) * h], dvi, dvf)
          for c in range(n_chunks)]
  return (jnp.concatenate([o[0] for o in outs], axis=0),
          jnp.concatenate([o[1] for o in outs], axis=0))

# --- scband reference (transcript-rebuilt; emitter-appended) ---
"""Pipeline reference for scband-cooccurrence-enhancer-21182778703904 (READ-ONLY COPY).

The authoritative reference and input builder live on the scoring server;
editing this copy changes nothing except your own understanding.
"""

import jax, jax.numpy as jnp
import numpy as np

NUM_EXPERTS = 64
B = 32768
C = 8
TARGET_SIZE = 16


def setup_inputs(seed: int = 0) -> dict:
    key = jax.random.key(seed)
    k1, k2, k3 = jax.random.split(key, 3)
    candidate_ids = jax.random.randint(k1, (B, C), 0, NUM_EXPERTS)
    candidate_scores = jax.random.uniform(k2, (B, C), dtype=jnp.float32)
    # Realistic post-update co-occurrence buffer: row-normalized, diagonally dominant
    cooc = jax.random.uniform(k3, (NUM_EXPERTS, NUM_EXPERTS), dtype=jnp.float32) + jnp.eye(NUM_EXPERTS, dtype=jnp.float32)
    cooc = cooc / jnp.clip(cooc.sum(axis=1, keepdims=True), 1e-8)
    return {
        "candidate_scores": candidate_scores,
        "cooccurrence": cooc,
        "candidate_ids": candidate_ids,
        "target_size": TARGET_SIZE,
    }


def reference(candidate_scores, cooccurrence, candidate_ids, target_size):
    batch_size, num_candidates = candidate_ids.shape
    delta = jnp.asarray(target_size, dtype=candidate_ids.dtype) - TARGET_SIZE
    if TARGET_SIZE <= num_candidates:
        return (candidate_ids + delta, candidate_scores + delta.astype(candidate_scores.dtype))
    num_to_add = TARGET_SIZE - num_candidates
    # cooc_scores[b] = sum_i candidate_scores[b, i] * cooccurrence[candidate_ids[b, i]]
    gathered = jnp.take(cooccurrence, candidate_ids, axis=0)  # [B, C, E]
    cooc_scores = jnp.sum(candidate_scores[:, :, None] * gathered, axis=1)  # [B, E]
    # Mask out already-selected candidates
    rows = jnp.arange(batch_size)[:, None]
    cooc_scores = cooc_scores.at[rows, candidate_ids].set(-jnp.inf)
    additional_scores, additional_ids = jax.lax.top_k(cooc_scores, num_to_add)
    expanded_ids = jnp.concatenate([candidate_ids, additional_ids], axis=-1) + delta
    expanded_scores = jnp.concatenate([candidate_scores, additional_scores], axis=-1) + delta.astype(candidate_scores.dtype)
    return (expanded_ids, expanded_scores)

if __name__ == "__main__":
    import jax
    _d = setup_inputs()
    print(jax.jit(kernel)(*tuple(_d.values())))

</pallas_src>

<mosaic_0001>
#map = affine_map<(d0, d1) -> (0, 0)>
#map1 = affine_map<(d0, d1) -> (0)>
module attributes {stable_mosaic.version = 14 : i64} {
  func.func @sc_kernel(%arg0: i32, %arg1: i32, %arg2: memref<8192x8xf32, #tpu.memory_space<hbm>>, %arg3: memref<64x64xf32, #tpu.memory_space<hbm>>, %arg4: memref<8192x8xi32, #tpu.memory_space<hbm>>, %arg5: memref<16xi32, #tpu.memory_space<hbm>>, %arg6: memref<16xf32, #tpu.memory_space<hbm>>, %arg7: memref<8192x16xi32, #tpu.memory_space<hbm>>, %arg8: memref<8192x16xf32, #tpu.memory_space<hbm>>, %arg9: memref<64x64xf32, #tpu.memory_space<vmem>>, %arg10: memref<256x8xi32, #tpu.memory_space<vmem>>, %arg11: memref<256x8xf32, #tpu.memory_space<vmem>>, %arg12: memref<16xi32, #tpu.memory_space<vmem>>, %arg13: memref<16xf32, #tpu.memory_space<vmem>>, %arg14: memref<256x16xi32, #tpu.memory_space<vmem>>, %arg15: memref<256x16xf32, #tpu.memory_space<vmem>>, %arg16: memref<2x5x16xf32, #tpu.memory_space<vmem>>, %arg17: memref<2x16xi32, #tpu.memory_space<vmem>>, %arg18: memref<!tpu.dma_semaphore, #tpu.memory_space<semaphore_mem>>) attributes {dimension_semantics = [#tpu.dimension_semantics<core_parallel>, #tpu.dimension_semantics<subcore_parallel>], iteration_bounds = array<i64: 2, 16>, scalar_prefetch = 0 : i64, scratch_operands = 10 : i64, tpu.core_type = #tpu.core_type<sc_vector_subcore>, window_params = [{transform_indices = #map}, {transform_indices = #map}, {transform_indices = #map}, {transform_indices = #map1}, {transform_indices = #map1}, {transform_indices = #map}, {transform_indices = #map}]} {
    %mul3A = arith.constant 2 : i32
    %mul3A_0 = arith.muli %arg1, %mul3A : i32
    %add3A = arith.addi %mul3A_0, %arg0 : i32
    %mul3A_1 = arith.constant 256 : i32
    %mul3A_2 = arith.muli %add3A, %mul3A_1 : i32
    tpu.enqueue_dma source(%arg3 : memref<64x64xf32, #tpu.memory_space<hbm>>) target(%arg9 : memref<64x64xf32, #tpu.memory_space<vmem>>) target_semaphore(%arg18 : memref<!tpu.dma_semaphore, #tpu.memory_space<semaphore_mem>>)
    %dma_start3A = arith.constant 0 : i32
    %dma_start3A_3 = tpu.memref_slice %arg4[%mul3A_2, %dma_start3A] : memref<8192x8xi32, #tpu.memory_space<hbm>> -> memref<256x8xi32, #tpu.memory_space<hbm>>
    %dma_start3A_4 = arith.constant 0 : i32
    %dma_start3A_5 = tpu.memref_slice %arg4[%mul3A_2, %dma_start3A_4] : memref<8192x8xi32, #tpu.memory_space<hbm>> -> memref<256x8xi32, #tpu.memory_space<hbm>>
    tpu.enqueue_dma source(%dma_start3A_5 : memref<256x8xi32, #tpu.memory_space<hbm>>) target(%arg10 : memref<256x8xi32, #tpu.memory_space<vmem>>) target_semaphore(%arg18 : memref<!tpu.dma_semaphore, #tpu.memory_space<semaphore_mem>>)
    %dma_start3A_6 = arith.constant 0 : i32
    %dma_start3A_7 = tpu.memref_slice %arg2[%mul3A_2, %dma_start3A_6] : memref<8192x8xf32, #tpu.memory_space<hbm>> -> memref<256x8xf32, #tpu.memory_space<hbm>>
    %dma_start3A_8 = arith.constant 0 : i32
    %dma_start3A_9 = tpu.memref_slice %arg2[%mul3A_2, %dma_start3A_8] : memref<8192x8xf32, #tpu.memory_space<hbm>> -> memref<256x8xf32, #tpu.memory_space<hbm>>
    tpu.enqueue_dma source(%dma_start3A_9 : memref<256x8xf32, #tpu.memory_space<hbm>>) target(%arg11 : memref<256x8xf32, #tpu.memory_space<vmem>>) target_semaphore(%arg18 : memref<!tpu.dma_semaphore, #tpu.memory_space<semaphore_mem>>)
    tpu.enqueue_dma source(%arg5 : memref<16xi32, #tpu.memory_space<hbm>>) target(%arg12 : memref<16xi32, #tpu.memory_space<vmem>>) target_semaphore(%arg18 : memref<!tpu.dma_semaphore, #tpu.memory_space<semaphore_mem>>)
    tpu.enqueue_dma source(%arg6 : memref<16xf32, #tpu.memory_space<hbm>>) target(%arg13 : memref<16xf32, #tpu.memory_space<vmem>>) target_semaphore(%arg18 : memref<!tpu.dma_semaphore, #tpu.memory_space<semaphore_mem>>)
    tpu.wait_dma2 semaphore(%arg18 : memref<!tpu.dma_semaphore, #tpu.memory_space<semaphore_mem>>) src(%arg3 : memref<64x64xf32, #tpu.memory_space<hbm>>) dst(%arg9 : memref<64x64xf32, #tpu.memory_space<vmem>>)
    %dma_wait3A = arith.constant 0 : i32
    %dma_wait3A_10 = tpu.memref_slice %arg4[%mul3A_2, %dma_wait3A] : memref<8192x8xi32, #tpu.memory_space<hbm>> -> memref<256x8xi32, #tpu.memory_space<hbm>>
    %dma_wait3A_11 = arith.constant 0 : i32
    %dma_wait3A_12 = tpu.memref_slice %arg4[%mul3A_2, %dma_wait3A_11] : memref<8192x8xi32, #tpu.memory_space<hbm>> -> memref<256x8xi32, #tpu.memory_space<hbm>>
    tpu.wait_dma2 semaphore(%arg18 : memref<!tpu.dma_semaphore, #tpu.memory_space<semaphore_mem>>) src(%dma_wait3A_12 : memref<256x8xi32, #tpu.memory_space<hbm>>) dst(%arg10 : memref<256x8xi32, #tpu.memory_space<vmem>>)
    %dma_wait3A_13 = arith.constant 0 : i32
    %dma_wait3A_14 = tpu.memref_slice %arg2[%mul3A_2, %dma_wait3A_13] : memref<8192x8xf32, #tpu.memory_space<hbm>> -> memref<256x8xf32, #tpu.memory_space<hbm>>
    %dma_wait3A_15 = arith.constant 0 : i32
    %dma_wait3A_16 = tpu.memref_slice %arg2[%mul3A_2, %dma_wait3A_15] : memref<8192x8xf32, #tpu.memory_space<hbm>> -> memref<256x8xf32, #tpu.memory_space<hbm>>
    tpu.wait_dma2 semaphore(%arg18 : memref<!tpu.dma_semaphore, #tpu.memory_space<semaphore_mem>>) src(%dma_wait3A_16 : memref<256x8xf32, #tpu.memory_space<hbm>>) dst(%arg11 : memref<256x8xf32, #tpu.memory_space<vmem>>)
    tpu.wait_dma2 semaphore(%arg18 : memref<!tpu.dma_semaphore, #tpu.memory_space<semaphore_mem>>) src(%arg5 : memref<16xi32, #tpu.memory_space<hbm>>) dst(%arg12 : memref<16xi32, #tpu.memory_space<vmem>>)
    tpu.wait_dma2 semaphore(%arg18 : memref<!tpu.dma_semaphore, #tpu.memory_space<semaphore_mem>>) src(%arg6 : memref<16xf32, #tpu.memory_space<hbm>>) dst(%arg13 : memref<16xf32, #tpu.memory_space<vmem>>)
    %iota3A = tpu.iota {dimensions = array<i32: 0>} : vector<16xi32>
    %lt3A = arith.constant 8 : i32
    %lt3A_17 = vector.broadcast %lt3A : i32 to vector<16xi32>
    %lt3A_18 = arith.cmpi slt, %iota3A, %lt3A_17 : vector<16xi32>
    %broadcast_in_dim3A = arith.constant 0xFF800000 : f32
    %broadcast_in_dim3A_19 = vector.broadcast %broadcast_in_dim3A : f32 to vector<16xf32>
    %add3A_20 = arith.constant 0 : i32
    %add3A_21 = vector.broadcast %add3A_20 : i32 to vector<16xi32>
    %add3A_22 = arith.addi %iota3A, %add3A_21 : vector<16xi32>
    %add3A_23 = arith.constant 16 : i32
    %add3A_24 = vector.broadcast %add3A_23 : i32 to vector<16xi32>
    %add3A_25 = arith.addi %iota3A, %add3A_24 : vector<16xi32>
    %add3A_26 = arith.constant 32 : i32
    %add3A_27 = vector.broadcast %add3A_26 : i32 to vector<16xi32>
    %add3A_28 = arith.addi %iota3A, %add3A_27 : vector<16xi32>
    %add3A_29 = arith.constant 48 : i32
    %add3A_30 = vector.broadcast %add3A_29 : i32 to vector<16xi32>
    %add3A_31 = arith.addi %iota3A, %add3A_30 : vector<16xi32>
    %and3A = arith.constant 7 : i32
    %and3A_32 = vector.broadcast %and3A : i32 to vector<16xi32>
    %and3A_33 = arith.andi %iota3A, %and3A_32 : vector<16xi32>
    %add3A_34 = arith.constant 8 : i32
    %add3A_35 = vector.broadcast %add3A_34 : i32 to vector<16xi32>
    %add3A_36 = arith.addi %and3A_33, %add3A_35 : vector<16xi32>
    %broadcast_in_dim3A_37 = arith.constant 0 : i32
    %broadcast_in_dim3A_38 = vector.broadcast %broadcast_in_dim3A_37 : i32 to vector<16xi32>
    %broadcast_in_dim3A_39 = arith.constant 1 : i32
    %broadcast_in_dim3A_40 = vector.broadcast %broadcast_in_dim3A_39 : i32 to vector<16xi32>
    %broadcast_in_dim3A_41 = arith.constant 2 : i32
    %broadcast_in_dim3A_42 = vector.broadcast %broadcast_in_dim3A_41 : i32 to vector<16xi32>
    %broadcast_in_dim3A_43 = arith.constant 3 : i32
    %broadcast_in_dim3A_44 = vector.broadcast %broadcast_in_dim3A_43 : i32 to vector<16xi32>
    %broadcast_in_dim3A_45 = arith.constant 4 : i32
    %broadcast_in_dim3A_46 = vector.broadcast %broadcast_in_dim3A_45 : i32 to vector<16xi32>
    %broadcast_in_dim3A_47 = arith.constant 5 : i32
    %broadcast_in_dim3A_48 = vector.broadcast %broadcast_in_dim3A_47 : i32 to vector<16xi32>
    %broadcast_in_dim3A_49 = arith.constant 6 : i32
    %broadcast_in_dim3A_50 = vector.broadcast %broadcast_in_dim3A_49 : i32 to vector<16xi32>
    %broadcast_in_dim3A_51 = arith.constant 7 : i32
    %broadcast_in_dim3A_52 = vector.broadcast %broadcast_in_dim3A_51 : i32 to vector<16xi32>
    %get3A = arith.constant 0 : index
    %get3A_53 = tpu.vector_load %arg12[%get3A] {strides = array<i32>} : memref<16xi32, #tpu.memory_space<vmem>>, vector<16xi32>,
    %get3A_54 = arith.constant 0 : index
    %get3A_55 = tpu.vector_load %arg13[%get3A_54] {strides = array<i32>} : memref<16xf32, #tpu.memory_space<vmem>>, vector<16xf32>,
    %broadcast_in_dim3A_56 = arith.constant 0 : i32
    %broadcast_in_dim3A_57 = vector.broadcast %broadcast_in_dim3A_56 : i32 to vector<16xi32>
    %add3A_58 = arith.constant 0 : i32
    %add3A_59 = vector.broadcast %add3A_58 : i32 to vector<16xi32>
    %add3A_60 = arith.addi %broadcast_in_dim3A_57, %add3A_59 : vector<16xi32>
    %gather3A = tpu.vector_load_idx %arg10[%add3A_60, %broadcast_in_dim3A_38] : memref<256x8xi32, #tpu.memory_space<vmem>>[vector<16xi32>, vector<16xi32>], vector<16xi32>,
    %gather3A_61 = tpu.vector_load_idx %arg11[%add3A_60, %broadcast_in_dim3A_38] : memref<256x8xf32, #tpu.memory_space<vmem>>[vector<16xi32>, vector<16xi32>], vector<16xf32>,
    %gather3A_62 = tpu.vector_load_idx %arg9[%gather3A, %add3A_22] : memref<64x64xf32, #tpu.memory_space<vmem>>[vector<16xi32>, vector<16xi32>], vector<16xf32>,
    %mul3A_63 = arith.mulf %gather3A_61, %gather3A_62 : vector<16xf32>
    %eq3A = arith.cmpi eq, %add3A_22, %gather3A : vector<16xi32>
    %gather3A_64 = tpu.vector_load_idx %arg9[%gather3A, %add3A_25] : memref<64x64xf32, #tpu.memory_space<vmem>>[vector<16xi32>, vector<16xi32>], vector<16xf32>,
    %mul3A_65 = arith.mulf %gather3A_61, %gather3A_64 : vector<16xf32>
    %eq3A_66 = arith.cmpi eq, %add3A_25, %gather3A : vector<16xi32>
    %gather3A_67 = tpu.vector_load_idx %arg9[%gather3A, %add3A_28] : memref<64x64xf32, #tpu.memory_space<vmem>>[vector<16xi32>, vector<16xi32>], vector<16xf32>,
    %mul3A_68 = arith.mulf %gather3A_61, %gather3A_67 : vector<16xf32>
    %eq3A_69 = arith.cmpi eq, %add3A_28, %gather3A : vector<16xi32>
    %gather3A_70 = tpu.vector_load_idx %arg9[%gather3A, %add3A_31] : memref<64x64xf32, #tpu.memory_space<vmem>>[vector<16xi32>, vector<16xi32>], vector<16xf32>,
    %mul3A_71 = arith.mulf %gather3A_61, %gather3A_70 : vector<16xf32>
    %eq3A_72 = arith.cmpi eq, %add3A_31, %gather3A : vector<16xi32>
    %gather3A_73 = tpu.vector_load_idx %arg10[%add3A_60, %broadcast_in_dim3A_40] : memref<256x8xi32, #tpu.memory_space<vmem>>[vector<16xi32>, vector<16xi32>], vector<16xi32>,
    %gather3A_74 = tpu.vector_load_idx %arg11[%add3A_60, %broadcast_in_dim3A_40] : memref<256x8xf32, #tpu.memory_space<vmem>>[vector<16xi32>, vector<16xi32>], vector<16xf32>,
    %gather3A_75 = tpu.vector_load_idx %arg9[%gather3A_73, %add3A_22] : memref<64x64xf32, #tpu.memory_space<vmem>>[vector<16xi32>, vector<16xi32>], vector<16xf32>,
    %mul3A_76 = arith.mulf %gather3A_74, %gather3A_75 : vector<16xf32>
    %eq3A_77 = arith.cmpi eq, %add3A_22, %gather3A_73 : vector<16xi32>
    %gather3A_78 = tpu.vector_load_idx %arg9[%gather3A_73, %add3A_25] : memref<64x64xf32, #tpu.memory_space<vmem>>[vector<16xi32>, vector<16xi32>], vector<16xf32>,
    %mul3A_79 = arith.mulf %gather3A_74, %gather3A_78 : vector<16xf32>
    %eq3A_80 = arith.cmpi eq, %add3A_25, %gather3A_73 : vector<16xi32>
    %gather3A_81 = tpu.vector_load_idx %arg9[%gather3A_73, %add3A_28] : memref<64x64xf32, #tpu.memory_space<vmem>>[vector<16xi32>, vector<16xi32>], vector<16xf32>,
    %mul3A_82 = arith.mulf %gather3A_74, %gather3A_81 : vector<16xf32>
    %eq3A_83 = arith.cmpi eq, %add3A_28, %gather3A_73 : vector<16xi32>
    %gather3A_84 = tpu.vector_load_idx %arg9[%gather3A_73, %add3A_31] : memref<64x64xf32, #tpu.memory_space<vmem>>[vector<16xi32>, vector<16xi32>], vector<16xf32>,
    %mul3A_85 = arith.mulf %gather3A_74, %gather3A_84 : vector<16xf32>
    %eq3A_86 = arith.cmpi eq, %add3A_31, %gather3A_73 : vector<16xi32>
    %gather3A_87 = tpu.vector_load_idx %arg10[%add3A_60, %broadcast_in_dim3A_42] : memref<256x8xi32, #tpu.memory_space<vmem>>[vector<16xi32>, vector<16xi32>], vector<16xi32>,
    %gather3A_88 = tpu.vector_load_idx %arg11[%add3A_60, %broadcast_in_dim3A_42] : memref<256x8xf32, #tpu.memory_space<vmem>>[vector<16xi32>, vector<16xi32>], vector<16xf32>,
    %gather3A_89 = tpu.vector_load_idx %arg9[%gather3A_87, %add3A_22] : memref<64x64xf32, #tpu.memory_space<vmem>>[vector<16xi32>, vector<16xi32>], vector<16xf32>,
    %mul3A_90 = arith.mulf %gather3A_88, %gather3A_89 : vector<16xf32>
    %eq3A_91 = arith.cmpi eq, %add3A_22, %gather3A_87 : vector<16xi32>
    %gather3A_92 = tpu.vector_load_idx %arg9[%gather3A_87, %add3A_25] : memref<64x64xf32, #tpu.memory_space<vmem>>[vector<16xi32>, vector<16xi32>], vector<16xf32>,
    %mul3A_93 = arith.mulf %gather3A_88, %gather3A_92 : vector<16xf32>
    %eq3A_94 = arith.cmpi eq, %add3A_25, %gather3A_87 : vector<16xi32>
    %gather3A_95 = tpu.vector_load_idx %arg9[%gather3A_87, %add3A_28] : memref<64x64xf32, #tpu.memory_space<vmem>>[vector<16xi32>, vector<16xi32>], vector<16xf32>,
    %mul3A_96 = arith.mulf %gather3A_88, %gather3A_95 : vector<16xf32>
    %eq3A_97 = arith.cmpi eq, %add3A_28, %gather3A_87 : vector<16xi32>
    %gather3A_98 = tpu.vector_load_idx %arg9[%gather3A_87, %add3A_31] : memref<64x64xf32, #tpu.memory_space<vmem>>[vector<16xi32>, vector<16xi32>], vector<16xf32>,
    %mul3A_99 = arith.mulf %gather3A_88, %gather3A_98 : vector<16xf32>
    %eq3A_100 = arith.cmpi eq, %add3A_31, %gather3A_87 : vector<16xi32>
    %gather3A_101 = tpu.vector_load_idx %arg10[%add3A_60, %broadcast_in_dim3A_44] : memref<256x8xi32, #tpu.memory_space<vmem>>[vector<16xi32>, vector<16xi32>], vector<16xi32>,
    %gather3A_102 = tpu.vector_load_idx %arg11[%add3A_60, %broadcast_in_dim3A_44] : memref<256x8xf32, #tpu.memory_space<vmem>>[vector<16xi32>, vector<16xi32>], vector<16xf32>,
    %gather3A_103 = tpu.vector_load_idx %arg9[%gather3A_101, %add3A_22] : memref<64x64xf32, #tpu.memory_space<vmem>>[vector<16xi32>, vector<16xi32>], vector<16xf32>,
    %mul3A_104 = arith.mulf %gather3A_102, %gather3A_103 : vector<16xf32>
    %eq3A_105 = arith.cmpi eq, %add3A_22, %gather3A_101 : vector<16xi32>
    %gather3A_106 = tpu.vector_load_idx %arg9[%gather3A_101, %add3A_25] : memref<64x64xf32, #tpu.memory_space<vmem>>[vector<16xi32>, vector<16xi32>], vector<16xf32>,
    %mul3A_107 = arith.mulf %gather3A_102, %gather3A_106 : vector<16xf32>
    %eq3A_108 = arith.cmpi eq, %add3A_25, %gather3A_101 : vector<16xi32>
    %gather3A_109 = tpu.vector_load_idx %arg9[%gather3A_101, %add3A_28] : memref<64x64xf32, #tpu.memory_space<vmem>>[vector<16xi32>, vector<16xi32>], vector<16xf32>,
    %mul3A_110 = arith.mulf %gather3A_102, %gather3A_109 : vector<16xf32>
    %eq3A_111 = arith.cmpi eq, %add3A_28, %gather3A_101 : vector<16xi32>
    %gather3A_112 = tpu.vector_load_idx %arg9[%gather3A_101, %add3A_31] : memref<64x64xf32, #tpu.memory_space<vmem>>[vector<16xi32>, vector<16xi32>], vector<16xf32>,
    %mul3A_113 = arith.mulf %gather3A_102, %gather3A_112 : vector<16xf32>
    %eq3A_114 = arith.cmpi eq, %add3A_31, %gather3A_101 : vector<16xi32>
    %gather3A_115 = tpu.vector_load_idx %arg10[%add3A_60, %broadcast_in_dim3A_46] : memref<256x8xi32, #tpu.memory_space<vmem>>[vector<16xi32>, vector<16xi32>], vector<16xi32>,
    %gather3A_116 = tpu.vector_load_idx %arg11[%add3A_60, %broadcast_in_dim3A_46] : memref<256x8xf32, #tpu.memory_space<vmem>>[vector<16xi32>, vector<16xi32>], vector<16xf32>,
    %gather3A_117 = tpu.vector_load_idx %arg9[%gather3A_115, %add3A_22] : memref<64x64xf32, #tpu.memory_space<vmem>>[vector<16xi32>, vector<16xi32>], vector<16xf32>,
    %mul3A_118 = arith.mulf %gather3A_116, %gather3A_117 : vector<16xf32>
    %eq3A_119 = arith.cmpi eq, %add3A_22, %gather3A_115 : vector<16xi32>
    %gather3A_120 = tpu.vector_load_idx %arg9[%gather3A_115, %add3A_25] : memref<64x64xf32, #tpu.memory_space<vmem>>[vector<16xi32>, vector<16xi32>], vector<16xf32>,
    %mul3A_121 = arith.mulf %gather3A_116, %gather3A_120 : vector<16xf32>
    %eq3A_122 = arith.cmpi eq, %add3A_25, %gather3A_115 : vector<16xi32>
    %gather3A_123 = tpu.vector_load_idx %arg9[%gather3A_115, %add3A_28] : memref<64x64xf32, #tpu.memory_space<vmem>>[vector<16xi32>, vector<16xi32>], vector<16xf32>,
    %mul3A_124 = arith.mulf %gather3A_116, %gather3A_123 : vector<16xf32>
    %eq3A_125 = arith.cmpi eq, %add3A_28, %gather3A_115 : vector<16xi32>
    %gather3A_126 = tpu.vector_load_idx %arg9[%gather3A_115, %add3A_31] : memref<64x64xf32, #tpu.memory_space<vmem>>[vector<16xi32>, vector<16xi32>], vector<16xf32>,
    %mul3A_127 = arith.mulf %gather3A_116, %gather3A_126 : vector<16xf32>
    %eq3A_128 = arith.cmpi eq, %add3A_31, %gather3A_115 : vector<16xi32>
    %gather3A_129 = tpu.vector_load_idx %arg10[%add3A_60, %broadcast_in_dim3A_48] : memref<256x8xi32, #tpu.memory_space<vmem>>[vector<16xi32>, vector<16xi32>], vector<16xi32>,
    %gather3A_130 = tpu.vector_load_idx %arg11[%add3A_60, %broadcast_in_dim3A_48] : memref<256x8xf32, #tpu.memory_space<vmem>>[vector<16xi32>, vector<16xi32>], vector<16xf32>,
    %gather3A_131 = tpu.vector_load_idx %arg9[%gather3A_129, %add3A_22] : memref<64x64xf32, #tpu.memory_space<vmem>>[vector<16xi32>, vector<16xi32>], vector<16xf32>,
    %mul3A_132 = arith.mulf %gather3A_130, %gather3A_131 : vector<16xf32>
    %eq3A_133 = arith.cmpi eq, %add3A_22, %gather3A_129 : vector<16xi32>
    %gather3A_134 = tpu.vector_load_idx %arg9[%gather3A_129, %add3A_25] : memref<64x64xf32, #tpu.memory_space<vmem>>[vector<16xi32>, vector<16xi32>], vector<16xf32>,
    %mul3A_135 = arith.mulf %gather3A_130, %gather3A_134 : vector<16xf32>
    %eq3A_136 = arith.cmpi eq, %add3A_25, %gather3A_129 : vector<16xi32>
    %gather3A_137 = tpu.vector_load_idx %arg9[%gather3A_129, %add3A_28] : memref<64x64xf32, #tpu.memory_space<vmem>>[vector<16xi32>, vector<16xi32>], vector<16xf32>,
    %mul3A_138 = arith.mulf %gather3A_130, %gather3A_137 : vector<16xf32>
    %eq3A_139 = arith.cmpi eq, %add3A_28, %gather3A_129 : vector<16xi32>
    %gather3A_140 = tpu.vector_load_idx %arg9[%gather3A_129, %add3A_31] : memref<64x64xf32, #tpu.memory_space<vmem>>[vector<16xi32>, vector<16xi32>], vector<16xf32>,
    %mul3A_141 = arith.mulf %gather3A_130, %gather3A_140 : vector<16xf32>
    %eq3A_142 = arith.cmpi eq, %add3A_31, %gather3A_129 : vector<16xi32>
    %gather3A_143 = tpu.vector_load_idx %arg10[%add3A_60, %broadcast_in_dim3A_50] : memref<256x8xi32, #tpu.memory_space<vmem>>[vector<16xi32>, vector<16xi32>], vector<16xi32>,
    %gather3A_144 = tpu.vector_load_idx %arg11[%add3A_60, %broadcast_in_dim3A_50] : memref<256x8xf32, #tpu.memory_space<vmem>>[vector<16xi32>, vector<16xi32>], vector<16xf32>,
    %gather3A_145 = tpu.vector_load_idx %arg9[%gather3A_143, %add3A_22] : memref<64x64xf32, #tpu.memory_space<vmem>>[vector<16xi32>, vector<16xi32>], vector<16xf32>,
    %mul3A_146 = arith.mulf %gather3A_144, %gather3A_145 : vector<16xf32>
    %eq3A_147 = arith.cmpi eq, %add3A_22, %gather3A_143 : vector<16xi32>
    %gather3A_148 = tpu.vector_load_idx %arg9[%gather3A_143, %add3A_25] : memref<64x64xf32, #tpu.memory_space<vmem>>[vector<16xi32>, vector<16xi32>], vector<16xf32>,
    %mul3A_149 = arith.mulf %gather3A_144, %gather3A_148 : vector<16xf32>
    %eq3A_150 = arith.cmpi eq, %add3A_25, %gather3A_143 : vector<16xi32>
    %gather3A_151 = tpu.vector_load_idx %arg9[%gather3A_143, %add3A_28] : memref<64x64xf32, #tpu.memory_space<vmem>>[vector<16xi32>, vector<16xi32>], vector<16xf32>,
    %mul3A_152 = arith.mulf %gather3A_144, %gather3A_151 : vector<16xf32>
    %eq3A_153 = arith.cmpi eq, %add3A_28, %gather3A_143 : vector<16xi32>
    %gather3A_154 = tpu.vector_load_idx %arg9[%gather3A_143, %add3A_31] : memref<64x64xf32, #tpu.memory_space<vmem>>[vector<16xi32>, vector<16xi32>], vector<16xf32>,
    %mul3A_155 = arith.mulf %gather3A_144, %gather3A_154 : vector<16xf32>
    %eq3A_156 = arith.cmpi eq, %add3A_31, %gather3A_143 : vector<16xi32>
    %gather3A_157 = tpu.vector_load_idx %arg10[%add3A_60, %broadcast_in_dim3A_52] : memref<256x8xi32, #tpu.memory_space<vmem>>[vector<16xi32>, vector<16xi32>], vector<16xi32>,
    %gather3A_158 = tpu.vector_load_idx %arg11[%add3A_60, %broadcast_in_dim3A_52] : memref<256x8xf32, #tpu.memory_space<vmem>>[vector<16xi32>, vector<16xi32>], vector<16xf32>,
    %gather3A_159 = tpu.vector_load_idx %arg9[%gather3A_157, %add3A_22] : memref<64x64xf32, #tpu.memory_space<vmem>>[vector<16xi32>, vector<16xi32>], vector<16xf32>,
    %mul3A_160 = arith.mulf %gather3A_158, %gather3A_159 : vector<16xf32>
    %eq3A_161 = arith.cmpi eq, %add3A_22, %gather3A_157 : vector<16xi32>
    %gather3A_162 = tpu.vector_load_idx %arg9[%gather3A_157, %add3A_25] : memref<64x64xf32, #tpu.memory_space<vmem>>[vector<16xi32>, vector<16xi32>], vector<16xf32>,
    %mul3A_163 = arith.mulf %gather3A_158, %gather3A_162 : vector<16xf32>
    %eq3A_164 = arith.cmpi eq, %add3A_25, %gather3A_157 : vector<16xi32>
    %gather3A_165 = tpu.vector_load_idx %arg9[%gather3A_157, %add3A_28] : memref<64x64xf32, #tpu.memory_space<vmem>>[vector<16xi32>, vector<16xi32>], vector<16xf32>,
    %mul3A_166 = arith.mulf %gather3A_158, %gather3A_165 : vector<16xf32>
    %eq3A_167 = arith.cmpi eq, %add3A_28, %gather3A_157 : vector<16xi32>
    %gather3A_168 = tpu.vector_load_idx %arg9[%gather3A_157, %add3A_31] : memref<64x64xf32, #tpu.memory_space<vmem>>[vector<16xi32>, vector<16xi32>], vector<16xf32>,
    %mul3A_169 = arith.mulf %gather3A_158, %gather3A_168 : vector<16xf32>
    %eq3A_170 = arith.cmpi eq, %add3A_31, %gather3A_157 : vector<16xi32>
    %or3A = arith.ori %eq3A, %eq3A_77 : vector<16xi1>
    %or3A_171 = arith.ori %eq3A_91, %eq3A_105 : vector<16xi1>
    %or3A_172 = arith.ori %eq3A_119, %eq3A_133 : vector<16xi1>
    %or3A_173 = arith.ori %eq3A_147, %eq3A_161 : vector<16xi1>
    %or3A_174 = arith.ori %or3A, %or3A_171 : vector<16xi1>
    %or3A_175 = arith.ori %or3A_172, %or3A_173 : vector<16xi1>
    %or3A_176 = arith.ori %or3A_174, %or3A_175 : vector<16xi1>
    %add3A_177 = arith.addf %mul3A_63, %mul3A_76 : vector<16xf32>
    %add3A_178 = arith.addf %mul3A_90, %mul3A_104 : vector<16xf32>
    %add3A_179 = arith.addf %mul3A_118, %mul3A_132 : vector<16xf32>
    %add3A_180 = arith.addf %mul3A_146, %mul3A_160 : vector<16xf32>
    %add3A_181 = arith.addf %add3A_177, %add3A_178 : vector<16xf32>
    %add3A_182 = arith.addf %add3A_179, %add3A_180 : vector<16xf32>
    %add3A_183 = arith.addf %add3A_181, %add3A_182 : vector<16xf32>
    %select_n3A = arith.select %or3A_176, %broadcast_in_dim3A_19, %add3A_183 : vector<16xi1>, vector<16xf32>
    %or3A_184 = arith.ori %eq3A_66, %eq3A_80 : vector<16xi1>
    %or3A_185 = arith.ori %eq3A_94, %eq3A_108 : vector<16xi1>
    %or3A_186 = arith.ori %eq3A_122, %eq3A_136 : vector<16xi1>
    %or3A_187 = arith.ori %eq3A_150, %eq3A_164 : vector<16xi1>
    %or3A_188 = arith.ori %or3A_184, %or3A_185 : vector<16xi1>
    %or3A_189 = arith.ori %or3A_186, %or3A_187 : vector<16xi1>
    %or3A_190 = arith.ori %or3A_188, %or3A_189 : vector<16xi1>
    %add3A_191 = arith.addf %mul3A_65, %mul3A_79 : vector<16xf32>
    %add3A_192 = arith.addf %mul3A_93, %mul3A_107 : vector<16xf32>
    %add3A_193 = arith.addf %mul3A_121, %mul3A_135 : vector<16xf32>
    %add3A_194 = arith.addf %mul3A_149, %mul3A_163 : vector<16xf32>
    %add3A_195 = arith.addf %add3A_191, %add3A_192 : vector<16xf32>
    %add3A_196 = arith.addf %add3A_193, %add3A_194 : vector<16xf32>
    %add3A_197 = arith.addf %add3A_195, %add3A_196 : vector<16xf32>
    %select_n3A_198 = arith.select %or3A_190, %broadcast_in_dim3A_19, %add3A_197 : vector<16xi1>, vector<16xf32>
    %or3A_199 = arith.ori %eq3A_69, %eq3A_83 : vector<16xi1>
    %or3A_200 = arith.ori %eq3A_97, %eq3A_111 : vector<16xi1>
    %or3A_201 = arith.ori %eq3A_125, %eq3A_139 : vector<16xi1>
    %or3A_202 = arith.ori %eq3A_153, %eq3A_167 : vector<16xi1>
    %or3A_203 = arith.ori %or3A_199, %or3A_200 : vector<16xi1>
    %or3A_204 = arith.ori %or3A_201, %or3A_202 : vector<16xi1>
    %or3A_205 = arith.ori %or3A_203, %or3A_204 : vector<16xi1>
    %add3A_206 = arith.addf %mul3A_68, %mul3A_82 : vector<16xf32>
    %add3A_207 = arith.addf %mul3A_96, %mul3A_110 : vector<16xf32>
    %add3A_208 = arith.addf %mul3A_124, %mul3A_138 : vector<16xf32>
    %add3A_209 = arith.addf %mul3A_152, %mul3A_166 : vector<16xf32>
    %add3A_210 = arith.addf %add3A_206, %add3A_207 : vector<16xf32>
    %add3A_211 = arith.addf %add3A_208, %add3A_209 : vector<16xf32>
    %add3A_212 = arith.addf %add3A_210, %add3A_211 : vector<16xf32>
    %select_n3A_213 = arith.select %or3A_205, %broadcast_in_dim3A_19, %add3A_212 : vector<16xi1>, vector<16xf32>
    %or3A_214 = arith.ori %eq3A_72, %eq3A_86 : vector<16xi1>
    %or3A_215 = arith.ori %eq3A_100, %eq3A_114 : vector<16xi1>
    %or3A_216 = arith.ori %eq3A_128, %eq3A_142 : vector<16xi1>
    %or3A_217 = arith.ori %eq3A_156, %eq3A_170 : vector<16xi1>
    %or3A_218 = arith.ori %or3A_214, %or3A_215 : vector<16xi1>
    %or3A_219 = arith.ori %or3A_216, %or3A_217 : vector<16xi1>
    %or3A_220 = arith.ori %or3A_218, %or3A_219 : vector<16xi1>
    %add3A_221 = arith.addf %mul3A_71, %mul3A_85 : vector<16xf32>
    %add3A_222 = arith.addf %mul3A_99, %mul3A_113 : vector<16xf32>
    %add3A_223 = arith.addf %mul3A_127, %mul3A_141 : vector<16xf32>
    %add3A_224 = arith.addf %mul3A_155, %mul3A_169 : vector<16xf32>
    %add3A_225 = arith.addf %add3A_221, %add3A_222 : vector<16xf32>
    %add3A_226 = arith.addf %add3A_223, %add3A_224 : vector<16xf32>
    %add3A_227 = arith.addf %add3A_225, %add3A_226 : vector<16xf32>
    %select_n3A_228 = arith.select %or3A_220, %broadcast_in_dim3A_19, %add3A_227 : vector<16xi1>, vector<16xf32>
    %gather3A_229 = tpu.vector_load_idx %arg10[%add3A_60, %and3A_33] : memref<256x8xi32, #tpu.memory_space<vmem>>[vector<16xi32>, vector<16xi32>], vector<16xi32>,
    %gather3A_230 = tpu.vector_load_idx %arg11[%add3A_60, %and3A_33] : memref<256x8xf32, #tpu.memory_space<vmem>>[vector<16xi32>, vector<16xi32>], vector<16xf32>,
    %swap3A = arith.constant 1 : i32
    %swap3A_231 = arith.constant 0 : i32
    %swap3A_232 = arith.index_cast %swap3A : i32 to index
    %swap3A_233 = arith.index_cast %swap3A_231 : i32 to index
    %swap3A_234 = arith.constant 0 : index
    %swap3A_235 = tpu.vector_load %arg16[%swap3A_232, %swap3A_233, %swap3A_234] {strides = array<i32>} : memref<2x5x16xf32, #tpu.memory_space<vmem>>, vector<16xf32>,
    tpu.vector_store %arg16[%swap3A_232, %swap3A_233, %swap3A_234], %select_n3A {strides = array<i32>} : memref<2x5x16xf32, #tpu.memory_space<vmem>>, vector<16xf32>,
    %swap3A_236 = arith.constant 1 : i32
    %swap3A_237 = arith.constant 1 : i32
    %swap3A_238 = arith.index_cast %swap3A_236 : i32 to index
    %swap3A_239 = arith.index_cast %swap3A_237 : i32 to index
    %swap3A_240 = arith.constant 0 : index
    %swap3A_241 = tpu.vector_load %arg16[%swap3A_238, %swap3A_239, %swap3A_240] {strides = array<i32>} : memref<2x5x16xf32, #tpu.memory_space<vmem>>, vector<16xf32>,
    tpu.vector_store %arg16[%swap3A_238, %swap3A_239, %swap3A_240], %select_n3A_198 {strides = array<i32>} : memref<2x5x16xf32, #tpu.memory_space<vmem>>, vector<16xf32>,
    %swap3A_242 = arith.constant 1 : i32
    %swap3A_243 = arith.constant 2 : i32
    %swap3A_244 = arith.index_cast %swap3A_242 : i32 to index
    %swap3A_245 = arith.index_cast %swap3A_243 : i32 to index
    %swap3A_246 = arith.constant 0 : index
    %swap3A_247 = tpu.vector_load %arg16[%swap3A_244, %swap3A_245, %swap3A_246] {strides = array<i32>} : memref<2x5x16xf32, #tpu.memory_space<vmem>>, vector<16xf32>,
    tpu.vector_store %arg16[%swap3A_244, %swap3A_245, %swap3A_246], %select_n3A_213 {strides = array<i32>} : memref<2x5x16xf32, #tpu.memory_space<vmem>>, vector<16xf32>,
    %swap3A_248 = arith.constant 1 : i32
    %swap3A_249 = arith.constant 3 : i32
    %swap3A_250 = arith.index_cast %swap3A_248 : i32 to index
    %swap3A_251 = arith.index_cast %swap3A_249 : i32 to index
    %swap3A_252 = arith.constant 0 : index
    %swap3A_253 = tpu.vector_load %arg16[%swap3A_250, %swap3A_251, %swap3A_252] {strides = array<i32>} : memref<2x5x16xf32, #tpu.memory_space<vmem>>, vector<16xf32>,
    tpu.vector_store %arg16[%swap3A_250, %swap3A_251, %swap3A_252], %select_n3A_228 {strides = array<i32>} : memref<2x5x16xf32, #tpu.memory_space<vmem>>, vector<16xf32>,
    %swap3A_254 = arith.constant 1 : i32
    %swap3A_255 = arith.constant 4 : i32
    %swap3A_256 = arith.index_cast %swap3A_254 : i32 to index
    %swap3A_257 = arith.index_cast %swap3A_255 : i32 to index
    %swap3A_258 = arith.constant 0 : index
    %swap3A_259 = tpu.vector_load %arg16[%swap3A_256, %swap3A_257, %swap3A_258] {strides = array<i32>} : memref<2x5x16xf32, #tpu.memory_space<vmem>>, vector<16xf32>,
    tpu.vector_store %arg16[%swap3A_256, %swap3A_257, %swap3A_258], %gather3A_230 {strides = array<i32>} : memref<2x5x16xf32, #tpu.memory_space<vmem>>, vector<16xf32>,
    %swap3A_260 = arith.constant 1 : i32
    %swap3A_261 = arith.index_cast %swap3A_260 : i32 to index
    %swap3A_262 = arith.constant 0 : index
    %swap3A_263 = tpu.vector_load %arg17[%swap3A_261, %swap3A_262] {strides = array<i32>} : memref<2x16xi32, #tpu.memory_space<vmem>>, vector<16xi32>,
    tpu.vector_store %arg17[%swap3A_261, %swap3A_262], %gather3A_229 {strides = array<i32>} : memref<2x16xi32, #tpu.memory_space<vmem>>, vector<16xi32>,
    %scan3A = arith.constant 0 : i32
    %scan3A_264 = arith.constant 0 : i32
    %scan3A_265 = arith.constant 257 : i32
    %scan3A_266 = arith.addi %scan3A_264, %scan3A_265 : i32
    %scan3A_267 = arith.constant 1 : i32
    scf.for %scan3A_269 = %scan3A_264 to %scan3A_266 step %scan3A_267  : i32 {
      %add3A_270 = arith.constant 1 : i32
      %add3A_271 = arith.addi %scan3A_269, %add3A_270 : i32
      %and3A_272 = arith.constant 1 : i32
      %and3A_273 = arith.andi %add3A_271, %and3A_272 : i32
      %get3A_274 = arith.constant 0 : i32
      %get3A_275 = arith.index_cast %and3A_273 : i32 to index
      %get3A_276 = arith.index_cast %get3A_274 : i32 to index
      %get3A_277 = arith.constant 0 : index
      %get3A_278 = tpu.vector_load %arg16[%get3A_275, %get3A_276, %get3A_277] {strides = array<i32>} : memref<2x5x16xf32, #tpu.memory_space<vmem>>, vector<16xf32>,
      %get3A_279 = arith.constant 1 : i32
      %get3A_280 = arith.index_cast %and3A_273 : i32 to index
      %get3A_281 = arith.index_cast %get3A_279 : i32 to index
      %get3A_282 = arith.constant 0 : index
      %get3A_283 = tpu.vector_load %arg16[%get3A_280, %get3A_281, %get3A_282] {strides = array<i32>} : memref<2x5x16xf32, #tpu.memory_space<vmem>>, vector<16xf32>,
      %get3A_284 = arith.constant 2 : i32
      %get3A_285 = arith.index_cast %and3A_273 : i32 to index
      %get3A_286 = arith.index_cast %get3A_284 : i32 to index
      %get3A_287 = arith.constant 0 : index
      %get3A_288 = tpu.vector_load %arg16[%get3A_285, %get3A_286, %get3A_287] {strides = array<i32>} : memref<2x5x16xf32, #tpu.memory_space<vmem>>, vector<16xf32>,
      %get3A_289 = arith.constant 3 : i32
      %get3A_290 = arith.index_cast %and3A_273 : i32 to index
      %get3A_291 = arith.index_cast %get3A_289 : i32 to index
      %get3A_292 = arith.constant 0 : index
      %get3A_293 = tpu.vector_load %arg16[%get3A_290, %get3A_291, %get3A_292] {strides = array<i32>} : memref<2x5x16xf32, #tpu.memory_space<vmem>>, vector<16xf32>,
      %get3A_294 = arith.index_cast %and3A_273 : i32 to index
      %get3A_295 = arith.constant 0 : index
      %get3A_296 = tpu.vector_load %arg17[%get3A_294, %get3A_295] {strides = array<i32>} : memref<2x16xi32, #tpu.memory_space<vmem>>, vector<16xi32>,
      %get3A_297 = arith.constant 4 : i32
      %get3A_298 = arith.index_cast %and3A_273 : i32 to index
      %get3A_299 = arith.index_cast %get3A_297 : i32 to index
      %get3A_300 = arith.constant 0 : index
      %get3A_301 = tpu.vector_load %arg16[%get3A_298, %get3A_299, %get3A_300] {strides = array<i32>} : memref<2x5x16xf32, #tpu.memory_space<vmem>>, vector<16xf32>,
      %masked_sort3A = arith.constant dense<true> : vector<16xi1>
      %masked_sort3A_302, %masked_sort3A_303, %masked_sort3A_304 = tpu.sort %get3A_278, %add3A_22 masked %masked_sort3A {descending = true} : (vector<16xf32>, vector<16xi32>, vector<16xi1>) -> (vector<16xi1>, vector<16xf32>, vector<16xi32>)
      %masked_sort3A_305 = arith.constant dense<true> : vector<16xi1>
      %masked_sort3A_306, %masked_sort3A_307, %masked_sort3A_308 = tpu.sort %get3A_283, %add3A_25 masked %masked_sort3A_305 : (vector<16xf32>, vector<16xi32>, vector<16xi1>) -> (vector<16xi1>, vector<16xf32>, vector<16xi32>)
      %masked_sort3A_309 = arith.constant dense<true> : vector<16xi1>
      %masked_sort3A_310, %masked_sort3A_311, %masked_sort3A_312 = tpu.sort %get3A_288, %add3A_28 masked %masked_sort3A_309 {descending = true} : (vector<16xf32>, vector<16xi32>, vector<16xi1>) -> (vector<16xi1>, vector<16xf32>, vector<16xi32>)
      %masked_sort3A_313 = arith.constant dense<true> : vector<16xi1>
      %masked_sort3A_314, %masked_sort3A_315, %masked_sort3A_316 = tpu.sort %get3A_293, %add3A_31 masked %masked_sort3A_313 : (vector<16xf32>, vector<16xi32>, vector<16xi1>) -> (vector<16xi1>, vector<16xf32>, vector<16xi32>)
      %and3A_317 = arith.constant 1 : i32
      %and3A_318 = arith.andi %scan3A_269, %and3A_317 : i32
      %min3A = arith.constant 255 : i32
      %min3A_319 = arith.minsi %scan3A_269, %min3A : i32
      %broadcast_in_dim3A_320 = arith.constant 0 : i32
      %broadcast_in_dim3A_321 = vector.broadcast %broadcast_in_dim3A_320 : i32 to vector<16xi32>
      %add3A_322 = vector.broadcast %min3A_319 : i32 to vector<16xi32>
      %add3A_323 = arith.addi %broadcast_in_dim3A_321, %add3A_322 : vector<16xi32>
      %gather3A_324 = tpu.vector_load_idx %arg10[%add3A_323, %broadcast_in_dim3A_38] : memref<256x8xi32, #tpu.memory_space<vmem>>[vector<16xi32>, vector<16xi32>], vector<16xi32>,
      %gather3A_325 = tpu.vector_load_idx %arg11[%add3A_323, %broadcast_in_dim3A_38] : memref<256x8xf32, #tpu.memory_space<vmem>>[vector<16xi32>, vector<16xi32>], vector<16xf32>,
      %gather3A_326 = tpu.vector_load_idx %arg9[%gather3A_324, %add3A_22] : memref<64x64xf32, #tpu.memory_space<vmem>>[vector<16xi32>, vector<16xi32>], vector<16xf32>,
      %mul3A_327 = arith.mulf %gather3A_325, %gather3A_326 : vector<16xf32>
      %eq3A_328 = arith.cmpi eq, %add3A_22, %gather3A_324 : vector<16xi32>
      %gather3A_329 = tpu.vector_load_idx %arg9[%gather3A_324, %add3A_25] : memref<64x64xf32, #tpu.memory_space<vmem>>[vector<16xi32>, vector<16xi32>], vector<16xf32>,
      %mul3A_330 = arith.mulf %gather3A_325, %gather3A_329 : vector<16xf32>
      %eq3A_331 = arith.cmpi eq, %add3A_25, %gather3A_324 : vector<16xi32>
      %gather3A_332 = tpu.vector_load_idx %arg9[%gather3A_324, %add3A_28] : memref<64x64xf32, #tpu.memory_space<vmem>>[vector<16xi32>, vector<16xi32>], vector<16xf32>,
      %mul3A_333 = arith.mulf %gather3A_325, %gather3A_332 : vector<16xf32>
      %eq3A_334 = arith.cmpi eq, %add3A_28, %gather3A_324 : vector<16xi32>
      %gather3A_335 = tpu.vector_load_idx %arg9[%gather3A_324, %add3A_31] : memref<64x64xf32, #tpu.memory_space<vmem>>[vector<16xi32>, vector<16xi32>], vector<16xf32>,
      %mul3A_336 = arith.mulf %gather3A_325, %gather3A_335 : vector<16xf32>
      %eq3A_337 = arith.cmpi eq, %add3A_31, %gather3A_324 : vector<16xi32>
      %gather3A_338 = tpu.vector_load_idx %arg10[%add3A_323, %broadcast_in_dim3A_40] : memref<256x8xi32, #tpu.memory_space<vmem>>[vector<16xi32>, vector<16xi32>], vector<16xi32>,
      %gather3A_339 = tpu.vector_load_idx %arg11[%add3A_323, %broadcast_in_dim3A_40] : memref<256x8xf32, #tpu.memory_space<vmem>>[vector<16xi32>, vector<16xi32>], vector<16xf32>,
      %gather3A_340 = tpu.vector_load_idx %arg9[%gather3A_338, %add3A_22] : memref<64x64xf32, #tpu.memory_space<vmem>>[vector<16xi32>, vector<16xi32>], vector<16xf32>,
      %mul3A_341 = arith.mulf %gather3A_339, %gather3A_340 : vector<16xf32>
      %eq3A_342 = arith.cmpi eq, %add3A_22, %gather3A_338 : vector<16xi32>
      %gather3A_343 = tpu.vector_load_idx %arg9[%gather3A_338, %add3A_25] : memref<64x64xf32, #tpu.memory_space<vmem>>[vector<16xi32>, vector<16xi32>], vector<16xf32>,
      %mul3A_344 = arith.mulf %gather3A_339, %gather3A_343 : vector<16xf32>
      %eq3A_345 = arith.cmpi eq, %add3A_25, %gather3A_338 : vector<16xi32>
      %gather3A_346 = tpu.vector_load_idx %arg9[%gather3A_338, %add3A_28] : memref<64x64xf32, #tpu.memory_space<vmem>>[vector<16xi32>, vector<16xi32>], vector<16xf32>,
      %mul3A_347 = arith.mulf %gather3A_339, %gather3A_346 : vector<16xf32>
      %eq3A_348 = arith.cmpi eq, %add3A_28, %gather3A_338 : vector<16xi32>
      %gather3A_349 = tpu.vector_load_idx %arg9[%gather3A_338, %add3A_31] : memref<64x64xf32, #tpu.memory_space<vmem>>[vector<16xi32>, vector<16xi32>], vector<16xf32>,
      %mul3A_350 = arith.mulf %gather3A_339, %gather3A_349 : vector<16xf32>
      %eq3A_351 = arith.cmpi eq, %add3A_31, %gather3A_338 : vector<16xi32>
      %gather3A_352 = tpu.vector_load_idx %arg10[%add3A_323, %broadcast_in_dim3A_42] : memref<256x8xi32, #tpu.memory_space<vmem>>[vector<16xi32>, vector<16xi32>], vector<16xi32>,
      %gather3A_353 = tpu.vector_load_idx %arg11[%add3A_323, %broadcast_in_dim3A_42] : memref<256x8xf32, #tpu.memory_space<vmem>>[vector<16xi32>, vector<16xi32>], vector<16xf32>,
      %gather3A_354 = tpu.vector_load_idx %arg9[%gather3A_352, %add3A_22] : memref<64x64xf32, #tpu.memory_space<vmem>>[vector<16xi32>, vector<16xi32>], vector<16xf32>,
      %mul3A_355 = arith.mulf %gather3A_353, %gather3A_354 : vector<16xf32>
      %eq3A_356 = arith.cmpi eq, %add3A_22, %gather3A_352 : vector<16xi32>
      %gather3A_357 = tpu.vector_load_idx %arg9[%gather3A_352, %add3A_25] : memref<64x64xf32, #tpu.memory_space<vmem>>[vector<16xi32>, vector<16xi32>], vector<16xf32>,
      %mul3A_358 = arith.mulf %gather3A_353, %gather3A_357 : vector<16xf32>
      %eq3A_359 = arith.cmpi eq, %add3A_25, %gather3A_352 : vector<16xi32>
      %gather3A_360 = tpu.vector_load_idx %arg9[%gather3A_352, %add3A_28] : memref<64x64xf32, #tpu.memory_space<vmem>>[vector<16xi32>, vector<16xi32>], vector<16xf32>,
      %mul3A_361 = arith.mulf %gather3A_353, %gather3A_360 : vector<16xf32>
      %eq3A_362 = arith.cmpi eq, %add3A_28, %gather3A_352 : vector<16xi32>
      %gather3A_363 = tpu.vector_load_idx %arg9[%gather3A_352, %add3A_31] : memref<64x64xf32, #tpu.memory_space<vmem>>[vector<16xi32>, vector<16xi32>], vector<16xf32>,
      %mul3A_364 = arith.mulf %gather3A_353, %gather3A_363 : vector<16xf32>
      %eq3A_365 = arith.cmpi eq, %add3A_31, %gather3A_352 : vector<16xi32>
      %gather3A_366 = tpu.vector_load_idx %arg10[%add3A_323, %broadcast_in_dim3A_44] : memref<256x8xi32, #tpu.memory_space<vmem>>[vector<16xi32>, vector<16xi32>], vector<16xi32>,
      %gather3A_367 = tpu.vector_load_idx %arg11[%add3A_323, %broadcast_in_dim3A_44] : memref<256x8xf32, #tpu.memory_space<vmem>>[vector<16xi32>, vector<16xi32>], vector<16xf32>,
      %gather3A_368 = tpu.vector_load_idx %arg9[%gather3A_366, %add3A_22] : memref<64x64xf32, #tpu.memory_space<vmem>>[vector<16xi32>, vector<16xi32>], vector<16xf32>,
      %mul3A_369 = arith.mulf %gather3A_367, %gather3A_368 : vector<16xf32>
      %eq3A_370 = arith.cmpi eq, %add3A_22, %gather3A_366 : vector<16xi32>
      %gather3A_371 = tpu.vector_load_idx %arg9[%gather3A_366, %add3A_25] : memref<64x64xf32, #tpu.memory_space<vmem>>[vector<16xi32>, vector<16xi32>], vector<16xf32>,
      %mul3A_372 = arith.mulf %gather3A_367, %gather3A_371 : vector<16xf32>
      %eq3A_373 = arith.cmpi eq, %add3A_25, %gather3A_366 : vector<16xi32>
      %gather3A_374 = tpu.vector_load_idx %arg9[%gather3A_366, %add3A_28] : memref<64x64xf32, #tpu.memory_space<vmem>>[vector<16xi32>, vector<16xi32>], vector<16xf32>,
      %mul3A_375 = arith.mulf %gather3A_367, %gather3A_374 : vector<16xf32>
      %eq3A_376 = arith.cmpi eq, %add3A_28, %gather3A_366 : vector<16xi32>
      %gather3A_377 = tpu.vector_load_idx %arg9[%gather3A_366, %add3A_31] : memref<64x64xf32, #tpu.memory_space<vmem>>[vector<16xi32>, vector<16xi32>], vector<16xf32>,
      %mul3A_378 = arith.mulf %gather3A_367, %gather3A_377 : vector<16xf32>
      %eq3A_379 = arith.cmpi eq, %add3A_31, %gather3A_366 : vector<16xi32>
      %gather3A_380 = tpu.vector_load_idx %arg10[%add3A_323, %broadcast_in_dim3A_46] : memref<256x8xi32, #tpu.memory_space<vmem>>[vector<16xi32>, vector<16xi32>], vector<16xi32>,
      %gather3A_381 = tpu.vector_load_idx %arg11[%add3A_323, %broadcast_in_dim3A_46] : memref<256x8xf32, #tpu.memory_space<vmem>>[vector<16xi32>, vector<16xi32>], vector<16xf32>,
      %gather3A_382 = tpu.vector_load_idx %arg9[%gather3A_380, %add3A_22] : memref<64x64xf32, #tpu.memory_space<vmem>>[vector<16xi32>, vector<16xi32>], vector<16xf32>,
      %mul3A_383 = arith.mulf %gather3A_381, %gather3A_382 : vector<16xf32>
      %eq3A_384 = arith.cmpi eq, %add3A_22, %gather3A_380 : vector<16xi32>
      %gather3A_385 = tpu.vector_load_idx %arg9[%gather3A_380, %add3A_25] : memref<64x64xf32, #tpu.memory_space<vmem>>[vector<16xi32>, vector<16xi32>], vector<16xf32>,
      %mul3A_386 = arith.mulf %gather3A_381, %gather3A_385 : vector<16xf32>
      %eq3A_387 = arith.cmpi eq, %add3A_25, %gather3A_380 : vector<16xi32>
      %gather3A_388 = tpu.vector_load_idx %arg9[%gather3A_380, %add3A_28] : memref<64x64xf32, #tpu.memory_space<vmem>>[vector<16xi32>, vector<16xi32>], vector<16xf32>,
      %mul3A_389 = arith.mulf %gather3A_381, %gather3A_388 : vector<16xf32>
      %eq3A_390 = arith.cmpi eq, %add3A_28, %gather3A_380 : vector<16xi32>
      %gather3A_391 = tpu.vector_load_idx %arg9[%gather3A_380, %add3A_31] : memref<64x64xf32, #tpu.memory_space<vmem>>[vector<16xi32>, vector<16xi32>], vector<16xf32>,
      %mul3A_392 = arith.mulf %gather3A_381, %gather3A_391 : vector<16xf32>
      %eq3A_393 = arith.cmpi eq, %add3A_31, %gather3A_380 : vector<16xi32>
      %gather3A_394 = tpu.vector_load_idx %arg10[%add3A_323, %broadcast_in_dim3A_48] : memref<256x8xi32, #tpu.memory_space<vmem>>[vector<16xi32>, vector<16xi32>], vector<16xi32>,
      %gather3A_395 = tpu.vector_load_idx %arg11[%add3A_323, %broadcast_in_dim3A_48] : memref<256x8xf32, #tpu.memory_space<vmem>>[vector<16xi32>, vector<16xi32>], vector<16xf32>,
      %gather3A_396 = tpu.vector_load_idx %arg9[%gather3A_394, %add3A_22] : memref<64x64xf32, #tpu.memory_space<vmem>>[vector<16xi32>, vector<16xi32>], vector<16xf32>,
      %mul3A_397 = arith.mulf %gather3A_395, %gather3A_396 : vector<16xf32>
      %eq3A_398 = arith.cmpi eq, %add3A_22, %gather3A_394 : vector<16xi32>
      %gather3A_399 = tpu.vector_load_idx %arg9[%gather3A_394, %add3A_25] : memref<64x64xf32, #tpu.memory_space<vmem>>[vector<16xi32>, vector<16xi32>], vector<16xf32>,
      %mul3A_400 = arith.mulf %gather3A_395, %gather3A_399 : vector<16xf32>
      %eq3A_401 = arith.cmpi eq, %add3A_25, %gather3A_394 : vector<16xi32>
      %gather3A_402 = tpu.vector_load_idx %arg9[%gather3A_394, %add3A_28] : memref<64x64xf32, #tpu.memory_space<vmem>>[vector<16xi32>, vector<16xi32>], vector<16xf32>,
      %mul3A_403 = arith.mulf %gather3A_395, %gather3A_402 : vector<16xf32>
      %eq3A_404 = arith.cmpi eq, %add3A_28, %gather3A_394 : vector<16xi32>
      %gather3A_405 = tpu.vector_load_idx %arg9[%gather3A_394, %add3A_31] : memref<64x64xf32, #tpu.memory_space<vmem>>[vector<16xi32>, vector<16xi32>], vector<16xf32>,
      %mul3A_406 = arith.mulf %gather3A_395, %gather3A_405 : vector<16xf32>
      %eq3A_407 = arith.cmpi eq, %add3A_31, %gather3A_394 : vector<16xi32>
      %gather3A_408 = tpu.vector_load_idx %arg10[%add3A_323, %broadcast_in_dim3A_50] : memref<256x8xi32, #tpu.memory_space<vmem>>[vector<16xi32>, vector<16xi32>], vector<16xi32>,
      %gather3A_409 = tpu.vector_load_idx %arg11[%add3A_323, %broadcast_in_dim3A_50] : memref<256x8xf32, #tpu.memory_space<vmem>>[vector<16xi32>, vector<16xi32>], vector<16xf32>,
      %gather3A_410 = tpu.vector_load_idx %arg9[%gather3A_408, %add3A_22] : memref<64x64xf32, #tpu.memory_space<vmem>>[vector<16xi32>, vector<16xi32>], vector<16xf32>,
      %mul3A_411 = arith.mulf %gather3A_409, %gather3A_410 : vector<16xf32>
      %eq3A_412 = arith.cmpi eq, %add3A_22, %gather3A_408 : vector<16xi32>
      %gather3A_413 = tpu.vector_load_idx %arg9[%gather3A_408, %add3A_25] : memref<64x64xf32, #tpu.memory_space<vmem>>[vector<16xi32>, vector<16xi32>], vector<16xf32>,
      %mul3A_414 = arith.mulf %gather3A_409, %gather3A_413 : vector<16xf32>
      %eq3A_415 = arith.cmpi eq, %add3A_25, %gather3A_408 : vector<16xi32>
      %gather3A_416 = tpu.vector_load_idx %arg9[%gather3A_408, %add3A_28] : memref<64x64xf32, #tpu.memory_space<vmem>>[vector<16xi32>, vector<16xi32>], vector<16xf32>,
      %mul3A_417 = arith.mulf %gather3A_409, %gather3A_416 : vector<16xf32>
      %eq3A_418 = arith.cmpi eq, %add3A_28, %gather3A_408 : vector<16xi32>
      %gather3A_419 = tpu.vector_load_idx %arg9[%gather3A_408, %add3A_31] : memref<64x64xf32, #tpu.memory_space<vmem>>[vector<16xi32>, vector<16xi32>], vector<16xf32>,
      %mul3A_420 = arith.mulf %gather3A_409, %gather3A_419 : vector<16xf32>
      %eq3A_421 = arith.cmpi eq, %add3A_31, %gather3A_408 : vector<16xi32>
      %gather3A_422 = tpu.vector_load_idx %arg10[%add3A_323, %broadcast_in_dim3A_52] : memref<256x8xi32, #tpu.memory_space<vmem>>[vector<16xi32>, vector<16xi32>], vector<16xi32>,
      %gather3A_423 = tpu.vector_load_idx %arg11[%add3A_323, %broadcast_in_dim3A_52] : memref<256x8xf32, #tpu.memory_space<vmem>>[vector<16xi32>, vector<16xi32>], vector<16xf32>,
      %gather3A_424 = tpu.vector_load_idx %arg9[%gather3A_422, %add3A_22] : memref<64x64xf32, #tpu.memory_space<vmem>>[vector<16xi32>, vector<16xi32>], vector<16xf32>,
      %mul3A_425 = arith.mulf %gather3A_423, %gather3A_424 : vector<16xf32>
      %eq3A_426 = arith.cmpi eq, %add3A_22, %gather3A_422 : vector<16xi32>
      %gather3A_427 = tpu.vector_load_idx %arg9[%gather3A_422, %add3A_25] : memref<64x64xf32, #tpu.memory_space<vmem>>[vector<16xi32>, vector<16xi32>], vector<16xf32>,
      %mul3A_428 = arith.mulf %gather3A_423, %gather3A_427 : vector<16xf32>
      %eq3A_429 = arith.cmpi eq, %add3A_25, %gather3A_422 : vector<16xi32>
      %gather3A_430 = tpu.vector_load_idx %arg9[%gather3A_422, %add3A_28] : memref<64x64xf32, #tpu.memory_space<vmem>>[vector<16xi32>, vector<16xi32>], vector<16xf32>,
      %mul3A_431 = arith.mulf %gather3A_423, %gather3A_430 : vector<16xf32>
      %eq3A_432 = arith.cmpi eq, %add3A_28, %gather3A_422 : vector<16xi32>
      %gather3A_433 = tpu.vector_load_idx %arg9[%gather3A_422, %add3A_31] : memref<64x64xf32, #tpu.memory_space<vmem>>[vector<16xi32>, vector<16xi32>], vector<16xf32>,
      %mul3A_434 = arith.mulf %gather3A_423, %gather3A_433 : vector<16xf32>
      %eq3A_435 = arith.cmpi eq, %add3A_31, %gather3A_422 : vector<16xi32>
      %or3A_436 = arith.ori %eq3A_328, %eq3A_342 : vector<16xi1>
      %or3A_437 = arith.ori %eq3A_356, %eq3A_370 : vector<16xi1>
      %or3A_438 = arith.ori %eq3A_384, %eq3A_398 : vector<16xi1>
      %or3A_439 = arith.ori %eq3A_412, %eq3A_426 : vector<16xi1>
      %or3A_440 = arith.ori %or3A_436, %or3A_437 : vector<16xi1>
      %or3A_441 = arith.ori %or3A_438, %or3A_439 : vector<16xi1>
      %or3A_442 = arith.ori %or3A_440, %or3A_441 : vector<16xi1>
      %add3A_443 = arith.addf %mul3A_327, %mul3A_341 : vector<16xf32>
      %add3A_444 = arith.addf %mul3A_355, %mul3A_369 : vector<16xf32>
      %add3A_445 = arith.addf %mul3A_383, %mul3A_397 : vector<16xf32>
      %add3A_446 = arith.addf %mul3A_411, %mul3A_425 : vector<16xf32>
      %add3A_447 = arith.addf %add3A_443, %add3A_444 : vector<16xf32>
      %add3A_448 = arith.addf %add3A_445, %add3A_446 : vector<16xf32>
      %add3A_449 = arith.addf %add3A_447, %add3A_448 : vector<16xf32>
      %select_n3A_450 = arith.select %or3A_442, %broadcast_in_dim3A_19, %add3A_449 : vector<16xi1>, vector<16xf32>
      %or3A_451 = arith.ori %eq3A_331, %eq3A_345 : vector<16xi1>
      %or3A_452 = arith.ori %eq3A_359, %eq3A_373 : vector<16xi1>
      %or3A_453 = arith.ori %eq3A_387, %eq3A_401 : vector<16xi1>
      %or3A_454 = arith.ori %eq3A_415, %eq3A_429 : vector<16xi1>
      %or3A_455 = arith.ori %or3A_451, %or3A_452 : vector<16xi1>
      %or3A_456 = arith.ori %or3A_453, %or3A_454 : vector<16xi1>
      %or3A_457 = arith.ori %or3A_455, %or3A_456 : vector<16xi1>
      %add3A_458 = arith.addf %mul3A_330, %mul3A_344 : vector<16xf32>
      %add3A_459 = arith.addf %mul3A_358, %mul3A_372 : vector<16xf32>
      %add3A_460 = arith.addf %mul3A_386, %mul3A_400 : vector<16xf32>
      %add3A_461 = arith.addf %mul3A_414, %mul3A_428 : vector<16xf32>
      %add3A_462 = arith.addf %add3A_458, %add3A_459 : vector<16xf32>
      %add3A_463 = arith.addf %add3A_460, %add3A_461 : vector<16xf32>
      %add3A_464 = arith.addf %add3A_462, %add3A_463 : vector<16xf32>
      %select_n3A_465 = arith.select %or3A_457, %broadcast_in_dim3A_19, %add3A_464 : vector<16xi1>, vector<16xf32>
      %or3A_466 = arith.ori %eq3A_334, %eq3A_348 : vector<16xi1>
      %or3A_467 = arith.ori %eq3A_362, %eq3A_376 : vector<16xi1>
      %or3A_468 = arith.ori %eq3A_390, %eq3A_404 : vector<16xi1>
      %or3A_469 = arith.ori %eq3A_418, %eq3A_432 : vector<16xi1>
      %or3A_470 = arith.ori %or3A_466, %or3A_467 : vector<16xi1>
      %or3A_471 = arith.ori %or3A_468, %or3A_469 : vector<16xi1>
      %or3A_472 = arith.ori %or3A_470, %or3A_471 : vector<16xi1>
      %add3A_473 = arith.addf %mul3A_333, %mul3A_347 : vector<16xf32>
      %add3A_474 = arith.addf %mul3A_361, %mul3A_375 : vector<16xf32>
      %add3A_475 = arith.addf %mul3A_389, %mul3A_403 : vector<16xf32>
      %add3A_476 = arith.addf %mul3A_417, %mul3A_431 : vector<16xf32>
      %add3A_477 = arith.addf %add3A_473, %add3A_474 : vector<16xf32>
      %add3A_478 = arith.addf %add3A_475, %add3A_476 : vector<16xf32>
      %add3A_479 = arith.addf %add3A_477, %add3A_478 : vector<16xf32>
      %select_n3A_480 = arith.select %or3A_472, %broadcast_in_dim3A_19, %add3A_479 : vector<16xi1>, vector<16xf32>
      %or3A_481 = arith.ori %eq3A_337, %eq3A_351 : vector<16xi1>
      %or3A_482 = arith.ori %eq3A_365, %eq3A_379 : vector<16xi1>
      %or3A_483 = arith.ori %eq3A_393, %eq3A_407 : vector<16xi1>
      %or3A_484 = arith.ori %eq3A_421, %eq3A_435 : vector<16xi1>
      %or3A_485 = arith.ori %or3A_481, %or3A_482 : vector<16xi1>
      %or3A_486 = arith.ori %or3A_483, %or3A_484 : vector<16xi1>
      %or3A_487 = arith.ori %or3A_485, %or3A_486 : vector<16xi1>
      %add3A_488 = arith.addf %mul3A_336, %mul3A_350 : vector<16xf32>
      %add3A_489 = arith.addf %mul3A_364, %mul3A_378 : vector<16xf32>
      %add3A_490 = arith.addf %mul3A_392, %mul3A_406 : vector<16xf32>
      %add3A_491 = arith.addf %mul3A_420, %mul3A_434 : vector<16xf32>
      %add3A_492 = arith.addf %add3A_488, %add3A_489 : vector<16xf32>
      %add3A_493 = arith.addf %add3A_490, %add3A_491 : vector<16xf32>
      %add3A_494 = arith.addf %add3A_492, %add3A_493 : vector<16xf32>
      %select_n3A_495 = arith.select %or3A_487, %broadcast_in_dim3A_19, %add3A_494 : vector<16xi1>, vector<16xf32>
      %gather3A_496 = tpu.vector_load_idx %arg10[%add3A_323, %and3A_33] : memref<256x8xi32, #tpu.memory_space<vmem>>[vector<16xi32>, vector<16xi32>], vector<16xi32>,
      %gather3A_497 = tpu.vector_load_idx %arg11[%add3A_323, %and3A_33] : memref<256x8xf32, #tpu.memory_space<vmem>>[vector<16xi32>, vector<16xi32>], vector<16xf32>,
      %swap3A_498 = arith.constant 0 : i32
      %swap3A_499 = arith.index_cast %and3A_318 : i32 to index
      %swap3A_500 = arith.index_cast %swap3A_498 : i32 to index
      %swap3A_501 = arith.constant 0 : index
      %swap3A_502 = tpu.vector_load %arg16[%swap3A_499, %swap3A_500, %swap3A_501] {strides = array<i32>} : memref<2x5x16xf32, #tpu.memory_space<vmem>>, vector<16xf32>,
      tpu.vector_store %arg16[%swap3A_499, %swap3A_500, %swap3A_501], %select_n3A_450 {strides = array<i32>} : memref<2x5x16xf32, #tpu.memory_space<vmem>>, vector<16xf32>,
      %swap3A_503 = arith.constant 1 : i32
      %swap3A_504 = arith.index_cast %and3A_318 : i32 to index
      %swap3A_505 = arith.index_cast %swap3A_503 : i32 to index
      %swap3A_506 = arith.constant 0 : index
      %swap3A_507 = tpu.vector_load %arg16[%swap3A_504, %swap3A_505, %swap3A_506] {strides = array<i32>} : memref<2x5x16xf32, #tpu.memory_space<vmem>>, vector<16xf32>,
      tpu.vector_store %arg16[%swap3A_504, %swap3A_505, %swap3A_506], %select_n3A_465 {strides = array<i32>} : memref<2x5x16xf32, #tpu.memory_space<vmem>>, vector<16xf32>,
      %swap3A_508 = arith.constant 2 : i32
      %swap3A_509 = arith.index_cast %and3A_318 : i32 to index
      %swap3A_510 = arith.index_cast %swap3A_508 : i32 to index
      %swap3A_511 = arith.constant 0 : index
      %swap3A_512 = tpu.vector_load %arg16[%swap3A_509, %swap3A_510, %swap3A_511] {strides = array<i32>} : memref<2x5x16xf32, #tpu.memory_space<vmem>>, vector<16xf32>,
      tpu.vector_store %arg16[%swap3A_509, %swap3A_510, %swap3A_511], %select_n3A_480 {strides = array<i32>} : memref<2x5x16xf32, #tpu.memory_space<vmem>>, vector<16xf32>,
      %swap3A_513 = arith.constant 3 : i32
      %swap3A_514 = arith.index_cast %and3A_318 : i32 to index
      %swap3A_515 = arith.index_cast %swap3A_513 : i32 to index
      %swap3A_516 = arith.constant 0 : index
      %swap3A_517 = tpu.vector_load %arg16[%swap3A_514, %swap3A_515, %swap3A_516] {strides = array<i32>} : memref<2x5x16xf32, #tpu.memory_space<vmem>>, vector<16xf32>,
      tpu.vector_store %arg16[%swap3A_514, %swap3A_515, %swap3A_516], %select_n3A_495 {strides = array<i32>} : memref<2x5x16xf32, #tpu.memory_space<vmem>>, vector<16xf32>,
      %swap3A_518 = arith.constant 4 : i32
      %swap3A_519 = arith.index_cast %and3A_318 : i32 to index
      %swap3A_520 = arith.index_cast %swap3A_518 : i32 to index
      %swap3A_521 = arith.constant 0 : index
      %swap3A_522 = tpu.vector_load %arg16[%swap3A_519, %swap3A_520, %swap3A_521] {strides = array<i32>} : memref<2x5x16xf32, #tpu.memory_space<vmem>>, vector<16xf32>,
      tpu.vector_store %arg16[%swap3A_519, %swap3A_520, %swap3A_521], %gather3A_497 {strides = array<i32>} : memref<2x5x16xf32, #tpu.memory_space<vmem>>, vector<16xf32>,
      %swap3A_523 = arith.index_cast %and3A_318 : i32 to index
      %swap3A_524 = arith.constant 0 : index
      %swap3A_525 = tpu.vector_load %arg17[%swap3A_523, %swap3A_524] {strides = array<i32>} : memref<2x16xi32, #tpu.memory_space<vmem>>, vector<16xi32>,
      tpu.vector_store %arg17[%swap3A_523, %swap3A_524], %gather3A_496 {strides = array<i32>} : memref<2x16xi32, #tpu.memory_space<vmem>>, vector<16xi32>,
      %sub3A = arith.constant 1 : i32
      %sub3A_526 = arith.subi %scan3A_269, %sub3A : i32
      %max3A = arith.constant 0 : i32
      %max3A_527 = arith.maxsi %sub3A_526, %max3A : i32
      %select_n3A_528 = arith.select %lt3A_18, %masked_sort3A_303, %masked_sort3A_307 : vector<16xi1>, vector<16xf32>
      %select_n3A_529 = arith.select %lt3A_18, %masked_sort3A_304, %masked_sort3A_308 : vector<16xi1>, vector<16xi32>
      %masked_sort3A_530 = arith.constant dense<true> : vector<16xi1>
      %masked_sort3A_531, %masked_sort3A_532, %masked_sort3A_533 = tpu.sort %select_n3A_528, %select_n3A_529 masked %masked_sort3A_530 {descending = true} : (vector<16xf32>, vector<16xi32>, vector<16xi1>) -> (vector<16xi1>, vector<16xf32>, vector<16xi32>)
      %select_n3A_534 = arith.select %lt3A_18, %masked_sort3A_311, %masked_sort3A_315 : vector<16xi1>, vector<16xf32>
      %select_n3A_535 = arith.select %lt3A_18, %masked_sort3A_312, %masked_sort3A_316 : vector<16xi1>, vector<16xi32>
      %masked_sort3A_536 = arith.constant dense<true> : vector<16xi1>
      %masked_sort3A_537, %masked_sort3A_538, %masked_sort3A_539 = tpu.sort %select_n3A_534, %select_n3A_535 masked %masked_sort3A_536 : (vector<16xf32>, vector<16xi32>, vector<16xi1>) -> (vector<16xi1>, vector<16xf32>, vector<16xi32>)
      %select_n3A_540 = arith.select %lt3A_18, %masked_sort3A_532, %masked_sort3A_538 : vector<16xi1>, vector<16xf32>
      %select_n3A_541 = arith.select %lt3A_18, %masked_sort3A_533, %masked_sort3A_539 : vector<16xi1>, vector<16xi32>
      %masked_sort3A_542 = arith.constant dense<true> : vector<16xi1>
      %masked_sort3A_543, %masked_sort3A_544, %masked_sort3A_545 = tpu.sort %select_n3A_540, %select_n3A_541 masked %masked_sort3A_542 {descending = true} : (vector<16xf32>, vector<16xi32>, vector<16xi1>) -> (vector<16xi1>, vector<16xf32>, vector<16xi32>)
      %broadcast_in_dim3A_546 = arith.constant 0 : i32
      %broadcast_in_dim3A_547 = vector.broadcast %broadcast_in_dim3A_546 : i32 to vector<16xi32>
      %add3A_548 = vector.broadcast %max3A_527 : i32 to vector<16xi32>
      %add3A_549 = arith.addi %broadcast_in_dim3A_547, %add3A_548 : vector<16xi32>
      %add3A_550 = arith.addi %get3A_296, %get3A_53 : vector<16xi32>
      %swap3A_551 = arith.index_cast %max3A_527 : i32 to index
      %swap3A_552 = arith.constant 0 : index
      %swap3A_553 = tpu.vector_load %arg14[%swap3A_551, %swap3A_552] {strides = array<i32>} : memref<256x16xi32, #tpu.memory_space<vmem>>, vector<16xi32>,
      tpu.vector_store %arg14[%swap3A_551, %swap3A_552], %add3A_550 {strides = array<i32>} : memref<256x16xi32, #tpu.memory_space<vmem>>, vector<16xi32>,
      %add3A_554 = arith.addf %get3A_301, %get3A_55 : vector<16xf32>
      %swap3A_555 = arith.index_cast %max3A_527 : i32 to index
      %swap3A_556 = arith.constant 0 : index
      %swap3A_557 = tpu.vector_load %arg15[%swap3A_555, %swap3A_556] {strides = array<i32>} : memref<256x16xf32, #tpu.memory_space<vmem>>, vector<16xf32>,
      tpu.vector_store %arg15[%swap3A_555, %swap3A_556], %add3A_554 {strides = array<i32>} : memref<256x16xf32, #tpu.memory_space<vmem>>, vector<16xf32>,
      %add3A_558 = arith.addi %masked_sort3A_545, %get3A_53 : vector<16xi32>
      tpu.vector_store_idx %arg14[%add3A_549, %add3A_36], %add3A_558 masked %lt3A_18 : memref<256x16xi32, #tpu.memory_space<vmem>>[vector<16xi32>, vector<16xi32>], vector<16xi32>, vector<16xi1>
      %add3A_559 = arith.addf %masked_sort3A_544, %get3A_55 : vector<16xf32>
      tpu.vector_store_idx %arg15[%add3A_549, %add3A_36], %add3A_559 masked %lt3A_18 : memref<256x16xf32, #tpu.memory_space<vmem>>[vector<16xi32>, vector<16xi32>], vector<16xf32>, vector<16xi1>
    }
    %scan3A_268 = arith.constant 257 : i32
    "tpu.region"() ({
      %run_scoped3A = tpu.sem_alloc : memref<!tpu.dma_semaphore, #tpu.memory_space<semaphore_mem>>
      %dma_start3A_269 = arith.constant 0 : i32
      %dma_start3A_270 = tpu.memref_slice %arg7[%mul3A_2, %dma_start3A_269] : memref<8192x16xi32, #tpu.memory_space<hbm>> -> memref<256x16xi32, #tpu.memory_space<hbm>>
      %dma_start3A_271 = arith.constant 0 : i32
      %dma_start3A_272 = tpu.memref_slice %arg7[%mul3A_2, %dma_start3A_271] : memref<8192x16xi32, #tpu.memory_space<hbm>> -> memref<256x16xi32, #tpu.memory_space<hbm>>
      tpu.enqueue_dma source(%arg14 : memref<256x16xi32, #tpu.memory_space<vmem>>) target(%dma_start3A_272 : memref<256x16xi32, #tpu.memory_space<hbm>>) target_semaphore(%run_scoped3A : memref<!tpu.dma_semaphore, #tpu.memory_space<semaphore_mem>>)
      %dma_wait3A_273 = arith.constant 0 : i32
      %dma_wait3A_274 = tpu.memref_slice %arg7[%mul3A_2, %dma_wait3A_273] : memref<8192x16xi32, #tpu.memory_space<hbm>> -> memref<256x16xi32, #tpu.memory_space<hbm>>
      %dma_wait3A_275 = arith.constant 0 : i32
      %dma_wait3A_276 = tpu.memref_slice %arg7[%mul3A_2, %dma_wait3A_275] : memref<8192x16xi32, #tpu.memory_space<hbm>> -> memref<256x16xi32, #tpu.memory_space<hbm>>
      tpu.wait_dma2 semaphore(%run_scoped3A : memref<!tpu.dma_semaphore, #tpu.memory_space<semaphore_mem>>) src(%arg14 : memref<256x16xi32, #tpu.memory_space<vmem>>) dst(%dma_wait3A_276 : memref<256x16xi32, #tpu.memory_space<hbm>>)
      tpu.yield
    }) : () -> ()
    "tpu.region"() ({
      %run_scoped3A = tpu.sem_alloc : memref<!tpu.dma_semaphore, #tpu.memory_space<semaphore_mem>>
      %dma_start3A_269 = arith.constant 0 : i32
      %dma_start3A_270 = tpu.memref_slice %arg8[%mul3A_2, %dma_start3A_269] : memref<8192x16xf32, #tpu.memory_space<hbm>> -> memref<256x16xf32, #tpu.memory_space<hbm>>
      %dma_start3A_271 = arith.constant 0 : i32
      %dma_start3A_272 = tpu.memref_slice %arg8[%mul3A_2, %dma_start3A_271] : memref<8192x16xf32, #tpu.memory_space<hbm>> -> memref<256x16xf32, #tpu.memory_space<hbm>>
      tpu.enqueue_dma source(%arg15 : memref<256x16xf32, #tpu.memory_space<vmem>>) target(%dma_start3A_272 : memref<256x16xf32, #tpu.memory_space<hbm>>) target_semaphore(%run_scoped3A : memref<!tpu.dma_semaphore, #tpu.memory_space<semaphore_mem>>)
      %dma_wait3A_273 = arith.constant 0 : i32
      %dma_wait3A_274 = tpu.memref_slice %arg8[%mul3A_2, %dma_wait3A_273] : memref<8192x16xf32, #tpu.memory_space<hbm>> -> memref<256x16xf32, #tpu.memory_space<hbm>>
      %dma_wait3A_275 = arith.constant 0 : i32
      %dma_wait3A_276 = tpu.memref_slice %arg8[%mul3A_2, %dma_wait3A_275] : memref<8192x16xf32, #tpu.memory_space<hbm>> -> memref<256x16xf32, #tpu.memory_space<hbm>>
      tpu.wait_dma2 semaphore(%run_scoped3A : memref<!tpu.dma_semaphore, #tpu.memory_space<semaphore_mem>>) src(%arg15 : memref<256x16xf32, #tpu.memory_space<vmem>>) dst(%dma_wait3A_276 : memref<256x16xf32, #tpu.memory_space<hbm>>)
      tpu.yield
    }) : () -> ()
    return
  }
}

#map = affine_map<(d0, d1) -> (0, 0)>
#map1 = affine_map<(d0, d1) -> (0)>
module attributes {stable_mosaic.version = 14 : i64} {
  func.func @sc_kernel(%arg0: i32, %arg1: i32, %arg2: memref<8192x8xf32, #tpu.memory_space<hbm>>, %arg3: memref<64x64xf32, #tpu.memory_space<hbm>>, %arg4: memref<8192x8xi32, #tpu.memory_space<hbm>>, %arg5: memref<16xi32, #tpu.memory_space<hbm>>, %arg6: memref<16xf32, #tpu.memory_space<hbm>>, %arg7: memref<8192x16xi32, #tpu.memory_space<hbm>>, %arg8: memref<8192x16xf32, #tpu.memory_space<hbm>>, %arg9: memref<64x64xf32, #tpu.memory_space<vmem>>, %arg10: memref<256x8xi32, #tpu.memory_space<vmem>>, %arg11: memref<256x8xf32, #tpu.memory_space<vmem>>, %arg12: memref<16xi32, #tpu.memory_space<vmem>>, %arg13: memref<16xf32, #tpu.memory_space<vmem>>, %arg14: memref<256x16xi32, #tpu.memory_space<vmem>>, %arg15: memref<256x16xf32, #tpu.memory_space<vmem>>, %arg16: memref<2x5x16xf32, #tpu.memory_space<vmem>>, %arg17: memref<2x16xi32, #tpu.memory_space<vmem>>, %arg18: memref<!tpu.dma_semaphore, #tpu.memory_space<semaphore_mem>>) attributes {dimension_semantics = [#tpu.dimension_semantics<core_parallel>, #tpu.dimension_semantics<subcore_parallel>], iteration_bounds = array<i64: 2, 16>, scalar_prefetch = 0 : i64, scratch_operands = 10 : i64, tpu.core_type = #tpu.core_type<sc_vector_subcore>, window_params = [{transform_indices = #map}, {transform_indices = #map}, {transform_indices = #map}, {transform_indices = #map1}, {transform_indices = #map1}, {transform_indices = #map}, {transform_indices = #map}]} {
    %mul3A = arith.constant 2 : i32
    %mul3A_0 = arith.muli %arg1, %mul3A : i32
    %add3A = arith.addi %mul3A_0, %arg0 : i32
    %mul3A_1 = arith.constant 256 : i32
    %mul3A_2 = arith.muli %add3A, %mul3A_1 : i32
    tpu.enqueue_dma source(%arg3 : memref<64x64xf32, #tpu.memory_space<hbm>>) target(%arg9 : memref<64x64xf32, #tpu.memory_space<vmem>>) target_semaphore(%arg18 : memref<!tpu.dma_semaphore, #tpu.memory_space<semaphore_mem>>)
    %dma_start3A = arith.constant 0 : i32
    %dma_start3A_3 = tpu.memref_slice %arg4[%mul3A_2, %dma_start3A] : memref<8192x8xi32, #tpu.memory_space<hbm>> -> memref<256x8xi32, #tpu.memory_space<hbm>>
    %dma_start3A_4 = arith.constant 0 : i32
    %dma_start3A_5 = tpu.memref_slice %arg4[%mul3A_2, %dma_start3A_4] : memref<8192x8xi32, #tpu.memory_space<hbm>> -> memref<256x8xi32, #tpu.memory_space<hbm>>
    tpu.enqueue_dma source(%dma_start3A_5 : memref<256x8xi32, #tpu.memory_space<hbm>>) target(%arg10 : memref<256x8xi32, #tpu.memory_space<vmem>>) target_semaphore(%arg18 : memref<!tpu.dma_semaphore, #tpu.memory_space<semaphore_mem>>)
    %dma_start3A_6 = arith.constant 0 : i32
    %dma_start3A_7 = tpu.memref_slice %arg2[%mul3A_2, %dma_start3A_6] : memref<8192x8xf32, #tpu.memory_space<hbm>> -> memref<256x8xf32, #tpu.memory_space<hbm>>
    %dma_start3A_8 = arith.constant 0 : i32
    %dma_start3A_9 = tpu.memref_slice %arg2[%mul3A_2, %dma_start3A_8] : memref<8192x8xf32, #tpu.memory_space<hbm>> -> memref<256x8xf32, #tpu.memory_space<hbm>>
    tpu.enqueue_dma source(%dma_start3A_9 : memref<256x8xf32, #tpu.memory_space<hbm>>) target(%arg11 : memref<256x8xf32, #tpu.memory_space<vmem>>) target_semaphore(%arg18 : memref<!tpu.dma_semaphore, #tpu.memory_space<semaphore_mem>>)
    tpu.enqueue_dma source(%arg5 : memref<16xi32, #tpu.memory_space<hbm>>) target(%arg12 : memref<16xi32, #tpu.memory_space<vmem>>) target_semaphore(%arg18 : memref<!tpu.dma_semaphore, #tpu.memory_space<semaphore_mem>>)
    tpu.enqueue_dma source(%arg6 : memref<16xf32, #tpu.memory_space<hbm>>) target(%arg13 : memref<16xf32, #tpu.memory_space<vmem>>) target_semaphore(%arg18 : memref<!tpu.dma_semaphore, #tpu.memory_space<semaphore_mem>>)
    tpu.wait_dma2 semaphore(%arg18 : memref<!tpu.dma_semaphore, #tpu.memory_space<semaphore_mem>>) src(%arg3 : memref<64x64xf32, #tpu.memory_space<hbm>>) dst(%arg9 : memref<64x64xf32, #tpu.memory_space<vmem>>)
    %dma_wait3A = arith.constant 0 : i32
    %dma_wait3A_10 = tpu.memref_slice %arg4[%mul3A_2, %dma_wait3A] : memref<8192x8xi32, #tpu.memory_space<hbm>> -> memref<256x8xi32, #tpu.memory_space<hbm>>
    %dma_wait3A_11 = arith.constant 0 : i32
    %dma_wait3A_12 = tpu.memref_slice %arg4[%mul3A_2, %dma_wait3A_11] : memref<8192x8xi32, #tpu.memory_space<hbm>> -> memref<256x8xi32, #tpu.memory_space<hbm>>
    tpu.wait_dma2 semaphore(%arg18 : memref<!tpu.dma_semaphore, #tpu.memory_space<semaphore_mem>>) src(%dma_wait3A_12 : memref<256x8xi32, #tpu.memory_space<hbm>>) dst(%arg10 : memref<256x8xi32, #tpu.memory_space<vmem>>)
    %dma_wait3A_13 = arith.constant 0 : i32
    %dma_wait3A_14 = tpu.memref_slice %arg2[%mul3A_2, %dma_wait3A_13] : memref<8192x8xf32, #tpu.memory_space<hbm>> -> memref<256x8xf32, #tpu.memory_space<hbm>>
    %dma_wait3A_15 = arith.constant 0 : i32
    %dma_wait3A_16 = tpu.memref_slice %arg2[%mul3A_2, %dma_wait3A_15] : memref<8192x8xf32, #tpu.memory_space<hbm>> -> memref<256x8xf32, #tpu.memory_space<hbm>>
    tpu.wait_dma2 semaphore(%arg18 : memref<!tpu.dma_semaphore, #tpu.memory_space<semaphore_mem>>) src(%dma_wait3A_16 : memref<256x8xf32, #tpu.memory_space<hbm>>) dst(%arg11 : memref<256x8xf32, #tpu.memory_space<vmem>>)
    tpu.wait_dma2 semaphore(%arg18 : memref<!tpu.dma_semaphore, #tpu.memory_space<semaphore_mem>>) src(%arg5 : memref<16xi32, #tpu.memory_space<hbm>>) dst(%arg12 : memref<16xi32, #tpu.memory_space<vmem>>)
    tpu.wait_dma2 semaphore(%arg18 : memref<!tpu.dma_semaphore, #tpu.memory_space<semaphore_mem>>) src(%arg6 : memref<16xf32, #tpu.memory_space<hbm>>) dst(%arg13 : memref<16xf32, #tpu.memory_space<vmem>>)
    %iota3A = tpu.iota {dimensions = array<i32: 0>} : vector<16xi32>
    %lt3A = arith.constant 8 : i32
    %lt3A_17 = vector.broadcast %lt3A : i32 to vector<16xi32>
    %lt3A_18 = arith.cmpi slt, %iota3A, %lt3A_17 : vector<16xi32>
    %broadcast_in_dim3A = arith.constant 0xFF800000 : f32
    %broadcast_in_dim3A_19 = vector.broadcast %broadcast_in_dim3A : f32 to vector<16xf32>
    %add3A_20 = arith.constant 0 : i32
    %add3A_21 = vector.broadcast %add3A_20 : i32 to vector<16xi32>
    %add3A_22 = arith.addi %iota3A, %add3A_21 : vector<16xi32>
    %add3A_23 = arith.constant 16 : i32
    %add3A_24 = vector.broadcast %add3A_23 : i32 to vector<16xi32>
    %add3A_25 = arith.addi %iota3A, %add3A_24 : vector<16xi32>
    %add3A_26 = arith.constant 32 : i32
    %add3A_27 = vector.broadcast %add3A_26 : i32 to vector<16xi32>
    %add3A_28 = arith.addi %iota3A, %add3A_27 : vector<16xi32>
    %add3A_29 = arith.constant 48 : i32
    %add3A_30 = vector.broadcast %add3A_29 : i32 to vector<16xi32>
    %add3A_31 = arith.addi %iota3A, %add3A_30 : vector<16xi32>
    %and3A = arith.constant 7 : i32
    %and3A_32 = vector.broadcast %and3A : i32 to vector<16xi32>
    %and3A_33 = arith.andi %iota3A, %and3A_32 : vector<16xi32>
    %add3A_34 = arith.constant 8 : i32
    %add3A_35 = vector.broadcast %add3A_34 : i32 to vector<16xi32>
    %add3A_36 = arith.addi %and3A_33, %add3A_35 : vector<16xi32>
    %broadcast_in_dim3A_37 = arith.constant 0 : i32
    %broadcast_in_dim3A_38 = vector.broadcast %broadcast_in_dim3A_37 : i32 to vector<16xi32>
    %broadcast_in_dim3A_39 = arith.constant 1 : i32
    %broadcast_in_dim3A_40 = vector.broadcast %broadcast_in_dim3A_39 : i32 to vector<16xi32>
    %broadcast_in_dim3A_41 = arith.constant 2 : i32
    %broadcast_in_dim3A_42 = vector.broadcast %broadcast_in_dim3A_41 : i32 to vector<16xi32>
    %broadcast_in_dim3A_43 = arith.constant 3 : i32
    %broadcast_in_dim3A_44 = vector.broadcast %broadcast_in_dim3A_43 : i32 to vector<16xi32>
    %broadcast_in_dim3A_45 = arith.constant 4 : i32
    %broadcast_in_dim3A_46 = vector.broadcast %broadcast_in_dim3A_45 : i32 to vector<16xi32>
    %broadcast_in_dim3A_47 = arith.constant 5 : i32
    %broadcast_in_dim3A_48 = vector.broadcast %broadcast_in_dim3A_47 : i32 to vector<16xi32>
    %broadcast_in_dim3A_49 = arith.constant 6 : i32
    %broadcast_in_dim3A_50 = vector.broadcast %broadcast_in_dim3A_49 : i32 to vector<16xi32>
    %broadcast_in_dim3A_51 = arith.constant 7 : i32
    %broadcast_in_dim3A_52 = vector.broadcast %broadcast_in_dim3A_51 : i32 to vector<16xi32>
    %get3A = arith.constant 0 : index
    %get3A_53 = tpu.vector_load %arg12[%get3A] {strides = array<i32>} : memref<16xi32, #tpu.memory_space<vmem>>, vector<16xi32>,
    %get3A_54 = arith.constant 0 : index
    %get3A_55 = tpu.vector_load %arg13[%get3A_54] {strides = array<i32>} : memref<16xf32, #tpu.memory_space<vmem>>, vector<16xf32>,
    %broadcast_in_dim3A_56 = arith.constant 0 : i32
    %broadcast_in_dim3A_57 = vector.broadcast %broadcast_in_dim3A_56 : i32 to vector<16xi32>
    %add3A_58 = arith.constant 0 : i32
    %add3A_59 = vector.broadcast %add3A_58 : i32 to vector<16xi32>
    %add3A_60 = arith.addi %broadcast_in_dim3A_57, %add3A_59 : vector<16xi32>
    %gather3A = tpu.vector_load_idx %arg10[%add3A_60, %broadcast_in_dim3A_38] : memref<256x8xi32, #tpu.memory_space<vmem>>[vector<16xi32>, vector<16xi32>], vector<16xi32>,
    %gather3A_61 = tpu.vector_load_idx %arg11[%add3A_60, %broadcast_in_dim3A_38] : memref<256x8xf32, #tpu.memory_space<vmem>>[vector<16xi32>, vector<16xi32>], vector<16xf32>,
    %gather3A_62 = tpu.vector_load_idx %arg9[%gather3A, %add3A_22] : memref<64x64xf32, #tpu.memory_space<vmem>>[vector<16xi32>, vector<16xi32>], vector<16xf32>,
    %mul3A_63 = arith.mulf %gather3A_61, %gather3A_62 : vector<16xf32>
    %eq3A = arith.cmpi eq, %add3A_22, %gather3A : vector<16xi32>
    %gather3A_64 = tpu.vector_load_idx %arg9[%gather3A, %add3A_25] : memref<64x64xf32, #tpu.memory_space<vmem>>[vector<16xi32>, vector<16xi32>], vector<16xf32>,
    %mul3A_65 = arith.mulf %gather3A_61, %gather3A_64 : vector<16xf32>
    %eq3A_66 = arith.cmpi eq, %add3A_25, %gather3A : vector<16xi32>
    %gather3A_67 = tpu.vector_load_idx %arg9[%gather3A, %add3A_28] : memref<64x64xf32, #tpu.memory_space<vmem>>[vector<16xi32>, vector<16xi32>], vector<16xf32>,
    %mul3A_68 = arith.mulf %gather3A_61, %gather3A_67 : vector<16xf32>
    %eq3A_69 = arith.cmpi eq, %add3A_28, %gather3A : vector<16xi32>
    %gather3A_70 = tpu.vector_load_idx %arg9[%gather3A, %add3A_31] : memref<64x64xf32, #tpu.memory_space<vmem>>[vector<16xi32>, vector<16xi32>], vector<16xf32>,
    %mul3A_71 = arith.mulf %gather3A_61, %gather3A_70 : vector<16xf32>
    %eq3A_72 = arith.cmpi eq, %add3A_31, %gather3A : vector<16xi32>
    %gather3A_73 = tpu.vector_load_idx %arg10[%add3A_60, %broadcast_in_dim3A_40] : memref<256x8xi32, #tpu.memory_space<vmem>>[vector<16xi32>, vector<16xi32>], vector<16xi32>,
    %gather3A_74 = tpu.vector_load_idx %arg11[%add3A_60, %broadcast_in_dim3A_40] : memref<256x8xf32, #tpu.memory_space<vmem>>[vector<16xi32>, vector<16xi32>], vector<16xf32>,
    %gather3A_75 = tpu.vector_load_idx %arg9[%gather3A_73, %add3A_22] : memref<64x64xf32, #tpu.memory_space<vmem>>[vector<16xi32>, vector<16xi32>], vector<16xf32>,
    %mul3A_76 = arith.mulf %gather3A_74, %gather3A_75 : vector<16xf32>
    %eq3A_77 = arith.cmpi eq, %add3A_22, %gather3A_73 : vector<16xi32>
    %gather3A_78 = tpu.vector_load_idx %arg9[%gather3A_73, %add3A_25] : memref<64x64xf32, #tpu.memory_space<vmem>>[vector<16xi32>, vector<16xi32>], vector<16xf32>,
    %mul3A_79 = arith.mulf %gather3A_74, %gather3A_78 : vector<16xf32>
    %eq3A_80 = arith.cmpi eq, %add3A_25, %gather3A_73 : vector<16xi32>
    %gather3A_81 = tpu.vector_load_idx %arg9[%gather3A_73, %add3A_28] : memref<64x64xf32, #tpu.memory_space<vmem>>[vector<16xi32>, vector<16xi32>], vector<16xf32>,
    %mul3A_82 = arith.mulf %gather3A_74, %gather3A_81 : vector<16xf32>
    %eq3A_83 = arith.cmpi eq, %add3A_28, %gather3A_73 : vector<16xi32>
    %gather3A_84 = tpu.vector_load_idx %arg9[%gather3A_73, %add3A_31] : memref<64x64xf32, #tpu.memory_space<vmem>>[vector<16xi32>, vector<16xi32>], vector<16xf32>,
    %mul3A_85 = arith.mulf %gather3A_74, %gather3A_84 : vector<16xf32>
    %eq3A_86 = arith.cmpi eq, %add3A_31, %gather3A_73 : vector<16xi32>
    %gather3A_87 = tpu.vector_load_idx %arg10[%add3A_60, %broadcast_in_dim3A_42] : memref<256x8xi32, #tpu.memory_space<vmem>>[vector<16xi32>, vector<16xi32>], vector<16xi32>,
    %gather3A_88 = tpu.vector_load_idx %arg11[%add3A_60, %broadcast_in_dim3A_42] : memref<256x8xf32, #tpu.memory_space<vmem>>[vector<16xi32>, vector<16xi32>], vector<16xf32>,
    %gather3A_89 = tpu.vector_load_idx %arg9[%gather3A_87, %add3A_22] : memref<64x64xf32, #tpu.memory_space<vmem>>[vector<16xi32>, vector<16xi32>], vector<16xf32>,
    %mul3A_90 = arith.mulf %gather3A_88, %gather3A_89 : vector<16xf32>
    %eq3A_91 = arith.cmpi eq, %add3A_22, %gather3A_87 : vector<16xi32>
    %gather3A_92 = tpu.vector_load_idx %arg9[%gather3A_87, %add3A_25] : memref<64x64xf32, #tpu.memory_space<vmem>>[vector<16xi32>, vector<16xi32>], vector<16xf32>,
    %mul3A_93 = arith.mulf %gather3A_88, %gather3A_92 : vector<16xf32>
    %eq3A_94 = arith.cmpi eq, %add3A_25, %gather3A_87 : vector<16xi32>
    %gather3A_95 = tpu.vector_load_idx %arg9[%gather3A_87, %add3A_28] : memref<64x64xf32, #tpu.memory_space<vmem>>[vector<16xi32>, vector<16xi32>], vector<16xf32>,
    %mul3A_96 = arith.mulf %gather3A_88, %gather3A_95 : vector<16xf32>
    %eq3A_97 = arith.cmpi eq, %add3A_28, %gather3A_87 : vector<16xi32>
    %gather3A_98 = tpu.vector_load_idx %arg9[%gather3A_87, %add3A_31] : memref<64x64xf32, #tpu.memory_space<vmem>>[vector<16xi32>, vector<16xi32>], vector<16xf32>,
    %mul3A_99 = arith.mulf %gather3A_88, %gather3A_98 : vector<16xf32>
    %eq3A_100 = arith.cmpi eq, %add3A_31, %gather3A_87 : vector<16xi32>
    %gather3A_101 = tpu.vector_load_idx %arg10[%add3A_60, %broadcast_in_dim3A_44] : memref<256x8xi32, #tpu.memory_space<vmem>>[vector<16xi32>, vector<16xi32>], vector<16xi32>,
    %gather3A_102 = tpu.vector_load_idx %arg11[%add3A_60, %broadcast_in_dim3A_44] : memref<256x8xf32, #tpu.memory_space<vmem>>[vector<16xi32>, vector<16xi32>], vector<16xf32>,
    %gather3A_103 = tpu.vector_load_idx %arg9[%gather3A_101, %add3A_22] : memref<64x64xf32, #tpu.memory_space<vmem>>[vector<16xi32>, vector<16xi32>], vector<16xf32>,
    %mul3A_104 = arith.mulf %gather3A_102, %gather3A_103 : vector<16xf32>
    %eq3A_105 = arith.cmpi eq, %add3A_22, %gather3A_101 : vector<16xi32>
    %gather3A_106 = tpu.vector_load_idx %arg9[%gather3A_101, %add3A_25] : memref<64x64xf32, #tpu.memory_space<vmem>>[vector<16xi32>, vector<16xi32>], vector<16xf32>,
    %mul3A_107 = arith.mulf %gather3A_102, %gather3A_106 : vector<16xf32>
    %eq3A_108 = arith.cmpi eq, %add3A_25, %gather3A_101 : vector<16xi32>
    %gather3A_109 = tpu.vector_load_idx %arg9[%gather3A_101, %add3A_28] : memref<64x64xf32, #tpu.memory_space<vmem>>[vector<16xi32>, vector<16xi32>], vector<16xf32>,
    %mul3A_110 = arith.mulf %gather3A_102, %gather3A_109 : vector<16xf32>
    %eq3A_111 = arith.cmpi eq, %add3A_28, %gather3A_101 : vector<16xi32>
    %gather3A_112 = tpu.vector_load_idx %arg9[%gather3A_101, %add3A_31] : memref<64x64xf32, #tpu.memory_space<vmem>>[vector<16xi32>, vector<16xi32>], vector<16xf32>,
    %mul3A_113 = arith.mulf %gather3A_102, %gather3A_112 : vector<16xf32>
    %eq3A_114 = arith.cmpi eq, %add3A_31, %gather3A_101 : vector<16xi32>
    %gather3A_115 = tpu.vector_load_idx %arg10[%add3A_60, %broadcast_in_dim3A_46] : memref<256x8xi32, #tpu.memory_space<vmem>>[vector<16xi32>, vector<16xi32>], vector<16xi32>,
    %gather3A_116 = tpu.vector_load_idx %arg11[%add3A_60, %broadcast_in_dim3A_46] : memref<256x8xf32, #tpu.memory_space<vmem>>[vector<16xi32>, vector<16xi32>], vector<16xf32>,
    %gather3A_117 = tpu.vector_load_idx %arg9[%gather3A_115, %add3A_22] : memref<64x64xf32, #tpu.memory_space<vmem>>[vector<16xi32>, vector<16xi32>], vector<16xf32>,
    %mul3A_118 = arith.mulf %gather3A_116, %gather3A_117 : vector<16xf32>
    %eq3A_119 = arith.cmpi eq, %add3A_22, %gather3A_115 : vector<16xi32>
    %gather3A_120 = tpu.vector_load_idx %arg9[%gather3A_115, %add3A_25] : memref<64x64xf32, #tpu.memory_space<vmem>>[vector<16xi32>, vector<16xi32>], vector<16xf32>,
    %mul3A_121 = arith.mulf %gather3A_116, %gather3A_120 : vector<16xf32>
    %eq3A_122 = arith.cmpi eq, %add3A_25, %gather3A_115 : vector<16xi32>
    %gather3A_123 = tpu.vector_load_idx %arg9[%gather3A_115, %add3A_28] : memref<64x64xf32, #tpu.memory_space<vmem>>[vector<16xi32>, vector<16xi32>], vector<16xf32>,
    %mul3A_124 = arith.mulf %gather3A_116, %gather3A_123 : vector<16xf32>
    %eq3A_125 = arith.cmpi eq, %add3A_28, %gather3A_115 : vector<16xi32>
    %gather3A_126 = tpu.vector_load_idx %arg9[%gather3A_115, %add3A_31] : memref<64x64xf32, #tpu.memory_space<vmem>>[vector<16xi32>, vector<16xi32>], vector<16xf32>,
    %mul3A_127 = arith.mulf %gather3A_116, %gather3A_126 : vector<16xf32>
    %eq3A_128 = arith.cmpi eq, %add3A_31, %gather3A_115 : vector<16xi32>
    %gather3A_129 = tpu.vector_load_idx %arg10[%add3A_60, %broadcast_in_dim3A_48] : memref<256x8xi32, #tpu.memory_space<vmem>>[vector<16xi32>, vector<16xi32>], vector<16xi32>,
    %gather3A_130 = tpu.vector_load_idx %arg11[%add3A_60, %broadcast_in_dim3A_48] : memref<256x8xf32, #tpu.memory_space<vmem>>[vector<16xi32>, vector<16xi32>], vector<16xf32>,
    %gather3A_131 = tpu.vector_load_idx %arg9[%gather3A_129, %add3A_22] : memref<64x64xf32, #tpu.memory_space<vmem>>[vector<16xi32>, vector<16xi32>], vector<16xf32>,
    %mul3A_132 = arith.mulf %gather3A_130, %gather3A_131 : vector<16xf32>
    %eq3A_133 = arith.cmpi eq, %add3A_22, %gather3A_129 : vector<16xi32>
    %gather3A_134 = tpu.vector_load_idx %arg9[%gather3A_129, %add3A_25] : memref<64x64xf32, #tpu.memory_space<vmem>>[vector<16xi32>, vector<16xi32>], vector<16xf32>,
    %mul3A_135 = arith.mulf %gather3A_130, %gather3A_134 : vector<16xf32>
    %eq3A_136 = arith.cmpi eq, %add3A_25, %gather3A_129 : vector<16xi32>
    %gather3A_137 = tpu.vector_load_idx %arg9[%gather3A_129, %add3A_28] : memref<64x64xf32, #tpu.memory_space<vmem>>[vector<16xi32>, vector<16xi32>], vector<16xf32>,
    %mul3A_138 = arith.mulf %gather3A_130, %gather3A_137 : vector<16xf32>
    %eq3A_139 = arith.cmpi eq, %add3A_28, %gather3A_129 : vector<16xi32>
    %gather3A_140 = tpu.vector_load_idx %arg9[%gather3A_129, %add3A_31] : memref<64x64xf32, #tpu.memory_space<vmem>>[vector<16xi32>, vector<16xi32>], vector<16xf32>,
    %mul3A_141 = arith.mulf %gather3A_130, %gather3A_140 : vector<16xf32>
    %eq3A_142 = arith.cmpi eq, %add3A_31, %gather3A_129 : vector<16xi32>
    %gather3A_143 = tpu.vector_load_idx %arg10[%add3A_60, %broadcast_in_dim3A_50] : memref<256x8xi32, #tpu.memory_space<vmem>>[vector<16xi32>, vector<16xi32>], vector<16xi32>,
    %gather3A_144 = tpu.vector_load_idx %arg11[%add3A_60, %broadcast_in_dim3A_50] : memref<256x8xf32, #tpu.memory_space<vmem>>[vector<16xi32>, vector<16xi32>], vector<16xf32>,
    %gather3A_145 = tpu.vector_load_idx %arg9[%gather3A_143, %add3A_22] : memref<64x64xf32, #tpu.memory_space<vmem>>[vector<16xi32>, vector<16xi32>], vector<16xf32>,
    %mul3A_146 = arith.mulf %gather3A_144, %gather3A_145 : vector<16xf32>
    %eq3A_147 = arith.cmpi eq, %add3A_22, %gather3A_143 : vector<16xi32>
    %gather3A_148 = tpu.vector_load_idx %arg9[%gather3A_143, %add3A_25] : memref<64x64xf32, #tpu.memory_space<vmem>>[vector<16xi32>, vector<16xi32>], vector<16xf32>,
    %mul3A_149 = arith.mulf %gather3A_144, %gather3A_148 : vector<16xf32>
    %eq3A_150 = arith.cmpi eq, %add3A_25, %gather3A_143 : vector<16xi32>
    %gather3A_151 = tpu.vector_load_idx %arg9[%gather3A_143, %add3A_28] : memref<64x64xf32, #tpu.memory_space<vmem>>[vector<16xi32>, vector<16xi32>], vector<16xf32>,
    %mul3A_152 = arith.mulf %gather3A_144, %gather3A_151 : vector<16xf32>
    %eq3A_153 = arith.cmpi eq, %add3A_28, %gather3A_143 : vector<16xi32>
    %gather3A_154 = tpu.vector_load_idx %arg9[%gather3A_143, %add3A_31] : memref<64x64xf32, #tpu.memory_space<vmem>>[vector<16xi32>, vector<16xi32>], vector<16xf32>,
    %mul3A_155 = arith.mulf %gather3A_144, %gather3A_154 : vector<16xf32>
    %eq3A_156 = arith.cmpi eq, %add3A_31, %gather3A_143 : vector<16xi32>
    %gather3A_157 = tpu.vector_load_idx %arg10[%add3A_60, %broadcast_in_dim3A_52] : memref<256x8xi32, #tpu.memory_space<vmem>>[vector<16xi32>, vector<16xi32>], vector<16xi32>,
    %gather3A_158 = tpu.vector_load_idx %arg11[%add3A_60, %broadcast_in_dim3A_52] : memref<256x8xf32, #tpu.memory_space<vmem>>[vector<16xi32>, vector<16xi32>], vector<16xf32>,
    %gather3A_159 = tpu.vector_load_idx %arg9[%gather3A_157, %add3A_22] : memref<64x64xf32, #tpu.memory_space<vmem>>[vector<16xi32>, vector<16xi32>], vector<16xf32>,
    %mul3A_160 = arith.mulf %gather3A_158, %gather3A_159 : vector<16xf32>
    %eq3A_161 = arith.cmpi eq, %add3A_22, %gather3A_157 : vector<16xi32>
    %gather3A_162 = tpu.vector_load_idx %arg9[%gather3A_157, %add3A_25] : memref<64x64xf32, #tpu.memory_space<vmem>>[vector<16xi32>, vector<16xi32>], vector<16xf32>,
    %mul3A_163 = arith.mulf %gather3A_158, %gather3A_162 : vector<16xf32>
    %eq3A_164 = arith.cmpi eq, %add3A_25, %gather3A_157 : vector<16xi32>
    %gather3A_165 = tpu.vector_load_idx %arg9[%gather3A_157, %add3A_28] : memref<64x64xf32, #tpu.memory_space<vmem>>[vector<16xi32>, vector<16xi32>], vector<16xf32>,
    %mul3A_166 = arith.mulf %gather3A_158, %gather3A_165 : vector<16xf32>
    %eq3A_167 = arith.cmpi eq, %add3A_28, %gather3A_157 : vector<16xi32>
    %gather3A_168 = tpu.vector_load_idx %arg9[%gather3A_157, %add3A_31] : memref<64x64xf32, #tpu.memory_space<vmem>>[vector<16xi32>, vector<16xi32>], vector<16xf32>,
    %mul3A_169 = arith.mulf %gather3A_158, %gather3A_168 : vector<16xf32>
    %eq3A_170 = arith.cmpi eq, %add3A_31, %gather3A_157 : vector<16xi32>
    %or3A = arith.ori %eq3A, %eq3A_77 : vector<16xi1>
    %or3A_171 = arith.ori %eq3A_91, %eq3A_105 : vector<16xi1>
    %or3A_172 = arith.ori %eq3A_119, %eq3A_133 : vector<16xi1>
    %or3A_173 = arith.ori %eq3A_147, %eq3A_161 : vector<16xi1>
    %or3A_174 = arith.ori %or3A, %or3A_171 : vector<16xi1>
    %or3A_175 = arith.ori %or3A_172, %or3A_173 : vector<16xi1>
    %or3A_176 = arith.ori %or3A_174, %or3A_175 : vector<16xi1>
    %add3A_177 = arith.addf %mul3A_63, %mul3A_76 : vector<16xf32>
    %add3A_178 = arith.addf %mul3A_90, %mul3A_104 : vector<16xf32>
    %add3A_179 = arith.addf %mul3A_118, %mul3A_132 : vector<16xf32>
    %add3A_180 = arith.addf %mul3A_146, %mul3A_160 : vector<16xf32>
    %add3A_181 = arith.addf %add3A_177, %add3A_178 : vector<16xf32>
    %add3A_182 = arith.addf %add3A_179, %add3A_180 : vector<16xf32>
    %add3A_183 = arith.addf %add3A_181, %add3A_182 : vector<16xf32>
    %select_n3A = arith.select %or3A_176, %broadcast_in_dim3A_19, %add3A_183 : vector<16xi1>, vector<16xf32>
    %or3A_184 = arith.ori %eq3A_66, %eq3A_80 : vector<16xi1>
    %or3A_185 = arith.ori %eq3A_94, %eq3A_108 : vector<16xi1>
    %or3A_186 = arith.ori %eq3A_122, %eq3A_136 : vector<16xi1>
    %or3A_187 = arith.ori %eq3A_150, %eq3A_164 : vector<16xi1>
    %or3A_188 = arith.ori %or3A_184, %or3A_185 : vector<16xi1>
    %or3A_189 = arith.ori %or3A_186, %or3A_187 : vector<16xi1>
    %or3A_190 = arith.ori %or3A_188, %or3A_189 : vector<16xi1>
    %add3A_191 = arith.addf %mul3A_65, %mul3A_79 : vector<16xf32>
    %add3A_192 = arith.addf %mul3A_93, %mul3A_107 : vector<16xf32>
    %add3A_193 = arith.addf %mul3A_121, %mul3A_135 : vector<16xf32>
    %add3A_194 = arith.addf %mul3A_149, %mul3A_163 : vector<16xf32>
    %add3A_195 = arith.addf %add3A_191, %add3A_192 : vector<16xf32>
    %add3A_196 = arith.addf %add3A_193, %add3A_194 : vector<16xf32>
    %add3A_197 = arith.addf %add3A_195, %add3A_196 : vector<16xf32>
    %select_n3A_198 = arith.select %or3A_190, %broadcast_in_dim3A_19, %add3A_197 : vector<16xi1>, vector<16xf32>
    %or3A_199 = arith.ori %eq3A_69, %eq3A_83 : vector<16xi1>
    %or3A_200 = arith.ori %eq3A_97, %eq3A_111 : vector<16xi1>
    %or3A_201 = arith.ori %eq3A_125, %eq3A_139 : vector<16xi1>
    %or3A_202 = arith.ori %eq3A_153, %eq3A_167 : vector<16xi1>
    %or3A_203 = arith.ori %or3A_199, %or3A_200 : vector<16xi1>
    %or3A_204 = arith.ori %or3A_201, %or3A_202 : vector<16xi1>
    %or3A_205 = arith.ori %or3A_203, %or3A_204 : vector<16xi1>
    %add3A_206 = arith.addf %mul3A_68, %mul3A_82 : vector<16xf32>
    %add3A_207 = arith.addf %mul3A_96, %mul3A_110 : vector<16xf32>
    %add3A_208 = arith.addf %mul3A_124, %mul3A_138 : vector<16xf32>
    %add3A_209 = arith.addf %mul3A_152, %mul3A_166 : vector<16xf32>
    %add3A_210 = arith.addf %add3A_206, %add3A_207 : vector<16xf32>
    %add3A_211 = arith.addf %add3A_208, %add3A_209 : vector<16xf32>
    %add3A_212 = arith.addf %add3A_210, %add3A_211 : vector<16xf32>
    %select_n3A_213 = arith.select %or3A_205, %broadcast_in_dim3A_19, %add3A_212 : vector<16xi1>, vector<16xf32>
    %or3A_214 = arith.ori %eq3A_72, %eq3A_86 : vector<16xi1>
    %or3A_215 = arith.ori %eq3A_100, %eq3A_114 : vector<16xi1>
    %or3A_216 = arith.ori %eq3A_128, %eq3A_142 : vector<16xi1>
    %or3A_217 = arith.ori %eq3A_156, %eq3A_170 : vector<16xi1>
    %or3A_218 = arith.ori %or3A_214, %or3A_215 : vector<16xi1>
    %or3A_219 = arith.ori %or3A_216, %or3A_217 : vector<16xi1>
    %or3A_220 = arith.ori %or3A_218, %or3A_219 : vector<16xi1>
    %add3A_221 = arith.addf %mul3A_71, %mul3A_85 : vector<16xf32>
    %add3A_222 = arith.addf %mul3A_99, %mul3A_113 : vector<16xf32>
    %add3A_223 = arith.addf %mul3A_127, %mul3A_141 : vector<16xf32>
    %add3A_224 = arith.addf %mul3A_155, %mul3A_169 : vector<16xf32>
    %add3A_225 = arith.addf %add3A_221, %add3A_222 : vector<16xf32>
    %add3A_226 = arith.addf %add3A_223, %add3A_224 : vector<16xf32>
    %add3A_227 = arith.addf %add3A_225, %add3A_226 : vector<16xf32>
    %select_n3A_228 = arith.select %or3A_220, %broadcast_in_dim3A_19, %add3A_227 : vector<16xi1>, vector<16xf32>
    %gather3A_229 = tpu.vector_load_idx %arg10[%add3A_60, %and3A_33] : memref<256x8xi32, #tpu.memory_space<vmem>>[vector<16xi32>, vector<16xi32>], vector<16xi32>,
    %gather3A_230 = tpu.vector_load_idx %arg11[%add3A_60, %and3A_33] : memref<256x8xf32, #tpu.memory_space<vmem>>[vector<16xi32>, vector<16xi32>], vector<16xf32>,
    %swap3A = arith.constant 1 : i32
    %swap3A_231 = arith.constant 0 : i32
    %swap3A_232 = arith.index_cast %swap3A : i32 to index
    %swap3A_233 = arith.index_cast %swap3A_231 : i32 to index
    %swap3A_234 = arith.constant 0 : index
    %swap3A_235 = tpu.vector_load %arg16[%swap3A_232, %swap3A_233, %swap3A_234] {strides = array<i32>} : memref<2x5x16xf32, #tpu.memory_space<vmem>>, vector<16xf32>,
    tpu.vector_store %arg16[%swap3A_232, %swap3A_233, %swap3A_234], %select_n3A {strides = array<i32>} : memref<2x5x16xf32, #tpu.memory_space<vmem>>, vector<16xf32>,
    %swap3A_236 = arith.constant 1 : i32
    %swap3A_237 = arith.constant 1 : i32
    %swap3A_238 = arith.index_cast %swap3A_236 : i32 to index
    %swap3A_239 = arith.index_cast %swap3A_237 : i32 to index
    %swap3A_240 = arith.constant 0 : index
    %swap3A_241 = tpu.vector_load %arg16[%swap3A_238, %swap3A_239, %swap3A_240] {strides = array<i32>} : memref<2x5x16xf32, #tpu.memory_space<vmem>>, vector<16xf32>,
    tpu.vector_store %arg16[%swap3A_238, %swap3A_239, %swap3A_240], %select_n3A_198 {strides = array<i32>} : memref<2x5x16xf32, #tpu.memory_space<vmem>>, vector<16xf32>,
    %swap3A_242 = arith.constant 1 : i32
    %swap3A_243 = arith.constant 2 : i32
    %swap3A_244 = arith.index_cast %swap3A_242 : i32 to index
    %swap3A_245 = arith.index_cast %swap3A_243 : i32 to index
    %swap3A_246 = arith.constant 0 : index
    %swap3A_247 = tpu.vector_load %arg16[%swap3A_244, %swap3A_245, %swap3A_246] {strides = array<i32>} : memref<2x5x16xf32, #tpu.memory_space<vmem>>, vector<16xf32>,
    tpu.vector_store %arg16[%swap3A_244, %swap3A_245, %swap3A_246], %select_n3A_213 {strides = array<i32>} : memref<2x5x16xf32, #tpu.memory_space<vmem>>, vector<16xf32>,
    %swap3A_248 = arith.constant 1 : i32
    %swap3A_249 = arith.constant 3 : i32
    %swap3A_250 = arith.index_cast %swap3A_248 : i32 to index
    %swap3A_251 = arith.index_cast %swap3A_249 : i32 to index
    %swap3A_252 = arith.constant 0 : index
    %swap3A_253 = tpu.vector_load %arg16[%swap3A_250, %swap3A_251, %swap3A_252] {strides = array<i32>} : memref<2x5x16xf32, #tpu.memory_space<vmem>>, vector<16xf32>,
    tpu.vector_store %arg16[%swap3A_250, %swap3A_251, %swap3A_252], %select_n3A_228 {strides = array<i32>} : memref<2x5x16xf32, #tpu.memory_space<vmem>>, vector<16xf32>,
    %swap3A_254 = arith.constant 1 : i32
    %swap3A_255 = arith.constant 4 : i32
    %swap3A_256 = arith.index_cast %swap3A_254 : i32 to index
    %swap3A_257 = arith.index_cast %swap3A_255 : i32 to index
    %swap3A_258 = arith.constant 0 : index
    %swap3A_259 = tpu.vector_load %arg16[%swap3A_256, %swap3A_257, %swap3A_258] {strides = array<i32>} : memref<2x5x16xf32, #tpu.memory_space<vmem>>, vector<16xf32>,
    tpu.vector_store %arg16[%swap3A_256, %swap3A_257, %swap3A_258], %gather3A_230 {strides = array<i32>} : memref<2x5x16xf32, #tpu.memory_space<vmem>>, vector<16xf32>,
    %swap3A_260 = arith.constant 1 : i32
    %swap3A_261 = arith.index_cast %swap3A_260 : i32 to index
    %swap3A_262 = arith.constant 0 : index
    %swap3A_263 = tpu.vector_load %arg17[%swap3A_261, %swap3A_262] {strides = array<i32>} : memref<2x16xi32, #tpu.memory_space<vmem>>, vector<16xi32>,
    tpu.vector_store %arg17[%swap3A_261, %swap3A_262], %gather3A_229 {strides = array<i32>} : memref<2x16xi32, #tpu.memory_space<vmem>>, vector<16xi32>,
    %scan3A = arith.constant 0 : i32
    %scan3A_264 = arith.constant 0 : i32
    %scan3A_265 = arith.constant 257 : i32
    %scan3A_266 = arith.addi %scan3A_264, %scan3A_265 : i32
    %scan3A_267 = arith.constant 1 : i32
    scf.for %scan3A_269 = %scan3A_264 to %scan3A_266 step %scan3A_267  : i32 {
      %add3A_270 = arith.constant 1 : i32
      %add3A_271 = arith.addi %scan3A_269, %add3A_270 : i32
      %and3A_272 = arith.constant 1 : i32
      %and3A_273 = arith.andi %add3A_271, %and3A_272 : i32
      %get3A_274 = arith.constant 0 : i32
      %get3A_275 = arith.index_cast %and3A_273 : i32 to index
      %get3A_276 = arith.index_cast %get3A_274 : i32 to index
      %get3A_277 = arith.constant 0 : index
      %get3A_278 = tpu.vector_load %arg16[%get3A_275, %get3A_276, %get3A_277] {strides = array<i32>} : memref<2x5x16xf32, #tpu.memory_space<vmem>>, vector<16xf32>,
      %get3A_279 = arith.constant 1 : i32
      %get3A_280 = arith.index_cast %and3A_273 : i32 to index
      %get3A_281 = arith.index_cast %get3A_279 : i32 to index
      %get3A_282 = arith.constant 0 : index
      %get3A_283 = tpu.vector_load %arg16[%get3A_280, %get3A_281, %get3A_282] {strides = array<i32>} : memref<2x5x16xf32, #tpu.memory_space<vmem>>, vector<16xf32>,
      %get3A_284 = arith.constant 2 : i32
      %get3A_285 = arith.index_cast %and3A_273 : i32 to index
      %get3A_286 = arith.index_cast %get3A_284 : i32 to index
      %get3A_287 = arith.constant 0 : index
      %get3A_288 = tpu.vector_load %arg16[%get3A_285, %get3A_286, %get3A_287] {strides = array<i32>} : memref<2x5x16xf32, #tpu.memory_space<vmem>>, vector<16xf32>,
      %get3A_289 = arith.constant 3 : i32
      %get3A_290 = arith.index_cast %and3A_273 : i32 to index
      %get3A_291 = arith.index_cast %get3A_289 : i32 to index
      %get3A_292 = arith.constant 0 : index
      %get3A_293 = tpu.vector_load %arg16[%get3A_290, %get3A_291, %get3A_292] {strides = array<i32>} : memref<2x5x16xf32, #tpu.memory_space<vmem>>, vector<16xf32>,
      %get3A_294 = arith.index_cast %and3A_273 : i32 to index
      %get3A_295 = arith.constant 0 : index
      %get3A_296 = tpu.vector_load %arg17[%get3A_294, %get3A_295] {strides = array<i32>} : memref<2x16xi32, #tpu.memory_space<vmem>>, vector<16xi32>,
      %get3A_297 = arith.constant 4 : i32
      %get3A_298 = arith.index_cast %and3A_273 : i32 to index
      %get3A_299 = arith.index_cast %get3A_297 : i32 to index
      %get3A_300 = arith.constant 0 : index
      %get3A_301 = tpu.vector_load %arg16[%get3A_298, %get3A_299, %get3A_300] {strides = array<i32>} : memref<2x5x16xf32, #tpu.memory_space<vmem>>, vector<16xf32>,
      %masked_sort3A = arith.constant dense<true> : vector<16xi1>
      %masked_sort3A_302, %masked_sort3A_303, %masked_sort3A_304 = tpu.sort %get3A_278, %add3A_22 masked %masked_sort3A {descending = true} : (vector<16xf32>, vector<16xi32>, vector<16xi1>) -> (vector<16xi1>, vector<16xf32>, vector<16xi32>)
      %masked_sort3A_305 = arith.constant dense<true> : vector<16xi1>
      %masked_sort3A_306, %masked_sort3A_307, %masked_sort3A_308 = tpu.sort %get3A_283, %add3A_25 masked %masked_sort3A_305 : (vector<16xf32>, vector<16xi32>, vector<16xi1>) -> (vector<16xi1>, vector<16xf32>, vector<16xi32>)
      %masked_sort3A_309 = arith.constant dense<true> : vector<16xi1>
      %masked_sort3A_310, %masked_sort3A_311, %masked_sort3A_312 = tpu.sort %get3A_288, %add3A_28 masked %masked_sort3A_309 {descending = true} : (vector<16xf32>, vector<16xi32>, vector<16xi1>) -> (vector<16xi1>, vector<16xf32>, vector<16xi32>)
      %masked_sort3A_313 = arith.constant dense<true> : vector<16xi1>
      %masked_sort3A_314, %masked_sort3A_315, %masked_sort3A_316 = tpu.sort %get3A_293, %add3A_31 masked %masked_sort3A_313 : (vector<16xf32>, vector<16xi32>, vector<16xi1>) -> (vector<16xi1>, vector<16xf32>, vector<16xi32>)
      %and3A_317 = arith.constant 1 : i32
      %and3A_318 = arith.andi %scan3A_269, %and3A_317 : i32
      %min3A = arith.constant 255 : i32
      %min3A_319 = arith.minsi %scan3A_269, %min3A : i32
      %broadcast_in_dim3A_320 = arith.constant 0 : i32
      %broadcast_in_dim3A_321 = vector.broadcast %broadcast_in_dim3A_320 : i32 to vector<16xi32>
      %add3A_322 = vector.broadcast %min3A_319 : i32 to vector<16xi32>
      %add3A_323 = arith.addi %broadcast_in_dim3A_321, %add3A_322 : vector<16xi32>
      %gather3A_324 = tpu.vector_load_idx %arg10[%add3A_323, %broadcast_in_dim3A_38] : memref<256x8xi32, #tpu.memory_space<vmem>>[vector<16xi32>, vector<16xi32>], vector<16xi32>,
      %gather3A_325 = tpu.vector_load_idx %arg11[%add3A_323, %broadcast_in_dim3A_38] : memref<256x8xf32, #tpu.memory_space<vmem>>[vector<16xi32>, vector<16xi32>], vector<16xf32>,
      %gather3A_326 = tpu.vector_load_idx %arg9[%gather3A_324, %add3A_22] : memref<64x64xf32, #tpu.memory_space<vmem>>[vector<16xi32>, vector<16xi32>], vector<16xf32>,
      %mul3A_327 = arith.mulf %gather3A_325, %gather3A_326 : vector<16xf32>
      %eq3A_328 = arith.cmpi eq, %add3A_22, %gather3A_324 : vector<16xi32>
      %gather3A_329 = tpu.vector_load_idx %arg9[%gather3A_324, %add3A_25] : memref<64x64xf32, #tpu.memory_space<vmem>>[vector<16xi32>, vector<16xi32>], vector<16xf32>,
      %mul3A_330 = arith.mulf %gather3A_325, %gather3A_329 : vector<16xf32>
      %eq3A_331 = arith.cmpi eq, %add3A_25, %gather3A_324 : vector<16xi32>
      %gather3A_332 = tpu.vector_load_idx %arg9[%gather3A_324, %add3A_28] : memref<64x64xf32, #tpu.memory_space<vmem>>[vector<16xi32>, vector<16xi32>], vector<16xf32>,
      %mul3A_333 = arith.mulf %gather3A_325, %gather3A_332 : vector<16xf32>
      %eq3A_334 = arith.cmpi eq, %add3A_28, %gather3A_324 : vector<16xi32>
      %gather3A_335 = tpu.vector_load_idx %arg9[%gather3A_324, %add3A_31] : memref<64x64xf32, #tpu.memory_space<vmem>>[vector<16xi32>, vector<16xi32>], vector<16xf32>,
      %mul3A_336 = arith.mulf %gather3A_325, %gather3A_335 : vector<16xf32>
      %eq3A_337 = arith.cmpi eq, %add3A_31, %gather3A_324 : vector<16xi32>
      %gather3A_338 = tpu.vector_load_idx %arg10[%add3A_323, %broadcast_in_dim3A_40] : memref<256x8xi32, #tpu.memory_space<vmem>>[vector<16xi32>, vector<16xi32>], vector<16xi32>,
      %gather3A_339 = tpu.vector_load_idx %arg11[%add3A_323, %broadcast_in_dim3A_40] : memref<256x8xf32, #tpu.memory_space<vmem>>[vector<16xi32>, vector<16xi32>], vector<16xf32>,
      %gather3A_340 = tpu.vector_load_idx %arg9[%gather3A_338, %add3A_22] : memref<64x64xf32, #tpu.memory_space<vmem>>[vector<16xi32>, vector<16xi32>], vector<16xf32>,
      %mul3A_341 = arith.mulf %gather3A_339, %gather3A_340 : vector<16xf32>
      %eq3A_342 = arith.cmpi eq, %add3A_22, %gather3A_338 : vector<16xi32>
      %gather3A_343 = tpu.vector_load_idx %arg9[%gather3A_338, %add3A_25] : memref<64x64xf32, #tpu.memory_space<vmem>>[vector<16xi32>, vector<16xi32>], vector<16xf32>,
      %mul3A_344 = arith.mulf %gather3A_339, %gather3A_343 : vector<16xf32>
      %eq3A_345 = arith.cmpi eq, %add3A_25, %gather3A_338 : vector<16xi32>
      %gather3A_346 = tpu.vector_load_idx %arg9[%gather3A_338, %add3A_28] : memref<64x64xf32, #tpu.memory_space<vmem>>[vector<16xi32>, vector<16xi32>], vector<16xf32>,
      %mul3A_347 = arith.mulf %gather3A_339, %gather3A_346 : vector<16xf32>
      %eq3A_348 = arith.cmpi eq, %add3A_28, %gather3A_338 : vector<16xi32>
      %gather3A_349 = tpu.vector_load_idx %arg9[%gather3A_338, %add3A_31] : memref<64x64xf32, #tpu.memory_space<vmem>>[vector<16xi32>, vector<16xi32>], vector<16xf32>,
      %mul3A_350 = arith.mulf %gather3A_339, %gather3A_349 : vector<16xf32>
      %eq3A_351 = arith.cmpi eq, %add3A_31, %gather3A_338 : vector<16xi32>
      %gather3A_352 = tpu.vector_load_idx %arg10[%add3A_323, %broadcast_in_dim3A_42] : memref<256x8xi32, #tpu.memory_space<vmem>>[vector<16xi32>, vector<16xi32>], vector<16xi32>,
      %gather3A_353 = tpu.vector_load_idx %arg11[%add3A_323, %broadcast_in_dim3A_42] : memref<256x8xf32, #tpu.memory_space<vmem>>[vector<16xi32>, vector<16xi32>], vector<16xf32>,
      %gather3A_354 = tpu.vector_load_idx %arg9[%gather3A_352, %add3A_22] : memref<64x64xf32, #tpu.memory_space<vmem>>[vector<16xi32>, vector<16xi32>], vector<16xf32>,
      %mul3A_355 = arith.mulf %gather3A_353, %gather3A_354 : vector<16xf32>
      %eq3A_356 = arith.cmpi eq, %add3A_22, %gather3A_352 : vector<16xi32>
      %gather3A_357 = tpu.vector_load_idx %arg9[%gather3A_352, %add3A_25] : memref<64x64xf32, #tpu.memory_space<vmem>>[vector<16xi32>, vector<16xi32>], vector<16xf32>,
      %mul3A_358 = arith.mulf %gather3A_353, %gather3A_357 : vector<16xf32>
      %eq3A_359 = arith.cmpi eq, %add3A_25, %gather3A_352 : vector<16xi32>
      %gather3A_360 = tpu.vector_load_idx %arg9[%gather3A_352, %add3A_28] : memref<64x64xf32, #tpu.memory_space<vmem>>[vector<16xi32>, vector<16xi32>], vector<16xf32>,
      %mul3A_361 = arith.mulf %gather3A_353, %gather3A_360 : vector<16xf32>
      %eq3A_362 = arith.cmpi eq, %add3A_28, %gather3A_352 : vector<16xi32>
      %gather3A_363 = tpu.vector_load_idx %arg9[%gather3A_352, %add3A_31] : memref<64x64xf32, #tpu.memory_space<vmem>>[vector<16xi32>, vector<16xi32>], vector<16xf32>,
      %mul3A_364 = arith.mulf %gather3A_353, %gather3A_363 : vector<16xf32>
      %eq3A_365 = arith.cmpi eq, %add3A_31, %gather3A_352 : vector<16xi32>
      %gather3A_366 = tpu.vector_load_idx %arg10[%add3A_323, %broadcast_in_dim3A_44] : memref<256x8xi32, #tpu.memory_space<vmem>>[vector<16xi32>, vector<16xi32>], vector<16xi32>,
      %gather3A_367 = tpu.vector_load_idx %arg11[%add3A_323, %broadcast_in_dim3A_44] : memref<256x8xf32, #tpu.memory_space<vmem>>[vector<16xi32>, vector<16xi32>], vector<16xf32>,
      %gather3A_368 = tpu.vector_load_idx %arg9[%gather3A_366, %add3A_22] : memref<64x64xf32, #tpu.memory_space<vmem>>[vector<16xi32>, vector<16xi32>], vector<16xf32>,
      %mul3A_369 = arith.mulf %gather3A_367, %gather3A_368 : vector<16xf32>
      %eq3A_370 = arith.cmpi eq, %add3A_22, %gather3A_366 : vector<16xi32>
      %gather3A_371 = tpu.vector_load_idx %arg9[%gather3A_366, %add3A_25] : memref<64x64xf32, #tpu.memory_space<vmem>>[vector<16xi32>, vector<16xi32>], vector<16xf32>,
      %mul3A_372 = arith.mulf %gather3A_367, %gather3A_371 : vector<16xf32>
      %eq3A_373 = arith.cmpi eq, %add3A_25, %gather3A_366 : vector<16xi32>
      %gather3A_374 = tpu.vector_load_idx %arg9[%gather3A_366, %add3A_28] : memref<64x64xf32, #tpu.memory_space<vmem>>[vector<16xi32>, vector<16xi32>], vector<16xf32>,
      %mul3A_375 = arith.mulf %gather3A_367, %gather3A_374 : vector<16xf32>
      %eq3A_376 = arith.cmpi eq, %add3A_28, %gather3A_366 : vector<16xi32>
      %gather3A_377 = tpu.vector_load_idx %arg9[%gather3A_366, %add3A_31] : memref<64x64xf32, #tpu.memory_space<vmem>>[vector<16xi32>, vector<16xi32>], vector<16xf32>,
      %mul3A_378 = arith.mulf %gather3A_367, %gather3A_377 : vector<16xf32>
      %eq3A_379 = arith.cmpi eq, %add3A_31, %gather3A_366 : vector<16xi32>
      %gather3A_380 = tpu.vector_load_idx %arg10[%add3A_323, %broadcast_in_dim3A_46] : memref<256x8xi32, #tpu.memory_space<vmem>>[vector<16xi32>, vector<16xi32>], vector<16xi32>,
      %gather3A_381 = tpu.vector_load_idx %arg11[%add3A_323, %broadcast_in_dim3A_46] : memref<256x8xf32, #tpu.memory_space<vmem>>[vector<16xi32>, vector<16xi32>], vector<16xf32>,
      %gather3A_382 = tpu.vector_load_idx %arg9[%gather3A_380, %add3A_22] : memref<64x64xf32, #tpu.memory_space<vmem>>[vector<16xi32>, vector<16xi32>], vector<16xf32>,
      %mul3A_383 = arith.mulf %gather3A_381, %gather3A_382 : vector<16xf32>
      %eq3A_384 = arith.cmpi eq, %add3A_22, %gather3A_380 : vector<16xi32>
      %gather3A_385 = tpu.vector_load_idx %arg9[%gather3A_380, %add3A_25] : memref<64x64xf32, #tpu.memory_space<vmem>>[vector<16xi32>, vector<16xi32>], vector<16xf32>,
      %mul3A_386 = arith.mulf %gather3A_381, %gather3A_385 : vector<16xf32>
      %eq3A_387 = arith.cmpi eq, %add3A_25, %gather3A_380 : vector<16xi32>
      %gather3A_388 = tpu.vector_load_idx %arg9[%gather3A_380, %add3A_28] : memref<64x64xf32, #tpu.memory_space<vmem>>[vector<16xi32>, vector<16xi32>], vector<16xf32>,
      %mul3A_389 = arith.mulf %gather3A_381, %gather3A_388 : vector<16xf32>
      %eq3A_390 = arith.cmpi eq, %add3A_28, %gather3A_380 : vector<16xi32>
      %gather3A_391 = tpu.vector_load_idx %arg9[%gather3A_380, %add3A_31] : memref<64x64xf32, #tpu.memory_space<vmem>>[vector<16xi32>, vector<16xi32>], vector<16xf32>,
      %mul3A_392 = arith.mulf %gather3A_381, %gather3A_391 : vector<16xf32>
      %eq3A_393 = arith.cmpi eq, %add3A_31, %gather3A_380 : vector<16xi32>
      %gather3A_394 = tpu.vector_load_idx %arg10[%add3A_323, %broadcast_in_dim3A_48] : memref<256x8xi32, #tpu.memory_space<vmem>>[vector<16xi32>, vector<16xi32>], vector<16xi32>,
      %gather3A_395 = tpu.vector_load_idx %arg11[%add3A_323, %broadcast_in_dim3A_48] : memref<256x8xf32, #tpu.memory_space<vmem>>[vector<16xi32>, vector<16xi32>], vector<16xf32>,
      %gather3A_396 = tpu.vector_load_idx %arg9[%gather3A_394, %add3A_22] : memref<64x64xf32, #tpu.memory_space<vmem>>[vector<16xi32>, vector<16xi32>], vector<16xf32>,
      %mul3A_397 = arith.mulf %gather3A_395, %gather3A_396 : vector<16xf32>
      %eq3A_398 = arith.cmpi eq, %add3A_22, %gather3A_394 : vector<16xi32>
      %gather3A_399 = tpu.vector_load_idx %arg9[%gather3A_394, %add3A_25] : memref<64x64xf32, #tpu.memory_space<vmem>>[vector<16xi32>, vector<16xi32>], vector<16xf32>,
      %mul3A_400 = arith.mulf %gather3A_395, %gather3A_399 : vector<16xf32>
      %eq3A_401 = arith.cmpi eq, %add3A_25, %gather3A_394 : vector<16xi32>
      %gather3A_402 = tpu.vector_load_idx %arg9[%gather3A_394, %add3A_28] : memref<64x64xf32, #tpu.memory_space<vmem>>[vector<16xi32>, vector<16xi32>], vector<16xf32>,
      %mul3A_403 = arith.mulf %gather3A_395, %gather3A_402 : vector<16xf32>
      %eq3A_404 = arith.cmpi eq, %add3A_28, %gather3A_394 : vector<16xi32>
      %gather3A_405 = tpu.vector_load_idx %arg9[%gather3A_394, %add3A_31] : memref<64x64xf32, #tpu.memory_space<vmem>>[vector<16xi32>, vector<16xi32>], vector<16xf32>,
      %mul3A_406 = arith.mulf %gather3A_395, %gather3A_405 : vector<16xf32>
      %eq3A_407 = arith.cmpi eq, %add3A_31, %gather3A_394 : vector<16xi32>
      %gather3A_408 = tpu.vector_load_idx %arg10[%add3A_323, %broadcast_in_dim3A_50] : memref<256x8xi32, #tpu.memory_space<vmem>>[vector<16xi32>, vector<16xi32>], vector<16xi32>,
      %gather3A_409 = tpu.vector_load_idx %arg11[%add3A_323, %broadcast_in_dim3A_50] : memref<256x8xf32, #tpu.memory_space<vmem>>[vector<16xi32>, vector<16xi32>], vector<16xf32>,
      %gather3A_410 = tpu.vector_load_idx %arg9[%gather3A_408, %add3A_22] : memref<64x64xf32, #tpu.memory_space<vmem>>[vector<16xi32>, vector<16xi32>], vector<16xf32>,
      %mul3A_411 = arith.mulf %gather3A_409, %gather3A_410 : vector<16xf32>
      %eq3A_412 = arith.cmpi eq, %add3A_22, %gather3A_408 : vector<16xi32>
      %gather3A_413 = tpu.vector_load_idx %arg9[%gather3A_408, %add3A_25] : memref<64x64xf32, #tpu.memory_space<vmem>>[vector<16xi32>, vector<16xi32>], vector<16xf32>,
      %mul3A_414 = arith.mulf %gather3A_409, %gather3A_413 : vector<16xf32>
      %eq3A_415 = arith.cmpi eq, %add3A_25, %gather3A_408 : vector<16xi32>
      %gather3A_416 = tpu.vector_load_idx %arg9[%gather3A_408, %add3A_28] : memref<64x64xf32, #tpu.memory_space<vmem>>[vector<16xi32>, vector<16xi32>], vector<16xf32>,
      %mul3A_417 = arith.mulf %gather3A_409, %gather3A_416 : vector<16xf32>
      %eq3A_418 = arith.cmpi eq, %add3A_28, %gather3A_408 : vector<16xi32>
      %gather3A_419 = tpu.vector_load_idx %arg9[%gather3A_408, %add3A_31] : memref<64x64xf32, #tpu.memory_space<vmem>>[vector<16xi32>, vector<16xi32>], vector<16xf32>,
      %mul3A_420 = arith.mulf %gather3A_409, %gather3A_419 : vector<16xf32>
      %eq3A_421 = arith.cmpi eq, %add3A_31, %gather3A_408 : vector<16xi32>
      %gather3A_422 = tpu.vector_load_idx %arg10[%add3A_323, %broadcast_in_dim3A_52] : memref<256x8xi32, #tpu.memory_space<vmem>>[vector<16xi32>, vector<16xi32>], vector<16xi32>,
      %gather3A_423 = tpu.vector_load_idx %arg11[%add3A_323, %broadcast_in_dim3A_52] : memref<256x8xf32, #tpu.memory_space<vmem>>[vector<16xi32>, vector<16xi32>], vector<16xf32>,
      %gather3A_424 = tpu.vector_load_idx %arg9[%gather3A_422, %add3A_22] : memref<64x64xf32, #tpu.memory_space<vmem>>[vector<16xi32>, vector<16xi32>], vector<16xf32>,
      %mul3A_425 = arith.mulf %gather3A_423, %gather3A_424 : vector<16xf32>
      %eq3A_426 = arith.cmpi eq, %add3A_22, %gather3A_422 : vector<16xi32>
      %gather3A_427 = tpu.vector_load_idx %arg9[%gather3A_422, %add3A_25] : memref<64x64xf32, #tpu.memory_space<vmem>>[vector<16xi32>, vector<16xi32>], vector<16xf32>,
      %mul3A_428 = arith.mulf %gather3A_423, %gather3A_427 : vector<16xf32>
      %eq3A_429 = arith.cmpi eq, %add3A_25, %gather3A_422 : vector<16xi32>
      %gather3A_430 = tpu.vector_load_idx %arg9[%gather3A_422, %add3A_28] : memref<64x64xf32, #tpu.memory_space<vmem>>[vector<16xi32>, vector<16xi32>], vector<16xf32>,
      %mul3A_431 = arith.mulf %gather3A_423, %gather3A_430 : vector<16xf32>
      %eq3A_432 = arith.cmpi eq, %add3A_28, %gather3A_422 : vector<16xi32>
      %gather3A_433 = tpu.vector_load_idx %arg9[%gather3A_422, %add3A_31] : memref<64x64xf32, #tpu.memory_space<vmem>>[vector<16xi32>, vector<16xi32>], vector<16xf32>,
      %mul3A_434 = arith.mulf %gather3A_423, %gather3A_433 : vector<16xf32>
      %eq3A_435 = arith.cmpi eq, %add3A_31, %gather3A_422 : vector<16xi32>
      %or3A_436 = arith.ori %eq3A_328, %eq3A_342 : vector<16xi1>
      %or3A_437 = arith.ori %eq3A_356, %eq3A_370 : vector<16xi1>
      %or3A_438 = arith.ori %eq3A_384, %eq3A_398 : vector<16xi1>
      %or3A_439 = arith.ori %eq3A_412, %eq3A_426 : vector<16xi1>
      %or3A_440 = arith.ori %or3A_436, %or3A_437 : vector<16xi1>
      %or3A_441 = arith.ori %or3A_438, %or3A_439 : vector<16xi1>
      %or3A_442 = arith.ori %or3A_440, %or3A_441 : vector<16xi1>
      %add3A_443 = arith.addf %mul3A_327, %mul3A_341 : vector<16xf32>
      %add3A_444 = arith.addf %mul3A_355, %mul3A_369 : vector<16xf32>
      %add3A_445 = arith.addf %mul3A_383, %mul3A_397 : vector<16xf32>
      %add3A_446 = arith.addf %mul3A_411, %mul3A_425 : vector<16xf32>
      %add3A_447 = arith.addf %add3A_443, %add3A_444 : vector<16xf32>
      %add3A_448 = arith.addf %add3A_445, %add3A_446 : vector<16xf32>
      %add3A_449 = arith.addf %add3A_447, %add3A_448 : vector<16xf32>
      %select_n3A_450 = arith.select %or3A_442, %broadcast_in_dim3A_19, %add3A_449 : vector<16xi1>, vector<16xf32>
      %or3A_451 = arith.ori %eq3A_331, %eq3A_345 : vector<16xi1>
      %or3A_452 = arith.ori %eq3A_359, %eq3A_373 : vector<16xi1>
      %or3A_453 = arith.ori %eq3A_387, %eq3A_401 : vector<16xi1>
      %or3A_454 = arith.ori %eq3A_415, %eq3A_429 : vector<16xi1>
      %or3A_455 = arith.ori %or3A_451, %or3A_452 : vector<16xi1>
      %or3A_456 = arith.ori %or3A_453, %or3A_454 : vector<16xi1>
      %or3A_457 = arith.ori %or3A_455, %or3A_456 : vector<16xi1>
      %add3A_458 = arith.addf %mul3A_330, %mul3A_344 : vector<16xf32>
      %add3A_459 = arith.addf %mul3A_358, %mul3A_372 : vector<16xf32>
      %add3A_460 = arith.addf %mul3A_386, %mul3A_400 : vector<16xf32>
      %add3A_461 = arith.addf %mul3A_414, %mul3A_428 : vector<16xf32>
      %add3A_462 = arith.addf %add3A_458, %add3A_459 : vector<16xf32>
      %add3A_463 = arith.addf %add3A_460, %add3A_461 : vector<16xf32>
      %add3A_464 = arith.addf %add3A_462, %add3A_463 : vector<16xf32>
      %select_n3A_465 = arith.select %or3A_457, %broadcast_in_dim3A_19, %add3A_464 : vector<16xi1>, vector<16xf32>
      %or3A_466 = arith.ori %eq3A_334, %eq3A_348 : vector<16xi1>
      %or3A_467 = arith.ori %eq3A_362, %eq3A_376 : vector<16xi1>
      %or3A_468 = arith.ori %eq3A_390, %eq3A_404 : vector<16xi1>
      %or3A_469 = arith.ori %eq3A_418, %eq3A_432 : vector<16xi1>
      %or3A_470 = arith.ori %or3A_466, %or3A_467 : vector<16xi1>
      %or3A_471 = arith.ori %or3A_468, %or3A_469 : vector<16xi1>
      %or3A_472 = arith.ori %or3A_470, %or3A_471 : vector<16xi1>
      %add3A_473 = arith.addf %mul3A_333, %mul3A_347 : vector<16xf32>
      %add3A_474 = arith.addf %mul3A_361, %mul3A_375 : vector<16xf32>
      %add3A_475 = arith.addf %mul3A_389, %mul3A_403 : vector<16xf32>
      %add3A_476 = arith.addf %mul3A_417, %mul3A_431 : vector<16xf32>
      %add3A_477 = arith.addf %add3A_473, %add3A_474 : vector<16xf32>
      %add3A_478 = arith.addf %add3A_475, %add3A_476 : vector<16xf32>
      %add3A_479 = arith.addf %add3A_477, %add3A_478 : vector<16xf32>
      %select_n3A_480 = arith.select %or3A_472, %broadcast_in_dim3A_19, %add3A_479 : vector<16xi1>, vector<16xf32>
      %or3A_481 = arith.ori %eq3A_337, %eq3A_351 : vector<16xi1>
      %or3A_482 = arith.ori %eq3A_365, %eq3A_379 : vector<16xi1>
      %or3A_483 = arith.ori %eq3A_393, %eq3A_407 : vector<16xi1>
      %or3A_484 = arith.ori %eq3A_421, %eq3A_435 : vector<16xi1>
      %or3A_485 = arith.ori %or3A_481, %or3A_482 : vector<16xi1>
      %or3A_486 = arith.ori %or3A_483, %or3A_484 : vector<16xi1>
      %or3A_487 = arith.ori %or3A_485, %or3A_486 : vector<16xi1>
      %add3A_488 = arith.addf %mul3A_336, %mul3A_350 : vector<16xf32>
      %add3A_489 = arith.addf %mul3A_364, %mul3A_378 : vector<16xf32>
      %add3A_490 = arith.addf %mul3A_392, %mul3A_406 : vector<16xf32>
      %add3A_491 = arith.addf %mul3A_420, %mul3A_434 : vector<16xf32>
      %add3A_492 = arith.addf %add3A_488, %add3A_489 : vector<16xf32>
      %add3A_493 = arith.addf %add3A_490, %add3A_491 : vector<16xf32>
      %add3A_494 = arith.addf %add3A_492, %add3A_493 : vector<16xf32>
      %select_n3A_495 = arith.select %or3A_487, %broadcast_in_dim3A_19, %add3A_494 : vector<16xi1>, vector<16xf32>
      %gather3A_496 = tpu.vector_load_idx %arg10[%add3A_323, %and3A_33] : memref<256x8xi32, #tpu.memory_space<vmem>>[vector<16xi32>, vector<16xi32>], vector<16xi32>,
      %gather3A_497 = tpu.vector_load_idx %arg11[%add3A_323, %and3A_33] : memref<256x8xf32, #tpu.memory_space<vmem>>[vector<16xi32>, vector<16xi32>], vector<16xf32>,
      %swap3A_498 = arith.constant 0 : i32
      %swap3A_499 = arith.index_cast %and3A_318 : i32 to index
      %swap3A_500 = arith.index_cast %swap3A_498 : i32 to index
      %swap3A_501 = arith.constant 0 : index
      %swap3A_502 = tpu.vector_load %arg16[%swap3A_499, %swap3A_500, %swap3A_501] {strides = array<i32>} : memref<2x5x16xf32, #tpu.memory_space<vmem>>, vector<16xf32>,
      tpu.vector_store %arg16[%swap3A_499, %swap3A_500, %swap3A_501], %select_n3A_450 {strides = array<i32>} : memref<2x5x16xf32, #tpu.memory_space<vmem>>, vector<16xf32>,
      %swap3A_503 = arith.constant 1 : i32
      %swap3A_504 = arith.index_cast %and3A_318 : i32 to index
      %swap3A_505 = arith.index_cast %swap3A_503 : i32 to index
      %swap3A_506 = arith.constant 0 : index
      %swap3A_507 = tpu.vector_load %arg16[%swap3A_504, %swap3A_505, %swap3A_506] {strides = array<i32>} : memref<2x5x16xf32, #tpu.memory_space<vmem>>, vector<16xf32>,
      tpu.vector_store %arg16[%swap3A_504, %swap3A_505, %swap3A_506], %select_n3A_465 {strides = array<i32>} : memref<2x5x16xf32, #tpu.memory_space<vmem>>, vector<16xf32>,
      %swap3A_508 = arith.constant 2 : i32
      %swap3A_509 = arith.index_cast %and3A_318 : i32 to index
      %swap3A_510 = arith.index_cast %swap3A_508 : i32 to index
      %swap3A_511 = arith.constant 0 : index
      %swap3A_512 = tpu.vector_load %arg16[%swap3A_509, %swap3A_510, %swap3A_511] {strides = array<i32>} : memref<2x5x16xf32, #tpu.memory_space<vmem>>, vector<16xf32>,
      tpu.vector_store %arg16[%swap3A_509, %swap3A_510, %swap3A_511], %select_n3A_480 {strides = array<i32>} : memref<2x5x16xf32, #tpu.memory_space<vmem>>, vector<16xf32>,
      %swap3A_513 = arith.constant 3 : i32
      %swap3A_514 = arith.index_cast %and3A_318 : i32 to index
      %swap3A_515 = arith.index_cast %swap3A_513 : i32 to index
      %swap3A_516 = arith.constant 0 : index
      %swap3A_517 = tpu.vector_load %arg16[%swap3A_514, %swap3A_515, %swap3A_516] {strides = array<i32>} : memref<2x5x16xf32, #tpu.memory_space<vmem>>, vector<16xf32>,
      tpu.vector_store %arg16[%swap3A_514, %swap3A_515, %swap3A_516], %select_n3A_495 {strides = array<i32>} : memref<2x5x16xf32, #tpu.memory_space<vmem>>, vector<16xf32>,
      %swap3A_518 = arith.constant 4 : i32
      %swap3A_519 = arith.index_cast %and3A_318 : i32 to index
      %swap3A_520 = arith.index_cast %swap3A_518 : i32 to index
      %swap3A_521 = arith.constant 0 : index
      %swap3A_522 = tpu.vector_load %arg16[%swap3A_519, %swap3A_520, %swap3A_521] {strides = array<i32>} : memref<2x5x16xf32, #tpu.memory_space<vmem>>, vector<16xf32>,
      tpu.vector_store %arg16[%swap3A_519, %swap3A_520, %swap3A_521], %gather3A_497 {strides = array<i32>} : memref<2x5x16xf32, #tpu.memory_space<vmem>>, vector<16xf32>,
      %swap3A_523 = arith.index_cast %and3A_318 : i32 to index
      %swap3A_524 = arith.constant 0 : index
      %swap3A_525 = tpu.vector_load %arg17[%swap3A_523, %swap3A_524] {strides = array<i32>} : memref<2x16xi32, #tpu.memory_space<vmem>>, vector<16xi32>,
      tpu.vector_store %arg17[%swap3A_523, %swap3A_524], %gather3A_496 {strides = array<i32>} : memref<2x16xi32, #tpu.memory_space<vmem>>, vector<16xi32>,
      %sub3A = arith.constant 1 : i32
      %sub3A_526 = arith.subi %scan3A_269, %sub3A : i32
      %max3A = arith.constant 0 : i32
      %max3A_527 = arith.maxsi %sub3A_526, %max3A : i32
      %select_n3A_528 = arith.select %lt3A_18, %masked_sort3A_303, %masked_sort3A_307 : vector<16xi1>, vector<16xf32>
      %select_n3A_529 = arith.select %lt3A_18, %masked_sort3A_304, %masked_sort3A_308 : vector<16xi1>, vector<16xi32>
      %masked_sort3A_530 = arith.constant dense<true> : vector<16xi1>
      %masked_sort3A_531, %masked_sort3A_532, %masked_sort3A_533 = tpu.sort %select_n3A_528, %select_n3A_529 masked %masked_sort3A_530 {descending = true} : (vector<16xf32>, vector<16xi32>, vector<16xi1>) -> (vector<16xi1>, vector<16xf32>, vector<16xi32>)
      %select_n3A_534 = arith.select %lt3A_18, %masked_sort3A_311, %masked_sort3A_315 : vector<16xi1>, vector<16xf32>
      %select_n3A_535 = arith.select %lt3A_18, %masked_sort3A_312, %masked_sort3A_316 : vector<16xi1>, vector<16xi32>
      %masked_sort3A_536 = arith.constant dense<true> : vector<16xi1>
      %masked_sort3A_537, %masked_sort3A_538, %masked_sort3A_539 = tpu.sort %select_n3A_534, %select_n3A_535 masked %masked_sort3A_536 : (vector<16xf32>, vector<16xi32>, vector<16xi1>) -> (vector<16xi1>, vector<16xf32>, vector<16xi32>)
      %select_n3A_540 = arith.select %lt3A_18, %masked_sort3A_532, %masked_sort3A_538 : vector<16xi1>, vector<16xf32>
      %select_n3A_541 = arith.select %lt3A_18, %masked_sort3A_533, %masked_sort3A_539 : vector<16xi1>, vector<16xi32>
      %masked_sort3A_542 = arith.constant dense<true> : vector<16xi1>
      %masked_sort3A_543, %masked_sort3A_544, %masked_sort3A_545 = tpu.sort %select_n3A_540, %select_n3A_541 masked %masked_sort3A_542 {descending = true} : (vector<16xf32>, vector<16xi32>, vector<16xi1>) -> (vector<16xi1>, vector<16xf32>, vector<16xi32>)
      %broadcast_in_dim3A_546 = arith.constant 0 : i32
      %broadcast_in_dim3A_547 = vector.broadcast %broadcast_in_dim3A_546 : i32 to vector<16xi32>
      %add3A_548 = vector.broadcast %max3A_527 : i32 to vector<16xi32>
      %add3A_549 = arith.addi %broadcast_in_dim3A_547, %add3A_548 : vector<16xi32>
      %add3A_550 = arith.addi %get3A_296, %get3A_53 : vector<16xi32>
      %swap3A_551 = arith.index_cast %max3A_527 : i32 to index
      %swap3A_552 = arith.constant 0 : index
      %swap3A_553 = tpu.vector_load %arg14[%swap3A_551, %swap3A_552] {strides = array<i32>} : memref<256x16xi32, #tpu.memory_space<vmem>>, vector<16xi32>,
      tpu.vector_store %arg14[%swap3A_551, %swap3A_552], %add3A_550 {strides = array<i32>} : memref<256x16xi32, #tpu.memory_space<vmem>>, vector<16xi32>,
      %add3A_554 = arith.addf %get3A_301, %get3A_55 : vector<16xf32>
      %swap3A_555 = arith.index_cast %max3A_527 : i32 to index
      %swap3A_556 = arith.constant 0 : index
      %swap3A_557 = tpu.vector_load %arg15[%swap3A_555, %swap3A_556] {strides = array<i32>} : memref<256x16xf32, #tpu.memory_space<vmem>>, vector<16xf32>,
      tpu.vector_store %arg15[%swap3A_555, %swap3A_556], %add3A_554 {strides = array<i32>} : memref<256x16xf32, #tpu.memory_space<vmem>>, vector<16xf32>,
      %add3A_558 = arith.addi %masked_sort3A_545, %get3A_53 : vector<16xi32>
      tpu.vector_store_idx %arg14[%add3A_549, %add3A_36], %add3A_558 masked %lt3A_18 : memref<256x16xi32, #tpu.memory_space<vmem>>[vector<16xi32>, vector<16xi32>], vector<16xi32>, vector<16xi1>
      %add3A_559 = arith.addf %masked_sort3A_544, %get3A_55 : vector<16xf32>
      tpu.vector_store_idx %arg15[%add3A_549, %add3A_36], %add3A_559 masked %lt3A_18 : memref<256x16xf32, #tpu.memory_space<vmem>>[vector<16xi32>, vector<16xi32>], vector<16xf32>, vector<16xi1>
    }
    %scan3A_268 = arith.constant 257 : i32
    "tpu.region"() ({
      %run_scoped3A = tpu.sem_alloc : memref<!tpu.dma_semaphore, #tpu.memory_space<semaphore_mem>>
      %dma_start3A_269 = arith.constant 0 : i32
      %dma_start3A_270 = tpu.memref_slice %arg7[%mul3A_2, %dma_start3A_269] : memref<8192x16xi32, #tpu.memory_space<hbm>> -> memref<256x16xi32, #tpu.memory_space<hbm>>
      %dma_start3A_271 = arith.constant 0 : i32
      %dma_start3A_272 = tpu.memref_slice %arg7[%mul3A_2, %dma_start3A_271] : memref<8192x16xi32, #tpu.memory_space<hbm>> -> memref<256x16xi32, #tpu.memory_space<hbm>>
      tpu.enqueue_dma source(%arg14 : memref<256x16xi32, #tpu.memory_space<vmem>>) target(%dma_start3A_272 : memref<256x16xi32, #tpu.memory_space<hbm>>) target_semaphore(%run_scoped3A : memref<!tpu.dma_semaphore, #tpu.memory_space<semaphore_mem>>)
      %dma_wait3A_273 = arith.constant 0 : i32
      %dma_wait3A_274 = tpu.memref_slice %arg7[%mul3A_2, %dma_wait3A_273] : memref<8192x16xi32, #tpu.memory_space<hbm>> -> memref<256x16xi32, #tpu.memory_space<hbm>>
      %dma_wait3A_275 = arith.constant 0 : i32
      %dma_wait3A_276 = tpu.memref_slice %arg7[%mul3A_2, %dma_wait3A_275] : memref<8192x16xi32, #tpu.memory_space<hbm>> -> memref<256x16xi32, #tpu.memory_space<hbm>>
      tpu.wait_dma2 semaphore(%run_scoped3A : memref<!tpu.dma_semaphore, #tpu.memory_space<semaphore_mem>>) src(%arg14 : memref<256x16xi32, #tpu.memory_space<vmem>>) dst(%dma_wait3A_276 : memref<256x16xi32, #tpu.memory_space<hbm>>)
      tpu.yield
    }) : () -> ()
    "tpu.region"() ({
      %run_scoped3A = tpu.sem_alloc : memref<!tpu.dma_semaphore, #tpu.memory_space<semaphore_mem>>
      %dma_start3A_269 = arith.constant 0 : i32
      %dma_start3A_270 = tpu.memref_slice %arg8[%mul3A_2, %dma_start3A_269] : memref<8192x16xf32, #tpu.memory_space<hbm>> -> memref<256x16xf32, #tpu.memory_space<hbm>>
      %dma_start3A_271 = arith.constant 0 : i32
      %dma_start3A_272 = tpu.memref_slice %arg8[%mul3A_2, %dma_start3A_271] : memref<8192x16xf32, #tpu.memory_space<hbm>> -> memref<256x16xf32, #tpu.memory_space<hbm>>
      tpu.enqueue_dma source(%arg15 : memref<256x16xf32, #tpu.memory_space<vmem>>) target(%dma_start3A_272 : memref<256x16xf32, #tpu.memory_space<hbm>>) target_semaphore(%run_scoped3A : memref<!tpu.dma_semaphore, #tpu.memory_space<semaphore_mem>>)
      %dma_wait3A_273 = arith.constant 0 : i32
      %dma_wait3A_274 = tpu.memref_slice %arg8[%mul3A_2, %dma_wait3A_273] : memref<8192x16xf32, #tpu.memory_space<hbm>> -> memref<256x16xf32, #tpu.memory_space<hbm>>
      %dma_wait3A_275 = arith.constant 0 : i32
      %dma_wait3A_276 = tpu.memref_slice %arg8[%mul3A_2, %dma_wait3A_275] : memref<8192x16xf32, #tpu.memory_space<hbm>> -> memref<256x16xf32, #tpu.memory_space<hbm>>
      tpu.wait_dma2 semaphore(%run_scoped3A : memref<!tpu.dma_semaphore, #tpu.memory_space<semaphore_mem>>) src(%arg15 : memref<256x16xf32, #tpu.memory_space<vmem>>) dst(%dma_wait3A_276 : memref<256x16xf32, #tpu.memory_space<hbm>>)
      tpu.yield
    }) : () -> ()
    return
  }
}

#map = affine_map<(d0, d1) -> (0, 0)>
#map1 = affine_map<(d0, d1) -> (0)>
module attributes {stable_mosaic.version = 14 : i64} {
  func.func @sc_kernel(%arg0: i32, %arg1: i32, %arg2: memref<8192x8xf32, #tpu.memory_space<hbm>>, %arg3: memref<64x64xf32, #tpu.memory_space<hbm>>, %arg4: memref<8192x8xi32, #tpu.memory_space<hbm>>, %arg5: memref<16xi32, #tpu.memory_space<hbm>>, %arg6: memref<16xf32, #tpu.memory_space<hbm>>, %arg7: memref<8192x16xi32, #tpu.memory_space<hbm>>, %arg8: memref<8192x16xf32, #tpu.memory_space<hbm>>, %arg9: memref<64x64xf32, #tpu.memory_space<vmem>>, %arg10: memref<256x8xi32, #tpu.memory_space<vmem>>, %arg11: memref<256x8xf32, #tpu.memory_space<vmem>>, %arg12: memref<16xi32, #tpu.memory_space<vmem>>, %arg13: memref<16xf32, #tpu.memory_space<vmem>>, %arg14: memref<256x16xi32, #tpu.memory_space<vmem>>, %arg15: memref<256x16xf32, #tpu.memory_space<vmem>>, %arg16: memref<2x5x16xf32, #tpu.memory_space<vmem>>, %arg17: memref<2x16xi32, #tpu.memory_space<vmem>>, %arg18: memref<!tpu.dma_semaphore, #tpu.memory_space<semaphore_mem>>) attributes {dimension_semantics = [#tpu.dimension_semantics<core_parallel>, #tpu.dimension_semantics<subcore_parallel>], iteration_bounds = array<i64: 2, 16>, scalar_prefetch = 0 : i64, scratch_operands = 10 : i64, tpu.core_type = #tpu.core_type<sc_vector_subcore>, window_params = [{transform_indices = #map}, {transform_indices = #map}, {transform_indices = #map}, {transform_indices = #map1}, {transform_indices = #map1}, {transform_indices = #map}, {transform_indices = #map}]} {
    %mul3A = arith.constant 2 : i32
    %mul3A_0 = arith.muli %arg1, %mul3A : i32
    %add3A = arith.addi %mul3A_0, %arg0 : i32
    %mul3A_1 = arith.constant 256 : i32
    %mul3A_2 = arith.muli %add3A, %mul3A_1 : i32
    tpu.enqueue_dma source(%arg3 : memref<64x64xf32, #tpu.memory_space<hbm>>) target(%arg9 : memref<64x64xf32, #tpu.memory_space<vmem>>) target_semaphore(%arg18 : memref<!tpu.dma_semaphore, #tpu.memory_space<semaphore_mem>>)
    %dma_start3A = arith.constant 0 : i32
    %dma_start3A_3 = tpu.memref_slice %arg4[%mul3A_2, %dma_start3A] : memref<8192x8xi32, #tpu.memory_space<hbm>> -> memref<256x8xi32, #tpu.memory_space<hbm>>
    %dma_start3A_4 = arith.constant 0 : i32
    %dma_start3A_5 = tpu.memref_slice %arg4[%mul3A_2, %dma_start3A_4] : memref<8192x8xi32, #tpu.memory_space<hbm>> -> memref<256x8xi32, #tpu.memory_space<hbm>>
    tpu.enqueue_dma source(%dma_start3A_5 : memref<256x8xi32, #tpu.memory_space<hbm>>) target(%arg10 : memref<256x8xi32, #tpu.memory_space<vmem>>) target_semaphore(%arg18 : memref<!tpu.dma_semaphore, #tpu.memory_space<semaphore_mem>>)
    %dma_start3A_6 = arith.constant 0 : i32
    %dma_start3A_7 = tpu.memref_slice %arg2[%mul3A_2, %dma_start3A_6] : memref<8192x8xf32, #tpu.memory_space<hbm>> -> memref<256x8xf32, #tpu.memory_space<hbm>>
    %dma_start3A_8 = arith.constant 0 : i32
    %dma_start3A_9 = tpu.memref_slice %arg2[%mul3A_2, %dma_start3A_8] : memref<8192x8xf32, #tpu.memory_space<hbm>> -> memref<256x8xf32, #tpu.memory_space<hbm>>
    tpu.enqueue_dma source(%dma_start3A_9 : memref<256x8xf32, #tpu.memory_space<hbm>>) target(%arg11 : memref<256x8xf32, #tpu.memory_space<vmem>>) target_semaphore(%arg18 : memref<!tpu.dma_semaphore, #tpu.memory_space<semaphore_mem>>)
    tpu.enqueue_dma source(%arg5 : memref<16xi32, #tpu.memory_space<hbm>>) target(%arg12 : memref<16xi32, #tpu.memory_space<vmem>>) target_semaphore(%arg18 : memref<!tpu.dma_semaphore, #tpu.memory_space<semaphore_mem>>)
    tpu.enqueue_dma source(%arg6 : memref<16xf32, #tpu.memory_space<hbm>>) target(%arg13 : memref<16xf32, #tpu.memory_space<vmem>>) target_semaphore(%arg18 : memref<!tpu.dma_semaphore, #tpu.memory_space<semaphore_mem>>)
    tpu.wait_dma2 semaphore(%arg18 : memref<!tpu.dma_semaphore, #tpu.memory_space<semaphore_mem>>) src(%arg3 : memref<64x64xf32, #tpu.memory_space<hbm>>) dst(%arg9 : memref<64x64xf32, #tpu.memory_space<vmem>>)
    %dma_wait3A = arith.constant 0 : i32
    %dma_wait3A_10 = tpu.memref_slice %arg4[%mul3A_2, %dma_wait3A] : memref<8192x8xi32, #tpu.memory_space<hbm>> -> memref<256x8xi32, #tpu.memory_space<hbm>>
    %dma_wait3A_11 = arith.constant 0 : i32
    %dma_wait3A_12 = tpu.memref_slice %arg4[%mul3A_2, %dma_wait3A_11] : memref<8192x8xi32, #tpu.memory_space<hbm>> -> memref<256x8xi32, #tpu.memory_space<hbm>>
    tpu.wait_dma2 semaphore(%arg18 : memref<!tpu.dma_semaphore, #tpu.memory_space<semaphore_mem>>) src(%dma_wait3A_12 : memref<256x8xi32, #tpu.memory_space<hbm>>) dst(%arg10 : memref<256x8xi32, #tpu.memory_space<vmem>>)
    %dma_wait3A_13 = arith.constant 0 : i32
    %dma_wait3A_14 = tpu.memref_slice %arg2[%mul3A_2, %dma_wait3A_13] : memref<8192x8xf32, #tpu.memory_space<hbm>> -> memref<256x8xf32, #tpu.memory_space<hbm>>
    %dma_wait3A_15 = arith.constant 0 : i32
    %dma_wait3A_16 = tpu.memref_slice %arg2[%mul3A_2, %dma_wait3A_15] : memref<8192x8xf32, #tpu.memory_space<hbm>> -> memref<256x8xf32, #tpu.memory_space<hbm>>
    tpu.wait_dma2 semaphore(%arg18 : memref<!tpu.dma_semaphore, #tpu.memory_space<semaphore_mem>>) src(%dma_wait3A_16 : memref<256x8xf32, #tpu.memory_space<hbm>>) dst(%arg11 : memref<256x8xf32, #tpu.memory_space<vmem>>)
    tpu.wait_dma2 semaphore(%arg18 : memref<!tpu.dma_semaphore, #tpu.memory_space<semaphore_mem>>) src(%arg5 : memref<16xi32, #tpu.memory_space<hbm>>) dst(%arg12 : memref<16xi32, #tpu.memory_space<vmem>>)
    tpu.wait_dma2 semaphore(%arg18 : memref<!tpu.dma_semaphore, #tpu.memory_space<semaphore_mem>>) src(%arg6 : memref<16xf32, #tpu.memory_space<hbm>>) dst(%arg13 : memref<16xf32, #tpu.memory_space<vmem>>)
    %iota3A = tpu.iota {dimensions = array<i32: 0>} : vector<16xi32>
    %lt3A = arith.constant 8 : i32
    %lt3A_17 = vector.broadcast %lt3A : i32 to vector<16xi32>
    %lt3A_18 = arith.cmpi slt, %iota3A, %lt3A_17 : vector<16xi32>
    %broadcast_in_dim3A = arith.constant 0xFF800000 : f32
    %broadcast_in_dim3A_19 = vector.broadcast %broadcast_in_dim3A : f32 to vector<16xf32>
    %add3A_20 = arith.constant 0 : i32
    %add3A_21 = vector.broadcast %add3A_20 : i32 to vector<16xi32>
    %add3A_22 = arith.addi %iota3A, %add3A_21 : vector<16xi32>
    %add3A_23 = arith.constant 16 : i32
    %add3A_24 = vector.broadcast %add3A_23 : i32 to vector<16xi32>
    %add3A_25 = arith.addi %iota3A, %add3A_24 : vector<16xi32>
    %add3A_26 = arith.constant 32 : i32
    %add3A_27 = vector.broadcast %add3A_26 : i32 to vector<16xi32>
    %add3A_28 = arith.addi %iota3A, %add3A_27 : vector<16xi32>
    %add3A_29 = arith.constant 48 : i32
    %add3A_30 = vector.broadcast %add3A_29 : i32 to vector<16xi32>
    %add3A_31 = arith.addi %iota3A, %add3A_30 : vector<16xi32>
    %and3A = arith.constant 7 : i32
    %and3A_32 = vector.broadcast %and3A : i32 to vector<16xi32>
    %and3A_33 = arith.andi %iota3A, %and3A_32 : vector<16xi32>
    %add3A_34 = arith.constant 8 : i32
    %add3A_35 = vector.broadcast %add3A_34 : i32 to vector<16xi32>
    %add3A_36 = arith.addi %and3A_33, %add3A_35 : vector<16xi32>
    %broadcast_in_dim3A_37 = arith.constant 0 : i32
    %broadcast_in_dim3A_38 = vector.broadcast %broadcast_in_dim3A_37 : i32 to vector<16xi32>
    %broadcast_in_dim3A_39 = arith.constant 1 : i32
    %broadcast_in_dim3A_40 = vector.broadcast %broadcast_in_dim3A_39 : i32 to vector<16xi32>
    %broadcast_in_dim3A_41 = arith.constant 2 : i32
    %broadcast_in_dim3A_42 = vector.broadcast %broadcast_in_dim3A_41 : i32 to vector<16xi32>
    %broadcast_in_dim3A_43 = arith.constant 3 : i32
    %broadcast_in_dim3A_44 = vector.broadcast %broadcast_in_dim3A_43 : i32 to vector<16xi32>
    %broadcast_in_dim3A_45 = arith.constant 4 : i32
    %broadcast_in_dim3A_46 = vector.broadcast %broadcast_in_dim3A_45 : i32 to vector<16xi32>
    %broadcast_in_dim3A_47 = arith.constant 5 : i32
    %broadcast_in_dim3A_48 = vector.broadcast %broadcast_in_dim3A_47 : i32 to vector<16xi32>
    %broadcast_in_dim3A_49 = arith.constant 6 : i32
    %broadcast_in_dim3A_50 = vector.broadcast %broadcast_in_dim3A_49 : i32 to vector<16xi32>
    %broadcast_in_dim3A_51 = arith.constant 7 : i32
    %broadcast_in_dim3A_52 = vector.broadcast %broadcast_in_dim3A_51 : i32 to vector<16xi32>
    %get3A = arith.constant 0 : index
    %get3A_53 = tpu.vector_load %arg12[%get3A] {strides = array<i32>} : memref<16xi32, #tpu.memory_space<vmem>>, vector<16xi32>,
    %get3A_54 = arith.constant 0 : index
    %get3A_55 = tpu.vector_load %arg13[%get3A_54] {strides = array<i32>} : memref<16xf32, #tpu.memory_space<vmem>>, vector<16xf32>,
    %broadcast_in_dim3A_56 = arith.constant 0 : i32
    %broadcast_in_dim3A_57 = vector.broadcast %broadcast_in_dim3A_56 : i32 to vector<16xi32>
    %add3A_58 = arith.constant 0 : i32
    %add3A_59 = vector.broadcast %add3A_58 : i32 to vector<16xi32>
    %add3A_60 = arith.addi %broadcast_in_dim3A_57, %add3A_59 : vector<16xi32>
    %gather3A = tpu.vector_load_idx %arg10[%add3A_60, %broadcast_in_dim3A_38] : memref<256x8xi32, #tpu.memory_space<vmem>>[vector<16xi32>, vector<16xi32>], vector<16xi32>,
    %gather3A_61 = tpu.vector_load_idx %arg11[%add3A_60, %broadcast_in_dim3A_38] : memref<256x8xf32, #tpu.memory_space<vmem>>[vector<16xi32>, vector<16xi32>], vector<16xf32>,
    %gather3A_62 = tpu.vector_load_idx %arg9[%gather3A, %add3A_22] : memref<64x64xf32, #tpu.memory_space<vmem>>[vector<16xi32>, vector<16xi32>], vector<16xf32>,
    %mul3A_63 = arith.mulf %gather3A_61, %gather3A_62 : vector<16xf32>
    %eq3A = arith.cmpi eq, %add3A_22, %gather3A : vector<16xi32>
    %gather3A_64 = tpu.vector_load_idx %arg9[%gather3A, %add3A_25] : memref<64x64xf32, #tpu.memory_space<vmem>>[vector<16xi32>, vector<16xi32>], vector<16xf32>,
    %mul3A_65 = arith.mulf %gather3A_61, %gather3A_64 : vector<16xf32>
    %eq3A_66 = arith.cmpi eq, %add3A_25, %gather3A : vector<16xi32>
    %gather3A_67 = tpu.vector_load_idx %arg9[%gather3A, %add3A_28] : memref<64x64xf32, #tpu.memory_space<vmem>>[vector<16xi32>, vector<16xi32>], vector<16xf32>,
    %mul3A_68 = arith.mulf %gather3A_61, %gather3A_67 : vector<16xf32>
    %eq3A_69 = arith.cmpi eq, %add3A_28, %gather3A : vector<16xi32>
    %gather3A_70 = tpu.vector_load_idx %arg9[%gather3A, %add3A_31] : memref<64x64xf32, #tpu.memory_space<vmem>>[vector<16xi32>, vector<16xi32>], vector<16xf32>,
    %mul3A_71 = arith.mulf %gather3A_61, %gather3A_70 : vector<16xf32>
    %eq3A_72 = arith.cmpi eq, %add3A_31, %gather3A : vector<16xi32>
    %gather3A_73 = tpu.vector_load_idx %arg10[%add3A_60, %broadcast_in_dim3A_40] : memref<256x8xi32, #tpu.memory_space<vmem>>[vector<16xi32>, vector<16xi32>], vector<16xi32>,
    %gather3A_74 = tpu.vector_load_idx %arg11[%add3A_60, %broadcast_in_dim3A_40] : memref<256x8xf32, #tpu.memory_space<vmem>>[vector<16xi32>, vector<16xi32>], vector<16xf32>,
    %gather3A_75 = tpu.vector_load_idx %arg9[%gather3A_73, %add3A_22] : memref<64x64xf32, #tpu.memory_space<vmem>>[vector<16xi32>, vector<16xi32>], vector<16xf32>,
    %mul3A_76 = arith.mulf %gather3A_74, %gather3A_75 : vector<16xf32>
    %eq3A_77 = arith.cmpi eq, %add3A_22, %gather3A_73 : vector<16xi32>
    %gather3A_78 = tpu.vector_load_idx %arg9[%gather3A_73, %add3A_25] : memref<64x64xf32, #tpu.memory_space<vmem>>[vector<16xi32>, vector<16xi32>], vector<16xf32>,
    %mul3A_79 = arith.mulf %gather3A_74, %gather3A_78 : vector<16xf32>
    %eq3A_80 = arith.cmpi eq, %add3A_25, %gather3A_73 : vector<16xi32>
    %gather3A_81 = tpu.vector_load_idx %arg9[%gather3A_73, %add3A_28] : memref<64x64xf32, #tpu.memory_space<vmem>>[vector<16xi32>, vector<16xi32>], vector<16xf32>,
    %mul3A_82 = arith.mulf %gather3A_74, %gather3A_81 : vector<16xf32>
    %eq3A_83 = arith.cmpi eq, %add3A_28, %gather3A_73 : vector<16xi32>
    %gather3A_84 = tpu.vector_load_idx %arg9[%gather3A_73, %add3A_31] : memref<64x64xf32, #tpu.memory_space<vmem>>[vector<16xi32>, vector<16xi32>], vector<16xf32>,
    %mul3A_85 = arith.mulf %gather3A_74, %gather3A_84 : vector<16xf32>
    %eq3A_86 = arith.cmpi eq, %add3A_31, %gather3A_73 : vector<16xi32>
    %gather3A_87 = tpu.vector_load_idx %arg10[%add3A_60, %broadcast_in_dim3A_42] : memref<256x8xi32, #tpu.memory_space<vmem>>[vector<16xi32>, vector<16xi32>], vector<16xi32>,
    %gather3A_88 = tpu.vector_load_idx %arg11[%add3A_60, %broadcast_in_dim3A_42] : memref<256x8xf32, #tpu.memory_space<vmem>>[vector<16xi32>, vector<16xi32>], vector<16xf32>,
    %gather3A_89 = tpu.vector_load_idx %arg9[%gather3A_87, %add3A_22] : memref<64x64xf32, #tpu.memory_space<vmem>>[vector<16xi32>, vector<16xi32>], vector<16xf32>,
    %mul3A_90 = arith.mulf %gather3A_88, %gather3A_89 : vector<16xf32>
    %eq3A_91 = arith.cmpi eq, %add3A_22, %gather3A_87 : vector<16xi32>
    %gather3A_92 = tpu.vector_load_idx %arg9[%gather3A_87, %add3A_25] : memref<64x64xf32, #tpu.memory_space<vmem>>[vector<16xi32>, vector<16xi32>], vector<16xf32>,
    %mul3A_93 = arith.mulf %gather3A_88, %gather3A_92 : vector<16xf32>
    %eq3A_94 = arith.cmpi eq, %add3A_25, %gather3A_87 : vector<16xi32>
    %gather3A_95 = tpu.vector_load_idx %arg9[%gather3A_87, %add3A_28] : memref<64x64xf32, #tpu.memory_space<vmem>>[vector<16xi32>, vector<16xi32>], vector<16xf32>,
    %mul3A_96 = arith.mulf %gather3A_88, %gather3A_95 : vector<16xf32>
    %eq3A_97 = arith.cmpi eq, %add3A_28, %gather3A_87 : vector<16xi32>
    %gather3A_98 = tpu.vector_load_idx %arg9[%gather3A_87, %add3A_31] : memref<64x64xf32, #tpu.memory_space<vmem>>[vector<16xi32>, vector<16xi32>], vector<16xf32>,
    %mul3A_99 = arith.mulf %gather3A_88, %gather3A_98 : vector<16xf32>
    %eq3A_100 = arith.cmpi eq, %add3A_31, %gather3A_87 : vector<16xi32>
    %gather3A_101 = tpu.vector_load_idx %arg10[%add3A_60, %broadcast_in_dim3A_44] : memref<256x8xi32, #tpu.memory_space<vmem>>[vector<16xi32>, vector<16xi32>], vector<16xi32>,
    %gather3A_102 = tpu.vector_load_idx %arg11[%add3A_60, %broadcast_in_dim3A_44] : memref<256x8xf32, #tpu.memory_space<vmem>>[vector<16xi32>, vector<16xi32>], vector<16xf32>,
    %gather3A_103 = tpu.vector_load_idx %arg9[%gather3A_101, %add3A_22] : memref<64x64xf32, #tpu.memory_space<vmem>>[vector<16xi32>, vector<16xi32>], vector<16xf32>,
    %mul3A_104 = arith.mulf %gather3A_102, %gather3A_103 : vector<16xf32>
    %eq3A_105 = arith.cmpi eq, %add3A_22, %gather3A_101 : vector<16xi32>
    %gather3A_106 = tpu.vector_load_idx %arg9[%gather3A_101, %add3A_25] : memref<64x64xf32, #tpu.memory_space<vmem>>[vector<16xi32>, vector<16xi32>], vector<16xf32>,
    %mul3A_107 = arith.mulf %gather3A_102, %gather3A_106 : vector<16xf32>
    %eq3A_108 = arith.cmpi eq, %add3A_25, %gather3A_101 : vector<16xi32>
    %gather3A_109 = tpu.vector_load_idx %arg9[%gather3A_101, %add3A_28] : memref<64x64xf32, #tpu.memory_space<vmem>>[vector<16xi32>, vector<16xi32>], vector<16xf32>,
    %mul3A_110 = arith.mulf %gather3A_102, %gather3A_109 : vector<16xf32>
    %eq3A_111 = arith.cmpi eq, %add3A_28, %gather3A_101 : vector<16xi32>
    %gather3A_112 = tpu.vector_load_idx %arg9[%gather3A_101, %add3A_31] : memref<64x64xf32, #tpu.memory_space<vmem>>[vector<16xi32>, vector<16xi32>], vector<16xf32>,
    %mul3A_113 = arith.mulf %gather3A_102, %gather3A_112 : vector<16xf32>
    %eq3A_114 = arith.cmpi eq, %add3A_31, %gather3A_101 : vector<16xi32>
    %gather3A_115 = tpu.vector_load_idx %arg10[%add3A_60, %broadcast_in_dim3A_46] : memref<256x8xi32, #tpu.memory_space<vmem>>[vector<16xi32>, vector<16xi32>], vector<16xi32>,
    %gather3A_116 = tpu.vector_load_idx %arg11[%add3A_60, %broadcast_in_dim3A_46] : memref<256x8xf32, #tpu.memory_space<vmem>>[vector<16xi32>, vector<16xi32>], vector<16xf32>,
    %gather3A_117 = tpu.vector_load_idx %arg9[%gather3A_115, %add3A_22] : memref<64x64xf32, #tpu.memory_space<vmem>>[vector<16xi32>, vector<16xi32>], vector<16xf32>,
    %mul3A_118 = arith.mulf %gather3A_116, %gather3A_117 : vector<16xf32>
    %eq3A_119 = arith.cmpi eq, %add3A_22, %gather3A_115 : vector<16xi32>
    %gather3A_120 = tpu.vector_load_idx %arg9[%gather3A_115, %add3A_25] : memref<64x64xf32, #tpu.memory_space<vmem>>[vector<16xi32>, vector<16xi32>], vector<16xf32>,
    %mul3A_121 = arith.mulf %gather3A_116, %gather3A_120 : vector<16xf32>
    %eq3A_122 = arith.cmpi eq, %add3A_25, %gather3A_115 : vector<16xi32>
    %gather3A_123 = tpu.vector_load_idx %arg9[%gather3A_115, %add3A_28] : memref<64x64xf32, #tpu.memory_space<vmem>>[vector<16xi32>, vector<16xi32>], vector<16xf32>,
    %mul3A_124 = arith.mulf %gather3A_116, %gather3A_123 : vector<16xf32>
    %eq3A_125 = arith.cmpi eq, %add3A_28, %gather3A_115 : vector<16xi32>
    %gather3A_126 = tpu.vector_load_idx %arg9[%gather3A_115, %add3A_31] : memref<64x64xf32, #tpu.memory_space<vmem>>[vector<16xi32>, vector<16xi32>], vector<16xf32>,
    %mul3A_127 = arith.mulf %gather3A_116, %gather3A_126 : vector<16xf32>
    %eq3A_128 = arith.cmpi eq, %add3A_31, %gather3A_115 : vector<16xi32>
    %gather3A_129 = tpu.vector_load_idx %arg10[%add3A_60, %broadcast_in_dim3A_48] : memref<256x8xi32, #tpu.memory_space<vmem>>[vector<16xi32>, vector<16xi32>], vector<16xi32>,
    %gather3A_130 = tpu.vector_load_idx %arg11[%add3A_60, %broadcast_in_dim3A_48] : memref<256x8xf32, #tpu.memory_space<vmem>>[vector<16xi32>, vector<16xi32>], vector<16xf32>,
    %gather3A_131 = tpu.vector_load_idx %arg9[%gather3A_129, %add3A_22] : memref<64x64xf32, #tpu.memory_space<vmem>>[vector<16xi32>, vector<16xi32>], vector<16xf32>,
    %mul3A_132 = arith.mulf %gather3A_130, %gather3A_131 : vector<16xf32>
    %eq3A_133 = arith.cmpi eq, %add3A_22, %gather3A_129 : vector<16xi32>
    %gather3A_134 = tpu.vector_load_idx %arg9[%gather3A_129, %add3A_25] : memref<64x64xf32, #tpu.memory_space<vmem>>[vector<16xi32>, vector<16xi32>], vector<16xf32>,
    %mul3A_135 = arith.mulf %gather3A_130, %gather3A_134 : vector<16xf32>
    %eq3A_136 = arith.cmpi eq, %add3A_25, %gather3A_129 : vector<16xi32>
    %gather3A_137 = tpu.vector_load_idx %arg9[%gather3A_129, %add3A_28] : memref<64x64xf32, #tpu.memory_space<vmem>>[vector<16xi32>, vector<16xi32>], vector<16xf32>,
    %mul3A_138 = arith.mulf %gather3A_130, %gather3A_137 : vector<16xf32>
    %eq3A_139 = arith.cmpi eq, %add3A_28, %gather3A_129 : vector<16xi32>
    %gather3A_140 = tpu.vector_load_idx %arg9[%gather3A_129, %add3A_31] : memref<64x64xf32, #tpu.memory_space<vmem>>[vector<16xi32>, vector<16xi32>], vector<16xf32>,
    %mul3A_141 = arith.mulf %gather3A_130, %gather3A_140 : vector<16xf32>
    %eq3A_142 = arith.cmpi eq, %add3A_31, %gather3A_129 : vector<16xi32>
    %gather3A_143 = tpu.vector_load_idx %arg10[%add3A_60, %broadcast_in_dim3A_50] : memref<256x8xi32, #tpu.memory_space<vmem>>[vector<16xi32>, vector<16xi32>], vector<16xi32>,
    %gather3A_144 = tpu.vector_load_idx %arg11[%add3A_60, %broadcast_in_dim3A_50] : memref<256x8xf32, #tpu.memory_space<vmem>>[vector<16xi32>, vector<16xi32>], vector<16xf32>,
    %gather3A_145 = tpu.vector_load_idx %arg9[%gather3A_143, %add3A_22] : memref<64x64xf32, #tpu.memory_space<vmem>>[vector<16xi32>, vector<16xi32>], vector<16xf32>,
    %mul3A_146 = arith.mulf %gather3A_144, %gather3A_145 : vector<16xf32>
    %eq3A_147 = arith.cmpi eq, %add3A_22, %gather3A_143 : vector<16xi32>
    %gather3A_148 = tpu.vector_load_idx %arg9[%gather3A_143, %add3A_25] : memref<64x64xf32, #tpu.memory_space<vmem>>[vector<16xi32>, vector<16xi32>], vector<16xf32>,
    %mul3A_149 = arith.mulf %gather3A_144, %gather3A_148 : vector<16xf32>
    %eq3A_150 = arith.cmpi eq, %add3A_25, %gather3A_143 : vector<16xi32>
    %gather3A_151 = tpu.vector_load_idx %arg9[%gather3A_143, %add3A_28] : memref<64x64xf32, #tpu.memory_space<vmem>>[vector<16xi32>, vector<16xi32>], vector<16xf32>,
    %mul3A_152 = arith.mulf %gather3A_144, %gather3A_151 : vector<16xf32>
    %eq3A_153 = arith.cmpi eq, %add3A_28, %gather3A_143 : vector<16xi32>
    %gather3A_154 = tpu.vector_load_idx %arg9[%gather3A_143, %add3A_31] : memref<64x64xf32, #tpu.memory_space<vmem>>[vector<16xi32>, vector<16xi32>], vector<16xf32>,
    %mul3A_155 = arith.mulf %gather3A_144, %gather3A_154 : vector<16xf32>
    %eq3A_156 = arith.cmpi eq, %add3A_31, %gather3A_143 : vector<16xi32>
    %gather3A_157 = tpu.vector_load_idx %arg10[%add3A_60, %broadcast_in_dim3A_52] : memref<256x8xi32, #tpu.memory_space<vmem>>[vector<16xi32>, vector<16xi32>], vector<16xi32>,
    %gather3A_158 = tpu.vector_load_idx %arg11[%add3A_60, %broadcast_in_dim3A_52] : memref<256x8xf32, #tpu.memory_space<vmem>>[vector<16xi32>, vector<16xi32>], vector<16xf32>,
    %gather3A_159 = tpu.vector_load_idx %arg9[%gather3A_157, %add3A_22] : memref<64x64xf32, #tpu.memory_space<vmem>>[vector<16xi32>, vector<16xi32>], vector<16xf32>,
    %mul3A_160 = arith.mulf %gather3A_158, %gather3A_159 : vector<16xf32>
    %eq3A_161 = arith.cmpi eq, %add3A_22, %gather3A_157 : vector<16xi32>
    %gather3A_162 = tpu.vector_load_idx %arg9[%gather3A_157, %add3A_25] : memref<64x64xf32, #tpu.memory_space<vmem>>[vector<16xi32>, vector<16xi32>], vector<16xf32>,
    %mul3A_163 = arith.mulf %gather3A_158, %gather3A_162 : vector<16xf32>
    %eq3A_164 = arith.cmpi eq, %add3A_25, %gather3A_157 : vector<16xi32>
    %gather3A_165 = tpu.vector_load_idx %arg9[%gather3A_157, %add3A_28] : memref<64x64xf32, #tpu.memory_space<vmem>>[vector<16xi32>, vector<16xi32>], vector<16xf32>,
    %mul3A_166 = arith.mulf %gather3A_158, %gather3A_165 : vector<16xf32>
    %eq3A_167 = arith.cmpi eq, %add3A_28, %gather3A_157 : vector<16xi32>
    %gather3A_168 = tpu.vector_load_idx %arg9[%gather3A_157, %add3A_31] : memref<64x64xf32, #tpu.memory_space<vmem>>[vector<16xi32>, vector<16xi32>], vector<16xf32>,
    %mul3A_169 = arith.mulf %gather3A_158, %gather3A_168 : vector<16xf32>
    %eq3A_170 = arith.cmpi eq, %add3A_31, %gather3A_157 : vector<16xi32>
    %or3A = arith.ori %eq3A, %eq3A_77 : vector<16xi1>
    %or3A_171 = arith.ori %eq3A_91, %eq3A_105 : vector<16xi1>
    %or3A_172 = arith.ori %eq3A_119, %eq3A_133 : vector<16xi1>
    %or3A_173 = arith.ori %eq3A_147, %eq3A_161 : vector<16xi1>
    %or3A_174 = arith.ori %or3A, %or3A_171 : vector<16xi1>
    %or3A_175 = arith.ori %or3A_172, %or3A_173 : vector<16xi1>
    %or3A_176 = arith.ori %or3A_174, %or3A_175 : vector<16xi1>
    %add3A_177 = arith.addf %mul3A_63, %mul3A_76 : vector<16xf32>
    %add3A_178 = arith.addf %mul3A_90, %mul3A_104 : vector<16xf32>
    %add3A_179 = arith.addf %mul3A_118, %mul3A_132 : vector<16xf32>
    %add3A_180 = arith.addf %mul3A_146, %mul3A_160 : vector<16xf32>
    %add3A_181 = arith.addf %add3A_177, %add3A_178 : vector<16xf32>
    %add3A_182 = arith.addf %add3A_179, %add3A_180 : vector<16xf32>
    %add3A_183 = arith.addf %add3A_181, %add3A_182 : vector<16xf32>
    %select_n3A = arith.select %or3A_176, %broadcast_in_dim3A_19, %add3A_183 : vector<16xi1>, vector<16xf32>
    %or3A_184 = arith.ori %eq3A_66, %eq3A_80 : vector<16xi1>
    %or3A_185 = arith.ori %eq3A_94, %eq3A_108 : vector<16xi1>
    %or3A_186 = arith.ori %eq3A_122, %eq3A_136 : vector<16xi1>
    %or3A_187 = arith.ori %eq3A_150, %eq3A_164 : vector<16xi1>
    %or3A_188 = arith.ori %or3A_184, %or3A_185 : vector<16xi1>
    %or3A_189 = arith.ori %or3A_186, %or3A_187 : vector<16xi1>
    %or3A_190 = arith.ori %or3A_188, %or3A_189 : vector<16xi1>
    %add3A_191 = arith.addf %mul3A_65, %mul3A_79 : vector<16xf32>
    %add3A_192 = arith.addf %mul3A_93, %mul3A_107 : vector<16xf32>
    %add3A_193 = arith.addf %mul3A_121, %mul3A_135 : vector<16xf32>
    %add3A_194 = arith.addf %mul3A_149, %mul3A_163 : vector<16xf32>
    %add3A_195 = arith.addf %add3A_191, %add3A_192 : vector<16xf32>
    %add3A_196 = arith.addf %add3A_193, %add3A_194 : vector<16xf32>
    %add3A_197 = arith.addf %add3A_195, %add3A_196 : vector<16xf32>
    %select_n3A_198 = arith.select %or3A_190, %broadcast_in_dim3A_19, %add3A_197 : vector<16xi1>, vector<16xf32>
    %or3A_199 = arith.ori %eq3A_69, %eq3A_83 : vector<16xi1>
    %or3A_200 = arith.ori %eq3A_97, %eq3A_111 : vector<16xi1>
    %or3A_201 = arith.ori %eq3A_125, %eq3A_139 : vector<16xi1>
    %or3A_202 = arith.ori %eq3A_153, %eq3A_167 : vector<16xi1>
    %or3A_203 = arith.ori %or3A_199, %or3A_200 : vector<16xi1>
    %or3A_204 = arith.ori %or3A_201, %or3A_202 : vector<16xi1>
    %or3A_205 = arith.ori %or3A_203, %or3A_204 : vector<16xi1>
    %add3A_206 = arith.addf %mul3A_68, %mul3A_82 : vector<16xf32>
    %add3A_207 = arith.addf %mul3A_96, %mul3A_110 : vector<16xf32>
    %add3A_208 = arith.addf %mul3A_124, %mul3A_138 : vector<16xf32>
    %add3A_209 = arith.addf %mul3A_152, %mul3A_166 : vector<16xf32>
    %add3A_210 = arith.addf %add3A_206, %add3A_207 : vector<16xf32>
    %add3A_211 = arith.addf %add3A_208, %add3A_209 : vector<16xf32>
    %add3A_212 = arith.addf %add3A_210, %add3A_211 : vector<16xf32>
    %select_n3A_213 = arith.select %or3A_205, %broadcast_in_dim3A_19, %add3A_212 : vector<16xi1>, vector<16xf32>
    %or3A_214 = arith.ori %eq3A_72, %eq3A_86 : vector<16xi1>
    %or3A_215 = arith.ori %eq3A_100, %eq3A_114 : vector<16xi1>
    %or3A_216 = arith.ori %eq3A_128, %eq3A_142 : vector<16xi1>
    %or3A_217 = arith.ori %eq3A_156, %eq3A_170 : vector<16xi1>
    %or3A_218 = arith.ori %or3A_214, %or3A_215 : vector<16xi1>
    %or3A_219 = arith.ori %or3A_216, %or3A_217 : vector<16xi1>
    %or3A_220 = arith.ori %or3A_218, %or3A_219 : vector<16xi1>
    %add3A_221 = arith.addf %mul3A_71, %mul3A_85 : vector<16xf32>
    %add3A_222 = arith.addf %mul3A_99, %mul3A_113 : vector<16xf32>
    %add3A_223 = arith.addf %mul3A_127, %mul3A_141 : vector<16xf32>
    %add3A_224 = arith.addf %mul3A_155, %mul3A_169 : vector<16xf32>
    %add3A_225 = arith.addf %add3A_221, %add3A_222 : vector<16xf32>
    %add3A_226 = arith.addf %add3A_223, %add3A_224 : vector<16xf32>
    %add3A_227 = arith.addf %add3A_225, %add3A_226 : vector<16xf32>
    %select_n3A_228 = arith.select %or3A_220, %broadcast_in_dim3A_19, %add3A_227 : vector<16xi1>, vector<16xf32>
    %gather3A_229 = tpu.vector_load_idx %arg10[%add3A_60, %and3A_33] : memref<256x8xi32, #tpu.memory_space<vmem>>[vector<16xi32>, vector<16xi32>], vector<16xi32>,
    %gather3A_230 = tpu.vector_load_idx %arg11[%add3A_60, %and3A_33] : memref<256x8xf32, #tpu.memory_space<vmem>>[vector<16xi32>, vector<16xi32>], vector<16xf32>,
    %swap3A = arith.constant 1 : i32
    %swap3A_231 = arith.constant 0 : i32
    %swap3A_232 = arith.index_cast %swap3A : i32 to index
    %swap3A_233 = arith.index_cast %swap3A_231 : i32 to index
    %swap3A_234 = arith.constant 0 : index
    %swap3A_235 = tpu.vector_load %arg16[%swap3A_232, %swap3A_233, %swap3A_234] {strides = array<i32>} : memref<2x5x16xf32, #tpu.memory_space<vmem>>, vector<16xf32>,
    tpu.vector_store %arg16[%swap3A_232, %swap3A_233, %swap3A_234], %select_n3A {strides = array<i32>} : memref<2x5x16xf32, #tpu.memory_space<vmem>>, vector<16xf32>,
    %swap3A_236 = arith.constant 1 : i32
    %swap3A_237 = arith.constant 1 : i32
    %swap3A_238 = arith.index_cast %swap3A_236 : i32 to index
    %swap3A_239 = arith.index_cast %swap3A_237 : i32 to index
    %swap3A_240 = arith.constant 0 : index
    %swap3A_241 = tpu.vector_load %arg16[%swap3A_238, %swap3A_239, %swap3A_240] {strides = array<i32>} : memref<2x5x16xf32, #tpu.memory_space<vmem>>, vector<16xf32>,
    tpu.vector_store %arg16[%swap3A_238, %swap3A_239, %swap3A_240], %select_n3A_198 {strides = array<i32>} : memref<2x5x16xf32, #tpu.memory_space<vmem>>, vector<16xf32>,
    %swap3A_242 = arith.constant 1 : i32
    %swap3A_243 = arith.constant 2 : i32
    %swap3A_244 = arith.index_cast %swap3A_242 : i32 to index
    %swap3A_245 = arith.index_cast %swap3A_243 : i32 to index
    %swap3A_246 = arith.constant 0 : index
    %swap3A_247 = tpu.vector_load %arg16[%swap3A_244, %swap3A_245, %swap3A_246] {strides = array<i32>} : memref<2x5x16xf32, #tpu.memory_space<vmem>>, vector<16xf32>,
    tpu.vector_store %arg16[%swap3A_244, %swap3A_245, %swap3A_246], %select_n3A_213 {strides = array<i32>} : memref<2x5x16xf32, #tpu.memory_space<vmem>>, vector<16xf32>,
    %swap3A_248 = arith.constant 1 : i32
    %swap3A_249 = arith.constant 3 : i32
    %swap3A_250 = arith.index_cast %swap3A_248 : i32 to index
    %swap3A_251 = arith.index_cast %swap3A_249 : i32 to index
    %swap3A_252 = arith.constant 0 : index
    %swap3A_253 = tpu.vector_load %arg16[%swap3A_250, %swap3A_251, %swap3A_252] {strides = array<i32>} : memref<2x5x16xf32, #tpu.memory_space<vmem>>, vector<16xf32>,
    tpu.vector_store %arg16[%swap3A_250, %swap3A_251, %swap3A_252], %select_n3A_228 {strides = array<i32>} : memref<2x5x16xf32, #tpu.memory_space<vmem>>, vector<16xf32>,
    %swap3A_254 = arith.constant 1 : i32
    %swap3A_255 = arith.constant 4 : i32
    %swap3A_256 = arith.index_cast %swap3A_254 : i32 to index
    %swap3A_257 = arith.index_cast %swap3A_255 : i32 to index
    %swap3A_258 = arith.constant 0 : index
    %swap3A_259 = tpu.vector_load %arg16[%swap3A_256, %swap3A_257, %swap3A_258] {strides = array<i32>} : memref<2x5x16xf32, #tpu.memory_space<vmem>>, vector<16xf32>,
    tpu.vector_store %arg16[%swap3A_256, %swap3A_257, %swap3A_258], %gather3A_230 {strides = array<i32>} : memref<2x5x16xf32, #tpu.memory_space<vmem>>, vector<16xf32>,
    %swap3A_260 = arith.constant 1 : i32
    %swap3A_261 = arith.index_cast %swap3A_260 : i32 to index
    %swap3A_262 = arith.constant 0 : index
    %swap3A_263 = tpu.vector_load %arg17[%swap3A_261, %swap3A_262] {strides = array<i32>} : memref<2x16xi32, #tpu.memory_space<vmem>>, vector<16xi32>,
    tpu.vector_store %arg17[%swap3A_261, %swap3A_262], %gather3A_229 {strides = array<i32>} : memref<2x16xi32, #tpu.memory_space<vmem>>, vector<16xi32>,
    %scan3A = arith.constant 0 : i32
    %scan3A_264 = arith.constant 0 : i32
    %scan3A_265 = arith.constant 257 : i32
    %scan3A_266 = arith.addi %scan3A_264, %scan3A_265 : i32
    %scan3A_267 = arith.constant 1 : i32
    scf.for %scan3A_269 = %scan3A_264 to %scan3A_266 step %scan3A_267  : i32 {
      %add3A_270 = arith.constant 1 : i32
      %add3A_271 = arith.addi %scan3A_269, %add3A_270 : i32
      %and3A_272 = arith.constant 1 : i32
      %and3A_273 = arith.andi %add3A_271, %and3A_272 : i32
      %get3A_274 = arith.constant 0 : i32
      %get3A_275 = arith.index_cast %and3A_273 : i32 to index
      %get3A_276 = arith.index_cast %get3A_274 : i32 to index
      %get3A_277 = arith.constant 0 : index
      %get3A_278 = tpu.vector_load %arg16[%get3A_275, %get3A_276, %get3A_277] {strides = array<i32>} : memref<2x5x16xf32, #tpu.memory_space<vmem>>, vector<16xf32>,
      %get3A_279 = arith.constant 1 : i32
      %get3A_280 = arith.index_cast %and3A_273 : i32 to index
      %get3A_281 = arith.index_cast %get3A_279 : i32 to index
      %get3A_282 = arith.constant 0 : index
      %get3A_283 = tpu.vector_load %arg16[%get3A_280, %get3A_281, %get3A_282] {strides = array<i32>} : memref<2x5x16xf32, #tpu.memory_space<vmem>>, vector<16xf32>,
      %get3A_284 = arith.constant 2 : i32
      %get3A_285 = arith.index_cast %and3A_273 : i32 to index
      %get3A_286 = arith.index_cast %get3A_284 : i32 to index
      %get3A_287 = arith.constant 0 : index
      %get3A_288 = tpu.vector_load %arg16[%get3A_285, %get3A_286, %get3A_287] {strides = array<i32>} : memref<2x5x16xf32, #tpu.memory_space<vmem>>, vector<16xf32>,
      %get3A_289 = arith.constant 3 : i32
      %get3A_290 = arith.index_cast %and3A_273 : i32 to index
      %get3A_291 = arith.index_cast %get3A_289 : i32 to index
      %get3A_292 = arith.constant 0 : index
      %get3A_293 = tpu.vector_load %arg16[%get3A_290, %get3A_291, %get3A_292] {strides = array<i32>} : memref<2x5x16xf32, #tpu.memory_space<vmem>>, vector<16xf32>,
      %get3A_294 = arith.index_cast %and3A_273 : i32 to index
      %get3A_295 = arith.constant 0 : index
      %get3A_296 = tpu.vector_load %arg17[%get3A_294, %get3A_295] {strides = array<i32>} : memref<2x16xi32, #tpu.memory_space<vmem>>, vector<16xi32>,
      %get3A_297 = arith.constant 4 : i32
      %get3A_298 = arith.index_cast %and3A_273 : i32 to index
      %get3A_299 = arith.index_cast %get3A_297 : i32 to index
      %get3A_300 = arith.constant 0 : index
      %get3A_301 = tpu.vector_load %arg16[%get3A_298, %get3A_299, %get3A_300] {strides = array<i32>} : memref<2x5x16xf32, #tpu.memory_space<vmem>>, vector<16xf32>,
      %masked_sort3A = arith.constant dense<true> : vector<16xi1>
      %masked_sort3A_302, %masked_sort3A_303, %masked_sort3A_304 = tpu.sort %get3A_278, %add3A_22 masked %masked_sort3A {descending = true} : (vector<16xf32>, vector<16xi32>, vector<16xi1>) -> (vector<16xi1>, vector<16xf32>, vector<16xi32>)
      %masked_sort3A_305 = arith.constant dense<true> : vector<16xi1>
      %masked_sort3A_306, %masked_sort3A_307, %masked_sort3A_308 = tpu.sort %get3A_283, %add3A_25 masked %masked_sort3A_305 : (vector<16xf32>, vector<16xi32>, vector<16xi1>) -> (vector<16xi1>, vector<16xf32>, vector<16xi32>)
      %masked_sort3A_309 = arith.constant dense<true> : vector<16xi1>
      %masked_sort3A_310, %masked_sort3A_311, %masked_sort3A_312 = tpu.sort %get3A_288, %add3A_28 masked %masked_sort3A_309 {descending = true} : (vector<16xf32>, vector<16xi32>, vector<16xi1>) -> (vector<16xi1>, vector<16xf32>, vector<16xi32>)
      %masked_sort3A_313 = arith.constant dense<true> : vector<16xi1>
      %masked_sort3A_314, %masked_sort3A_315, %masked_sort3A_316 = tpu.sort %get3A_293, %add3A_31 masked %masked_sort3A_313 : (vector<16xf32>, vector<16xi32>, vector<16xi1>) -> (vector<16xi1>, vector<16xf32>, vector<16xi32>)
      %and3A_317 = arith.constant 1 : i32
      %and3A_318 = arith.andi %scan3A_269, %and3A_317 : i32
      %min3A = arith.constant 255 : i32
      %min3A_319 = arith.minsi %scan3A_269, %min3A : i32
      %broadcast_in_dim3A_320 = arith.constant 0 : i32
      %broadcast_in_dim3A_321 = vector.broadcast %broadcast_in_dim3A_320 : i32 to vector<16xi32>
      %add3A_322 = vector.broadcast %min3A_319 : i32 to vector<16xi32>
      %add3A_323 = arith.addi %broadcast_in_dim3A_321, %add3A_322 : vector<16xi32>
      %gather3A_324 = tpu.vector_load_idx %arg10[%add3A_323, %broadcast_in_dim3A_38] : memref<256x8xi32, #tpu.memory_space<vmem>>[vector<16xi32>, vector<16xi32>], vector<16xi32>,
      %gather3A_325 = tpu.vector_load_idx %arg11[%add3A_323, %broadcast_in_dim3A_38] : memref<256x8xf32, #tpu.memory_space<vmem>>[vector<16xi32>, vector<16xi32>], vector<16xf32>,
      %gather3A_326 = tpu.vector_load_idx %arg9[%gather3A_324, %add3A_22] : memref<64x64xf32, #tpu.memory_space<vmem>>[vector<16xi32>, vector<16xi32>], vector<16xf32>,
      %mul3A_327 = arith.mulf %gather3A_325, %gather3A_326 : vector<16xf32>
      %eq3A_328 = arith.cmpi eq, %add3A_22, %gather3A_324 : vector<16xi32>
      %gather3A_329 = tpu.vector_load_idx %arg9[%gather3A_324, %add3A_25] : memref<64x64xf32, #tpu.memory_space<vmem>>[vector<16xi32>, vector<16xi32>], vector<16xf32>,
      %mul3A_330 = arith.mulf %gather3A_325, %gather3A_329 : vector<16xf32>
      %eq3A_331 = arith.cmpi eq, %add3A_25, %gather3A_324 : vector<16xi32>
      %gather3A_332 = tpu.vector_load_idx %arg9[%gather3A_324, %add3A_28] : memref<64x64xf32, #tpu.memory_space<vmem>>[vector<16xi32>, vector<16xi32>], vector<16xf32>,
      %mul3A_333 = arith.mulf %gather3A_325, %gather3A_332 : vector<16xf32>
      %eq3A_334 = arith.cmpi eq, %add3A_28, %gather3A_324 : vector<16xi32>
      %gather3A_335 = tpu.vector_load_idx %arg9[%gather3A_324, %add3A_31] : memref<64x64xf32, #tpu.memory_space<vmem>>[vector<16xi32>, vector<16xi32>], vector<16xf32>,
      %mul3A_336 = arith.mulf %gather3A_325, %gather3A_335 : vector<16xf32>
      %eq3A_337 = arith.cmpi eq, %add3A_31, %gather3A_324 : vector<16xi32>
      %gather3A_338 = tpu.vector_load_idx %arg10[%add3A_323, %broadcast_in_dim3A_40] : memref<256x8xi32, #tpu.memory_space<vmem>>[vector<16xi32>, vector<16xi32>], vector<16xi32>,
      %gather3A_339 = tpu.vector_load_idx %arg11[%add3A_323, %broadcast_in_dim3A_40] : memref<256x8xf32, #tpu.memory_space<vmem>>[vector<16xi32>, vector<16xi32>], vector<16xf32>,
      %gather3A_340 = tpu.vector_load_idx %arg9[%gather3A_338, %add3A_22] : memref<64x64xf32, #tpu.memory_space<vmem>>[vector<16xi32>, vector<16xi32>], vector<16xf32>,
      %mul3A_341 = arith.mulf %gather3A_339, %gather3A_340 : vector<16xf32>
      %eq3A_342 = arith.cmpi eq, %add3A_22, %gather3A_338 : vector<16xi32>
      %gather3A_343 = tpu.vector_load_idx %arg9[%gather3A_338, %add3A_25] : memref<64x64xf32, #tpu.memory_space<vmem>>[vector<16xi32>, vector<16xi32>], vector<16xf32>,
      %mul3A_344 = arith.mulf %gather3A_339, %gather3A_343 : vector<16xf32>
      %eq3A_345 = arith.cmpi eq, %add3A_25, %gather3A_338 : vector<16xi32>
      %gather3A_346 = tpu.vector_load_idx %arg9[%gather3A_338, %add3A_28] : memref<64x64xf32, #tpu.memory_space<vmem>>[vector<16xi32>, vector<16xi32>], vector<16xf32>,
      %mul3A_347 = arith.mulf %gather3A_339, %gather3A_346 : vector<16xf32>
      %eq3A_348 = arith.cmpi eq, %add3A_28, %gather3A_338 : vector<16xi32>
      %gather3A_349 = tpu.vector_load_idx %arg9[%gather3A_338, %add3A_31] : memref<64x64xf32, #tpu.memory_space<vmem>>[vector<16xi32>, vector<16xi32>], vector<16xf32>,
      %mul3A_350 = arith.mulf %gather3A_339, %gather3A_349 : vector<16xf32>
      %eq3A_351 = arith.cmpi eq, %add3A_31, %gather3A_338 : vector<16xi32>
      %gather3A_352 = tpu.vector_load_idx %arg10[%add3A_323, %broadcast_in_dim3A_42] : memref<256x8xi32, #tpu.memory_space<vmem>>[vector<16xi32>, vector<16xi32>], vector<16xi32>,
      %gather3A_353 = tpu.vector_load_idx %arg11[%add3A_323, %broadcast_in_dim3A_42] : memref<256x8xf32, #tpu.memory_space<vmem>>[vector<16xi32>, vector<16xi32>], vector<16xf32>,
      %gather3A_354 = tpu.vector_load_idx %arg9[%gather3A_352, %add3A_22] : memref<64x64xf32, #tpu.memory_space<vmem>>[vector<16xi32>, vector<16xi32>], vector<16xf32>,
      %mul3A_355 = arith.mulf %gather3A_353, %gather3A_354 : vector<16xf32>
      %eq3A_356 = arith.cmpi eq, %add3A_22, %gather3A_352 : vector<16xi32>
      %gather3A_357 = tpu.vector_load_idx %arg9[%gather3A_352, %add3A_25] : memref<64x64xf32, #tpu.memory_space<vmem>>[vector<16xi32>, vector<16xi32>], vector<16xf32>,
      %mul3A_358 = arith.mulf %gather3A_353, %gather3A_357 : vector<16xf32>
      %eq3A_359 = arith.cmpi eq, %add3A_25, %gather3A_352 : vector<16xi32>
      %gather3A_360 = tpu.vector_load_idx %arg9[%gather3A_352, %add3A_28] : memref<64x64xf32, #tpu.memory_space<vmem>>[vector<16xi32>, vector<16xi32>], vector<16xf32>,
      %mul3A_361 = arith.mulf %gather3A_353, %gather3A_360 : vector<16xf32>
      %eq3A_362 = arith.cmpi eq, %add3A_28, %gather3A_352 : vector<16xi32>
      %gather3A_363 = tpu.vector_load_idx %arg9[%gather3A_352, %add3A_31] : memref<64x64xf32, #tpu.memory_space<vmem>>[vector<16xi32>, vector<16xi32>], vector<16xf32>,
      %mul3A_364 = arith.mulf %gather3A_353, %gather3A_363 : vector<16xf32>
      %eq3A_365 = arith.cmpi eq, %add3A_31, %gather3A_352 : vector<16xi32>
      %gather3A_366 = tpu.vector_load_idx %arg10[%add3A_323, %broadcast_in_dim3A_44] : memref<256x8xi32, #tpu.memory_space<vmem>>[vector<16xi32>, vector<16xi32>], vector<16xi32>,
      %gather3A_367 = tpu.vector_load_idx %arg11[%add3A_323, %broadcast_in_dim3A_44] : memref<256x8xf32, #tpu.memory_space<vmem>>[vector<16xi32>, vector<16xi32>], vector<16xf32>,
      %gather3A_368 = tpu.vector_load_idx %arg9[%gather3A_366, %add3A_22] : memref<64x64xf32, #tpu.memory_space<vmem>>[vector<16xi32>, vector<16xi32>], vector<16xf32>,
      %mul3A_369 = arith.mulf %gather3A_367, %gather3A_368 : vector<16xf32>
      %eq3A_370 = arith.cmpi eq, %add3A_22, %gather3A_366 : vector<16xi32>
      %gather3A_371 = tpu.vector_load_idx %arg9[%gather3A_366, %add3A_25] : memref<64x64xf32, #tpu.memory_space<vmem>>[vector<16xi32>, vector<16xi32>], vector<16xf32>,
      %mul3A_372 = arith.mulf %gather3A_367, %gather3A_371 : vector<16xf32>
      %eq3A_373 = arith.cmpi eq, %add3A_25, %gather3A_366 : vector<16xi32>
      %gather3A_374 = tpu.vector_load_idx %arg9[%gather3A_366, %add3A_28] : memref<64x64xf32, #tpu.memory_space<vmem>>[vector<16xi32>, vector<16xi32>], vector<16xf32>,
      %mul3A_375 = arith.mulf %gather3A_367, %gather3A_374 : vector<16xf32>
      %eq3A_376 = arith.cmpi eq, %add3A_28, %gather3A_366 : vector<16xi32>
      %gather3A_377 = tpu.vector_load_idx %arg9[%gather3A_366, %add3A_31] : memref<64x64xf32, #tpu.memory_space<vmem>>[vector<16xi32>, vector<16xi32>], vector<16xf32>,
      %mul3A_378 = arith.mulf %gather3A_367, %gather3A_377 : vector<16xf32>
      %eq3A_379 = arith.cmpi eq, %add3A_31, %gather3A_366 : vector<16xi32>
      %gather3A_380 = tpu.vector_load_idx %arg10[%add3A_323, %broadcast_in_dim3A_46] : memref<256x8xi32, #tpu.memory_space<vmem>>[vector<16xi32>, vector<16xi32>], vector<16xi32>,
      %gather3A_381 = tpu.vector_load_idx %arg11[%add3A_323, %broadcast_in_dim3A_46] : memref<256x8xf32, #tpu.memory_space<vmem>>[vector<16xi32>, vector<16xi32>], vector<16xf32>,
      %gather3A_382 = tpu.vector_load_idx %arg9[%gather3A_380, %add3A_22] : memref<64x64xf32, #tpu.memory_space<vmem>>[vector<16xi32>, vector<16xi32>], vector<16xf32>,
      %mul3A_383 = arith.mulf %gather3A_381, %gather3A_382 : vector<16xf32>
      %eq3A_384 = arith.cmpi eq, %add3A_22, %gather3A_380 : vector<16xi32>
      %gather3A_385 = tpu.vector_load_idx %arg9[%gather3A_380, %add3A_25] : memref<64x64xf32, #tpu.memory_space<vmem>>[vector<16xi32>, vector<16xi32>], vector<16xf32>,
      %mul3A_386 = arith.mulf %gather3A_381, %gather3A_385 : vector<16xf32>
      %eq3A_387 = arith.cmpi eq, %add3A_25, %gather3A_380 : vector<16xi32>
      %gather3A_388 = tpu.vector_load_idx %arg9[%gather3A_380, %add3A_28] : memref<64x64xf32, #tpu.memory_space<vmem>>[vector<16xi32>, vector<16xi32>], vector<16xf32>,
      %mul3A_389 = arith.mulf %gather3A_381, %gather3A_388 : vector<16xf32>
      %eq3A_390 = arith.cmpi eq, %add3A_28, %gather3A_380 : vector<16xi32>
      %gather3A_391 = tpu.vector_load_idx %arg9[%gather3A_380, %add3A_31] : memref<64x64xf32, #tpu.memory_space<vmem>>[vector<16xi32>, vector<16xi32>], vector<16xf32>,
      %mul3A_392 = arith.mulf %gather3A_381, %gather3A_391 : vector<16xf32>
      %eq3A_393 = arith.cmpi eq, %add3A_31, %gather3A_380 : vector<16xi32>
      %gather3A_394 = tpu.vector_load_idx %arg10[%add3A_323, %broadcast_in_dim3A_48] : memref<256x8xi32, #tpu.memory_space<vmem>>[vector<16xi32>, vector<16xi32>], vector<16xi32>,
      %gather3A_395 = tpu.vector_load_idx %arg11[%add3A_323, %broadcast_in_dim3A_48] : memref<256x8xf32, #tpu.memory_space<vmem>>[vector<16xi32>, vector<16xi32>], vector<16xf32>,
      %gather3A_396 = tpu.vector_load_idx %arg9[%gather3A_394, %add3A_22] : memref<64x64xf32, #tpu.memory_space<vmem>>[vector<16xi32>, vector<16xi32>], vector<16xf32>,
      %mul3A_397 = arith.mulf %gather3A_395, %gather3A_396 : vector<16xf32>
      %eq3A_398 = arith.cmpi eq, %add3A_22, %gather3A_394 : vector<16xi32>
      %gather3A_399 = tpu.vector_load_idx %arg9[%gather3A_394, %add3A_25] : memref<64x64xf32, #tpu.memory_space<vmem>>[vector<16xi32>, vector<16xi32>], vector<16xf32>,
      %mul3A_400 = arith.mulf %gather3A_395, %gather3A_399 : vector<16xf32>
      %eq3A_401 = arith.cmpi eq, %add3A_25, %gather3A_394 : vector<16xi32>
      %gather3A_402 = tpu.vector_load_idx %arg9[%gather3A_394, %add3A_28] : memref<64x64xf32, #tpu.memory_space<vmem>>[vector<16xi32>, vector<16xi32>], vector<16xf32>,
      %mul3A_403 = arith.mulf %gather3A_395, %gather3A_402 : vector<16xf32>
      %eq3A_404 = arith.cmpi eq, %add3A_28, %gather3A_394 : vector<16xi32>
      %gather3A_405 = tpu.vector_load_idx %arg9[%gather3A_394, %add3A_31] : memref<64x64xf32, #tpu.memory_space<vmem>>[vector<16xi32>, vector<16xi32>], vector<16xf32>,
      %mul3A_406 = arith.mulf %gather3A_395, %gather3A_405 : vector<16xf32>
      %eq3A_407 = arith.cmpi eq, %add3A_31, %gather3A_394 : vector<16xi32>
      %gather3A_408 = tpu.vector_load_idx %arg10[%add3A_323, %broadcast_in_dim3A_50] : memref<256x8xi32, #tpu.memory_space<vmem>>[vector<16xi32>, vector<16xi32>], vector<16xi32>,
      %gather3A_409 = tpu.vector_load_idx %arg11[%add3A_323, %broadcast_in_dim3A_50] : memref<256x8xf32, #tpu.memory_space<vmem>>[vector<16xi32>, vector<16xi32>], vector<16xf32>,
      %gather3A_410 = tpu.vector_load_idx %arg9[%gather3A_408, %add3A_22] : memref<64x64xf32, #tpu.memory_space<vmem>>[vector<16xi32>, vector<16xi32>], vector<16xf32>,
      %mul3A_411 = arith.mulf %gather3A_409, %gather3A_410 : vector<16xf32>
      %eq3A_412 = arith.cmpi eq, %add3A_22, %gather3A_408 : vector<16xi32>
      %gather3A_413 = tpu.vector_load_idx %arg9[%gather3A_408, %add3A_25] : memref<64x64xf32, #tpu.memory_space<vmem>>[vector<16xi32>, vector<16xi32>], vector<16xf32>,
      %mul3A_414 = arith.mulf %gather3A_409, %gather3A_413 : vector<16xf32>
      %eq3A_415 = arith.cmpi eq, %add3A_25, %gather3A_408 : vector<16xi32>
      %gather3A_416 = tpu.vector_load_idx %arg9[%gather3A_408, %add3A_28] : memref<64x64xf32, #tpu.memory_space<vmem>>[vector<16xi32>, vector<16xi32>], vector<16xf32>,
      %mul3A_417 = arith.mulf %gather3A_409, %gather3A_416 : vector<16xf32>
      %eq3A_418 = arith.cmpi eq, %add3A_28, %gather3A_408 : vector<16xi32>
      %gather3A_419 = tpu.vector_load_idx %arg9[%gather3A_408, %add3A_31] : memref<64x64xf32, #tpu.memory_space<vmem>>[vector<16xi32>, vector<16xi32>], vector<16xf32>,
      %mul3A_420 = arith.mulf %gather3A_409, %gather3A_419 : vector<16xf32>
      %eq3A_421 = arith.cmpi eq, %add3A_31, %gather3A_408 : vector<16xi32>
      %gather3A_422 = tpu.vector_load_idx %arg10[%add3A_323, %broadcast_in_dim3A_52] : memref<256x8xi32, #tpu.memory_space<vmem>>[vector<16xi32>, vector<16xi32>], vector<16xi32>,
      %gather3A_423 = tpu.vector_load_idx %arg11[%add3A_323, %broadcast_in_dim3A_52] : memref<256x8xf32, #tpu.memory_space<vmem>>[vector<16xi32>, vector<16xi32>], vector<16xf32>,
      %gather3A_424 = tpu.vector_load_idx %arg9[%gather3A_422, %add3A_22] : memref<64x64xf32, #tpu.memory_space<vmem>>[vector<16xi32>, vector<16xi32>], vector<16xf32>,
      %mul3A_425 = arith.mulf %gather3A_423, %gather3A_424 : vector<16xf32>
      %eq3A_426 = arith.cmpi eq, %add3A_22, %gather3A_422 : vector<16xi32>
      %gather3A_427 = tpu.vector_load_idx %arg9[%gather3A_422, %add3A_25] : memref<64x64xf32, #tpu.memory_space<vmem>>[vector<16xi32>, vector<16xi32>], vector<16xf32>,
      %mul3A_428 = arith.mulf %gather3A_423, %gather3A_427 : vector<16xf32>
      %eq3A_429 = arith.cmpi eq, %add3A_25, %gather3A_422 : vector<16xi32>
      %gather3A_430 = tpu.vector_load_idx %arg9[%gather3A_422, %add3A_28] : memref<64x64xf32, #tpu.memory_space<vmem>>[vector<16xi32>, vector<16xi32>], vector<16xf32>,
      %mul3A_431 = arith.mulf %gather3A_423, %gather3A_430 : vector<16xf32>
      %eq3A_432 = arith.cmpi eq, %add3A_28, %gather3A_422 : vector<16xi32>
      %gather3A_433 = tpu.vector_load_idx %arg9[%gather3A_422, %add3A_31] : memref<64x64xf32, #tpu.memory_space<vmem>>[vector<16xi32>, vector<16xi32>], vector<16xf32>,
      %mul3A_434 = arith.mulf %gather3A_423, %gather3A_433 : vector<16xf32>
      %eq3A_435 = arith.cmpi eq, %add3A_31, %gather3A_422 : vector<16xi32>
      %or3A_436 = arith.ori %eq3A_328, %eq3A_342 : vector<16xi1>
      %or3A_437 = arith.ori %eq3A_356, %eq3A_370 : vector<16xi1>
      %or3A_438 = arith.ori %eq3A_384, %eq3A_398 : vector<16xi1>
      %or3A_439 = arith.ori %eq3A_412, %eq3A_426 : vector<16xi1>
      %or3A_440 = arith.ori %or3A_436, %or3A_437 : vector<16xi1>
      %or3A_441 = arith.ori %or3A_438, %or3A_439 : vector<16xi1>
      %or3A_442 = arith.ori %or3A_440, %or3A_441 : vector<16xi1>
      %add3A_443 = arith.addf %mul3A_327, %mul3A_341 : vector<16xf32>
      %add3A_444 = arith.addf %mul3A_355, %mul3A_369 : vector<16xf32>
      %add3A_445 = arith.addf %mul3A_383, %mul3A_397 : vector<16xf32>
      %add3A_446 = arith.addf %mul3A_411, %mul3A_425 : vector<16xf32>
      %add3A_447 = arith.addf %add3A_443, %add3A_444 : vector<16xf32>
      %add3A_448 = arith.addf %add3A_445, %add3A_446 : vector<16xf32>
      %add3A_449 = arith.addf %add3A_447, %add3A_448 : vector<16xf32>
      %select_n3A_450 = arith.select %or3A_442, %broadcast_in_dim3A_19, %add3A_449 : vector<16xi1>, vector<16xf32>
      %or3A_451 = arith.ori %eq3A_331, %eq3A_345 : vector<16xi1>
      %or3A_452 = arith.ori %eq3A_359, %eq3A_373 : vector<16xi1>
      %or3A_453 = arith.ori %eq3A_387, %eq3A_401 : vector<16xi1>
      %or3A_454 = arith.ori %eq3A_415, %eq3A_429 : vector<16xi1>
      %or3A_455 = arith.ori %or3A_451, %or3A_452 : vector<16xi1>
      %or3A_456 = arith.ori %or3A_453, %or3A_454 : vector<16xi1>
      %or3A_457 = arith.ori %or3A_455, %or3A_456 : vector<16xi1>
      %add3A_458 = arith.addf %mul3A_330, %mul3A_344 : vector<16xf32>
      %add3A_459 = arith.addf %mul3A_358, %mul3A_372 : vector<16xf32>
      %add3A_460 = arith.addf %mul3A_386, %mul3A_400 : vector<16xf32>
      %add3A_461 = arith.addf %mul3A_414, %mul3A_428 : vector<16xf32>
      %add3A_462 = arith.addf %add3A_458, %add3A_459 : vector<16xf32>
      %add3A_463 = arith.addf %add3A_460, %add3A_461 : vector<16xf32>
      %add3A_464 = arith.addf %add3A_462, %add3A_463 : vector<16xf32>
      %select_n3A_465 = arith.select %or3A_457, %broadcast_in_dim3A_19, %add3A_464 : vector<16xi1>, vector<16xf32>
      %or3A_466 = arith.ori %eq3A_334, %eq3A_348 : vector<16xi1>
      %or3A_467 = arith.ori %eq3A_362, %eq3A_376 : vector<16xi1>
      %or3A_468 = arith.ori %eq3A_390, %eq3A_404 : vector<16xi1>
      %or3A_469 = arith.ori %eq3A_418, %eq3A_432 : vector<16xi1>
      %or3A_470 = arith.ori %or3A_466, %or3A_467 : vector<16xi1>
      %or3A_471 = arith.ori %or3A_468, %or3A_469 : vector<16xi1>
      %or3A_472 = arith.ori %or3A_470, %or3A_471 : vector<16xi1>
      %add3A_473 = arith.addf %mul3A_333, %mul3A_347 : vector<16xf32>
      %add3A_474 = arith.addf %mul3A_361, %mul3A_375 : vector<16xf32>
      %add3A_475 = arith.addf %mul3A_389, %mul3A_403 : vector<16xf32>
      %add3A_476 = arith.addf %mul3A_417, %mul3A_431 : vector<16xf32>
      %add3A_477 = arith.addf %add3A_473, %add3A_474 : vector<16xf32>
      %add3A_478 = arith.addf %add3A_475, %add3A_476 : vector<16xf32>
      %add3A_479 = arith.addf %add3A_477, %add3A_478 : vector<16xf32>
      %select_n3A_480 = arith.select %or3A_472, %broadcast_in_dim3A_19, %add3A_479 : vector<16xi1>, vector<16xf32>
      %or3A_481 = arith.ori %eq3A_337, %eq3A_351 : vector<16xi1>
      %or3A_482 = arith.ori %eq3A_365, %eq3A_379 : vector<16xi1>
      %or3A_483 = arith.ori %eq3A_393, %eq3A_407 : vector<16xi1>
      %or3A_484 = arith.ori %eq3A_421, %eq3A_435 : vector<16xi1>
      %or3A_485 = arith.ori %or3A_481, %or3A_482 : vector<16xi1>
      %or3A_486 = arith.ori %or3A_483, %or3A_484 : vector<16xi1>
      %or3A_487 = arith.ori %or3A_485, %or3A_486 : vector<16xi1>
      %add3A_488 = arith.addf %mul3A_336, %mul3A_350 : vector<16xf32>
      %add3A_489 = arith.addf %mul3A_364, %mul3A_378 : vector<16xf32>
      %add3A_490 = arith.addf %mul3A_392, %mul3A_406 : vector<16xf32>
      %add3A_491 = arith.addf %mul3A_420, %mul3A_434 : vector<16xf32>
      %add3A_492 = arith.addf %add3A_488, %add3A_489 : vector<16xf32>
      %add3A_493 = arith.addf %add3A_490, %add3A_491 : vector<16xf32>
      %add3A_494 = arith.addf %add3A_492, %add3A_493 : vector<16xf32>
      %select_n3A_495 = arith.select %or3A_487, %broadcast_in_dim3A_19, %add3A_494 : vector<16xi1>, vector<16xf32>
      %gather3A_496 = tpu.vector_load_idx %arg10[%add3A_323, %and3A_33] : memref<256x8xi32, #tpu.memory_space<vmem>>[vector<16xi32>, vector<16xi32>], vector<16xi32>,
      %gather3A_497 = tpu.vector_load_idx %arg11[%add3A_323, %and3A_33] : memref<256x8xf32, #tpu.memory_space<vmem>>[vector<16xi32>, vector<16xi32>], vector<16xf32>,
      %swap3A_498 = arith.constant 0 : i32
      %swap3A_499 = arith.index_cast %and3A_318 : i32 to index
      %swap3A_500 = arith.index_cast %swap3A_498 : i32 to index
      %swap3A_501 = arith.constant 0 : index
      %swap3A_502 = tpu.vector_load %arg16[%swap3A_499, %swap3A_500, %swap3A_501] {strides = array<i32>} : memref<2x5x16xf32, #tpu.memory_space<vmem>>, vector<16xf32>,
      tpu.vector_store %arg16[%swap3A_499, %swap3A_500, %swap3A_501], %select_n3A_450 {strides = array<i32>} : memref<2x5x16xf32, #tpu.memory_space<vmem>>, vector<16xf32>,
      %swap3A_503 = arith.constant 1 : i32
      %swap3A_504 = arith.index_cast %and3A_318 : i32 to index
      %swap3A_505 = arith.index_cast %swap3A_503 : i32 to index
      %swap3A_506 = arith.constant 0 : index
      %swap3A_507 = tpu.vector_load %arg16[%swap3A_504, %swap3A_505, %swap3A_506] {strides = array<i32>} : memref<2x5x16xf32, #tpu.memory_space<vmem>>, vector<16xf32>,
      tpu.vector_store %arg16[%swap3A_504, %swap3A_505, %swap3A_506], %select_n3A_465 {strides = array<i32>} : memref<2x5x16xf32, #tpu.memory_space<vmem>>, vector<16xf32>,
      %swap3A_508 = arith.constant 2 : i32
      %swap3A_509 = arith.index_cast %and3A_318 : i32 to index
      %swap3A_510 = arith.index_cast %swap3A_508 : i32 to index
      %swap3A_511 = arith.constant 0 : index
      %swap3A_512 = tpu.vector_load %arg16[%swap3A_509, %swap3A_510, %swap3A_511] {strides = array<i32>} : memref<2x5x16xf32, #tpu.memory_space<vmem>>, vector<16xf32>,
      tpu.vector_store %arg16[%swap3A_509, %swap3A_510, %swap3A_511], %select_n3A_480 {strides = array<i32>} : memref<2x5x16xf32, #tpu.memory_space<vmem>>, vector<16xf32>,
      %swap3A_513 = arith.constant 3 : i32
      %swap3A_514 = arith.index_cast %and3A_318 : i32 to index
      %swap3A_515 = arith.index_cast %swap3A_513 : i32 to index
      %swap3A_516 = arith.constant 0 : index
      %swap3A_517 = tpu.vector_load %arg16[%swap3A_514, %swap3A_515, %swap3A_516] {strides = array<i32>} : memref<2x5x16xf32, #tpu.memory_space<vmem>>, vector<16xf32>,
      tpu.vector_store %arg16[%swap3A_514, %swap3A_515, %swap3A_516], %select_n3A_495 {strides = array<i32>} : memref<2x5x16xf32, #tpu.memory_space<vmem>>, vector<16xf32>,
      %swap3A_518 = arith.constant 4 : i32
      %swap3A_519 = arith.index_cast %and3A_318 : i32 to index
      %swap3A_520 = arith.index_cast %swap3A_518 : i32 to index
      %swap3A_521 = arith.constant 0 : index
      %swap3A_522 = tpu.vector_load %arg16[%swap3A_519, %swap3A_520, %swap3A_521] {strides = array<i32>} : memref<2x5x16xf32, #tpu.memory_space<vmem>>, vector<16xf32>,
      tpu.vector_store %arg16[%swap3A_519, %swap3A_520, %swap3A_521], %gather3A_497 {strides = array<i32>} : memref<2x5x16xf32, #tpu.memory_space<vmem>>, vector<16xf32>,
      %swap3A_523 = arith.index_cast %and3A_318 : i32 to index
      %swap3A_524 = arith.constant 0 : index
      %swap3A_525 = tpu.vector_load %arg17[%swap3A_523, %swap3A_524] {strides = array<i32>} : memref<2x16xi32, #tpu.memory_space<vmem>>, vector<16xi32>,
      tpu.vector_store %arg17[%swap3A_523, %swap3A_524], %gather3A_496 {strides = array<i32>} : memref<2x16xi32, #tpu.memory_space<vmem>>, vector<16xi32>,
      %sub3A = arith.constant 1 : i32
      %sub3A_526 = arith.subi %scan3A_269, %sub3A : i32
      %max3A = arith.constant 0 : i32
      %max3A_527 = arith.maxsi %sub3A_526, %max3A : i32
      %select_n3A_528 = arith.select %lt3A_18, %masked_sort3A_303, %masked_sort3A_307 : vector<16xi1>, vector<16xf32>
      %select_n3A_529 = arith.select %lt3A_18, %masked_sort3A_304, %masked_sort3A_308 : vector<16xi1>, vector<16xi32>
      %masked_sort3A_530 = arith.constant dense<true> : vector<16xi1>
      %masked_sort3A_531, %masked_sort3A_532, %masked_sort3A_533 = tpu.sort %select_n3A_528, %select_n3A_529 masked %masked_sort3A_530 {descending = true} : (vector<16xf32>, vector<16xi32>, vector<16xi1>) -> (vector<16xi1>, vector<16xf32>, vector<16xi32>)
      %select_n3A_534 = arith.select %lt3A_18, %masked_sort3A_311, %masked_sort3A_315 : vector<16xi1>, vector<16xf32>
      %select_n3A_535 = arith.select %lt3A_18, %masked_sort3A_312, %masked_sort3A_316 : vector<16xi1>, vector<16xi32>
      %masked_sort3A_536 = arith.constant dense<true> : vector<16xi1>
      %masked_sort3A_537, %masked_sort3A_538, %masked_sort3A_539 = tpu.sort %select_n3A_534, %select_n3A_535 masked %masked_sort3A_536 : (vector<16xf32>, vector<16xi32>, vector<16xi1>) -> (vector<16xi1>, vector<16xf32>, vector<16xi32>)
      %select_n3A_540 = arith.select %lt3A_18, %masked_sort3A_532, %masked_sort3A_538 : vector<16xi1>, vector<16xf32>
      %select_n3A_541 = arith.select %lt3A_18, %masked_sort3A_533, %masked_sort3A_539 : vector<16xi1>, vector<16xi32>
      %masked_sort3A_542 = arith.constant dense<true> : vector<16xi1>
      %masked_sort3A_543, %masked_sort3A_544, %masked_sort3A_545 = tpu.sort %select_n3A_540, %select_n3A_541 masked %masked_sort3A_542 {descending = true} : (vector<16xf32>, vector<16xi32>, vector<16xi1>) -> (vector<16xi1>, vector<16xf32>, vector<16xi32>)
      %broadcast_in_dim3A_546 = arith.constant 0 : i32
      %broadcast_in_dim3A_547 = vector.broadcast %broadcast_in_dim3A_546 : i32 to vector<16xi32>
      %add3A_548 = vector.broadcast %max3A_527 : i32 to vector<16xi32>
      %add3A_549 = arith.addi %broadcast_in_dim3A_547, %add3A_548 : vector<16xi32>
      %add3A_550 = arith.addi %get3A_296, %get3A_53 : vector<16xi32>
      %swap3A_551 = arith.index_cast %max3A_527 : i32 to index
      %swap3A_552 = arith.constant 0 : index
      %swap3A_553 = tpu.vector_load %arg14[%swap3A_551, %swap3A_552] {strides = array<i32>} : memref<256x16xi32, #tpu.memory_space<vmem>>, vector<16xi32>,
      tpu.vector_store %arg14[%swap3A_551, %swap3A_552], %add3A_550 {strides = array<i32>} : memref<256x16xi32, #tpu.memory_space<vmem>>, vector<16xi32>,
      %add3A_554 = arith.addf %get3A_301, %get3A_55 : vector<16xf32>
      %swap3A_555 = arith.index_cast %max3A_527 : i32 to index
      %swap3A_556 = arith.constant 0 : index
      %swap3A_557 = tpu.vector_load %arg15[%swap3A_555, %swap3A_556] {strides = array<i32>} : memref<256x16xf32, #tpu.memory_space<vmem>>, vector<16xf32>,
      tpu.vector_store %arg15[%swap3A_555, %swap3A_556], %add3A_554 {strides = array<i32>} : memref<256x16xf32, #tpu.memory_space<vmem>>, vector<16xf32>,
      %add3A_558 = arith.addi %masked_sort3A_545, %get3A_53 : vector<16xi32>
      tpu.vector_store_idx %arg14[%add3A_549, %add3A_36], %add3A_558 masked %lt3A_18 : memref<256x16xi32, #tpu.memory_space<vmem>>[vector<16xi32>, vector<16xi32>], vector<16xi32>, vector<16xi1>
      %add3A_559 = arith.addf %masked_sort3A_544, %get3A_55 : vector<16xf32>
      tpu.vector_store_idx %arg15[%add3A_549, %add3A_36], %add3A_559 masked %lt3A_18 : memref<256x16xf32, #tpu.memory_space<vmem>>[vector<16xi32>, vector<16xi32>], vector<16xf32>, vector<16xi1>
    }
    %scan3A_268 = arith.constant 257 : i32
    "tpu.region"() ({
      %run_scoped3A = tpu.sem_alloc : memref<!tpu.dma_semaphore, #tpu.memory_space<semaphore_mem>>
      %dma_start3A_269 = arith.constant 0 : i32
      %dma_start3A_270 = tpu.memref_slice %arg7[%mul3A_2, %dma_start3A_269] : memref<8192x16xi32, #tpu.memory_space<hbm>> -> memref<256x16xi32, #tpu.memory_space<hbm>>
      %dma_start3A_271 = arith.constant 0 : i32
      %dma_start3A_272 = tpu.memref_slice %arg7[%mul3A_2, %dma_start3A_271] : memref<8192x16xi32, #tpu.memory_space<hbm>> -> memref<256x16xi32, #tpu.memory_space<hbm>>
      tpu.enqueue_dma source(%arg14 : memref<256x16xi32, #tpu.memory_space<vmem>>) target(%dma_start3A_272 : memref<256x16xi32, #tpu.memory_space<hbm>>) target_semaphore(%run_scoped3A : memref<!tpu.dma_semaphore, #tpu.memory_space<semaphore_mem>>)
      %dma_wait3A_273 = arith.constant 0 : i32
      %dma_wait3A_274 = tpu.memref_slice %arg7[%mul3A_2, %dma_wait3A_273] : memref<8192x16xi32, #tpu.memory_space<hbm>> -> memref<256x16xi32, #tpu.memory_space<hbm>>
      %dma_wait3A_275 = arith.constant 0 : i32
      %dma_wait3A_276 = tpu.memref_slice %arg7[%mul3A_2, %dma_wait3A_275] : memref<8192x16xi32, #tpu.memory_space<hbm>> -> memref<256x16xi32, #tpu.memory_space<hbm>>
      tpu.wait_dma2 semaphore(%run_scoped3A : memref<!tpu.dma_semaphore, #tpu.memory_space<semaphore_mem>>) src(%arg14 : memref<256x16xi32, #tpu.memory_space<vmem>>) dst(%dma_wait3A_276 : memref<256x16xi32, #tpu.memory_space<hbm>>)
      tpu.yield
    }) : () -> ()
    "tpu.region"() ({
      %run_scoped3A = tpu.sem_alloc : memref<!tpu.dma_semaphore, #tpu.memory_space<semaphore_mem>>
      %dma_start3A_269 = arith.constant 0 : i32
      %dma_start3A_270 = tpu.memref_slice %arg8[%mul3A_2, %dma_start3A_269] : memref<8192x16xf32, #tpu.memory_space<hbm>> -> memref<256x16xf32, #tpu.memory_space<hbm>>
      %dma_start3A_271 = arith.constant 0 : i32
      %dma_start3A_272 = tpu.memref_slice %arg8[%mul3A_2, %dma_start3A_271] : memref<8192x16xf32, #tpu.memory_space<hbm>> -> memref<256x16xf32, #tpu.memory_space<hbm>>
      tpu.enqueue_dma source(%arg15 : memref<256x16xf32, #tpu.memory_space<vmem>>) target(%dma_start3A_272 : memref<256x16xf32, #tpu.memory_space<hbm>>) target_semaphore(%run_scoped3A : memref<!tpu.dma_semaphore, #tpu.memory_space<semaphore_mem>>)
      %dma_wait3A_273 = arith.constant 0 : i32
      %dma_wait3A_274 = tpu.memref_slice %arg8[%mul3A_2, %dma_wait3A_273] : memref<8192x16xf32, #tpu.memory_space<hbm>> -> memref<256x16xf32, #tpu.memory_space<hbm>>
      %dma_wait3A_275 = arith.constant 0 : i32
      %dma_wait3A_276 = tpu.memref_slice %arg8[%mul3A_2, %dma_wait3A_275] : memref<8192x16xf32, #tpu.memory_space<hbm>> -> memref<256x16xf32, #tpu.memory_space<hbm>>
      tpu.wait_dma2 semaphore(%run_scoped3A : memref<!tpu.dma_semaphore, #tpu.memory_space<semaphore_mem>>) src(%arg15 : memref<256x16xf32, #tpu.memory_space<vmem>>) dst(%dma_wait3A_276 : memref<256x16xf32, #tpu.memory_space<hbm>>)
      tpu.yield
    }) : () -> ()
    return
  }
}

#map = affine_map<(d0, d1) -> (0, 0)>
#map1 = affine_map<(d0, d1) -> (0)>
module attributes {stable_mosaic.version = 14 : i64} {
  func.func @sc_kernel(%arg0: i32, %arg1: i32, %arg2: memref<8192x8xf32, #tpu.memory_space<hbm>>, %arg3: memref<64x64xf32, #tpu.memory_space<hbm>>, %arg4: memref<8192x8xi32, #tpu.memory_space<hbm>>, %arg5: memref<16xi32, #tpu.memory_space<hbm>>, %arg6: memref<16xf32, #tpu.memory_space<hbm>>, %arg7: memref<8192x16xi32, #tpu.memory_space<hbm>>, %arg8: memref<8192x16xf32, #tpu.memory_space<hbm>>, %arg9: memref<64x64xf32, #tpu.memory_space<vmem>>, %arg10: memref<256x8xi32, #tpu.memory_space<vmem>>, %arg11: memref<256x8xf32, #tpu.memory_space<vmem>>, %arg12: memref<16xi32, #tpu.memory_space<vmem>>, %arg13: memref<16xf32, #tpu.memory_space<vmem>>, %arg14: memref<256x16xi32, #tpu.memory_space<vmem>>, %arg15: memref<256x16xf32, #tpu.memory_space<vmem>>, %arg16: memref<2x5x16xf32, #tpu.memory_space<vmem>>, %arg17: memref<2x16xi32, #tpu.memory_space<vmem>>, %arg18: memref<!tpu.dma_semaphore, #tpu.memory_space<semaphore_mem>>) attributes {dimension_semantics = [#tpu.dimension_semantics<core_parallel>, #tpu.dimension_semantics<subcore_parallel>], iteration_bounds = array<i64: 2, 16>, scalar_prefetch = 0 : i64, scratch_operands = 10 : i64, tpu.core_type = #tpu.core_type<sc_vector_subcore>, window_params = [{transform_indices = #map}, {transform_indices = #map}, {transform_indices = #map}, {transform_indices = #map1}, {transform_indices = #map1}, {transform_indices = #map}, {transform_indices = #map}]} {
    %mul3A = arith.constant 2 : i32
    %mul3A_0 = arith.muli %arg1, %mul3A : i32
    %add3A = arith.addi %mul3A_0, %arg0 : i32
    %mul3A_1 = arith.constant 256 : i32
    %mul3A_2 = arith.muli %add3A, %mul3A_1 : i32
    tpu.enqueue_dma source(%arg3 : memref<64x64xf32, #tpu.memory_space<hbm>>) target(%arg9 : memref<64x64xf32, #tpu.memory_space<vmem>>) target_semaphore(%arg18 : memref<!tpu.dma_semaphore, #tpu.memory_space<semaphore_mem>>)
    %dma_start3A = arith.constant 0 : i32
    %dma_start3A_3 = tpu.memref_slice %arg4[%mul3A_2, %dma_start3A] : memref<8192x8xi32, #tpu.memory_space<hbm>> -> memref<256x8xi32, #tpu.memory_space<hbm>>
    %dma_start3A_4 = arith.constant 0 : i32
    %dma_start3A_5 = tpu.memref_slice %arg4[%mul3A_2, %dma_start3A_4] : memref<8192x8xi32, #tpu.memory_space<hbm>> -> memref<256x8xi32, #tpu.memory_space<hbm>>
    tpu.enqueue_dma source(%dma_start3A_5 : memref<256x8xi32, #tpu.memory_space<hbm>>) target(%arg10 : memref<256x8xi32, #tpu.memory_space<vmem>>) target_semaphore(%arg18 : memref<!tpu.dma_semaphore, #tpu.memory_space<semaphore_mem>>)
    %dma_start3A_6 = arith.constant 0 : i32
    %dma_start3A_7 = tpu.memref_slice %arg2[%mul3A_2, %dma_start3A_6] : memref<8192x8xf32, #tpu.memory_space<hbm>> -> memref<256x8xf32, #tpu.memory_space<hbm>>
    %dma_start3A_8 = arith.constant 0 : i32
    %dma_start3A_9 = tpu.memref_slice %arg2[%mul3A_2, %dma_start3A_8] : memref<8192x8xf32, #tpu.memory_space<hbm>> -> memref<256x8xf32, #tpu.memory_space<hbm>>
    tpu.enqueue_dma source(%dma_start3A_9 : memref<256x8xf32, #tpu.memory_space<hbm>>) target(%arg11 : memref<256x8xf32, #tpu.memory_space<vmem>>) target_semaphore(%arg18 : memref<!tpu.dma_semaphore, #tpu.memory_space<semaphore_mem>>)
    tpu.enqueue_dma source(%arg5 : memref<16xi32, #tpu.memory_space<hbm>>) target(%arg12 : memref<16xi32, #tpu.memory_space<vmem>>) target_semaphore(%arg18 : memref<!tpu.dma_semaphore, #tpu.memory_space<semaphore_mem>>)
    tpu.enqueue_dma source(%arg6 : memref<16xf32, #tpu.memory_space<hbm>>) target(%arg13 : memref<16xf32, #tpu.memory_space<vmem>>) target_semaphore(%arg18 : memref<!tpu.dma_semaphore, #tpu.memory_space<semaphore_mem>>)
    tpu.wait_dma2 semaphore(%arg18 : memref<!tpu.dma_semaphore, #tpu.memory_space<semaphore_mem>>) src(%arg3 : memref<64x64xf32, #tpu.memory_space<hbm>>) dst(%arg9 : memref<64x64xf32, #tpu.memory_space<vmem>>)
    %dma_wait3A = arith.constant 0 : i32
    %dma_wait3A_10 = tpu.memref_slice %arg4[%mul3A_2, %dma_wait3A] : memref<8192x8xi32, #tpu.memory_space<hbm>> -> memref<256x8xi32, #tpu.memory_space<hbm>>
    %dma_wait3A_11 = arith.constant 0 : i32
    %dma_wait3A_12 = tpu.memref_slice %arg4[%mul3A_2, %dma_wait3A_11] : memref<8192x8xi32, #tpu.memory_space<hbm>> -> memref<256x8xi32, #tpu.memory_space<hbm>>
    tpu.wait_dma2 semaphore(%arg18 : memref<!tpu.dma_semaphore, #tpu.memory_space<semaphore_mem>>) src(%dma_wait3A_12 : memref<256x8xi32, #tpu.memory_space<hbm>>) dst(%arg10 : memref<256x8xi32, #tpu.memory_space<vmem>>)
    %dma_wait3A_13 = arith.constant 0 : i32
    %dma_wait3A_14 = tpu.memref_slice %arg2[%mul3A_2, %dma_wait3A_13] : memref<8192x8xf32, #tpu.memory_space<hbm>> -> memref<256x8xf32, #tpu.memory_space<hbm>>
    %dma_wait3A_15 = arith.constant 0 : i32
    %dma_wait3A_16 = tpu.memref_slice %arg2[%mul3A_2, %dma_wait3A_15] : memref<8192x8xf32, #tpu.memory_space<hbm>> -> memref<256x8xf32, #tpu.memory_space<hbm>>
    tpu.wait_dma2 semaphore(%arg18 : memref<!tpu.dma_semaphore, #tpu.memory_space<semaphore_mem>>) src(%dma_wait3A_16 : memref<256x8xf32, #tpu.memory_space<hbm>>) dst(%arg11 : memref<256x8xf32, #tpu.memory_space<vmem>>)
    tpu.wait_dma2 semaphore(%arg18 : memref<!tpu.dma_semaphore, #tpu.memory_space<semaphore_mem>>) src(%arg5 : memref<16xi32, #tpu.memory_space<hbm>>) dst(%arg12 : memref<16xi32, #tpu.memory_space<vmem>>)
    tpu.wait_dma2 semaphore(%arg18 : memref<!tpu.dma_semaphore, #tpu.memory_space<semaphore_mem>>) src(%arg6 : memref<16xf32, #tpu.memory_space<hbm>>) dst(%arg13 : memref<16xf32, #tpu.memory_space<vmem>>)
    %iota3A = tpu.iota {dimensions = array<i32: 0>} : vector<16xi32>
    %lt3A = arith.constant 8 : i32
    %lt3A_17 = vector.broadcast %lt3A : i32 to vector<16xi32>
    %lt3A_18 = arith.cmpi slt, %iota3A, %lt3A_17 : vector<16xi32>
    %broadcast_in_dim3A = arith.constant 0xFF800000 : f32
    %broadcast_in_dim3A_19 = vector.broadcast %broadcast_in_dim3A : f32 to vector<16xf32>
    %add3A_20 = arith.constant 0 : i32
    %add3A_21 = vector.broadcast %add3A_20 : i32 to vector<16xi32>
    %add3A_22 = arith.addi %iota3A, %add3A_21 : vector<16xi32>
    %add3A_23 = arith.constant 16 : i32
    %add3A_24 = vector.broadcast %add3A_23 : i32 to vector<16xi32>
    %add3A_25 = arith.addi %iota3A, %add3A_24 : vector<16xi32>
    %add3A_26 = arith.constant 32 : i32
    %add3A_27 = vector.broadcast %add3A_26 : i32 to vector<16xi32>
    %add3A_28 = arith.addi %iota3A, %add3A_27 : vector<16xi32>
    %add3A_29 = arith.constant 48 : i32
    %add3A_30 = vector.broadcast %add3A_29 : i32 to vector<16xi32>
    %add3A_31 = arith.addi %iota3A, %add3A_30 : vector<16xi32>
    %and3A = arith.constant 7 : i32
    %and3A_32 = vector.broadcast %and3A : i32 to vector<16xi32>
    %and3A_33 = arith.andi %iota3A, %and3A_32 : vector<16xi32>
    %add3A_34 = arith.constant 8 : i32
    %add3A_35 = vector.broadcast %add3A_34 : i32 to vector<16xi32>
    %add3A_36 = arith.addi %and3A_33, %add3A_35 : vector<16xi32>
    %broadcast_in_dim3A_37 = arith.constant 0 : i32
    %broadcast_in_dim3A_38 = vector.broadcast %broadcast_in_dim3A_37 : i32 to vector<16xi32>
    %broadcast_in_dim3A_39 = arith.constant 1 : i32
    %broadcast_in_dim3A_40 = vector.broadcast %broadcast_in_dim3A_39 : i32 to vector<16xi32>
    %broadcast_in_dim3A_41 = arith.constant 2 : i32
    %broadcast_in_dim3A_42 = vector.broadcast %broadcast_in_dim3A_41 : i32 to vector<16xi32>
    %broadcast_in_dim3A_43 = arith.constant 3 : i32
    %broadcast_in_dim3A_44 = vector.broadcast %broadcast_in_dim3A_43 : i32 to vector<16xi32>
    %broadcast_in_dim3A_45 = arith.constant 4 : i32
    %broadcast_in_dim3A_46 = vector.broadcast %broadcast_in_dim3A_45 : i32 to vector<16xi32>
    %broadcast_in_dim3A_47 = arith.constant 5 : i32
    %broadcast_in_dim3A_48 = vector.broadcast %broadcast_in_dim3A_47 : i32 to vector<16xi32>
    %broadcast_in_dim3A_49 = arith.constant 6 : i32
    %broadcast_in_dim3A_50 = vector.broadcast %broadcast_in_dim3A_49 : i32 to vector<16xi32>
    %broadcast_in_dim3A_51 = arith.constant 7 : i32
    %broadcast_in_dim3A_52 = vector.broadcast %broadcast_in_dim3A_51 : i32 to vector<16xi32>
    %get3A = arith.constant 0 : index
    %get3A_53 = tpu.vector_load %arg12[%get3A] {strides = array<i32>} : memref<16xi32, #tpu.memory_space<vmem>>, vector<16xi32>,
    %get3A_54 = arith.constant 0 : index
    %get3A_55 = tpu.vector_load %arg13[%get3A_54] {strides = array<i32>} : memref<16xf32, #tpu.memory_space<vmem>>, vector<16xf32>,
    %broadcast_in_dim3A_56 = arith.constant 0 : i32
    %broadcast_in_dim3A_57 = vector.broadcast %broadcast_in_dim3A_56 : i32 to vector<16xi32>
    %add3A_58 = arith.constant 0 : i32
    %add3A_59 = vector.broadcast %add3A_58 : i32 to vector<16xi32>
    %add3A_60 = arith.addi %broadcast_in_dim3A_57, %add3A_59 : vector<16xi32>
    %gather3A = tpu.vector_load_idx %arg10[%add3A_60, %broadcast_in_dim3A_38] : memref<256x8xi32, #tpu.memory_space<vmem>>[vector<16xi32>, vector<16xi32>], vector<16xi32>,
    %gather3A_61 = tpu.vector_load_idx %arg11[%add3A_60, %broadcast_in_dim3A_38] : memref<256x8xf32, #tpu.memory_space<vmem>>[vector<16xi32>, vector<16xi32>], vector<16xf32>,
    %gather3A_62 = tpu.vector_load_idx %arg9[%gather3A, %add3A_22] : memref<64x64xf32, #tpu.memory_space<vmem>>[vector<16xi32>, vector<16xi32>], vector<16xf32>,
    %mul3A_63 = arith.mulf %gather3A_61, %gather3A_62 : vector<16xf32>
    %eq3A = arith.cmpi eq, %add3A_22, %gather3A : vector<16xi32>
    %gather3A_64 = tpu.vector_load_idx %arg9[%gather3A, %add3A_25] : memref<64x64xf32, #tpu.memory_space<vmem>>[vector<16xi32>, vector<16xi32>], vector<16xf32>,
    %mul3A_65 = arith.mulf %gather3A_61, %gather3A_64 : vector<16xf32>
    %eq3A_66 = arith.cmpi eq, %add3A_25, %gather3A : vector<16xi32>
    %gather3A_67 = tpu.vector_load_idx %arg9[%gather3A, %add3A_28] : memref<64x64xf32, #tpu.memory_space<vmem>>[vector<16xi32>, vector<16xi32>], vector<16xf32>,
    %mul3A_68 = arith.mulf %gather3A_61, %gather3A_67 : vector<16xf32>
    %eq3A_69 = arith.cmpi eq, %add3A_28, %gather3A : vector<16xi32>
    %gather3A_70 = tpu.vector_load_idx %arg9[%gather3A, %add3A_31] : memref<64x64xf32, #tpu.memory_space<vmem>>[vector<16xi32>, vector<16xi32>], vector<16xf32>,
    %mul3A_71 = arith.mulf %gather3A_61, %gather3A_70 : vector<16xf32>
    %eq3A_72 = arith.cmpi eq, %add3A_31, %gather3A : vector<16xi32>
    %gather3A_73 = tpu.vector_load_idx %arg10[%add3A_60, %broadcast_in_dim3A_40] : memref<256x8xi32, #tpu.memory_space<vmem>>[vector<16xi32>, vector<16xi32>], vector<16xi32>,
    %gather3A_74 = tpu.vector_load_idx %arg11[%add3A_60, %broadcast_in_dim3A_40] : memref<256x8xf32, #tpu.memory_space<vmem>>[vector<16xi32>, vector<16xi32>], vector<16xf32>,
    %gather3A_75 = tpu.vector_load_idx %arg9[%gather3A_73, %add3A_22] : memref<64x64xf32, #tpu.memory_space<vmem>>[vector<16xi32>, vector<16xi32>], vector<16xf32>,
    %mul3A_76 = arith.mulf %gather3A_74, %gather3A_75 : vector<16xf32>
    %eq3A_77 = arith.cmpi eq, %add3A_22, %gather3A_73 : vector<16xi32>
    %gather3A_78 = tpu.vector_load_idx %arg9[%gather3A_73, %add3A_25] : memref<64x64xf32, #tpu.memory_space<vmem>>[vector<16xi32>, vector<16xi32>], vector<16xf32>,
    %mul3A_79 = arith.mulf %gather3A_74, %gather3A_78 : vector<16xf32>
    %eq3A_80 = arith.cmpi eq, %add3A_25, %gather3A_73 : vector<16xi32>
    %gather3A_81 = tpu.vector_load_idx %arg9[%gather3A_73, %add3A_28] : memref<64x64xf32, #tpu.memory_space<vmem>>[vector<16xi32>, vector<16xi32>], vector<16xf32>,
    %mul3A_82 = arith.mulf %gather3A_74, %gather3A_81 : vector<16xf32>
    %eq3A_83 = arith.cmpi eq, %add3A_28, %gather3A_73 : vector<16xi32>
    %gather3A_84 = tpu.vector_load_idx %arg9[%gather3A_73, %add3A_31] : memref<64x64xf32, #tpu.memory_space<vmem>>[vector<16xi32>, vector<16xi32>], vector<16xf32>,
    %mul3A_85 = arith.mulf %gather3A_74, %gather3A_84 : vector<16xf32>
    %eq3A_86 = arith.cmpi eq, %add3A_31, %gather3A_73 : vector<16xi32>
    %gather3A_87 = tpu.vector_load_idx %arg10[%add3A_60, %broadcast_in_dim3A_42] : memref<256x8xi32, #tpu.memory_space<vmem>>[vector<16xi32>, vector<16xi32>], vector<16xi32>,
    %gather3A_88 = tpu.vector_load_idx %arg11[%add3A_60, %broadcast_in_dim3A_42] : memref<256x8xf32, #tpu.memory_space<vmem>>[vector<16xi32>, vector<16xi32>], vector<16xf32>,
    %gather3A_89 = tpu.vector_load_idx %arg9[%gather3A_87, %add3A_22] : memref<64x64xf32, #tpu.memory_space<vmem>>[vector<16xi32>, vector<16xi32>], vector<16xf32>,
    %mul3A_90 = arith.mulf %gather3A_88, %gather3A_89 : vector<16xf32>
    %eq3A_91 = arith.cmpi eq, %add3A_22, %gather3A_87 : vector<16xi32>
    %gather3A_92 = tpu.vector_load_idx %arg9[%gather3A_87, %add3A_25] : memref<64x64xf32, #tpu.memory_space<vmem>>[vector<16xi32>, vector<16xi32>], vector<16xf32>,
    %mul3A_93 = arith.mulf %gather3A_88, %gather3A_92 : vector<16xf32>
    %eq3A_94 = arith.cmpi eq, %add3A_25, %gather3A_87 : vector<16xi32>
    %gather3A_95 = tpu.vector_load_idx %arg9[%gather3A_87, %add3A_28] : memref<64x64xf32, #tpu.memory_space<vmem>>[vector<16xi32>, vector<16xi32>], vector<16xf32>,
    %mul3A_96 = arith.mulf %gather3A_88, %gather3A_95 : vector<16xf32>
    %eq3A_97 = arith.cmpi eq, %add3A_28, %gather3A_87 : vector<16xi32>
    %gather3A_98 = tpu.vector_load_idx %arg9[%gather3A_87, %add3A_31] : memref<64x64xf32, #tpu.memory_space<vmem>>[vector<16xi32>, vector<16xi32>], vector<16xf32>,
    %mul3A_99 = arith.mulf %gather3A_88, %gather3A_98 : vector<16xf32>
    %eq3A_100 = arith.cmpi eq, %add3A_31, %gather3A_87 : vector<16xi32>
    %gather3A_101 = tpu.vector_load_idx %arg10[%add3A_60, %broadcast_in_dim3A_44] : memref<256x8xi32, #tpu.memory_space<vmem>>[vector<16xi32>, vector<16xi32>], vector<16xi32>,
    %gather3A_102 = tpu.vector_load_idx %arg11[%add3A_60, %broadcast_in_dim3A_44] : memref<256x8xf32, #tpu.memory_space<vmem>>[vector<16xi32>, vector<16xi32>], vector<16xf32>,
    %gather3A_103 = tpu.vector_load_idx %arg9[%gather3A_101, %add3A_22] : memref<64x64xf32, #tpu.memory_space<vmem>>[vector<16xi32>, vector<16xi32>], vector<16xf32>,
    %mul3A_104 = arith.mulf %gather3A_102, %gather3A_103 : vector<16xf32>
    %eq3A_105 = arith.cmpi eq, %add3A_22, %gather3A_101 : vector<16xi32>
    %gather3A_106 = tpu.vector_load_idx %arg9[%gather3A_101, %add3A_25] : memref<64x64xf32, #tpu.memory_space<vmem>>[vector<16xi32>, vector<16xi32>], vector<16xf32>,
    %mul3A_107 = arith.mulf %gather3A_102, %gather3A_106 : vector<16xf32>
    %eq3A_108 = arith.cmpi eq, %add3A_25, %gather3A_101 : vector<16xi32>
    %gather3A_109 = tpu.vector_load_idx %arg9[%gather3A_101, %add3A_28] : memref<64x64xf32, #tpu.memory_space<vmem>>[vector<16xi32>, vector<16xi32>], vector<16xf32>,
    %mul3A_110 = arith.mulf %gather3A_102, %gather3A_109 : vector<16xf32>
    %eq3A_111 = arith.cmpi eq, %add3A_28, %gather3A_101 : vector<16xi32>
    %gather3A_112 = tpu.vector_load_idx %arg9[%gather3A_101, %add3A_31] : memref<64x64xf32, #tpu.memory_space<vmem>>[vector<16xi32>, vector<16xi32>], vector<16xf32>,
    %mul3A_113 = arith.mulf %gather3A_102, %gather3A_112 : vector<16xf32>
    %eq3A_114 = arith.cmpi eq, %add3A_31, %gather3A_101 : vector<16xi32>
    %gather3A_115 = tpu.vector_load_idx %arg10[%add3A_60, %broadcast_in_dim3A_46] : memref<256x8xi32, #tpu.memory_space<vmem>>[vector<16xi32>, vector<16xi32>], vector<16xi32>,
    %gather3A_116 = tpu.vector_load_idx %arg11[%add3A_60, %broadcast_in_dim3A_46] : memref<256x8xf32, #tpu.memory_space<vmem>>[vector<16xi32>, vector<16xi32>], vector<16xf32>,
    %gather3A_117 = tpu.vector_load_idx %arg9[%gather3A_115, %add3A_22] : memref<64x64xf32, #tpu.memory_space<vmem>>[vector<16xi32>, vector<16xi32>], vector<16xf32>,
    %mul3A_118 = arith.mulf %gather3A_116, %gather3A_117 : vector<16xf32>
    %eq3A_119 = arith.cmpi eq, %add3A_22, %gather3A_115 : vector<16xi32>
    %gather3A_120 = tpu.vector_load_idx %arg9[%gather3A_115, %add3A_25] : memref<64x64xf32, #tpu.memory_space<vmem>>[vector<16xi32>, vector<16xi32>], vector<16xf32>,
    %mul3A_121 = arith.mulf %gather3A_116, %gather3A_120 : vector<16xf32>
    %eq3A_122 = arith.cmpi eq, %add3A_25, %gather3A_115 : vector<16xi32>
    %gather3A_123 = tpu.vector_load_idx %arg9[%gather3A_115, %add3A_28] : memref<64x64xf32, #tpu.memory_space<vmem>>[vector<16xi32>, vector<16xi32>], vector<16xf32>,
    %mul3A_124 = arith.mulf %gather3A_116, %gather3A_123 : vector<16xf32>
    %eq3A_125 = arith.cmpi eq, %add3A_28, %gather3A_115 : vector<16xi32>
    %gather3A_126 = tpu.vector_load_idx %arg9[%gather3A_115, %add3A_31] : memref<64x64xf32, #tpu.memory_space<vmem>>[vector<16xi32>, vector<16xi32>], vector<16xf32>,
    %mul3A_127 = arith.mulf %gather3A_116, %gather3A_126 : vector<16xf32>
    %eq3A_128 = arith.cmpi eq, %add3A_31, %gather3A_115 : vector<16xi32>
    %gather3A_129 = tpu.vector_load_idx %arg10[%add3A_60, %broadcast_in_dim3A_48] : memref<256x8xi32, #tpu.memory_space<vmem>>[vector<16xi32>, vector<16xi32>], vector<16xi32>,
    %gather3A_130 = tpu.vector_load_idx %arg11[%add3A_60, %broadcast_in_dim3A_48] : memref<256x8xf32, #tpu.memory_space<vmem>>[vector<16xi32>, vector<16xi32>], vector<16xf32>,
    %gather3A_131 = tpu.vector_load_idx %arg9[%gather3A_129, %add3A_22] : memref<64x64xf32, #tpu.memory_space<vmem>>[vector<16xi32>, vector<16xi32>], vector<16xf32>,
    %mul3A_132 = arith.mulf %gather3A_130, %gather3A_131 : vector<16xf32>
    %eq3A_133 = arith.cmpi eq, %add3A_22, %gather3A_129 : vector<16xi32>
    %gather3A_134 = tpu.vector_load_idx %arg9[%gather3A_129, %add3A_25] : memref<64x64xf32, #tpu.memory_space<vmem>>[vector<16xi32>, vector<16xi32>], vector<16xf32>,
    %mul3A_135 = arith.mulf %gather3A_130, %gather3A_134 : vector<16xf32>
    %eq3A_136 = arith.cmpi eq, %add3A_25, %gather3A_129 : vector<16xi32>
    %gather3A_137 = tpu.vector_load_idx %arg9[%gather3A_129, %add3A_28] : memref<64x64xf32, #tpu.memory_space<vmem>>[vector<16xi32>, vector<16xi32>], vector<16xf32>,
    %mul3A_138 = arith.mulf %gather3A_130, %gather3A_137 : vector<16xf32>
    %eq3A_139 = arith.cmpi eq, %add3A_28, %gather3A_129 : vector<16xi32>
    %gather3A_140 = tpu.vector_load_idx %arg9[%gather3A_129, %add3A_31] : memref<64x64xf32, #tpu.memory_space<vmem>>[vector<16xi32>, vector<16xi32>], vector<16xf32>,
    %mul3A_141 = arith.mulf %gather3A_130, %gather3A_140 : vector<16xf32>
    %eq3A_142 = arith.cmpi eq, %add3A_31, %gather3A_129 : vector<16xi32>
    %gather3A_143 = tpu.vector_load_idx %arg10[%add3A_60, %broadcast_in_dim3A_50] : memref<256x8xi32, #tpu.memory_space<vmem>>[vector<16xi32>, vector<16xi32>], vector<16xi32>,
    %gather3A_144 = tpu.vector_load_idx %arg11[%add3A_60, %broadcast_in_dim3A_50] : memref<256x8xf32, #tpu.memory_space<vmem>>[vector<16xi32>, vector<16xi32>], vector<16xf32>,
    %gather3A_145 = tpu.vector_load_idx %arg9[%gather3A_143, %add3A_22] : memref<64x64xf32, #tpu.memory_space<vmem>>[vector<16xi32>, vector<16xi32>], vector<16xf32>,
    %mul3A_146 = arith.mulf %gather3A_144, %gather3A_145 : vector<16xf32>
    %eq3A_147 = arith.cmpi eq, %add3A_22, %gather3A_143 : vector<16xi32>
    %gather3A_148 = tpu.vector_load_idx %arg9[%gather3A_143, %add3A_25] : memref<64x64xf32, #tpu.memory_space<vmem>>[vector<16xi32>, vector<16xi32>], vector<16xf32>,
    %mul3A_149 = arith.mulf %gather3A_144, %gather3A_148 : vector<16xf32>
    %eq3A_150 = arith.cmpi eq, %add3A_25, %gather3A_143 : vector<16xi32>
    %gather3A_151 = tpu.vector_load_idx %arg9[%gather3A_143, %add3A_28] : memref<64x64xf32, #tpu.memory_space<vmem>>[vector<16xi32>, vector<16xi32>], vector<16xf32>,
    %mul3A_152 = arith.mulf %gather3A_144, %gather3A_151 : vector<16xf32>
    %eq3A_153 = arith.cmpi eq, %add3A_28, %gather3A_143 : vector<16xi32>
    %gather3A_154 = tpu.vector_load_idx %arg9[%gather3A_143, %add3A_31] : memref<64x64xf32, #tpu.memory_space<vmem>>[vector<16xi32>, vector<16xi32>], vector<16xf32>,
    %mul3A_155 = arith.mulf %gather3A_144, %gather3A_154 : vector<16xf32>
    %eq3A_156 = arith.cmpi eq, %add3A_31, %gather3A_143 : vector<16xi32>
    %gather3A_157 = tpu.vector_load_idx %arg10[%add3A_60, %broadcast_in_dim3A_52] : memref<256x8xi32, #tpu.memory_space<vmem>>[vector<16xi32>, vector<16xi32>], vector<16xi32>,
    %gather3A_158 = tpu.vector_load_idx %arg11[%add3A_60, %broadcast_in_dim3A_52] : memref<256x8xf32, #tpu.memory_space<vmem>>[vector<16xi32>, vector<16xi32>], vector<16xf32>,
    %gather3A_159 = tpu.vector_load_idx %arg9[%gather3A_157, %add3A_22] : memref<64x64xf32, #tpu.memory_space<vmem>>[vector<16xi32>, vector<16xi32>], vector<16xf32>,
    %mul3A_160 = arith.mulf %gather3A_158, %gather3A_159 : vector<16xf32>
    %eq3A_161 = arith.cmpi eq, %add3A_22, %gather3A_157 : vector<16xi32>
    %gather3A_162 = tpu.vector_load_idx %arg9[%gather3A_157, %add3A_25] : memref<64x64xf32, #tpu.memory_space<vmem>>[vector<16xi32>, vector<16xi32>], vector<16xf32>,
    %mul3A_163 = arith.mulf %gather3A_158, %gather3A_162 : vector<16xf32>
    %eq3A_164 = arith.cmpi eq, %add3A_25, %gather3A_157 : vector<16xi32>
    %gather3A_165 = tpu.vector_load_idx %arg9[%gather3A_157, %add3A_28] : memref<64x64xf32, #tpu.memory_space<vmem>>[vector<16xi32>, vector<16xi32>], vector<16xf32>,
    %mul3A_166 = arith.mulf %gather3A_158, %gather3A_165 : vector<16xf32>
    %eq3A_167 = arith.cmpi eq, %add3A_28, %gather3A_157 : vector<16xi32>
    %gather3A_168 = tpu.vector_load_idx %arg9[%gather3A_157, %add3A_31] : memref<64x64xf32, #tpu.memory_space<vmem>>[vector<16xi32>, vector<16xi32>], vector<16xf32>,
    %mul3A_169 = arith.mulf %gather3A_158, %gather3A_168 : vector<16xf32>
    %eq3A_170 = arith.cmpi eq, %add3A_31, %gather3A_157 : vector<16xi32>
    %or3A = arith.ori %eq3A, %eq3A_77 : vector<16xi1>
    %or3A_171 = arith.ori %eq3A_91, %eq3A_105 : vector<16xi1>
    %or3A_172 = arith.ori %eq3A_119, %eq3A_133 : vector<16xi1>
    %or3A_173 = arith.ori %eq3A_147, %eq3A_161 : vector<16xi1>
    %or3A_174 = arith.ori %or3A, %or3A_171 : vector<16xi1>
    %or3A_175 = arith.ori %or3A_172, %or3A_173 : vector<16xi1>
    %or3A_176 = arith.ori %or3A_174, %or3A_175 : vector<16xi1>
    %add3A_177 = arith.addf %mul3A_63, %mul3A_76 : vector<16xf32>
    %add3A_178 = arith.addf %mul3A_90, %mul3A_104 : vector<16xf32>
    %add3A_179 = arith.addf %mul3A_118, %mul3A_132 : vector<16xf32>
    %add3A_180 = arith.addf %mul3A_146, %mul3A_160 : vector<16xf32>
    %add3A_181 = arith.addf %add3A_177, %add3A_178 : vector<16xf32>
    %add3A_182 = arith.addf %add3A_179, %add3A_180 : vector<16xf32>
    %add3A_183 = arith.addf %add3A_181, %add3A_182 : vector<16xf32>
    %select_n3A = arith.select %or3A_176, %broadcast_in_dim3A_19, %add3A_183 : vector<16xi1>, vector<16xf32>
    %or3A_184 = arith.ori %eq3A_66, %eq3A_80 : vector<16xi1>
    %or3A_185 = arith.ori %eq3A_94, %eq3A_108 : vector<16xi1>
    %or3A_186 = arith.ori %eq3A_122, %eq3A_136 : vector<16xi1>
    %or3A_187 = arith.ori %eq3A_150, %eq3A_164 : vector<16xi1>
    %or3A_188 = arith.ori %or3A_184, %or3A_185 : vector<16xi1>
    %or3A_189 = arith.ori %or3A_186, %or3A_187 : vector<16xi1>
    %or3A_190 = arith.ori %or3A_188, %or3A_189 : vector<16xi1>
    %add3A_191 = arith.addf %mul3A_65, %mul3A_79 : vector<16xf32>
    %add3A_192 = arith.addf %mul3A_93, %mul3A_107 : vector<16xf32>
    %add3A_193 = arith.addf %mul3A_121, %mul3A_135 : vector<16xf32>
    %add3A_194 = arith.addf %mul3A_149, %mul3A_163 : vector<16xf32>
    %add3A_195 = arith.addf %add3A_191, %add3A_192 : vector<16xf32>
    %add3A_196 = arith.addf %add3A_193, %add3A_194 : vector<16xf32>
    %add3A_197 = arith.addf %add3A_195, %add3A_196 : vector<16xf32>
    %select_n3A_198 = arith.select %or3A_190, %broadcast_in_dim3A_19, %add3A_197 : vector<16xi1>, vector<16xf32>
    %or3A_199 = arith.ori %eq3A_69, %eq3A_83 : vector<16xi1>
    %or3A_200 = arith.ori %eq3A_97, %eq3A_111 : vector<16xi1>
    %or3A_201 = arith.ori %eq3A_125, %eq3A_139 : vector<16xi1>
    %or3A_202 = arith.ori %eq3A_153, %eq3A_167 : vector<16xi1>
    %or3A_203 = arith.ori %or3A_199, %or3A_200 : vector<16xi1>
    %or3A_204 = arith.ori %or3A_201, %or3A_202 : vector<16xi1>
    %or3A_205 = arith.ori %or3A_203, %or3A_204 : vector<16xi1>
    %add3A_206 = arith.addf %mul3A_68, %mul3A_82 : vector<16xf32>
    %add3A_207 = arith.addf %mul3A_96, %mul3A_110 : vector<16xf32>
    %add3A_208 = arith.addf %mul3A_124, %mul3A_138 : vector<16xf32>
    %add3A_209 = arith.addf %mul3A_152, %mul3A_166 : vector<16xf32>
    %add3A_210 = arith.addf %add3A_206, %add3A_207 : vector<16xf32>
    %add3A_211 = arith.addf %add3A_208, %add3A_209 : vector<16xf32>
    %add3A_212 = arith.addf %add3A_210, %add3A_211 : vector<16xf32>
    %select_n3A_213 = arith.select %or3A_205, %broadcast_in_dim3A_19, %add3A_212 : vector<16xi1>, vector<16xf32>
    %or3A_214 = arith.ori %eq3A_72, %eq3A_86 : vector<16xi1>
    %or3A_215 = arith.ori %eq3A_100, %eq3A_114 : vector<16xi1>
    %or3A_216 = arith.ori %eq3A_128, %eq3A_142 : vector<16xi1>
    %or3A_217 = arith.ori %eq3A_156, %eq3A_170 : vector<16xi1>
    %or3A_218 = arith.ori %or3A_214, %or3A_215 : vector<16xi1>
    %or3A_219 = arith.ori %or3A_216, %or3A_217 : vector<16xi1>
    %or3A_220 = arith.ori %or3A_218, %or3A_219 : vector<16xi1>
    %add3A_221 = arith.addf %mul3A_71, %mul3A_85 : vector<16xf32>
    %add3A_222 = arith.addf %mul3A_99, %mul3A_113 : vector<16xf32>
    %add3A_223 = arith.addf %mul3A_127, %mul3A_141 : vector<16xf32>
    %add3A_224 = arith.addf %mul3A_155, %mul3A_169 : vector<16xf32>
    %add3A_225 = arith.addf %add3A_221, %add3A_222 : vector<16xf32>
    %add3A_226 = arith.addf %add3A_223, %add3A_224 : vector<16xf32>
    %add3A_227 = arith.addf %add3A_225, %add3A_226 : vector<16xf32>
    %select_n3A_228 = arith.select %or3A_220, %broadcast_in_dim3A_19, %add3A_227 : vector<16xi1>, vector<16xf32>
    %gather3A_229 = tpu.vector_load_idx %arg10[%add3A_60, %and3A_33] : memref<256x8xi32, #tpu.memory_space<vmem>>[vector<16xi32>, vector<16xi32>], vector<16xi32>,
    %gather3A_230 = tpu.vector_load_idx %arg11[%add3A_60, %and3A_33] : memref<256x8xf32, #tpu.memory_space<vmem>>[vector<16xi32>, vector<16xi32>], vector<16xf32>,
    %swap3A = arith.constant 1 : i32
    %swap3A_231 = arith.constant 0 : i32
    %swap3A_232 = arith.index_cast %swap3A : i32 to index
    %swap3A_233 = arith.index_cast %swap3A_231 : i32 to index
    %swap3A_234 = arith.constant 0 : index
    %swap3A_235 = tpu.vector_load %arg16[%swap3A_232, %swap3A_233, %swap3A_234] {strides = array<i32>} : memref<2x5x16xf32, #tpu.memory_space<vmem>>, vector<16xf32>,
    tpu.vector_store %arg16[%swap3A_232, %swap3A_233, %swap3A_234], %select_n3A {strides = array<i32>} : memref<2x5x16xf32, #tpu.memory_space<vmem>>, vector<16xf32>,
    %swap3A_236 = arith.constant 1 : i32
    %swap3A_237 = arith.constant 1 : i32
    %swap3A_238 = arith.index_cast %swap3A_236 : i32 to index
    %swap3A_239 = arith.index_cast %swap3A_237 : i32 to index
    %swap3A_240 = arith.constant 0 : index
    %swap3A_241 = tpu.vector_load %arg16[%swap3A_238, %swap3A_239, %swap3A_240] {strides = array<i32>} : memref<2x5x16xf32, #tpu.memory_space<vmem>>, vector<16xf32>,
    tpu.vector_store %arg16[%swap3A_238, %swap3A_239, %swap3A_240], %select_n3A_198 {strides = array<i32>} : memref<2x5x16xf32, #tpu.memory_space<vmem>>, vector<16xf32>,
    %swap3A_242 = arith.constant 1 : i32
    %swap3A_243 = arith.constant 2 : i32
    %swap3A_244 = arith.index_cast %swap3A_242 : i32 to index
    %swap3A_245 = arith.index_cast %swap3A_243 : i32 to index
    %swap3A_246 = arith.constant 0 : index
    %swap3A_247 = tpu.vector_load %arg16[%swap3A_244, %swap3A_245, %swap3A_246] {strides = array<i32>} : memref<2x5x16xf32, #tpu.memory_space<vmem>>, vector<16xf32>,
    tpu.vector_store %arg16[%swap3A_244, %swap3A_245, %swap3A_246], %select_n3A_213 {strides = array<i32>} : memref<2x5x16xf32, #tpu.memory_space<vmem>>, vector<16xf32>,
    %swap3A_248 = arith.constant 1 : i32
    %swap3A_249 = arith.constant 3 : i32
    %swap3A_250 = arith.index_cast %swap3A_248 : i32 to index
    %swap3A_251 = arith.index_cast %swap3A_249 : i32 to index
    %swap3A_252 = arith.constant 0 : index
    %swap3A_253 = tpu.vector_load %arg16[%swap3A_250, %swap3A_251, %swap3A_252] {strides = array<i32>} : memref<2x5x16xf32, #tpu.memory_space<vmem>>, vector<16xf32>,
    tpu.vector_store %arg16[%swap3A_250, %swap3A_251, %swap3A_252], %select_n3A_228 {strides = array<i32>} : memref<2x5x16xf32, #tpu.memory_space<vmem>>, vector<16xf32>,
    %swap3A_254 = arith.constant 1 : i32
    %swap3A_255 = arith.constant 4 : i32
    %swap3A_256 = arith.index_cast %swap3A_254 : i32 to index
    %swap3A_257 = arith.index_cast %swap3A_255 : i32 to index
    %swap3A_258 = arith.constant 0 : index
    %swap3A_259 = tpu.vector_load %arg16[%swap3A_256, %swap3A_257, %swap3A_258] {strides = array<i32>} : memref<2x5x16xf32, #tpu.memory_space<vmem>>, vector<16xf32>,
    tpu.vector_store %arg16[%swap3A_256, %swap3A_257, %swap3A_258], %gather3A_230 {strides = array<i32>} : memref<2x5x16xf32, #tpu.memory_space<vmem>>, vector<16xf32>,
    %swap3A_260 = arith.constant 1 : i32
    %swap3A_261 = arith.index_cast %swap3A_260 : i32 to index
    %swap3A_262 = arith.constant 0 : index
    %swap3A_263 = tpu.vector_load %arg17[%swap3A_261, %swap3A_262] {strides = array<i32>} : memref<2x16xi32, #tpu.memory_space<vmem>>, vector<16xi32>,
    tpu.vector_store %arg17[%swap3A_261, %swap3A_262], %gather3A_229 {strides = array<i32>} : memref<2x16xi32, #tpu.memory_space<vmem>>, vector<16xi32>,
    %scan3A = arith.constant 0 : i32
    %scan3A_264 = arith.constant 0 : i32
    %scan3A_265 = arith.constant 257 : i32
    %scan3A_266 = arith.addi %scan3A_264, %scan3A_265 : i32
    %scan3A_267 = arith.constant 1 : i32
    scf.for %scan3A_269 = %scan3A_264 to %scan3A_266 step %scan3A_267  : i32 {
      %add3A_270 = arith.constant 1 : i32
      %add3A_271 = arith.addi %scan3A_269, %add3A_270 : i32
      %and3A_272 = arith.constant 1 : i32
      %and3A_273 = arith.andi %add3A_271, %and3A_272 : i32
      %get3A_274 = arith.constant 0 : i32
      %get3A_275 = arith.index_cast %and3A_273 : i32 to index
      %get3A_276 = arith.index_cast %get3A_274 : i32 to index
      %get3A_277 = arith.constant 0 : index
      %get3A_278 = tpu.vector_load %arg16[%get3A_275, %get3A_276, %get3A_277] {strides = array<i32>} : memref<2x5x16xf32, #tpu.memory_space<vmem>>, vector<16xf32>,
      %get3A_279 = arith.constant 1 : i32
      %get3A_280 = arith.index_cast %and3A_273 : i32 to index
      %get3A_281 = arith.index_cast %get3A_279 : i32 to index
      %get3A_282 = arith.constant 0 : index
      %get3A_283 = tpu.vector_load %arg16[%get3A_280, %get3A_281, %get3A_282] {strides = array<i32>} : memref<2x5x16xf32, #tpu.memory_space<vmem>>, vector<16xf32>,
      %get3A_284 = arith.constant 2 : i32
      %get3A_285 = arith.index_cast %and3A_273 : i32 to index
      %get3A_286 = arith.index_cast %get3A_284 : i32 to index
      %get3A_287 = arith.constant 0 : index
      %get3A_288 = tpu.vector_load %arg16[%get3A_285, %get3A_286, %get3A_287] {strides = array<i32>} : memref<2x5x16xf32, #tpu.memory_space<vmem>>, vector<16xf32>,
      %get3A_289 = arith.constant 3 : i32
      %get3A_290 = arith.index_cast %and3A_273 : i32 to index
      %get3A_291 = arith.index_cast %get3A_289 : i32 to index
      %get3A_292 = arith.constant 0 : index
      %get3A_293 = tpu.vector_load %arg16[%get3A_290, %get3A_291, %get3A_292] {strides = array<i32>} : memref<2x5x16xf32, #tpu.memory_space<vmem>>, vector<16xf32>,
      %get3A_294 = arith.index_cast %and3A_273 : i32 to index
      %get3A_295 = arith.constant 0 : index
      %get3A_296 = tpu.vector_load %arg17[%get3A_294, %get3A_295] {strides = array<i32>} : memref<2x16xi32, #tpu.memory_space<vmem>>, vector<16xi32>,
      %get3A_297 = arith.constant 4 : i32
      %get3A_298 = arith.index_cast %and3A_273 : i32 to index
      %get3A_299 = arith.index_cast %get3A_297 : i32 to index
      %get3A_300 = arith.constant 0 : index
      %get3A_301 = tpu.vector_load %arg16[%get3A_298, %get3A_299, %get3A_300] {strides = array<i32>} : memref<2x5x16xf32, #tpu.memory_space<vmem>>, vector<16xf32>,
      %masked_sort3A = arith.constant dense<true> : vector<16xi1>
      %masked_sort3A_302, %masked_sort3A_303, %masked_sort3A_304 = tpu.sort %get3A_278, %add3A_22 masked %masked_sort3A {descending = true} : (vector<16xf32>, vector<16xi32>, vector<16xi1>) -> (vector<16xi1>, vector<16xf32>, vector<16xi32>)
      %masked_sort3A_305 = arith.constant dense<true> : vector<16xi1>
      %masked_sort3A_306, %masked_sort3A_307, %masked_sort3A_308 = tpu.sort %get3A_283, %add3A_25 masked %masked_sort3A_305 : (vector<16xf32>, vector<16xi32>, vector<16xi1>) -> (vector<16xi1>, vector<16xf32>, vector<16xi32>)
      %masked_sort3A_309 = arith.constant dense<true> : vector<16xi1>
      %masked_sort3A_310, %masked_sort3A_311, %masked_sort3A_312 = tpu.sort %get3A_288, %add3A_28 masked %masked_sort3A_309 {descending = true} : (vector<16xf32>, vector<16xi32>, vector<16xi1>) -> (vector<16xi1>, vector<16xf32>, vector<16xi32>)
      %masked_sort3A_313 = arith.constant dense<true> : vector<16xi1>
      %masked_sort3A_314, %masked_sort3A_315, %masked_sort3A_316 = tpu.sort %get3A_293, %add3A_31 masked %masked_sort3A_313 : (vector<16xf32>, vector<16xi32>, vector<16xi1>) -> (vector<16xi1>, vector<16xf32>, vector<16xi32>)
      %and3A_317 = arith.constant 1 : i32
      %and3A_318 = arith.andi %scan3A_269, %and3A_317 : i32
      %min3A = arith.constant 255 : i32
      %min3A_319 = arith.minsi %scan3A_269, %min3A : i32
      %broadcast_in_dim3A_320 = arith.constant 0 : i32
      %broadcast_in_dim3A_321 = vector.broadcast %broadcast_in_dim3A_320 : i32 to vector<16xi32>
      %add3A_322 = vector.broadcast %min3A_319 : i32 to vector<16xi32>
      %add3A_323 = arith.addi %broadcast_in_dim3A_321, %add3A_322 : vector<16xi32>
      %gather3A_324 = tpu.vector_load_idx %arg10[%add3A_323, %broadcast_in_dim3A_38] : memref<256x8xi32, #tpu.memory_space<vmem>>[vector<16xi32>, vector<16xi32>], vector<16xi32>,
      %gather3A_325 = tpu.vector_load_idx %arg11[%add3A_323, %broadcast_in_dim3A_38] : memref<256x8xf32, #tpu.memory_space<vmem>>[vector<16xi32>, vector<16xi32>], vector<16xf32>,
      %gather3A_326 = tpu.vector_load_idx %arg9[%gather3A_324, %add3A_22] : memref<64x64xf32, #tpu.memory_space<vmem>>[vector<16xi32>, vector<16xi32>], vector<16xf32>,
      %mul3A_327 = arith.mulf %gather3A_325, %gather3A_326 : vector<16xf32>
      %eq3A_328 = arith.cmpi eq, %add3A_22, %gather3A_324 : vector<16xi32>
      %gather3A_329 = tpu.vector_load_idx %arg9[%gather3A_324, %add3A_25] : memref<64x64xf32, #tpu.memory_space<vmem>>[vector<16xi32>, vector<16xi32>], vector<16xf32>,
      %mul3A_330 = arith.mulf %gather3A_325, %gather3A_329 : vector<16xf32>
      %eq3A_331 = arith.cmpi eq, %add3A_25, %gather3A_324 : vector<16xi32>
      %gather3A_332 = tpu.vector_load_idx %arg9[%gather3A_324, %add3A_28] : memref<64x64xf32, #tpu.memory_space<vmem>>[vector<16xi32>, vector<16xi32>], vector<16xf32>,
      %mul3A_333 = arith.mulf %gather3A_325, %gather3A_332 : vector<16xf32>
      %eq3A_334 = arith.cmpi eq, %add3A_28, %gather3A_324 : vector<16xi32>
      %gather3A_335 = tpu.vector_load_idx %arg9[%gather3A_324, %add3A_31] : memref<64x64xf32, #tpu.memory_space<vmem>>[vector<16xi32>, vector<16xi32>], vector<16xf32>,
      %mul3A_336 = arith.mulf %gather3A_325, %gather3A_335 : vector<16xf32>
      %eq3A_337 = arith.cmpi eq, %add3A_31, %gather3A_324 : vector<16xi32>
      %gather3A_338 = tpu.vector_load_idx %arg10[%add3A_323, %broadcast_in_dim3A_40] : memref<256x8xi32, #tpu.memory_space<vmem>>[vector<16xi32>, vector<16xi32>], vector<16xi32>,
      %gather3A_339 = tpu.vector_load_idx %arg11[%add3A_323, %broadcast_in_dim3A_40] : memref<256x8xf32, #tpu.memory_space<vmem>>[vector<16xi32>, vector<16xi32>], vector<16xf32>,
      %gather3A_340 = tpu.vector_load_idx %arg9[%gather3A_338, %add3A_22] : memref<64x64xf32, #tpu.memory_space<vmem>>[vector<16xi32>, vector<16xi32>], vector<16xf32>,
      %mul3A_341 = arith.mulf %gather3A_339, %gather3A_340 : vector<16xf32>
      %eq3A_342 = arith.cmpi eq, %add3A_22, %gather3A_338 : vector<16xi32>
      %gather3A_343 = tpu.vector_load_idx %arg9[%gather3A_338, %add3A_25] : memref<64x64xf32, #tpu.memory_space<vmem>>[vector<16xi32>, vector<16xi32>], vector<16xf32>,
      %mul3A_344 = arith.mulf %gather3A_339, %gather3A_343 : vector<16xf32>
      %eq3A_345 = arith.cmpi eq, %add3A_25, %gather3A_338 : vector<16xi32>
      %gather3A_346 = tpu.vector_load_idx %arg9[%gather3A_338, %add3A_28] : memref<64x64xf32, #tpu.memory_space<vmem>>[vector<16xi32>, vector<16xi32>], vector<16xf32>,
      %mul3A_347 = arith.mulf %gather3A_339, %gather3A_346 : vector<16xf32>
      %eq3A_348 = arith.cmpi eq, %add3A_28, %gather3A_338 : vector<16xi32>
      %gather3A_349 = tpu.vector_load_idx %arg9[%gather3A_338, %add3A_31] : memref<64x64xf32, #tpu.memory_space<vmem>>[vector<16xi32>, vector<16xi32>], vector<16xf32>,
      %mul3A_350 = arith.mulf %gather3A_339, %gather3A_349 : vector<16xf32>
      %eq3A_351 = arith.cmpi eq, %add3A_31, %gather3A_338 : vector<16xi32>
      %gather3A_352 = tpu.vector_load_idx %arg10[%add3A_323, %broadcast_in_dim3A_42] : memref<256x8xi32, #tpu.memory_space<vmem>>[vector<16xi32>, vector<16xi32>], vector<16xi32>,
      %gather3A_353 = tpu.vector_load_idx %arg11[%add3A_323, %broadcast_in_dim3A_42] : memref<256x8xf32, #tpu.memory_space<vmem>>[vector<16xi32>, vector<16xi32>], vector<16xf32>,
      %gather3A_354 = tpu.vector_load_idx %arg9[%gather3A_352, %add3A_22] : memref<64x64xf32, #tpu.memory_space<vmem>>[vector<16xi32>, vector<16xi32>], vector<16xf32>,
      %mul3A_355 = arith.mulf %gather3A_353, %gather3A_354 : vector<16xf32>
      %eq3A_356 = arith.cmpi eq, %add3A_22, %gather3A_352 : vector<16xi32>
      %gather3A_357 = tpu.vector_load_idx %arg9[%gather3A_352, %add3A_25] : memref<64x64xf32, #tpu.memory_space<vmem>>[vector<16xi32>, vector<16xi32>], vector<16xf32>,
      %mul3A_358 = arith.mulf %gather3A_353, %gather3A_357 : vector<16xf32>
      %eq3A_359 = arith.cmpi eq, %add3A_25, %gather3A_352 : vector<16xi32>
      %gather3A_360 = tpu.vector_load_idx %arg9[%gather3A_352, %add3A_28] : memref<64x64xf32, #tpu.memory_space<vmem>>[vector<16xi32>, vector<16xi32>], vector<16xf32>,
      %mul3A_361 = arith.mulf %gather3A_353, %gather3A_360 : vector<16xf32>
      %eq3A_362 = arith.cmpi eq, %add3A_28, %gather3A_352 : vector<16xi32>
      %gather3A_363 = tpu.vector_load_idx %arg9[%gather3A_352, %add3A_31] : memref<64x64xf32, #tpu.memory_space<vmem>>[vector<16xi32>, vector<16xi32>], vector<16xf32>,
      %mul3A_364 = arith.mulf %gather3A_353, %gather3A_363 : vector<16xf32>
      %eq3A_365 = arith.cmpi eq, %add3A_31, %gather3A_352 : vector<16xi32>
      %gather3A_366 = tpu.vector_load_idx %arg10[%add3A_323, %broadcast_in_dim3A_44] : memref<256x8xi32, #tpu.memory_space<vmem>>[vector<16xi32>, vector<16xi32>], vector<16xi32>,
      %gather3A_367 = tpu.vector_load_idx %arg11[%add3A_323, %broadcast_in_dim3A_44] : memref<256x8xf32, #tpu.memory_space<vmem>>[vector<16xi32>, vector<16xi32>], vector<16xf32>,
      %gather3A_368 = tpu.vector_load_idx %arg9[%gather3A_366, %add3A_22] : memref<64x64xf32, #tpu.memory_space<vmem>>[vector<16xi32>, vector<16xi32>], vector<16xf32>,
      %mul3A_369 = arith.mulf %gather3A_367, %gather3A_368 : vector<16xf32>
      %eq3A_370 = arith.cmpi eq, %add3A_22, %gather3A_366 : vector<16xi32>
      %gather3A_371 = tpu.vector_load_idx %arg9[%gather3A_366, %add3A_25] : memref<64x64xf32, #tpu.memory_space<vmem>>[vector<16xi32>, vector<16xi32>], vector<16xf32>,
      %mul3A_372 = arith.mulf %gather3A_367, %gather3A_371 : vector<16xf32>
      %eq3A_373 = arith.cmpi eq, %add3A_25, %gather3A_366 : vector<16xi32>
      %gather3A_374 = tpu.vector_load_idx %arg9[%gather3A_366, %add3A_28] : memref<64x64xf32, #tpu.memory_space<vmem>>[vector<16xi32>, vector<16xi32>], vector<16xf32>,
      %mul3A_375 = arith.mulf %gather3A_367, %gather3A_374 : vector<16xf32>
      %eq3A_376 = arith.cmpi eq, %add3A_28, %gather3A_366 : vector<16xi32>
      %gather3A_377 = tpu.vector_load_idx %arg9[%gather3A_366, %add3A_31] : memref<64x64xf32, #tpu.memory_space<vmem>>[vector<16xi32>, vector<16xi32>], vector<16xf32>,
      %mul3A_378 = arith.mulf %gather3A_367, %gather3A_377 : vector<16xf32>
      %eq3A_379 = arith.cmpi eq, %add3A_31, %gather3A_366 : vector<16xi32>
      %gather3A_380 = tpu.vector_load_idx %arg10[%add3A_323, %broadcast_in_dim3A_46] : memref<256x8xi32, #tpu.memory_space<vmem>>[vector<16xi32>, vector<16xi32>], vector<16xi32>,
      %gather3A_381 = tpu.vector_load_idx %arg11[%add3A_323, %broadcast_in_dim3A_46] : memref<256x8xf32, #tpu.memory_space<vmem>>[vector<16xi32>, vector<16xi32>], vector<16xf32>,
      %gather3A_382 = tpu.vector_load_idx %arg9[%gather3A_380, %add3A_22] : memref<64x64xf32, #tpu.memory_space<vmem>>[vector<16xi32>, vector<16xi32>], vector<16xf32>,
      %mul3A_383 = arith.mulf %gather3A_381, %gather3A_382 : vector<16xf32>
      %eq3A_384 = arith.cmpi eq, %add3A_22, %gather3A_380 : vector<16xi32>
      %gather3A_385 = tpu.vector_load_idx %arg9[%gather3A_380, %add3A_25] : memref<64x64xf32, #tpu.memory_space<vmem>>[vector<16xi32>, vector<16xi32>], vector<16xf32>,
      %mul3A_386 = arith.mulf %gather3A_381, %gather3A_385 : vector<16xf32>
      %eq3A_387 = arith.cmpi eq, %add3A_25, %gather3A_380 : vector<16xi32>
      %gather3A_388 = tpu.vector_load_idx %arg9[%gather3A_380, %add3A_28] : memref<64x64xf32, #tpu.memory_space<vmem>>[vector<16xi32>, vector<16xi32>], vector<16xf32>,
      %mul3A_389 = arith.mulf %gather3A_381, %gather3A_388 : vector<16xf32>
      %eq3A_390 = arith.cmpi eq, %add3A_28, %gather3A_380 : vector<16xi32>
      %gather3A_391 = tpu.vector_load_idx %arg9[%gather3A_380, %add3A_31] : memref<64x64xf32, #tpu.memory_space<vmem>>[vector<16xi32>, vector<16xi32>], vector<16xf32>,
      %mul3A_392 = arith.mulf %gather3A_381, %gather3A_391 : vector<16xf32>
      %eq3A_393 = arith.cmpi eq, %add3A_31, %gather3A_380 : vector<16xi32>
      %gather3A_394 = tpu.vector_load_idx %arg10[%add3A_323, %broadcast_in_dim3A_48] : memref<256x8xi32, #tpu.memory_space<vmem>>[vector<16xi32>, vector<16xi32>], vector<16xi32>,
      %gather3A_395 = tpu.vector_load_idx %arg11[%add3A_323, %broadcast_in_dim3A_48] : memref<256x8xf32, #tpu.memory_space<vmem>>[vector<16xi32>, vector<16xi32>], vector<16xf32>,
      %gather3A_396 = tpu.vector_load_idx %arg9[%gather3A_394, %add3A_22] : memref<64x64xf32, #tpu.memory_space<vmem>>[vector<16xi32>, vector<16xi32>], vector<16xf32>,
      %mul3A_397 = arith.mulf %gather3A_395, %gather3A_396 : vector<16xf32>
      %eq3A_398 = arith.cmpi eq, %add3A_22, %gather3A_394 : vector<16xi32>
      %gather3A_399 = tpu.vector_load_idx %arg9[%gather3A_394, %add3A_25] : memref<64x64xf32, #tpu.memory_space<vmem>>[vector<16xi32>, vector<16xi32>], vector<16xf32>,
      %mul3A_400 = arith.mulf %gather3A_395, %gather3A_399 : vector<16xf32>
      %eq3A_401 = arith.cmpi eq, %add3A_25, %gather3A_394 : vector<16xi32>
      %gather3A_402 = tpu.vector_load_idx %arg9[%gather3A_394, %add3A_28] : memref<64x64xf32, #tpu.memory_space<vmem>>[vector<16xi32>, vector<16xi32>], vector<16xf32>,
      %mul3A_403 = arith.mulf %gather3A_395, %gather3A_402 : vector<16xf32>
      %eq3A_404 = arith.cmpi eq, %add3A_28, %gather3A_394 : vector<16xi32>
      %gather3A_405 = tpu.vector_load_idx %arg9[%gather3A_394, %add3A_31] : memref<64x64xf32, #tpu.memory_space<vmem>>[vector<16xi32>, vector<16xi32>], vector<16xf32>,
      %mul3A_406 = arith.mulf %gather3A_395, %gather3A_405 : vector<16xf32>
      %eq3A_407 = arith.cmpi eq, %add3A_31, %gather3A_394 : vector<16xi32>
      %gather3A_408 = tpu.vector_load_idx %arg10[%add3A_323, %broadcast_in_dim3A_50] : memref<256x8xi32, #tpu.memory_space<vmem>>[vector<16xi32>, vector<16xi32>], vector<16xi32>,
      %gather3A_409 = tpu.vector_load_idx %arg11[%add3A_323, %broadcast_in_dim3A_50] : memref<256x8xf32, #tpu.memory_space<vmem>>[vector<16xi32>, vector<16xi32>], vector<16xf32>,
      %gather3A_410 = tpu.vector_load_idx %arg9[%gather3A_408, %add3A_22] : memref<64x64xf32, #tpu.memory_space<vmem>>[vector<16xi32>, vector<16xi32>], vector<16xf32>,
      %mul3A_411 = arith.mulf %gather3A_409, %gather3A_410 : vector<16xf32>
      %eq3A_412 = arith.cmpi eq, %add3A_22, %gather3A_408 : vector<16xi32>
      %gather3A_413 = tpu.vector_load_idx %arg9[%gather3A_408, %add3A_25] : memref<64x64xf32, #tpu.memory_space<vmem>>[vector<16xi32>, vector<16xi32>], vector<16xf32>,
      %mul3A_414 = arith.mulf %gather3A_409, %gather3A_413 : vector<16xf32>
      %eq3A_415 = arith.cmpi eq, %add3A_25, %gather3A_408 : vector<16xi32>
      %gather3A_416 = tpu.vector_load_idx %arg9[%gather3A_408, %add3A_28] : memref<64x64xf32, #tpu.memory_space<vmem>>[vector<16xi32>, vector<16xi32>], vector<16xf32>,
      %mul3A_417 = arith.mulf %gather3A_409, %gather3A_416 : vector<16xf32>
      %eq3A_418 = arith.cmpi eq, %add3A_28, %gather3A_408 : vector<16xi32>
      %gather3A_419 = tpu.vector_load_idx %arg9[%gather3A_408, %add3A_31] : memref<64x64xf32, #tpu.memory_space<vmem>>[vector<16xi32>, vector<16xi32>], vector<16xf32>,
      %mul3A_420 = arith.mulf %gather3A_409, %gather3A_419 : vector<16xf32>
      %eq3A_421 = arith.cmpi eq, %add3A_31, %gather3A_408 : vector<16xi32>
      %gather3A_422 = tpu.vector_load_idx %arg10[%add3A_323, %broadcast_in_dim3A_52] : memref<256x8xi32, #tpu.memory_space<vmem>>[vector<16xi32>, vector<16xi32>], vector<16xi32>,
      %gather3A_423 = tpu.vector_load_idx %arg11[%add3A_323, %broadcast_in_dim3A_52] : memref<256x8xf32, #tpu.memory_space<vmem>>[vector<16xi32>, vector<16xi32>], vector<16xf32>,
      %gather3A_424 = tpu.vector_load_idx %arg9[%gather3A_422, %add3A_22] : memref<64x64xf32, #tpu.memory_space<vmem>>[vector<16xi32>, vector<16xi32>], vector<16xf32>,
      %mul3A_425 = arith.mulf %gather3A_423, %gather3A_424 : vector<16xf32>
      %eq3A_426 = arith.cmpi eq, %add3A_22, %gather3A_422 : vector<16xi32>
      %gather3A_427 = tpu.vector_load_idx %arg9[%gather3A_422, %add3A_25] : memref<64x64xf32, #tpu.memory_space<vmem>>[vector<16xi32>, vector<16xi32>], vector<16xf32>,
      %mul3A_428 = arith.mulf %gather3A_423, %gather3A_427 : vector<16xf32>
      %eq3A_429 = arith.cmpi eq, %add3A_25, %gather3A_422 : vector<16xi32>
      %gather3A_430 = tpu.vector_load_idx %arg9[%gather3A_422, %add3A_28] : memref<64x64xf32, #tpu.memory_space<vmem>>[vector<16xi32>, vector<16xi32>], vector<16xf32>,
      %mul3A_431 = arith.mulf %gather3A_423, %gather3A_430 : vector<16xf32>
      %eq3A_432 = arith.cmpi eq, %add3A_28, %gather3A_422 : vector<16xi32>
      %gather3A_433 = tpu.vector_load_idx %arg9[%gather3A_422, %add3A_31] : memref<64x64xf32, #tpu.memory_space<vmem>>[vector<16xi32>, vector<16xi32>], vector<16xf32>,
      %mul3A_434 = arith.mulf %gather3A_423, %gather3A_433 : vector<16xf32>
      %eq3A_435 = arith.cmpi eq, %add3A_31, %gather3A_422 : vector<16xi32>
      %or3A_436 = arith.ori %eq3A_328, %eq3A_342 : vector<16xi1>
      %or3A_437 = arith.ori %eq3A_356, %eq3A_370 : vector<16xi1>
      %or3A_438 = arith.ori %eq3A_384, %eq3A_398 : vector<16xi1>
      %or3A_439 = arith.ori %eq3A_412, %eq3A_426 : vector<16xi1>
      %or3A_440 = arith.ori %or3A_436, %or3A_437 : vector<16xi1>
      %or3A_441 = arith.ori %or3A_438, %or3A_439 : vector<16xi1>
      %or3A_442 = arith.ori %or3A_440, %or3A_441 : vector<16xi1>
      %add3A_443 = arith.addf %mul3A_327, %mul3A_341 : vector<16xf32>
      %add3A_444 = arith.addf %mul3A_355, %mul3A_369 : vector<16xf32>
      %add3A_445 = arith.addf %mul3A_383, %mul3A_397 : vector<16xf32>
      %add3A_446 = arith.addf %mul3A_411, %mul3A_425 : vector<16xf32>
      %add3A_447 = arith.addf %add3A_443, %add3A_444 : vector<16xf32>
      %add3A_448 = arith.addf %add3A_445, %add3A_446 : vector<16xf32>
      %add3A_449 = arith.addf %add3A_447, %add3A_448 : vector<16xf32>
      %select_n3A_450 = arith.select %or3A_442, %broadcast_in_dim3A_19, %add3A_449 : vector<16xi1>, vector<16xf32>
      %or3A_451 = arith.ori %eq3A_331, %eq3A_345 : vector<16xi1>
      %or3A_452 = arith.ori %eq3A_359, %eq3A_373 : vector<16xi1>
      %or3A_453 = arith.ori %eq3A_387, %eq3A_401 : vector<16xi1>
      %or3A_454 = arith.ori %eq3A_415, %eq3A_429 : vector<16xi1>
      %or3A_455 = arith.ori %or3A_451, %or3A_452 : vector<16xi1>
      %or3A_456 = arith.ori %or3A_453, %or3A_454 : vector<16xi1>
      %or3A_457 = arith.ori %or3A_455, %or3A_456 : vector<16xi1>
      %add3A_458 = arith.addf %mul3A_330, %mul3A_344 : vector<16xf32>
      %add3A_459 = arith.addf %mul3A_358, %mul3A_372 : vector<16xf32>
      %add3A_460 = arith.addf %mul3A_386, %mul3A_400 : vector<16xf32>
      %add3A_461 = arith.addf %mul3A_414, %mul3A_428 : vector<16xf32>
      %add3A_462 = arith.addf %add3A_458, %add3A_459 : vector<16xf32>
      %add3A_463 = arith.addf %add3A_460, %add3A_461 : vector<16xf32>
      %add3A_464 = arith.addf %add3A_462, %add3A_463 : vector<16xf32>
      %select_n3A_465 = arith.select %or3A_457, %broadcast_in_dim3A_19, %add3A_464 : vector<16xi1>, vector<16xf32>
      %or3A_466 = arith.ori %eq3A_334, %eq3A_348 : vector<16xi1>
      %or3A_467 = arith.ori %eq3A_362, %eq3A_376 : vector<16xi1>
      %or3A_468 = arith.ori %eq3A_390, %eq3A_404 : vector<16xi1>
      %or3A_469 = arith.ori %eq3A_418, %eq3A_432 : vector<16xi1>
      %or3A_470 = arith.ori %or3A_466, %or3A_467 : vector<16xi1>
      %or3A_471 = arith.ori %or3A_468, %or3A_469 : vector<16xi1>
      %or3A_472 = arith.ori %or3A_470, %or3A_471 : vector<16xi1>
      %add3A_473 = arith.addf %mul3A_333, %mul3A_347 : vector<16xf32>
      %add3A_474 = arith.addf %mul3A_361, %mul3A_375 : vector<16xf32>
      %add3A_475 = arith.addf %mul3A_389, %mul3A_403 : vector<16xf32>
      %add3A_476 = arith.addf %mul3A_417, %mul3A_431 : vector<16xf32>
      %add3A_477 = arith.addf %add3A_473, %add3A_474 : vector<16xf32>
      %add3A_478 = arith.addf %add3A_475, %add3A_476 : vector<16xf32>
      %add3A_479 = arith.addf %add3A_477, %add3A_478 : vector<16xf32>
      %select_n3A_480 = arith.select %or3A_472, %broadcast_in_dim3A_19, %add3A_479 : vector<16xi1>, vector<16xf32>
      %or3A_481 = arith.ori %eq3A_337, %eq3A_351 : vector<16xi1>
      %or3A_482 = arith.ori %eq3A_365, %eq3A_379 : vector<16xi1>
      %or3A_483 = arith.ori %eq3A_393, %eq3A_407 : vector<16xi1>
      %or3A_484 = arith.ori %eq3A_421, %eq3A_435 : vector<16xi1>
      %or3A_485 = arith.ori %or3A_481, %or3A_482 : vector<16xi1>
      %or3A_486 = arith.ori %or3A_483, %or3A_484 : vector<16xi1>
      %or3A_487 = arith.ori %or3A_485, %or3A_486 : vector<16xi1>
      %add3A_488 = arith.addf %mul3A_336, %mul3A_350 : vector<16xf32>
      %add3A_489 = arith.addf %mul3A_364, %mul3A_378 : vector<16xf32>
      %add3A_490 = arith.addf %mul3A_392, %mul3A_406 : vector<16xf32>
      %add3A_491 = arith.addf %mul3A_420, %mul3A_434 : vector<16xf32>
      %add3A_492 = arith.addf %add3A_488, %add3A_489 : vector<16xf32>
      %add3A_493 = arith.addf %add3A_490, %add3A_491 : vector<16xf32>
      %add3A_494 = arith.addf %add3A_492, %add3A_493 : vector<16xf32>
      %select_n3A_495 = arith.select %or3A_487, %broadcast_in_dim3A_19, %add3A_494 : vector<16xi1>, vector<16xf32>
      %gather3A_496 = tpu.vector_load_idx %arg10[%add3A_323, %and3A_33] : memref<256x8xi32, #tpu.memory_space<vmem>>[vector<16xi32>, vector<16xi32>], vector<16xi32>,
      %gather3A_497 = tpu.vector_load_idx %arg11[%add3A_323, %and3A_33] : memref<256x8xf32, #tpu.memory_space<vmem>>[vector<16xi32>, vector<16xi32>], vector<16xf32>,
      %swap3A_498 = arith.constant 0 : i32
      %swap3A_499 = arith.index_cast %and3A_318 : i32 to index
      %swap3A_500 = arith.index_cast %swap3A_498 : i32 to index
      %swap3A_501 = arith.constant 0 : index
      %swap3A_502 = tpu.vector_load %arg16[%swap3A_499, %swap3A_500, %swap3A_501] {strides = array<i32>} : memref<2x5x16xf32, #tpu.memory_space<vmem>>, vector<16xf32>,
      tpu.vector_store %arg16[%swap3A_499, %swap3A_500, %swap3A_501], %select_n3A_450 {strides = array<i32>} : memref<2x5x16xf32, #tpu.memory_space<vmem>>, vector<16xf32>,
      %swap3A_503 = arith.constant 1 : i32
      %swap3A_504 = arith.index_cast %and3A_318 : i32 to index
      %swap3A_505 = arith.index_cast %swap3A_503 : i32 to index
      %swap3A_506 = arith.constant 0 : index
      %swap3A_507 = tpu.vector_load %arg16[%swap3A_504, %swap3A_505, %swap3A_506] {strides = array<i32>} : memref<2x5x16xf32, #tpu.memory_space<vmem>>, vector<16xf32>,
      tpu.vector_store %arg16[%swap3A_504, %swap3A_505, %swap3A_506], %select_n3A_465 {strides = array<i32>} : memref<2x5x16xf32, #tpu.memory_space<vmem>>, vector<16xf32>,
      %swap3A_508 = arith.constant 2 : i32
      %swap3A_509 = arith.index_cast %and3A_318 : i32 to index
      %swap3A_510 = arith.index_cast %swap3A_508 : i32 to index
      %swap3A_511 = arith.constant 0 : index
      %swap3A_512 = tpu.vector_load %arg16[%swap3A_509, %swap3A_510, %swap3A_511] {strides = array<i32>} : memref<2x5x16xf32, #tpu.memory_space<vmem>>, vector<16xf32>,
      tpu.vector_store %arg16[%swap3A_509, %swap3A_510, %swap3A_511], %select_n3A_480 {strides = array<i32>} : memref<2x5x16xf32, #tpu.memory_space<vmem>>, vector<16xf32>,
      %swap3A_513 = arith.constant 3 : i32
      %swap3A_514 = arith.index_cast %and3A_318 : i32 to index
      %swap3A_515 = arith.index_cast %swap3A_513 : i32 to index
      %swap3A_516 = arith.constant 0 : index
      %swap3A_517 = tpu.vector_load %arg16[%swap3A_514, %swap3A_515, %swap3A_516] {strides = array<i32>} : memref<2x5x16xf32, #tpu.memory_space<vmem>>, vector<16xf32>,
      tpu.vector_store %arg16[%swap3A_514, %swap3A_515, %swap3A_516], %select_n3A_495 {strides = array<i32>} : memref<2x5x16xf32, #tpu.memory_space<vmem>>, vector<16xf32>,
      %swap3A_518 = arith.constant 4 : i32
      %swap3A_519 = arith.index_cast %and3A_318 : i32 to index
      %swap3A_520 = arith.index_cast %swap3A_518 : i32 to index
      %swap3A_521 = arith.constant 0 : index
      %swap3A_522 = tpu.vector_load %arg16[%swap3A_519, %swap3A_520, %swap3A_521] {strides = array<i32>} : memref<2x5x16xf32, #tpu.memory_space<vmem>>, vector<16xf32>,
      tpu.vector_store %arg16[%swap3A_519, %swap3A_520, %swap3A_521], %gather3A_497 {strides = array<i32>} : memref<2x5x16xf32, #tpu.memory_space<vmem>>, vector<16xf32>,
      %swap3A_523 = arith.index_cast %and3A_318 : i32 to index
      %swap3A_524 = arith.constant 0 : index
      %swap3A_525 = tpu.vector_load %arg17[%swap3A_523, %swap3A_524] {strides = array<i32>} : memref<2x16xi32, #tpu.memory_space<vmem>>, vector<16xi32>,
      tpu.vector_store %arg17[%swap3A_523, %swap3A_524], %gather3A_496 {strides = array<i32>} : memref<2x16xi32, #tpu.memory_space<vmem>>, vector<16xi32>,
      %sub3A = arith.constant 1 : i32
      %sub3A_526 = arith.subi %scan3A_269, %sub3A : i32
      %max3A = arith.constant 0 : i32
      %max3A_527 = arith.maxsi %sub3A_526, %max3A : i32
      %select_n3A_528 = arith.select %lt3A_18, %masked_sort3A_303, %masked_sort3A_307 : vector<16xi1>, vector<16xf32>
      %select_n3A_529 = arith.select %lt3A_18, %masked_sort3A_304, %masked_sort3A_308 : vector<16xi1>, vector<16xi32>
      %masked_sort3A_530 = arith.constant dense<true> : vector<16xi1>
      %masked_sort3A_531, %masked_sort3A_532, %masked_sort3A_533 = tpu.sort %select_n3A_528, %select_n3A_529 masked %masked_sort3A_530 {descending = true} : (vector<16xf32>, vector<16xi32>, vector<16xi1>) -> (vector<16xi1>, vector<16xf32>, vector<16xi32>)
      %select_n3A_534 = arith.select %lt3A_18, %masked_sort3A_311, %masked_sort3A_315 : vector<16xi1>, vector<16xf32>
      %select_n3A_535 = arith.select %lt3A_18, %masked_sort3A_312, %masked_sort3A_316 : vector<16xi1>, vector<16xi32>
      %masked_sort3A_536 = arith.constant dense<true> : vector<16xi1>
      %masked_sort3A_537, %masked_sort3A_538, %masked_sort3A_539 = tpu.sort %select_n3A_534, %select_n3A_535 masked %masked_sort3A_536 : (vector<16xf32>, vector<16xi32>, vector<16xi1>) -> (vector<16xi1>, vector<16xf32>, vector<16xi32>)
      %select_n3A_540 = arith.select %lt3A_18, %masked_sort3A_532, %masked_sort3A_538 : vector<16xi1>, vector<16xf32>
      %select_n3A_541 = arith.select %lt3A_18, %masked_sort3A_533, %masked_sort3A_539 : vector<16xi1>, vector<16xi32>
      %masked_sort3A_542 = arith.constant dense<true> : vector<16xi1>
      %masked_sort3A_543, %masked_sort3A_544, %masked_sort3A_545 = tpu.sort %select_n3A_540, %select_n3A_541 masked %masked_sort3A_542 {descending = true} : (vector<16xf32>, vector<16xi32>, vector<16xi1>) -> (vector<16xi1>, vector<16xf32>, vector<16xi32>)
      %broadcast_in_dim3A_546 = arith.constant 0 : i32
      %broadcast_in_dim3A_547 = vector.broadcast %broadcast_in_dim3A_546 : i32 to vector<16xi32>
      %add3A_548 = vector.broadcast %max3A_527 : i32 to vector<16xi32>
      %add3A_549 = arith.addi %broadcast_in_dim3A_547, %add3A_548 : vector<16xi32>
      %add3A_550 = arith.addi %get3A_296, %get3A_53 : vector<16xi32>
      %swap3A_551 = arith.index_cast %max3A_527 : i32 to index
      %swap3A_552 = arith.constant 0 : index
      %swap3A_553 = tpu.vector_load %arg14[%swap3A_551, %swap3A_552] {strides = array<i32>} : memref<256x16xi32, #tpu.memory_space<vmem>>, vector<16xi32>,
      tpu.vector_store %arg14[%swap3A_551, %swap3A_552], %add3A_550 {strides = array<i32>} : memref<256x16xi32, #tpu.memory_space<vmem>>, vector<16xi32>,
      %add3A_554 = arith.addf %get3A_301, %get3A_55 : vector<16xf32>
      %swap3A_555 = arith.index_cast %max3A_527 : i32 to index
      %swap3A_556 = arith.constant 0 : index
      %swap3A_557 = tpu.vector_load %arg15[%swap3A_555, %swap3A_556] {strides = array<i32>} : memref<256x16xf32, #tpu.memory_space<vmem>>, vector<16xf32>,
      tpu.vector_store %arg15[%swap3A_555, %swap3A_556], %add3A_554 {strides = array<i32>} : memref<256x16xf32, #tpu.memory_space<vmem>>, vector<16xf32>,
      %add3A_558 = arith.addi %masked_sort3A_545, %get3A_53 : vector<16xi32>
      tpu.vector_store_idx %arg14[%add3A_549, %add3A_36], %add3A_558 masked %lt3A_18 : memref<256x16xi32, #tpu.memory_space<vmem>>[vector<16xi32>, vector<16xi32>], vector<16xi32>, vector<16xi1>
      %add3A_559 = arith.addf %masked_sort3A_544, %get3A_55 : vector<16xf32>
      tpu.vector_store_idx %arg15[%add3A_549, %add3A_36], %add3A_559 masked %lt3A_18 : memref<256x16xf32, #tpu.memory_space<vmem>>[vector<16xi32>, vector<16xi32>], vector<16xf32>, vector<16xi1>
    }
    %scan3A_268 = arith.constant 257 : i32
    "tpu.region"() ({
      %run_scoped3A = tpu.sem_alloc : memref<!tpu.dma_semaphore, #tpu.memory_space<semaphore_mem>>
      %dma_start3A_269 = arith.constant 0 : i32
      %dma_start3A_270 = tpu.memref_slice %arg7[%mul3A_2, %dma_start3A_269] : memref<8192x16xi32, #tpu.memory_space<hbm>> -> memref<256x16xi32, #tpu.memory_space<hbm>>
      %dma_start3A_271 = arith.constant 0 : i32
      %dma_start3A_272 = tpu.memref_slice %arg7[%mul3A_2, %dma_start3A_271] : memref<8192x16xi32, #tpu.memory_space<hbm>> -> memref<256x16xi32, #tpu.memory_space<hbm>>
      tpu.enqueue_dma source(%arg14 : memref<256x16xi32, #tpu.memory_space<vmem>>) target(%dma_start3A_272 : memref<256x16xi32, #tpu.memory_space<hbm>>) target_semaphore(%run_scoped3A : memref<!tpu.dma_semaphore, #tpu.memory_space<semaphore_mem>>)
      %dma_wait3A_273 = arith.constant 0 : i32
      %dma_wait3A_274 = tpu.memref_slice %arg7[%mul3A_2, %dma_wait3A_273] : memref<8192x16xi32, #tpu.memory_space<hbm>> -> memref<256x16xi32, #tpu.memory_space<hbm>>
      %dma_wait3A_275 = arith.constant 0 : i32
      %dma_wait3A_276 = tpu.memref_slice %arg7[%mul3A_2, %dma_wait3A_275] : memref<8192x16xi32, #tpu.memory_space<hbm>> -> memref<256x16xi32, #tpu.memory_space<hbm>>
      tpu.wait_dma2 semaphore(%run_scoped3A : memref<!tpu.dma_semaphore, #tpu.memory_space<semaphore_mem>>) src(%arg14 : memref<256x16xi32, #tpu.memory_space<vmem>>) dst(%dma_wait3A_276 : memref<256x16xi32, #tpu.memory_space<hbm>>)
      tpu.yield
    }) : () -> ()
    "tpu.region"() ({
      %run_scoped3A = tpu.sem_alloc : memref<!tpu.dma_semaphore, #tpu.memory_space<semaphore_mem>>
      %dma_start3A_269 = arith.constant 0 : i32
      %dma_start3A_270 = tpu.memref_slice %arg8[%mul3A_2, %dma_start3A_269] : memref<8192x16xf32, #tpu.memory_space<hbm>> -> memref<256x16xf32, #tpu.memory_space<hbm>>
      %dma_start3A_271 = arith.constant 0 : i32
      %dma_start3A_272 = tpu.memref_slice %arg8[%mul3A_2, %dma_start3A_271] : memref<8192x16xf32, #tpu.memory_space<hbm>> -> memref<256x16xf32, #tpu.memory_space<hbm>>
      tpu.enqueue_dma source(%arg15 : memref<256x16xf32, #tpu.memory_space<vmem>>) target(%dma_start3A_272 : memref<256x16xf32, #tpu.memory_space<hbm>>) target_semaphore(%run_scoped3A : memref<!tpu.dma_semaphore, #tpu.memory_space<semaphore_mem>>)
      %dma_wait3A_273 = arith.constant 0 : i32
      %dma_wait3A_274 = tpu.memref_slice %arg8[%mul3A_2, %dma_wait3A_273] : memref<8192x16xf32, #tpu.memory_space<hbm>> -> memref<256x16xf32, #tpu.memory_space<hbm>>
      %dma_wait3A_275 = arith.constant 0 : i32
      %dma_wait3A_276 = tpu.memref_slice %arg8[%mul3A_2, %dma_wait3A_275] : memref<8192x16xf32, #tpu.memory_space<hbm>> -> memref<256x16xf32, #tpu.memory_space<hbm>>
      tpu.wait_dma2 semaphore(%run_scoped3A : memref<!tpu.dma_semaphore, #tpu.memory_space<semaphore_mem>>) src(%arg15 : memref<256x16xf32, #tpu.memory_space<vmem>>) dst(%dma_wait3A_276 : memref<256x16xf32, #tpu.memory_space<hbm>>)
      tpu.yield
    }) : () -> ()
    return
  }
}

</mosaic_0001>

<sc_bundles>
// kernel: kernel.12.cloned.1.call-start
scs
__scs_entry_jumppad:
0x0: {  	(pc) =	sbr.rel $0x88, $3  }
0x1: {  	(tag) =	ssettag $0x0;
	lr =	simm.s32 $0x1  }
0x2: {  	[smem:$0x3F9D] =	sst lr;
	_ =	strace $0xD0000000  }
0x3: {  	_ = 	snop  }
0x4: {  	_ = 	snop  }
0x5: {  	_ = 	snop  }
0x6: {  	_ = 	snop  }
0x7: {  	_ = 	snop  }
__scs_overlays_trampoline_lowered:
0x8: {  	[smem:$0x3FAC] =	sst s0  }
0x9: {  	[smem:$0x3FAD] =	sst s1  }
0xa: {  	[smem:$0x3FAE] =	sst s2  }
0xb: {  	[smem:$0x3FAF] =	sst s3  }
0xc: {  	[smem:$0x3FB0] =	sst s4  }
0xd: {  	[smem:$0x3FB1] =	sst s5  }
0xe: {  	[smem:$0x3FB2] =	sst s6  }
0xf: {  	[smem:$0x3FB3] =	sst s7  }
0x10: {  	[smem:$0x3FB4] =	sst s8  }
0x11: {  	[smem:$0x3FB5] =	sst s9;
	s0 =	simm.s32 @!p0 $0x0  }
0x12: {  	s1 =	sld [smem:$0x3F9B];
	s0 =	simm.s32 @p0 $0x1  }
0x13: {  	[smem:$0x3FB6] =	sst s0;
	s0 =	simm.s32 @!p1 $0x0  }
0x14: {  	s2 =	sld [smem:$0x3F9A];
	s0 =	simm.s32 @p1 $0x1  }
0x15: {  	[smem:$0x3FB7] =	sst s0;
	s0 =	simm.s32 @!p2 $0x0  }
0x16: {  	s3 =	sld [smem:$0x3FDB];
	s0 =	simm.s32 @p2 $0x1  }
0x17: {  	s4 =	simm.s32 $0x1BF5;
	[smem:$0x3FB9] =	sst s0  }
0x18: {  	s0 =	sld [smem:$0x3F9C];
	_ =	swait.ge [sflag:s4], $0x0  }
0x19: {  	s7 =	sld [smem:$0x3F9D]  }
0x1a: {  	s8 =	sadd.s32 $0xFFFFE003, lr  }
0x1b: {  	s9 =	sadd.s32 $0xFFFFFEF7, lr;
	s5 =	simm.s32 $0xFFFFFFFF;
	p2 =	slt.u32 s8, $0xFFFFF086  }
0x1c: {  	p1 =	slt.u32 s9, $0xF7A;
	s5 =	simm.s32 @!p2 $0x0  }
0x1d: {  	s5 =	simm.s32 @p1 $0x1;
	p0 =	seq.s32 s7, s2  }
0x1e: {  	s7 =	smul.u32 @!p0 $0xF7A, s2;
	p2 =	seq.s32 @!p0 s5, $0x0  }
0x1f: {  	s9 =	smul.u32 $0xF7A, s1;
	s8 =	simm.s32 @!p0 $0x1BF5;
	p2 =	por !p2, p0  }
0x20: {  	[sflag:s8] =	ssyncset.s32 @!p0 $0xFFFFF086;
	s6 =	sadd.s32 @!p0 s3, s7;
	s7 =	simm.s32 @!p0 $0x108  }
0x21: {  	s3 =	sadd.s32 s3, s9;
	s6 =	sadd.s32 @!p0 $0x88, s6;
	s7 =	simm.s32 @p2 $0x1082  }
0x22: {  	[simem:s7], [sflag:s8] =	dma.local @!p0 [hbm:s6], $0xF7A  }
0x23: {  	s9 =	sor.u32 $0xD0000000, s2;
	s6 =	simm.s32 $0x108;
	_ =	swait.ge @!p0 [sflag:s8], $0x0  }
0x24: {  	s3 =	sadd.s32 $0x88, s3;
	s6 =	simm.s32 @!p1 $0x1082;
	[sflag:s4] =	ssyncset.s32 $0xFFFFF086  }
0x25: {  	[simem:s6], [sflag:s4] =	dma.local [hbm:s3], $0xF7A  }
0x26: {  	[smem:$0x3F9D] =	sst s1;
	(tag) =	ssettag s2;
	_ =	strace s9  }
0x27: {  	s1 =	sld [smem:$0x3FAD]  }
0x28: {  	s2 =	sld [smem:$0x3FAE]  }
0x29: {  	s4 =	sld [smem:$0x3FB0]  }
0x2a: {  	p0 =	seq.s32 s5, $0x0;
	s5 =	sld [smem:$0x3FB1]  }
0x2b: {  	s6 =	sld [smem:$0x3FB2]  }
0x2c: {  	s7 =	sld [smem:$0x3FB3]  }
0x2d: {  	s3 =	simm.s32 $0x108;
	s8 =	sld [smem:$0x3FB4]  }
0x2e: {  	s3 =	simm.s32 @!p0 $0x1082;
	s9 =	sld [smem:$0x3FB5]  }
0x2f: {  	lr =	sadd.s32 s0, s3;
	s0 =	sld [smem:$0x3FAC]  }
0x30: {  	s3 =	sld [smem:$0x3FAF]  }
0x31: {  	[smem:$0x3FB8] =	sst s10  }
0x32: {  	s10 =	sld [smem:$0x3FB6];
	_ =	sdelay $0x3  }
0x33: {  	p0 =	seq.s32 s10, $0x1;
	s10 =	sld [smem:$0x3FB8];
	_ =	sdelay $0x3  }
0x34: {  	[smem:$0x3FB8] =	sst s10  }
0x35: {  	s10 =	sld [smem:$0x3FB7];
	_ =	sdelay $0x3  }
0x36: {  	p1 =	seq.s32 s10, $0x1;
	s10 =	sld [smem:$0x3FB8];
	_ =	sdelay $0x3  }
0x37: {  	[smem:$0x3FB8] =	sst s10  }
0x38: {  	s10 =	sld [smem:$0x3FB9]  }
0x39: {  	_ = 	snop;
	(pc) =	sbr.ind lr, $3  }
0x3a: {  	_ = 	snop  }
0x3b: {  	_ = 	snop  }
0x3c: {  	p2 =	seq.s32 s10, $0x1;
	s10 =	sld [smem:$0x3FB8]  }
0x3d: {  	_ =	shalt  }
0x3e: {  	_ =	shalt  }
0x3f: {  	_ =	shalt  }
0x40: {  	_ =	shalt  }
0x41: {  	_ =	shalt  }
0x42: {  	_ =	shalt  }
0x43: {  	_ =	shalt  }
0x44: {  	_ =	shalt  }
0x45: {  	_ =	shalt  }
0x46: {  	_ =	shalt  }
0x47: {  	_ =	shalt  }
0x48: {  	_ =	shalt  }
0x49: {  	_ =	shalt  }
0x4a: {  	_ =	shalt  }
0x4b: {  	_ =	shalt  }
0x4c: {  	_ =	shalt  }
0x4d: {  	_ =	shalt  }
0x4e: {  	_ =	shalt  }
0x4f: {  	_ =	shalt  }
0x50: {  	_ =	shalt  }
0x51: {  	_ =	shalt  }
0x52: {  	_ =	shalt  }
0x53: {  	_ =	shalt  }
0x54: {  	_ =	shalt  }
0x55: {  	_ =	shalt  }
0x56: {  	_ =	shalt  }
0x57: {  	_ =	shalt  }
0x58: {  	_ =	shalt  }
0x59: {  	_ =	shalt  }
0x5a: {  	_ =	shalt  }
0x5b: {  	_ =	shalt  }
0x5c: {  	_ =	shalt  }
0x5d: {  	_ =	shalt  }
0x5e: {  	_ =	shalt  }
0x5f: {  	_ =	shalt  }
0x60: {  	_ =	shalt  }
0x61: {  	_ =	shalt  }
0x62: {  	_ =	shalt  }
0x63: {  	_ =	shalt  }
0x64: {  	_ =	shalt  }
0x65: {  	_ =	shalt  }
0x66: {  	_ =	shalt  }
0x67: {  	_ =	shalt  }
0x68: {  	_ =	shalt  }
0x69: {  	_ =	shalt  }
0x6a: {  	_ =	shalt  }
0x6b: {  	_ =	shalt  }
0x6c: {  	_ =	shalt  }
0x6d: {  	_ =	shalt  }
0x6e: {  	_ =	shalt  }
0x6f: {  	_ =	shalt  }
0x70: {  	_ =	shalt  }
0x71: {  	_ =	shalt  }
0x72: {  	_ =	shalt  }
0x73: {  	_ =	shalt  }
0x74: {  	_ =	shalt  }
0x75: {  	_ =	shalt  }
0x76: {  	_ =	shalt  }
0x77: {  	_ =	shalt  }
0x78: {  	_ =	shalt  }
0x79: {  	_ =	shalt  }
0x7a: {  	_ =	shalt  }
0x7b: {  	_ =	shalt  }
0x7c: {  	_ =	shalt  }
0x7d: {  	_ =	shalt  }
0x7e: {  	_ =	shalt  }
0x7f: {  	_ =	shalt  }
0x80: {  	_ =	shalt  }
0x81: {  	_ =	shalt  }
0x82: {  	_ =	shalt  }
0x83: {  	_ =	shalt  }
0x84: {  	_ =	shalt  }
0x85: {  	_ =	shalt  }
0x86: {  	_ =	shalt  }
0x87: {  	_ =	shalt  }
.Lfunc_end0:
.L_simem_size_0:
called_computation.2_lowered:
.L_overlay_start_0:
0x88: {  	s2 =	sld [smem:$0x3FD9]  }
0x89: {  	s3 =	sld [smem:$0x3FFE];
	_ =	sdelay $0x1  }
0x8a: {  	s1 =	srdreg.scid  }
0x8b: {  	s0 =	sand.u32 $0x1, s1  }
0x8c: {  	s17 =	sshll.u32 s0, $0xA;
	s2 =	sadd.s32 s3, s2  }
0x8d: {  	s2 =	sadd.s32 s2, s17  }
0x8e: {  	[smem:$0x3FC4] =	sst s2  }
0x8f: {  	_ = 	snop  }
0x90: {  	(tm) =	ssettm $0x1  }
0x91: {  	s18 =	sld [smem:$0x3FFB];
	_ =	sdelay $0x3  }
0x92: {  	_ =	strace s18  }
0x93: {  	s2 =	sld [smem:$0x3FFC];
	_ =	sdelay $0x3  }
0x94: {  	_ =	strace s2  }
0x95: {  	s2 =	sld [smem:$0x3FFD];
	_ =	sdelay $0x3  }
0x96: {  	_ =	strace s2  }
0x97: {  	_ =	strace $0x8FFFFFFF  }
0x98: {  	s19 =	sld [smem:$0x3FDB];
	_ =	sdelay $0x1  }
0x99: {  	s20 =	simm.s32 $_scs_section_size  }
0x9a: {  	s4 =	simm.s32 $_size__tile_overlayer_lowered;
	s5 =	simm.s32 $_tile_overlayer_lowered  }
0x9b: {  	s6 =	simm.s32 $0x1BFF;
	s21 =	sshll.u32 s5, $0x1;
	s3 =	sadd.s32 s20, s19  }
0x9c: {  	s22 =	simm.s32 $0x0;
	s4 =	sshll.u32 s4, $0x1;
	s5 =	sadd.s32 s21, s3  }
0x9d: {  	[timem:s22], [sflag:s6] =	dma.local [hbm:s5], s4  }
0x9e: {  	_ =	swait.ge [sflag:s6], s4  }
0x9f: {  	s4 =	ssub.s32 $0x0, s4;
	[sflag:s6] =	ssyncset.done $0x0  }
0xa0: {  	[sflag:s6] =	ssyncadd.s32 s4;
	_ =	sdelay $0x1  }
0xa1: {  	s23 =	simm.s32 $0x1B8B  }
0xa2: {  	_ =	swait.ge [sflag:s23], $0x1  }
0xa3: {  	[sflag:s23] =	ssyncset.done $0x0  }
0xa4: {  	[sflag:s23] =	ssyncadd.s32 $0xFFFFFFFF  }
0xa5: {  	s4 =	sld [smem:$0x0]  }
0xa6: {  	s5 =	sand.u32 $0xFFFFFFFE, s1  }
0xa7: {  	p0 =	sne.s32 s1, s5  }
0xa8: {  	s5 =	sshll.u32 @p0 s5, $0xE  }
0xa9: {  	s5 =	sadd.s32 @p0 $0x11B8D, s5;
	s6 =	sshll.u32 @p0 s4, $0x11  }
0xaa: {  	s5 =	sor.u32 @p0 s6, s5  }
0xab: {  	[sflag:s5] =	ssyncadd.remote.s32 @p0 $0x1;
	_ =	sdelay $0x1  }
0xac: {  	s5 =	simm.s32 @p0 $0x1B8D  }
0xad: {  	_ =	swait.eq @p0 [sflag:s5], $0x1  }
0xae: {  	[sflag:s5] =	ssyncadd.s32 @p0 $0xFFFFFFFF  }
0xaf: {  	s6 =	sshll.u32 @!p0 s1, $0xE  }
0xb0: {  	s6 =	sor.u32 @!p0 $0x4000, s6;
	s5 =	simm.s32 @!p0 $0x1B8D  }
0xb1: {  	s4 =	sshll.u32 @!p0 s4, $0x11;
	s6 =	sadd.s32 @!p0 $0x11B8D, s6;
	_ =	swait.eq @!p0 [sflag:s5], $0x1  }
0xb2: {  	s4 =	sor.u32 @!p0 s4, s6;
	[sflag:s5] =	ssyncadd.s32 @!p0 $0xFFFFFFFF  }
0xb3: {  	s25 =	simm.s32 $0x1B8E;
	s24 =	sld [smem:$0x3FFE];
	[sflag:s4] =	ssyncadd.remote.s32 @!p0 $0x1  }
0xb4: {  	s26 =	simm.s32 $execute0_lowered;
	[smem:$0x3FD2] =	sst s25  }
0xb5: {  	s5 =	sshll.u32 s26, $0x1;
	_ =	strace $0x80000049;
	[dreg:$0x1] =	wrdreg $0xFFFFFFFF  }
0xb6: {  	s28 =	simm.s32 $_size_execute0_lowered;
	s3 =	sadd.s32 s3, s5;
	[dreg:$0x0] =	wrdreg $0x0  }
0xb7: {  	s5 =	sshll.u32 s28, $0x1;
	[dreg:$0x2] =	wrdreg s3  }
0xb8: {  	[dreg:$0x3] =	wrdreg s5  }
0xb9: {  	[dreg:$0x4] =	wrdreg $0xC0  }
0xba: {  	_ =	task [dreg:s22], $0x5FFFF  }
0xbb: {  	[dreg:$0x1] =	wrdreg $0xFFFFFFFF  }
0xbc: {  	[dreg:$0x0] =	wrdreg $0x60  }
0xbd: {  	[dreg:$0x2] =	wrdreg s24  }
0xbe: {  	[dreg:$0x3] =	wrdreg $0xB  }
0xbf: {  	_ =	task.clear_ibuf [dreg:s22], $0x4FFFF;
	_ =	strace $0x90000049  }
0xc0: {  	s29 =	simm.s32 $0xB;
	_ =	strace $0x8000004B  }
0xc1: {  	_ =	swait.ge [sflag:s29], $0x1  }
0xc2: {  	[sflag:s29] =	ssyncadd.s32 $0xFFFFFFFF  }
0xc3: {  	_ =	strace $0x9000004B  }
0xc4: {  	_ =	sfence  }
0xc5: {  	s30 =	sld [smem:$0x0];
	_ =	sdelay $0x2  }
0xc6: {  	s31 =	sshll.u32 s1, $0xD;
	s1 =	sshrl.u32 s1, $0x2  }
0xc7: {  	s4 =	sand.u32 $0x4000, s31;
	s1 =	sadd.s32 s1, s30  }
0xc8: {  	s0 =	sor.u32 s4, s0;
	s1 =	sshll.u32 s1, $0x11  }
0xc9: {  	s0 =	sor.u32 s1, s0  }
0xca: {  	s0 =	sadd.s32 $0x8F2B, s0  }
0xcb: {  	[sflag:s0] =	ssyncadd.remote.s32 $0x1  }
0xcc: {  	_ =	sfence.sel $0xFFFF  }
0xcd: {  	[dreg:$0x0] =	wrdreg $0xFFFFFFFF;
	(pc) =	sbr.abs _section_cstart, $3  }
0xce: {  	[dreg:$0x1] =	wrdreg $0xFFFFFFFF  }
0xcf: {  	_ =	task.clear_ibuf [dreg:s22], $0x2FFFF;
	_ =	strace $0x9FFFFFFF  }
0xd0: {  	(tm) =	ssettm $0x7FFFFFFF  }
0xd1: {  	_ =	shalt  }
tec
execute0_lowered:
.L_overlay_start_1:
0x0: {  	(tag) =	ssettag $0x1  }
0x1: {  	s6 =	rddreg [dreg:$0x0];
	s2 =	srdreg.scid  }
0x2: {  	s0 =	rddreg [dreg:$0x1];
	s1 =	stileid.u32  }
0x3: {  	s12 =	simm.s32 $0x1800;
	s13 =	simm.s32 $0x2000;
	s14 =	simm.s32 $0x2010  }
0x4: {  	s15 =	simm.s32 $0x1;
	s16 =	simm.s32 $0x2020;
	s17 =	simm.s32 $0x3020  }
0x5: {  	s18 =	simm.s32 $0x2;
	s19 =	simm.s32 $0x0;
	s5 =	sand.u32 $0x1, s2  }
0x6: {  	s2 =	simm.s32 $0x0;
	s3 =	sshll.u32 s1, $0x9;
	s4 =	sshll.u32 s5, $0x8  }
0x7: {  	[smem:$0x7FF] =	sst s2;
	s9 =	ssub.s32 $0x2, s5;
	s5 =	sadd.s32 $0x7000, s6  }
0x8: {  	v0 =	vlaneseq.u32;
	s7 =	sor.u32 s4, s3;
	_ =	strace $0x8000004A;
	s3 =	sadd.s32 $0x2C00, s6  }
0x9: {  	v1 =	vimm.s32 $0x6;
	v5 =	vimm.s32 $0x1;
	v6 =	vimm.s32 $0x2;
	s31 =	sshrl.u32 s9, $0x1;
	s8 =	sadd.s32 s7, s6;
	s7 =	sshll.u32 s7, $0x1  }
0xa: {  	v7 =	vimm.s32 $0x3;
	v8 =	vimm.s32 $0x4;
	v9 =	vimm.s32 $0x5;
	s4 =	sadd.s32 $0x6E00, s6;
	s11 =	ssub.s32 s9, s31;
	s10 =	sadd.s32 s7, s6  }
0xb: {  	v10 =	vimm.s32 $0x7;
	vm0 =	vmmov $0xff;
	v2 =	vor.u32 $0x10, v0;
	s6 =	sadd.s32 $0xF200, s8;
	s7 =	sadd.s32 $0x11200, s8;
	s8 =	sadd.s32 $0x17200, s10  }
0xc: {  	v3 =	vor.u32 $0x20, v0;
	v4 =	vor.u32 $0x30, v0;
	v11 =	vand.u32 $0x7, v0;
	s9 =	sadd.s32 $0x13200, s10;
	s10 =	smax.u32 s11, $0x1;
	s11 =	simm.s32 $0x1000  }
.LBB2_1:
0xd: {  	[tilespmem:s2], [sflag:$0x1] =	stream.linear.gather [hbm4b:s3+s2], $0x1000, $0x38;
	[tilespmem:$0x40E0] =	vst v63  }
0xe: {  	_ = 	snop  }
0xf: {  	[tilespmem:s11], [sflag:$0x1] =	stream.linear.gather [hbm4b:s6+s2], $0x800, $0x38;
	[tilespmem:$0x40E0] =	vst v63  }
0x10: {  	_ = 	snop  }
0x11: {  	[tilespmem:s12], [sflag:$0x1] =	stream.linear.gather [hbm4b:s7+s2], $0x800, $0x38;
	[tilespmem:$0x40E0] =	vst v63  }
0x12: {  	_ = 	snop  }
0x13: {  	[tilespmem:s13], [sflag:$0x1] =	stream.linear.gather [hbm4b:s4+s2], $0x10, $0x38;
	[tilespmem:$0x40E0] =	vst v63  }
0x14: {  	_ = 	snop  }
0x15: {  	[tilespmem:s14], [sflag:$0x1] =	stream.linear.gather [hbm4b:s5+s2], $0x10, $0x38;
	[tilespmem:$0x40E0] =	vst v63  }
0x16: {  	_ =	swait.ge [sflag:s15], $0x1000  }
0x17: {  	[sflag:s15] =	ssyncset.done $0x0  }
0x18: {  	[sflag:s15] =	ssyncadd.s32 $0xFFFFF000  }
0x19: {  	_ =	swait.ge [sflag:s15], $0x800  }
0x1a: {  	[sflag:s15] =	ssyncset.done $0x0  }
0x1b: {  	[sflag:s15] =	ssyncadd.s32 $0xFFFFF800  }
0x1c: {  	_ =	swait.ge [sflag:s15], $0x800  }
0x1d: {  	[sflag:s15] =	ssyncset.done $0x0  }
0x1e: {  	[sflag:s15] =	ssyncadd.s32 $0xFFFFF800  }
0x1f: {  	_ =	swait.ge [sflag:s15], $0x10  }
0x20: {  	[sflag:s15] =	ssyncset.done $0x0  }
0x21: {  	[sflag:s15] =	ssyncadd.s32 $0xFFFFFFF0  }
0x22: {  	_ =	swait.ge [sflag:s15], $0x10  }
0x23: {  	[sflag:s15] =	ssyncset.done $0x0  }
0x24: {  	[sflag:s15] =	ssyncadd.s32 $0xFFFFFFF0  }
0x25: {  	v27 =	vld.msk [tilespmem:s11+$0x0], $0xffff;
	_ =	sdelay $0x4  }
0x26: {  	v25 =	vld.idx.msk [tilespmem:v5+s11+$0x0], $0xffff;
	v12 =	vshll.u32 v27, $0x6  }
0x27: {  	v17 =	vld.idx.msk [tilespmem:v6+s11+$0x0], $0xffff;
	v13 =	vor.u32 v0, v12  }
0x28: {  	v16 =	vld.idx.msk [tilespmem:v7+s11+$0x0], $0xffff;
	v14 =	vor.u32 v2, v12  }
0x29: {  	v18 =	vld.msk [tilespmem:s12+$0x0], $0xffff;
	v15 =	vor.u32 v3, v12  }
0x2a: {  	v21 =	vld.idx.msk [tilespmem:v6+s12+$0x0], $0xffff;
	v12 =	vor.u32 v4, v12  }
0x2b: {  	v23 =	vld.idx.msk [tilespmem:v7+s12+$0x0], $0xffff  }
0x2c: {  	v28 =	vshll.u32 v25, $0x6;
	v22 =	vld.idx.msk [tilespmem:v13+s2+$0x0], $0xffff  }
0x2d: {  	v31 =	vshll.u32 v17, $0x6;
	v33 =	vshll.u32 v16, $0x6;
	vm2 =	veq.s32 v27, v0;
	v24 =	vld.idx.msk [tilespmem:v14+s2+$0x0], $0xffff  }
0x2e: {  	vm3 =	veq.s32 v27, v2;
	vm1 =	veq.s32 v27, v3;
	v19 =	vor.u32 v0, v31;
	v26 =	vld.idx.msk [tilespmem:v15+s2+$0x0], $0xffff  }
0x2f: {  	vm4 =	veq.s32 v25, v0;
	vm5 =	veq.s32 v17, v0;
	v20 =	vor.u32 v0, v33;
	v29 =	vld.idx.msk [tilespmem:v12+s2+$0x0], $0xffff  }
0x30: {  	vm6 =	veq.s32 v16, v0;
	vm11 =	veq.s32 v25, v2;
	vm12 =	veq.s32 v17, v2;
	v14 =	vld.idx.msk [tilespmem:v8+s11+$0x0], $0xffff  }
0x31: {  	vm13 =	veq.s32 v16, v2;
	v63 =	vor.u32 v2, v28;
	v46 =	vor.u32 v3, v28;
	v15 =	vld.idx.msk [tilespmem:v9+s11+$0x0], $0xffff  }
0x32: {  	v47 =	vor.u32 v2, v31;
	v48 =	vor.u32 v2, v33;
	vm4 =	vmor vm2, vm4;
	v12 =	vld.idx.msk [tilespmem:v10+s11+$0x0], $0xffff  }
0x33: {  	vm5 =	vmor vm5, vm6;
	vm3 =	vmor vm3, vm11;
	v13 =	vor.u32 v0, v28;
	v36 =	vld.idx.msk [tilespmem:v19+s2+$0x0], $0xffff  }
0x34: {  	vm11 =	veq.s32 v25, v3;
	v59 =	vor.u32 v3, v31;
	v31 =	vor.u32 v4, v31;
	v39 =	vld.idx.msk [tilespmem:v20+s2+$0x0], $0xffff  }
0x35: {  	v60 =	vor.u32 v3, v33;
	v33 =	vor.u32 v4, v33;
	vm4 =	vmor vm4, vm5  }
0x36: {  	v30 =	vld.idx.msk [tilespmem:v5+s12+$0x0], $0xffff;
	vm1 =	vmor vm1, vm11;
	vm11 =	veq.s32 v17, v4;
	v28 =	vor.u32 v4, v28  }
0x37: {  	v19 =	vld.idx.msk [tilespmem:v8+s12+$0x0], $0xffff;
	v34 =	vshll.u32 v14, $0x6;
	v44 =	vmul.f32 v22, v18;
	v45 =	vmul.f32 v24, v18  }
0x38: {  	v32 =	vld.idx.msk [tilespmem:v13+s2+$0x0], $0xffff;
	v37 =	vshll.u32 v15, $0x6;
	v22 =	vmul.f32 v26, v18;
	v18 =	vmul.f32 v29, v18  }
0x39: {  	v13 =	vld.idx.msk [tilespmem:v1+s11+$0x0], $0xffff;
	v42 =	vshll.u32 v12, $0x6;
	v36 =	vmul.f32 v36, v21;
	v39 =	vmul.f32 v39, v23  }
0x3a: {  	v20 =	vld.idx.msk [tilespmem:v9+s12+$0x0], $0xffff;
	vm7 =	veq.s32 v14, v0;
	vm2 =	veq.s32 v15, v0;
	vm14 =	veq.s32 v14, v2  }
0x3b: {  	v50 =	vld.idx.msk [tilespmem:v46+s2+$0x0], $0xffff;
	vm15 =	veq.s32 v15, v2;
	v35 =	vor.u32 v0, v34;
	v38 =	vor.u32 v0, v37  }
0x3c: {  	v28 =	vld.idx.msk [tilespmem:v28+s2+$0x0], $0xffff;
	v43 =	vor.u32 v0, v42;
	v49 =	vor.u32 v2, v34;
	v51 =	vor.u32 v2, v37  }
0x3d: {  	v56 =	vld.idx.msk [tilespmem:v48+s2+$0x0], $0xffff;
	vm7 =	vmor vm7, vm2;
	vm2 =	veq.s32 v12, v0;
	v54 =	vor.u32 v2, v42  }
0x3e: {  	v24 =	vld.idx.msk [tilespmem:v1+s12+$0x0], $0xffff;
	vm5 =	vmor vm14, vm15;
	v61 =	vor.u32 v3, v34;
	v40 =	vshll.u32 v13, $0x6  }
0x3f: {  	v26 =	vld.idx.msk [tilespmem:v10+s12+$0x0], $0xffff;
	v34 =	vor.u32 v4, v34;
	vm14 =	veq.s32 v14, v3;
	v41 =	vor.u32 v0, v40  }
0x40: {  	vm15 =	veq.s32 v15, v3;
	v36 =	vadd.f32 v39, v36;
	v32 =	vmul.f32 v32, v30;
	v35 =	vld.idx.msk [tilespmem:v35+s2+$0x0], $0xffff  }
0x41: {  	vm10 =	veq.s32 v13, v0;
	vm9 =	veq.s32 v13, v2;
	v28 =	vmul.f32 v28, v30;
	v38 =	vld.idx.msk [tilespmem:v38+s2+$0x0], $0xffff  }
0x42: {  	v43 =	vld.idx.msk [tilespmem:v43+s2+$0x0], $0xffff;
	vm6 =	vmor vm10, vm2;
	vm2 =	veq.s32 v27, v4;
	v52 =	vor.u32 v2, v40  }
0x43: {  	v57 =	vld.idx.msk [tilespmem:v51+s2+$0x0], $0xffff;
	vm10 =	veq.s32 v12, v2;
	v48 =	vor.u32 v3, v40;
	v51 =	vor.u32 v4, v40  }
0x44: {  	v32 =	vadd.f32 v32, v44;
	vm6 =	vmor vm7, vm6;
	vm7 =	vmor vm9, vm10;
	v62 =	vld.idx.msk [tilespmem:v41+s2+$0x0], $0xffff  }
0x45: {  	v53 =	vld.idx.msk [tilespmem:v47+s2+$0x0], $0xffff;
	v44 =	vor.u32 v3, v37;
	v37 =	vor.u32 v4, v37;
	vm9 =	veq.s32 v13, v3  }
0x46: {  	v46 =	vld.idx.msk [tilespmem:v33+s2+$0x0], $0xffff;
	vm10 =	veq.s32 v12, v3;
	vm4 =	vmor vm4, vm6;
	vm6 =	vmor vm12, vm13  }
0x47: {  	v39 =	vld.idx.msk [tilespmem:v49+s2+$0x0], $0xffff;
	vm5 =	vmor vm5, vm7;
	vm12 =	veq.s32 v17, v3;
	vm13 =	veq.s32 v16, v3  }
0x48: {  	v32 =	vadd.f32 v36, v32;
	v35 =	vmul.f32 v35, v19;
	v38 =	vmul.f32 v38, v20;
	v41 =	vld.idx.msk [tilespmem:v63+s2+$0x0], $0xffff  }
0x49: {  	vm6 =	vmor vm3, vm6;
	v43 =	vmul.f32 v43, v26;
	v27 =	vld.idx.msk [tilespmem:v52+s2+$0x0], $0xffff;
	v29 =	vmul.f32 v62, v24  }
0x4a: {  	v58 =	vld.idx.msk [tilespmem:v54+s2+$0x0], $0xffff;
	v36 =	vmul.f32 v56, v23;
	vm3 =	veq.s32 v25, v4;
	vm5 =	vmor vm6, vm5  }
0x4b: {  	v49 =	vld.idx.msk [tilespmem:v61+s2+$0x0], $0xffff;
	vm6 =	vmor vm12, vm13;
	v35 =	vadd.f32 v38, v35;
	v29 =	vadd.f32 v43, v29  }
0x4c: {  	v34 =	vld.idx.msk [tilespmem:v34+s2+$0x0], $0xffff;
	vm12 =	veq.s32 v16, v4;
	v38 =	vmul.f32 v50, v30;
	v50 =	vor.u32 v3, v42  }
0x4d: {  	vm13 =	veq.s32 v14, v4;
	v39 =	vmul.f32 v39, v19;
	v63 =	vld.idx.msk [tilespmem:v31+s2+$0x0], $0xffff;
	v29 =	vadd.f32 v29, v35  }
0x4e: {  	v52 =	vor.u32 v4, v42;
	v31 =	vld.idx.msk [tilespmem:v44+s2+$0x0], $0xffff;
	v55 =	vmul.f32 v41, v30;
	v27 =	vmul.f32 v27, v24  }
0x4f: {  	v41 =	vmul.f32 v58, v26;
	v62 =	vld.idx.msk [tilespmem:v59+s2+$0x0], $0xffff;
	v29 =	vadd.f32 v29, v32;
	v32 =	vmul.f32 v57, v20  }
0x50: {  	vm2 =	vmor vm2, vm3;
	vm3 =	veq.s32 v13, v4;
	vm1 =	vmor vm1, vm6;
	v37 =	vld.idx.msk [tilespmem:v37+s2+$0x0], $0xffff  }
0x51: {  	v43 =	vmul.f32 v53, v21;
	v27 =	vadd.f32 v41, v27;
	v54 =	vld.idx.msk [tilespmem:v50+s2+$0x0], $0xffff;
	v32 =	vadd.f32 v32, v39  }
0x52: {  	vm6 =	vmor vm11, vm12;
	v22 =	vadd.f32 v38, v22;
	v35 =	vadd.f32 v55, v45;
	v45 =	vld.idx.msk [tilespmem:v60+s2+$0x0], $0xffff  }
0x53: {  	v14 =	vmul.f32 v31, v20;
	v36 =	vadd.f32 v36, v43;
	v27 =	vadd.f32 v27, v32;
	v32 =	vld.idx.msk [tilespmem:v48+s2+$0x0], $0xffff  }
0x54: {  	v58 =	vld.idx.msk [tilespmem:v52+s2+$0x0], $0xffff;
	v60 =	vadd.f32 v28, v18;
	v53 =	vmul.f32 v62, v21;
	v21 =	vmul.f32 v63, v21  }
0x55: {  	v56 =	vld.idx.msk [tilespmem:v51+s2+$0x0], $0xffff;
	v35 =	vadd.f32 v36, v35;
	v57 =	vmul.f32 v49, v19;
	v19 =	vmul.f32 v34, v19  }
0x56: {  	v20 =	vmul.f32 v37, v20;
	v30 =	vmul.f32 v54, v26;
	v29 =	vsel vm4, $0xFF800000, v29  }
0x57: {  	vm4 =	vmor vm14, vm15;
	vm14 =	veq.s32 v15, v4;
	v55 =	vmul.f32 v45, v23  }
0x58: {  	v14 =	vadd.f32 v14, v57;
	v23 =	vmul.f32 v46, v23;
	v15 =	vmul.f32 v32, v24  }
0x59: {  	v59 =	vmul.f32 v58, v26;
	v13 =	vadd.f32 v20, v19;
	v17 =	vadd.f32 v55, v53  }
0x5a: {  	v61 =	vadd.f32 v23, v21;
	v24 =	vmul.f32 v56, v24;
	v15 =	vadd.f32 v30, v15  }
0x5b: {  	vm2 =	vmor vm2, vm6;
	v63 =	vld.idx.msk [tilespmem:v11+s12+$0x0], $0xffff;
	v27 =	vadd.f32 v27, v35;
	v17 =	vadd.f32 v17, v22  }
0x5c: {  	vm15 =	veq.s32 v12, v4;
	v62 =	vadd.f32 v59, v24;
	v14 =	vadd.f32 v15, v14  }
0x5d: {  	v12 =	vadd.f32 v61, v60;
	v27 =	vsel vm5, $0xFF800000, v27;
	vm5 =	vmor vm9, vm10;
	v15 =	vld.idx.msk [tilespmem:v11+s11+$0x0], $0xffff  }
0x5e: {  	vm4 =	vmor vm4, vm5;
	v13 =	vadd.f32 v62, v13;
	[tilespmem:$0x4070] =	vst v29;
	v14 =	vadd.f32 v14, v17  }
0x5f: {  	vm3 =	vmor vm3, vm15;
	vm1 =	vmor vm1, vm4;
	vm4 =	vmor vm13, vm14;
	[tilespmem:$0x4080] =	vst v27  }
0x60: {  	vm3 =	vmor vm4, vm3;
	[tilespmem:$0x40B0] =	vst v63;
	v12 =	vadd.f32 v13, v12;
	v13 =	vsel vm1, $0xFF800000, v14  }
0x61: {  	vm1 =	vmor vm2, vm3;
	[tilespmem:$0x4090] =	vst v13  }
0x62: {  	v12 =	vsel vm1, $0xFF800000, v12;
	v13 =	vld [tilespmem:$0x2010];
	[tilespmem:$0x40D0] =	vst v15  }
0x63: {  	s20 =	simm.s32 $0x3020;
	s21 =	simm.s32 $0x2020;
	s22 =	simm.s32 $0x0;
	[tilespmem:$0x40A0] =	vst v12;
	v12 =	vld [tilespmem:$0x2000]  }
.LBB2_2:
0x64: {  	s23 =	smin.u32 s22, $0xFF  }
0x65: {  	s26 =	sshll.u32 s23, $0x3  }
0x66: {  	v14 =	vmov s26;
	_ =	sdelay $0x1  }
0x67: {  	s23 =	sadd.s32 $0x1, s22  }
0x68: {  	s25 =	sand.u32 $0x1, s23;
	v15 =	vor.u32 $0x1, v14  }
0x69: {  	s24 =	smul.u32 $0x140, s25  }
0x6a: {  	v25 =	vld.idx.msk [tilespmem:v14+s11+$0x0], $0xffff  }
0x6b: {  	s24 =	sshrl.u32 s24, $0x2  }
0x6c: {  	v20 =	vld [tilespmem:s24+$0x4020]  }
0x6d: {  	v22 =	vld.idx.msk [tilespmem:v15+s11+$0x0], $0xffff  }
0x6e: {  	v42 =	vor.u32 $0x7, v14;
	v21 =	vld [tilespmem:s24+$0x4030]  }
0x6f: {  	v30 =	vld [tilespmem:s24+$0x4040];
	v16 =	vshll.u32 v25, $0x6  }
0x70: {  	v23 =	vor.u32 $0x2, v14;
	v31 =	vld [tilespmem:s24+$0x4050];
	v17 =	vor.u32 v0, v16  }
0x71: {  	v32 =	vor.u32 $0x3, v14;
	v35 =	vor.u32 $0x4, v14;
	v27 =	vld.idx.msk [tilespmem:v14+s12+$0x0], $0xffff;
	v18 =	vor.u32 v2, v16  }
0x72: {  	v37 =	vor.u32 $0x5, v14;
	v36 =	vld.idx.msk [tilespmem:v15+s12+$0x0], $0xffff;
	v19 =	vor.u32 v3, v16;
	v28 =	vshll.u32 v22, $0x6  }
0x73: {  	v39 =	vor.u32 $0x6, v14;
	v14 =	vld.idx.msk [tilespmem:v42+s11+$0x0], $0xffff;
	v16 =	vor.u32 v4, v16;
	v61 =	vor.u32 v0, v28  }
0x74: {  	v29 =	vor.u32 v2, v28;
	v15 =	vor.u32 v3, v28;
	v55 =	vor.u32 v4, v28;
	v28 =	vld.idx.msk [tilespmem:v42+s12+$0x0], $0xffff  }
0x75: {  	v24 =	vld.idx.msk [tilespmem:v17+s2+$0x0], $0xffff  }
0x76: {  	v26 =	vld.idx.msk [tilespmem:v18+s2+$0x0], $0xffff  }
0x77: {  	v33 =	vld.idx.msk [tilespmem:v19+s2+$0x0], $0xffff  }
0x78: {  	v34 =	vld.idx.msk [tilespmem:v16+s2+$0x0], $0xffff  }
0x79: {  	v19 =	vld.idx.msk [tilespmem:v23+s11+$0x0], $0xffff  }
0x7a: {  	v18 =	vld.idx.msk [tilespmem:v32+s11+$0x0], $0xffff  }
0x7b: {  	(xrf1) =	vsort.dscd.msk.f32 $0xffff, v20, v0;
	v16 =	vld.idx.msk [tilespmem:v35+s11+$0x0], $0xffff  }
0x7c: {  	(xrf1) =	vsort.ascd.msk.f32 $0xffff, v21, v2;
	v17 =	vld.idx.msk [tilespmem:v37+s11+$0x0], $0xffff  }
0x7d: {  	vm4 =	veq.s32 v25, v0;
	vm3 =	veq.s32 v25, v2;
	v53 =	vshll.u32 v14, $0x6;
	v38 =	vld.idx.msk [tilespmem:v61+s2+$0x0], $0xffff  }
0x7e: {  	vm2 =	veq.s32 v25, v3;
	vm1 =	veq.s32 v25, v4;
	v54 =	vor.u32 v0, v53;
	v40 =	vld.idx.msk [tilespmem:v29+s2+$0x0], $0xffff  }
0x7f: {  	vm5 =	veq.s32 v22, v0;
	vm13 =	veq.s32 v14, v0;
	vm14 =	veq.s32 v22, v2;
	v44 =	vld.idx.msk [tilespmem:v15+s2+$0x0], $0xffff  }
0x80: {  	vm10 =	veq.s32 v14, v2;
	vm9 =	veq.s32 v14, v3;
	vm4 =	vmor vm4, vm5;
	v15 =	vld.idx.msk [tilespmem:v39+s11+$0x0], $0xffff  }
0x81: {  	(xrf1) =	vsort.dscd.msk.f32 $0xffff, v30, v3;
	vm3 =	vmor vm3, vm14;
	v29 =	vld.idx.msk [tilespmem:v23+s12+$0x0], $0xffff;
	v41 =	vshll.u32 v19, $0x6;
	v45 =	vshll.u32 v18, $0x6  }
0x82: {  	(xrf1) =	vsort.ascd.msk.f32 $0xffff, v31, v4;
	v23 =	vld.idx.msk [tilespmem:v32+s12+$0x0], $0xffff;
	v47 =	vshll.u32 v16, $0x6;
	v49 =	vshll.u32 v17, $0x6;
	v51 =	vmul.f32 v24, v27  }
0x83: {  	v58 =	vld.idx.msk [tilespmem:v54+s2+$0x0], $0xffff;
	v52 =	vmul.f32 v26, v27;
	v21 =	vmul.f32 v33, v27;
	v43 =	vor.u32 v0, v41  }
0x84: {  	v59 =	vld.idx.msk [tilespmem:v55+s2+$0x0], $0xffff;
	v20 =	vmul.f32 v34, v27;
	vm6 =	veq.s32 v19, v0;
	v46 =	vor.u32 v0, v45  }
0x85: {  	v24 =	vld.idx.msk [tilespmem:v35+s12+$0x0], $0xffff;
	vm7 =	veq.s32 v18, v0;
	vm8 =	veq.s32 v16, v0;
	v48 =	vor.u32 v0, v47  }
0x86: {  	v26 =	vld.idx.msk [tilespmem:v37+s12+$0x0], $0xffff;
	vm11 =	veq.s32 v17, v0;
	v62 =	vor.u32 v0, v49;
	v50 =	vshll.u32 v15, $0x6  }
0x87: {  	v27 =	vld.idx.msk [tilespmem:v39+s12+$0x0], $0xffff;
	vm15 =	veq.s32 v19, v2;
	v34 =	vmul.f32 v38, v36;
	v63 =	vor.u32 v0, v50  }
0x88: {  	vm14 =	veq.s32 v17, v2;
	v37 =	vmul.f32 v40, v36;
	v25 =	vmul.f32 v44, v36;
	v43 =	vld.idx.msk [tilespmem:v43+s2+$0x0], $0xffff  }
0x89: {  	v56 =	vor.u32 v2, v41;
	v57 =	vor.u32 v2, v45;
	vm6 =	vmor vm6, vm7;
	v46 =	vld.idx.msk [tilespmem:v46+s2+$0x0], $0xffff  }
0x8a: {  	vm12 =	veq.s32 v15, v0;
	vm8 =	vmor vm8, vm11;
	v61 =	vor.u32 v2, v47;
	v48 =	vld.idx.msk [tilespmem:v48+s2+$0x0], $0xffff  }
0x8b: {  	v54 =	vor.u32 v2, v49;
	v30 =	vmul.f32 v58, v28;
	v31 =	vmul.f32 v59, v36;
	v32 =	vld.idx.msk [tilespmem:v62+s2+$0x0], $0xffff  }
0x8c: {  	v42 =	vor.u32 v4, v45;
	vm11 =	veq.s32 v19, v3;
	vm7 =	vmor vm12, vm13;
	v35 =	vld.idx.msk [tilespmem:v63+s2+$0x0], $0xffff  }
0x8d: {  	v55 =	vor.u32 v2, v50;
	vm6 =	vmor vm4, vm6;
	vm4 =	veq.s32 v22, v3  }
0x8e: {  	vm12 =	veq.s32 v18, v2;
	vm13 =	veq.s32 v16, v2;
	v34 =	vadd.f32 v34, v51  }
0x8f: {  	vm7 =	vmor vm8, vm7;
	vm5 =	vmor vm13, vm14;
	v60 =	vmul.f32 v43, v29  }
0x90: {  	v37 =	vadd.f32 v37, v52;
	v62 =	vmul.f32 v46, v23;
	v63 =	vmul.f32 v48, v24  }
0x91: {  	v51 =	vor.u32 v3, v50;
	v32 =	vmul.f32 v32, v26;
	v35 =	vmul.f32 v35, v27  }
0x92: {  	vm13 =	veq.s32 v16, v3;
	v39 =	vld.idx.msk [tilespmem:v56+s2+$0x0], $0xffff;
	v56 =	vor.u32 v2, v53;
	v33 =	vadd.f32 v62, v60  }
0x93: {  	vm14 =	veq.s32 v17, v3;
	v40 =	vld.idx.msk [tilespmem:v57+s2+$0x0], $0xffff;
	v32 =	vadd.f32 v32, v63;
	v30 =	vadd.f32 v30, v35  }
0x94: {  	v21 =	vadd.f32 v25, v21;
	vm6 =	vmor vm6, vm7;
	vm7 =	vmor vm15, vm12;
	v38 =	vld.idx.msk [tilespmem:v61+s2+$0x0], $0xffff;
	v44, v61, _ =	vpop (xrf1)  }
0x95: {  	vm15 =	veq.s32 v15, v2;
	v58 =	vld.idx.msk [tilespmem:v55+s2+$0x0], $0xffff;
	v33 =	vadd.f32 v33, v34;
	v30 =	vadd.f32 v30, v32;
	v63, v62, _ =	vpop (xrf1)  }
0x96: {  	vm12 =	veq.s32 v18, v3;
	v57 =	vld.idx.msk [tilespmem:v54+s2+$0x0], $0xffff;
	v43 =	vor.u32 v3, v47;
	v60, v54, _ =	vpop (xrf1);
	v44 =	vsel vm0, v44, v63  }
0x97: {  	v59 =	vld.idx.msk [tilespmem:v56+s2+$0x0], $0xffff;
	v30 =	vadd.f32 v30, v33;
	v33 =	vor.u32 v3, v45;
	v55, v56, _ =	vpop (xrf1);
	v45 =	vsel vm0, v61, v62  }
0x98: {  	(xrf1) =	vsort.dscd.msk.f32 $0xffff, v44, v45;
	v61 =	vsel vm0, v60, v55;
	v62 =	vsel vm0, v54, v56  }
0x99: {  	vm2 =	vmor vm2, vm4;
	v35 =	vmul.f32 v39, v29;
	v34 =	vor.u32 v4, v41;
	(xrf1) =	vsort.ascd.msk.f32 $0xffff, v61, v62  }
0x9a: {  	v39 =	vmul.f32 v40, v23;
	v40 =	vmul.f32 v58, v27;
	v58 =	vor.u32 v4, v53  }
0x9b: {  	vm4 =	vmor vm13, vm14;
	vm13 =	veq.s32 v17, v4;
	v32 =	vor.u32 v3, v41  }
0x9c: {  	vm14 =	veq.s32 v15, v4;
	vm7 =	vmor vm3, vm7;
	v52 =	vld.idx.msk [tilespmem:v43+s2+$0x0], $0xffff;
	v63 =	vor.u32 v3, v49  }
0x9d: {  	v38 =	vmul.f32 v38, v24;
	v36 =	vmul.f32 v57, v26;
	v48 =	vor.u32 v4, v49;
	v49 =	vld.idx.msk [tilespmem:v42+s2+$0x0], $0xffff  }
0x9e: {  	vm3 =	veq.s32 v22, v4;
	v41 =	vmul.f32 v59, v28;
	v35 =	vadd.f32 v39, v35;
	v34 =	vld.idx.msk [tilespmem:v34+s2+$0x0], $0xffff  }
0x9f: {  	vm1 =	vmor vm1, vm3;
	v46 =	vor.u32 v4, v47;
	v36 =	vadd.f32 v36, v38;
	v62 =	vld.idx.msk [tilespmem:v58+s2+$0x0], $0xffff  }
0xa0: {  	s29 =	smin.u32 s22, $0x1;
	v35 =	vadd.f32 v35, v37;
	v45 =	vadd.f32 v41, v40;
	v54 =	vor.u32 v4, v50;
	v32 =	vld.idx.msk [tilespmem:v32+s2+$0x0], $0xffff  }
0xa1: {  	s28 =	ssub.s32 s22, s29;
	v56 =	vor.u32 v3, v53;
	v50 =	vor.u32 s26, v11;
	v30 =	vsel vm6, $0xFF800000, v30;
	v57 =	vld.idx.msk [tilespmem:v63+s2+$0x0], $0xffff  }
0xa2: {  	s28 =	sshll.u32 s28, $0x4;
	vm6 =	vmor vm15, vm10;
	vm15 =	veq.s32 v15, v3;
	vm10 =	veq.s32 v19, v4;
	v47 =	vld.idx.msk [tilespmem:v33+s2+$0x0], $0xffff  }
0xa3: {  	v15 =	vadd.f32 v31, v20;
	v58 =	vmov s28;
	v36 =	vadd.f32 v45, v36;
	v33 =	vld.idx.msk [tilespmem:v48+s2+$0x0], $0xffff  }
0xa4: {  	v59 =	vld.idx.msk [tilespmem:v51+s2+$0x0], $0xffff;
	vm5 =	vmor vm5, vm6;
	vm6 =	vmor vm11, vm12;
	vm11 =	veq.s32 v18, v4  }
0xa5: {  	v55 =	vld.idx.msk [tilespmem:v46+s2+$0x0], $0xffff;
	vm12 =	veq.s32 v16, v4;
	vm5 =	vmor vm7, vm5;
	v32 =	vmul.f32 v32, v29  }
0xa6: {  	vm3 =	vmor vm10, vm11;
	v61 =	vld.idx.msk [tilespmem:v56+s2+$0x0], $0xffff;
	v29 =	vmul.f32 v34, v29;
	v46 =	vmul.f32 v57, v26;
	v45, v44, _ =	vpop (xrf1)  }
0xa7: {  	v35 =	vadd.f32 v36, v35;
	v38 =	vld.idx.msk [tilespmem:v54+s2+$0x0], $0xffff;
	v60 =	vmul.f32 v47, v23;
	v23 =	vmul.f32 v49, v23;
	v49, v48, _ =	vpop (xrf1)  }
0xa8: {  	v26 =	vmul.f32 v33, v26;
	v33 =	vsel vm0, v45, v49;
	v34 =	vsel vm0, v44, v48  }
0xa9: {  	vm2 =	vmor vm2, vm6;
	v63 =	vmul.f32 v52, v24;
	vm1 =	vmor vm1, vm3;
	(xrf1) =	vsort.dscd.msk.f32 $0xffff, v33, v34  }
0xaa: {  	v24 =	vmul.f32 v55, v24;
	v35 =	vsel vm5, $0xFF800000, v35;
	v18 =	vmul.f32 v62, v28  }
0xab: {  	vm5 =	vmor vm15, vm9;
	v47 =	vmul.f32 v59, v27;
	v22 =	vmul.f32 v61, v28  }
0xac: {  	v27 =	vmul.f32 v38, v27;
	v16 =	vadd.f32 v46, v63;
	v19 =	vadd.f32 v60, v32  }
0xad: {  	s30 =	sand.u32 $0x1, s22;
	vm15 =	veq.s32 v14, v4;
	v51 =	vadd.f32 v23, v29;
	v17 =	vadd.f32 v22, v47  }
0xae: {  	s31 =	smul.u32 $0x140, s30;
	s25 =	sshll.u32 s25, $0x4;
	vm4 =	vmor vm4, vm5;
	v57 =	vld.idx.msk [tilespmem:v50+s12+$0x0], $0xffff;
	v53 =	vadd.f32 v26, v24;
	v18 =	vadd.f32 v18, v27  }
0xaf: {  	v52 =	vld [tilespmem:s25+$0x40C0];
	vm5 =	vmor vm14, vm15;
	v14 =	vadd.f32 v19, v21;
	v16 =	vadd.f32 v17, v16  }
0xb0: {  	v54 =	vld [tilespmem:s24+$0x4060];
	s24 =	sshrl.u32 s31, $0x2;
	vm2 =	vmor vm2, vm4;
	v15 =	vadd.f32 v51, v15;
	v55 =	vadd.f32 v18, v53  }
0xb1: {  	v56 =	vld.idx.msk [tilespmem:v50+s11+$0x0], $0xffff;
	vm4 =	vmor vm12, vm13;
	[tilespmem:s24+$0x4020] =	vst v30;
	v59 =	vor.u32 $0x8, v58;
	v14 =	vadd.f32 v16, v14  }
0xb2: {  	[tilespmem:s24+$0x4030] =	vst v35;
	vm3 =	vmor vm4, vm5;
	v17 =	vbroadcast v59, $0x0;
	v15 =	vadd.f32 v55, v15  }
0xb3: {  	s26 =	sshll.u32 s29, $0x6;
	vm1 =	vmor vm1, vm3;
	[tilespmem:s24+$0x4060] =	vst v57;
	v14 =	vsel vm2, $0xFF800000, v14  }
0xb4: {  	s26 =	ssub.s32 $0x0, s26;
	v15 =	vsel vm1, $0xFF800000, v15;
	[tilespmem:s24+$0x4040] =	vst v14;
	v14 =	vor.u32 v11, v17  }
0xb5: {  	p0 =	sne.s32 s22, $0x100;
	s29 =	sshll.u32 s30, $0x4;
	s26 =	sshra.s32 s26, $0x2;
	[tilespmem:s24+$0x4050] =	vst v15  }
.Ltmp0:
0xb6: {  	s30 =	sadd.s32 s26, s21;
	v60 =	vadd.f32 v54, v13;
	v15 =	vadd.s32 v12, v52;
	[tilespmem:s29+$0x40C0] =	vst v56;
	(pc) =	sbr.rel @p0 .LBB2_2-.Ltmp0, $4  }
0xb7: {  	s31 =	sadd.s32 s26, s20;
	[tilespmem:s30+$0x0] =	vst v15;
	v61, v62, _ =	vpop (xrf1)  }
0xb8: {  	[tilespmem:s31+$0x0] =	vst v60;
	v15 =	vadd.s32 v12, v62;
	v63 =	vadd.f32 v61, v13  }
0xb9: {  	[tilespmem:v14+s16+$0x0] =	vst.idx.msk $0xff, v15  }
0xba: {  	s22 =	smov.u32 s23;
	s21 =	sadd.s32 $0x10, s21;
	s20 =	sadd.s32 $0x10, s20;
	[tilespmem:v14+s17+$0x0] =	vst.idx.msk $0xff, v63  }
0xbb: {  	[hbm4b:s8+s2] =	stream.linear.scatter [tilespmem:s16], [sflag:$0x2], $0x1000, $0x38;
	[tilespmem:$0x40E0] =	vst v63  }
0xbc: {  	s19 =	sadd.s32 $0x1, s19;
	_ =	swait.ge [sflag:s18], $0x1000  }
0xbd: {  	p0 =	sne.s32 s19, s10;
	[sflag:s18] =	ssyncset.done $0x0  }
.Ltmp1:
0xbe: {  	[sflag:s18] =	ssyncadd.s32 $0xFFFFF000;
	(pc) =	sbr.rel @p0 .LBB2_1-.Ltmp1, $4  }
0xbf: {  	[hbm4b:s9+s2] =	stream.linear.scatter [tilespmem:s17], [sflag:$0x2], $0x1000, $0x38;
	[tilespmem:$0x40E0] =	vst v63  }
0xc0: {  	_ =	swait.ge [sflag:s18], $0x1000  }
0xc1: {  	[sflag:s18] =	ssyncset.done $0x0  }
0xc2: {  	[sflag:s18] =	ssyncadd.s32 $0xFFFFF000  }
0xc3: {  	_ =	sfence.sel $0x180000  }
0xc4: {  	[bflag:$0x0] =	sbarrier.arrive $0xFFFF  }
0xc5: {  	p0 =	sne.s32 s1, $0x0;
	_ =	strace $0x9000004A  }
0xc6: {  	s0 =	sadd.s32 @!p0 $0x100000, s0;
	[bflag:$0x2] =	sbarrier.arrive $0xFFFF  }
0xc7: {  	[sflag:s0] =	ssyncadd.tile.s32 @!p0 $0x1;
	_ =	shalt  }
.Lfunc_end2:
_tile_overlayer_lowered:
.L_overlay_start_2:
0xc8: {  	(tag) =	ssettag $0x2  }
0xc9: {  	s0 =	rddreg [dreg:$0x0];
	s2 =	stileid.u32  }
0xca: {  	s1 =	rddreg [dreg:$0x1];
	p0 =	sne.s32 s2, $0x0  }
0xcb: {  	s3 =	rddreg [dreg:$0x2];
	[bflag:$0x3] =	sbarrier.arrive $0xFFFF;
	s2 =	simm.s32 @!p0 $0x1C02  }
0xcc: {  	[timem:s3], [sflag:s2] =	dma.local @!p0 [hbm:s0], s1  }
0xcd: {  	s0 =	simm.s32 @!p0 $0x2  }
0xce: {  	_ =	swait.ge @!p0 [sflag:s0], s1  }
0xcf: {  	s1 =	ssub.s32 @!p0 $0x0, s1;
	[sflag:s0] =	ssyncset.done @!p0 $0x0  }
0xd0: {  	[sflag:s0] =	ssyncadd.s32 @!p0 s1  }
0xd1: {  	[bflag:$0x3] =	sbarrier.arrive $0xFFFF  }
0xd2: {  	_ =	shalt  }

// kernel: kernel.15.cloned.1.call-start
scs
__scs_entry_jumppad:
0x0: {  	(pc) =	sbr.rel $0x88, $3  }
0x1: {  	(tag) =	ssettag $0x0;
	lr =	simm.s32 $0x1  }
0x2: {  	[smem:$0x3F9D] =	sst lr;
	_ =	strace $0xD0000000  }
0x3: {  	_ = 	snop  }
0x4: {  	_ = 	snop  }
0x5: {  	_ = 	snop  }
0x6: {  	_ = 	snop  }
0x7: {  	_ = 	snop  }
__scs_overlays_trampoline_lowered:
0x8: {  	[smem:$0x3FAC] =	sst s0  }
0x9: {  	[smem:$0x3FAD] =	sst s1  }
0xa: {  	[smem:$0x3FAE] =	sst s2  }
0xb: {  	[smem:$0x3FAF] =	sst s3  }
0xc: {  	[smem:$0x3FB0] =	sst s4  }
0xd: {  	[smem:$0x3FB1] =	sst s5  }
0xe: {  	[smem:$0x3FB2] =	sst s6  }
0xf: {  	[smem:$0x3FB3] =	sst s7  }
0x10: {  	[smem:$0x3FB4] =	sst s8  }
0x11: {  	[smem:$0x3FB5] =	sst s9;
	s0 =	simm.s32 @!p0 $0x0  }
0x12: {  	s1 =	sld [smem:$0x3F9B];
	s0 =	simm.s32 @p0 $0x1  }
0x13: {  	[smem:$0x3FB6] =	sst s0;
	s0 =	simm.s32 @!p1 $0x0  }
0x14: {  	s2 =	sld [smem:$0x3F9A];
	s0 =	simm.s32 @p1 $0x1  }
0x15: {  	[smem:$0x3FB7] =	sst s0;
	s0 =	simm.s32 @!p2 $0x0  }
0x16: {  	s3 =	sld [smem:$0x3FDB];
	s0 =	simm.s32 @p2 $0x1  }
0x17: {  	s4 =	simm.s32 $0x1BF5;
	[smem:$0x3FB9] =	sst s0  }
0x18: {  	s0 =	sld [smem:$0x3F9C];
	_ =	swait.ge [sflag:s4], $0x0  }
0x19: {  	s7 =	sld [smem:$0x3F9D]  }
0x1a: {  	s8 =	sadd.s32 $0xFFFFE003, lr  }
0x1b: {  	s9 =	sadd.s32 $0xFFFFFEF7, lr;
	s5 =	simm.s32 $0xFFFFFFFF;
	p2 =	slt.u32 s8, $0xFFFFF086  }
0x1c: {  	p1 =	slt.u32 s9, $0xF7A;
	s5 =	simm.s32 @!p2 $0x0  }
0x1d: {  	s5 =	simm.s32 @p1 $0x1;
	p0 =	seq.s32 s7, s2  }
0x1e: {  	s7 =	smul.u32 @!p0 $0xF7A, s2;
	p2 =	seq.s32 @!p0 s5, $0x0  }
0x1f: {  	s9 =	smul.u32 $0xF7A, s1;
	s8 =	simm.s32 @!p0 $0x1BF5;
	p2 =	por !p2, p0  }
0x20: {  	[sflag:s8] =	ssyncset.s32 @!p0 $0xFFFFF086;
	s6 =	sadd.s32 @!p0 s3, s7;
	s7 =	simm.s32 @!p0 $0x108  }
0x21: {  	s3 =	sadd.s32 s3, s9;
	s6 =	sadd.s32 @!p0 $0x88, s6;
	s7 =	simm.s32 @p2 $0x1082  }
0x22: {  	[simem:s7], [sflag:s8] =	dma.local @!p0 [hbm:s6], $0xF7A  }
0x23: {  	s9 =	sor.u32 $0xD0000000, s2;
	s6 =	simm.s32 $0x108;
	_ =	swait.ge @!p0 [sflag:s8], $0x0  }
0x24: {  	s3 =	sadd.s32 $0x88, s3;
	s6 =	simm.s32 @!p1 $0x1082;
	[sflag:s4] =	ssyncset.s32 $0xFFFFF086  }
0x25: {  	[simem:s6], [sflag:s4] =	dma.local [hbm:s3], $0xF7A  }
0x26: {  	[smem:$0x3F9D] =	sst s1;
	(tag) =	ssettag s2;
	_ =	strace s9  }
0x27: {  	s1 =	sld [smem:$0x3FAD]  }
0x28: {  	s2 =	sld [smem:$0x3FAE]  }
0x29: {  	s4 =	sld [smem:$0x3FB0]  }
0x2a: {  	p0 =	seq.s32 s5, $0x0;
	s5 =	sld [smem:$0x3FB1]  }
0x2b: {  	s6 =	sld [smem:$0x3FB2]  }
0x2c: {  	s7 =	sld [smem:$0x3FB3]  }
0x2d: {  	s3 =	simm.s32 $0x108;
	s8 =	sld [smem:$0x3FB4]  }
0x2e: {  	s3 =	simm.s32 @!p0 $0x1082;
	s9 =	sld [smem:$0x3FB5]  }
0x2f: {  	lr =	sadd.s32 s0, s3;
	s0 =	sld [smem:$0x3FAC]  }
0x30: {  	s3 =	sld [smem:$0x3FAF]  }
0x31: {  	[smem:$0x3FB8] =	sst s10  }
0x32: {  	s10 =	sld [smem:$0x3FB6];
	_ =	sdelay $0x3  }
0x33: {  	p0 =	seq.s32 s10, $0x1;
	s10 =	sld [smem:$0x3FB8];
	_ =	sdelay $0x3  }
0x34: {  	[smem:$0x3FB8] =	sst s10  }
0x35: {  	s10 =	sld [smem:$0x3FB7];
	_ =	sdelay $0x3  }
0x36: {  	p1 =	seq.s32 s10, $0x1;
	s10 =	sld [smem:$0x3FB8];
	_ =	sdelay $0x3  }
0x37: {  	[smem:$0x3FB8] =	sst s10  }
0x38: {  	s10 =	sld [smem:$0x3FB9]  }
0x39: {  	_ = 	snop;
	(pc) =	sbr.ind lr, $3  }
0x3a: {  	_ = 	snop  }
0x3b: {  	_ = 	snop  }
0x3c: {  	p2 =	seq.s32 s10, $0x1;
	s10 =	sld [smem:$0x3FB8]  }
0x3d: {  	_ =	shalt  }
0x3e: {  	_ =	shalt  }
0x3f: {  	_ =	shalt  }
0x40: {  	_ =	shalt  }
0x41: {  	_ =	shalt  }
0x42: {  	_ =	shalt  }
0x43: {  	_ =	shalt  }
0x44: {  	_ =	shalt  }
0x45: {  	_ =	shalt  }
0x46: {  	_ =	shalt  }
0x47: {  	_ =	shalt  }
0x48: {  	_ =	shalt  }
0x49: {  	_ =	shalt  }
0x4a: {  	_ =	shalt  }
0x4b: {  	_ =	shalt  }
0x4c: {  	_ =	shalt  }
0x4d: {  	_ =	shalt  }
0x4e: {  	_ =	shalt  }
0x4f: {  	_ =	shalt  }
0x50: {  	_ =	shalt  }
0x51: {  	_ =	shalt  }
0x52: {  	_ =	shalt  }
0x53: {  	_ =	shalt  }
0x54: {  	_ =	shalt  }
0x55: {  	_ =	shalt  }
0x56: {  	_ =	shalt  }
0x57: {  	_ =	shalt  }
0x58: {  	_ =	shalt  }
0x59: {  	_ =	shalt  }
0x5a: {  	_ =	shalt  }
0x5b: {  	_ =	shalt  }
0x5c: {  	_ =	shalt  }
0x5d: {  	_ =	shalt  }
0x5e: {  	_ =	shalt  }
0x5f: {  	_ =	shalt  }
0x60: {  	_ =	shalt  }
0x61: {  	_ =	shalt  }
0x62: {  	_ =	shalt  }
0x63: {  	_ =	shalt  }
0x64: {  	_ =	shalt  }
0x65: {  	_ =	shalt  }
0x66: {  	_ =	shalt  }
0x67: {  	_ =	shalt  }
0x68: {  	_ =	shalt  }
0x69: {  	_ =	shalt  }
0x6a: {  	_ =	shalt  }
0x6b: {  	_ =	shalt  }
0x6c: {  	_ =	shalt  }
0x6d: {  	_ =	shalt  }
0x6e: {  	_ =	shalt  }
0x6f: {  	_ =	shalt  }
0x70: {  	_ =	shalt  }
0x71: {  	_ =	shalt  }
0x72: {  	_ =	shalt  }
0x73: {  	_ =	shalt  }
0x74: {  	_ =	shalt  }
0x75: {  	_ =	shalt  }
0x76: {  	_ =	shalt  }
0x77: {  	_ =	shalt  }
0x78: {  	_ =	shalt  }
0x79: {  	_ =	shalt  }
0x7a: {  	_ =	shalt  }
0x7b: {  	_ =	shalt  }
0x7c: {  	_ =	shalt  }
0x7d: {  	_ =	shalt  }
0x7e: {  	_ =	shalt  }
0x7f: {  	_ =	shalt  }
0x80: {  	_ =	shalt  }
0x81: {  	_ =	shalt  }
0x82: {  	_ =	shalt  }
0x83: {  	_ =	shalt  }
0x84: {  	_ =	shalt  }
0x85: {  	_ =	shalt  }
0x86: {  	_ =	shalt  }
0x87: {  	_ =	shalt  }
.Lfunc_end0:
.L_simem_size_0:
called_computation.3_lowered:
.L_overlay_start_0:
0x88: {  	s2 =	sld [smem:$0x3FD9]  }
0x89: {  	s3 =	sld [smem:$0x3FFE];
	_ =	sdelay $0x1  }
0x8a: {  	s1 =	srdreg.scid  }
0x8b: {  	s0 =	sand.u32 $0x1, s1  }
0x8c: {  	s15 =	sshll.u32 s0, $0xA;
	s2 =	sadd.s32 s3, s2  }
0x8d: {  	s2 =	sadd.s32 s2, s15  }
0x8e: {  	[smem:$0x3FC4] =	sst s2  }
0x8f: {  	_ = 	snop  }
0x90: {  	s2 =	sld [smem:$0x3FD0];
	_ =	sdelay $0x2  }
0x91: {  	s4 =	simm.s32 $0xD;
	s16 =	simm.s32 $0x10  }
0x92: {  	[smem:s16], [sflag:s4] =	dma.local [hbm:s2], $0x1  }
0x93: {  	_ =	swait.eq [sflag:s4], $0x1  }
0x94: {  	[sflag:s4] =	ssyncset.done $0x0  }
0x95: {  	s17 =	sld [smem:$0x10];
	[sflag:s4] =	ssyncadd.s32 $0xFFFFFFFF  }
0x96: {  	s18 =	sld [smem:$0x11];
	(tm) =	ssettm $0x1  }
0x97: {  	s19 =	sld [smem:$0x3FFB];
	_ =	sdelay $0x3  }
0x98: {  	_ =	strace s19  }
0x99: {  	s2 =	sld [smem:$0x3FFC];
	_ =	sdelay $0x3  }
0x9a: {  	_ =	strace s2  }
0x9b: {  	s2 =	sld [smem:$0x3FFD];
	_ =	sdelay $0x3  }
0x9c: {  	_ =	strace s2  }
0x9d: {  	_ =	strace $0x8FFFFFFF  }
0x9e: {  	s20 =	sld [smem:$0x3FDB];
	_ =	sdelay $0x1  }
0x9f: {  	s5 =	simm.s32 $_scs_section_size  }
0xa0: {  	s6 =	simm.s32 $_size__tile_overlayer_lowered;
	s7 =	simm.s32 $_tile_overlayer_lowered  }
0xa1: {  	s8 =	simm.s32 $0x1BFF;
	s21 =	sshll.u32 s7, $0x1;
	s5 =	sadd.s32 s5, s20  }
0xa2: {  	s22 =	simm.s32 $0x0;
	s6 =	sshll.u32 s6, $0x1;
	s7 =	sadd.s32 s21, s5  }
0xa3: {  	[timem:s22], [sflag:s8] =	dma.local [hbm:s7], s6  }
0xa4: {  	_ =	swait.ge [sflag:s8], s6  }
0xa5: {  	s6 =	ssub.s32 $0x0, s6;
	[sflag:s8] =	ssyncset.done $0x0  }
0xa6: {  	[sflag:s8] =	ssyncadd.s32 s6;
	_ =	sdelay $0x1  }
0xa7: {  	s23 =	simm.s32 $0x1B8B  }
0xa8: {  	_ =	swait.ge [sflag:s23], $0x1  }
0xa9: {  	[sflag:s23] =	ssyncset.done $0x0  }
0xaa: {  	[sflag:s23] =	ssyncadd.s32 $0xFFFFFFFF  }
0xab: {  	s6 =	sld [smem:$0x0]  }
0xac: {  	s7 =	sand.u32 $0xFFFFFFFE, s1  }
0xad: {  	p0 =	sne.s32 s1, s7  }
0xae: {  	s7 =	sshll.u32 @p0 s7, $0xE  }
0xaf: {  	s7 =	sadd.s32 @p0 $0x11B8D, s7;
	s8 =	sshll.u32 @p0 s6, $0x11  }
0xb0: {  	s7 =	sor.u32 @p0 s8, s7  }
0xb1: {  	[sflag:s7] =	ssyncadd.remote.s32 @p0 $0x1;
	_ =	sdelay $0x1  }
0xb2: {  	s7 =	simm.s32 @p0 $0x1B8D  }
0xb3: {  	_ =	swait.eq @p0 [sflag:s7], $0x1  }
0xb4: {  	[sflag:s7] =	ssyncadd.s32 @p0 $0xFFFFFFFF  }
0xb5: {  	s8 =	sshll.u32 @!p0 s1, $0xE  }
0xb6: {  	s8 =	sor.u32 @!p0 $0x4000, s8;
	s7 =	simm.s32 @!p0 $0x1B8D  }
0xb7: {  	s6 =	sshll.u32 @!p0 s6, $0x11;
	s8 =	sadd.s32 @!p0 $0x11B8D, s8;
	_ =	swait.eq @!p0 [sflag:s7], $0x1  }
0xb8: {  	s6 =	sor.u32 @!p0 s6, s8;
	[sflag:s7] =	ssyncadd.s32 @!p0 $0xFFFFFFFF  }
0xb9: {  	s25 =	simm.s32 $0x1B8E;
	s24 =	sld [smem:$0x3FFE];
	[sflag:s6] =	ssyncadd.remote.s32 @!p0 $0x1  }
0xba: {  	s26 =	simm.s32 $execute0_lowered;
	[smem:$0x3FD2] =	sst s25  }
0xbb: {  	s7 =	sshll.u32 s26, $0x1;
	_ =	strace $0x8000004F;
	[dreg:$0x1] =	wrdreg $0xFFFFFFFF  }
0xbc: {  	s28 =	simm.s32 $_size_execute0_lowered;
	s5 =	sadd.s32 s5, s7;
	[dreg:$0x0] =	wrdreg $0x0  }
0xbd: {  	s7 =	sshll.u32 s28, $0x1;
	[dreg:$0x2] =	wrdreg s5  }
0xbe: {  	[dreg:$0x3] =	wrdreg s7  }
0xbf: {  	[dreg:$0x4] =	wrdreg $0xC0  }
0xc0: {  	_ =	task [dreg:s22], $0x5FFFF  }
0xc1: {  	[dreg:$0x1] =	wrdreg $0xFFFFFFFF  }
0xc2: {  	[dreg:$0x0] =	wrdreg $0x60  }
0xc3: {  	[dreg:$0x2] =	wrdreg s24  }
0xc4: {  	[dreg:$0x3] =	wrdreg s18  }
0xc5: {  	[dreg:$0x4] =	wrdreg s17  }
0xc6: {  	[dreg:$0x5] =	wrdreg $0xC  }
0xc7: {  	_ =	task.clear_ibuf [dreg:s22], $0x6FFFF;
	_ =	strace $0x9000004F  }
0xc8: {  	s29 =	simm.s32 $0xC;
	_ =	strace $0x80000051  }
0xc9: {  	_ =	swait.ge [sflag:s29], $0x1  }
0xca: {  	[sflag:s29] =	ssyncadd.s32 $0xFFFFFFFF  }
0xcb: {  	_ =	strace $0x90000051  }
0xcc: {  	_ =	sfence  }
0xcd: {  	s30 =	sld [smem:$0x0];
	_ =	sdelay $0x2  }
0xce: {  	s31 =	sshll.u32 s1, $0xD;
	s1 =	sshrl.u32 s1, $0x2  }
0xcf: {  	s4 =	sand.u32 $0x4000, s31;
	s1 =	sadd.s32 s1, s30  }
0xd0: {  	s0 =	sor.u32 s4, s0;
	s1 =	sshll.u32 s1, $0x11  }
0xd1: {  	s0 =	sor.u32 s1, s0  }
0xd2: {  	s0 =	sadd.s32 $0x8F2B, s0  }
0xd3: {  	[sflag:s0] =	ssyncadd.remote.s32 $0x1  }
0xd4: {  	_ =	sfence.sel $0xFFFF  }
0xd5: {  	[dreg:$0x0] =	wrdreg $0xFFFFFFFF;
	(pc) =	sbr.abs _section_cstart, $3  }
0xd6: {  	[dreg:$0x1] =	wrdreg $0xFFFFFFFF  }
0xd7: {  	_ =	task.clear_ibuf [dreg:s22], $0x2FFFF;
	_ =	strace $0x9FFFFFFF  }
0xd8: {  	(tm) =	ssettm $0x7FFFFFFF  }
0xd9: {  	_ =	shalt  }
tec
execute0_lowered:
.L_overlay_start_1:
0x0: {  	(tag) =	ssettag $0x1  }
0x1: {  	s5 =	rddreg [dreg:$0x0]  }
0x2: {  	s8 =	rddreg [dreg:$0x1]  }
0x3: {  	s9 =	rddreg [dreg:$0x2]  }
0x4: {  	s0 =	rddreg [dreg:$0x3];
	s3 =	srdreg.scid  }
0x5: {  	s2 =	simm.s32 $0x0;
	s1 =	stileid.u32;
	s12 =	simm.s32 $0x1800  }
0x6: {  	s13 =	simm.s32 $0x2000;
	s14 =	simm.s32 $0x2010;
	s15 =	simm.s32 $0x1  }
0x7: {  	s16 =	simm.s32 $0x2020;
	s17 =	simm.s32 $0x3020;
	s18 =	simm.s32 $0x2  }
0x8: {  	s19 =	simm.s32 $0x0;
	s3 =	sand.u32 $0x1, s3;
	[smem:$0x7FF] =	sst s2  }
0x9: {  	s4 =	sshll.u32 s1, $0x9;
	s6 =	sshll.u32 s3, $0x8;
	_ =	strace $0x80000050  }
0xa: {  	v0 =	vlaneseq.u32;
	s31 =	ssub.s32 $0x2, s3;
	s3 =	sadd.s32 $0x2C00, s5;
	s10 =	sor.u32 s6, s4  }
0xb: {  	v1 =	vimm.s32 $0x6;
	v5 =	vimm.s32 $0x1;
	v6 =	vimm.s32 $0x2;
	s11 =	sshrl.u32 s31, $0x1;
	s4 =	sadd.s32 $0x6E00, s5;
	s7 =	sadd.s32 s10, s5  }
0xc: {  	v7 =	vimm.s32 $0x3;
	v8 =	vimm.s32 $0x4;
	v9 =	vimm.s32 $0x5;
	s5 =	sadd.s32 $0x7000, s5;
	s11 =	ssub.s32 s31, s11;
	s10 =	sshll.u32 s10, $0x1  }
0xd: {  	v10 =	vimm.s32 $0x7;
	vm0 =	vmmov $0xff;
	v2 =	vor.u32 $0x10, v0;
	s6 =	sadd.s32 $0x27200, s7;
	s7 =	sadd.s32 $0x29200, s7;
	s8 =	sadd.s32 s8, s10  }
0xe: {  	v3 =	vor.u32 $0x20, v0;
	v4 =	vor.u32 $0x30, v0;
	v11 =	vand.u32 $0x7, v0;
	s9 =	sadd.s32 s9, s10;
	s10 =	smax.u32 s11, $0x1;
	s11 =	simm.s32 $0x1000  }
.LBB2_1:
0xf: {  	[tilespmem:s2], [sflag:$0x1] =	stream.linear.gather [hbm4b:s3+s2], $0x1000, $0x38;
	[tilespmem:$0x40E0] =	vst v63  }
0x10: {  	_ = 	snop  }
0x11: {  	[tilespmem:s11], [sflag:$0x1] =	stream.linear.gather [hbm4b:s6+s2], $0x800, $0x38;
	[tilespmem:$0x40E0] =	vst v63  }
0x12: {  	_ = 	snop  }
0x13: {  	[tilespmem:s12], [sflag:$0x1] =	stream.linear.gather [hbm4b:s7+s2], $0x800, $0x38;
	[tilespmem:$0x40E0] =	vst v63  }
0x14: {  	_ = 	snop  }
0x15: {  	[tilespmem:s13], [sflag:$0x1] =	stream.linear.gather [hbm4b:s4+s2], $0x10, $0x38;
	[tilespmem:$0x40E0] =	vst v63  }
0x16: {  	_ = 	snop  }
0x17: {  	[tilespmem:s14], [sflag:$0x1] =	stream.linear.gather [hbm4b:s5+s2], $0x10, $0x38;
	[tilespmem:$0x40E0] =	vst v63  }
0x18: {  	_ =	swait.ge [sflag:s15], $0x1000  }
0x19: {  	[sflag:s15] =	ssyncset.done $0x0  }
0x1a: {  	[sflag:s15] =	ssyncadd.s32 $0xFFFFF000  }
0x1b: {  	_ =	swait.ge [sflag:s15], $0x800  }
0x1c: {  	[sflag:s15] =	ssyncset.done $0x0  }
0x1d: {  	[sflag:s15] =	ssyncadd.s32 $0xFFFFF800  }
0x1e: {  	_ =	swait.ge [sflag:s15], $0x800  }
0x1f: {  	[sflag:s15] =	ssyncset.done $0x0  }
0x20: {  	[sflag:s15] =	ssyncadd.s32 $0xFFFFF800  }
0x21: {  	_ =	swait.ge [sflag:s15], $0x10  }
0x22: {  	[sflag:s15] =	ssyncset.done $0x0  }
0x23: {  	[sflag:s15] =	ssyncadd.s32 $0xFFFFFFF0  }
0x24: {  	_ =	swait.ge [sflag:s15], $0x10  }
0x25: {  	[sflag:s15] =	ssyncset.done $0x0  }
0x26: {  	[sflag:s15] =	ssyncadd.s32 $0xFFFFFFF0  }
0x27: {  	v27 =	vld.msk [tilespmem:s11+$0x0], $0xffff;
	_ =	sdelay $0x4  }
0x28: {  	v25 =	vld.idx.msk [tilespmem:v5+s11+$0x0], $0xffff;
	v12 =	vshll.u32 v27, $0x6  }
0x29: {  	v17 =	vld.idx.msk [tilespmem:v6+s11+$0x0], $0xffff;
	v13 =	vor.u32 v0, v12  }
0x2a: {  	v16 =	vld.idx.msk [tilespmem:v7+s11+$0x0], $0xffff;
	v14 =	vor.u32 v2, v12  }
0x2b: {  	v18 =	vld.msk [tilespmem:s12+$0x0], $0xffff;
	v15 =	vor.u32 v3, v12  }
0x2c: {  	v21 =	vld.idx.msk [tilespmem:v6+s12+$0x0], $0xffff;
	v12 =	vor.u32 v4, v12  }
0x2d: {  	v23 =	vld.idx.msk [tilespmem:v7+s12+$0x0], $0xffff  }
0x2e: {  	v28 =	vshll.u32 v25, $0x6;
	v22 =	vld.idx.msk [tilespmem:v13+s2+$0x0], $0xffff  }
0x2f: {  	v31 =	vshll.u32 v17, $0x6;
	v33 =	vshll.u32 v16, $0x6;
	vm2 =	veq.s32 v27, v0;
	v24 =	vld.idx.msk [tilespmem:v14+s2+$0x0], $0xffff  }
0x30: {  	vm3 =	veq.s32 v27, v2;
	vm1 =	veq.s32 v27, v3;
	v19 =	vor.u32 v0, v31;
	v26 =	vld.idx.msk [tilespmem:v15+s2+$0x0], $0xffff  }
0x31: {  	vm4 =	veq.s32 v25, v0;
	vm5 =	veq.s32 v17, v0;
	v20 =	vor.u32 v0, v33;
	v29 =	vld.idx.msk [tilespmem:v12+s2+$0x0], $0xffff  }
0x32: {  	vm6 =	veq.s32 v16, v0;
	vm11 =	veq.s32 v25, v2;
	vm12 =	veq.s32 v17, v2;
	v14 =	vld.idx.msk [tilespmem:v8+s11+$0x0], $0xffff  }
0x33: {  	vm13 =	veq.s32 v16, v2;
	v63 =	vor.u32 v2, v28;
	v46 =	vor.u32 v3, v28;
	v15 =	vld.idx.msk [tilespmem:v9+s11+$0x0], $0xffff  }
0x34: {  	v47 =	vor.u32 v2, v31;
	v48 =	vor.u32 v2, v33;
	vm4 =	vmor vm2, vm4;
	v12 =	vld.idx.msk [tilespmem:v10+s11+$0x0], $0xffff  }
0x35: {  	vm5 =	vmor vm5, vm6;
	vm3 =	vmor vm3, vm11;
	v13 =	vor.u32 v0, v28;
	v36 =	vld.idx.msk [tilespmem:v19+s2+$0x0], $0xffff  }
0x36: {  	vm11 =	veq.s32 v25, v3;
	v59 =	vor.u32 v3, v31;
	v31 =	vor.u32 v4, v31;
	v39 =	vld.idx.msk [tilespmem:v20+s2+$0x0], $0xffff  }
0x37: {  	v60 =	vor.u32 v3, v33;
	v33 =	vor.u32 v4, v33;
	vm4 =	vmor vm4, vm5  }
0x38: {  	v30 =	vld.idx.msk [tilespmem:v5+s12+$0x0], $0xffff;
	vm1 =	vmor vm1, vm11;
	vm11 =	veq.s32 v17, v4;
	v28 =	vor.u32 v4, v28  }
0x39: {  	v19 =	vld.idx.msk [tilespmem:v8+s12+$0x0], $0xffff;
	v34 =	vshll.u32 v14, $0x6;
	v44 =	vmul.f32 v22, v18;
	v45 =	vmul.f32 v24, v18  }
0x3a: {  	v32 =	vld.idx.msk [tilespmem:v13+s2+$0x0], $0xffff;
	v37 =	vshll.u32 v15, $0x6;
	v22 =	vmul.f32 v26, v18;
	v18 =	vmul.f32 v29, v18  }
0x3b: {  	v13 =	vld.idx.msk [tilespmem:v1+s11+$0x0], $0xffff;
	v42 =	vshll.u32 v12, $0x6;
	v36 =	vmul.f32 v36, v21;
	v39 =	vmul.f32 v39, v23  }
0x3c: {  	v20 =	vld.idx.msk [tilespmem:v9+s12+$0x0], $0xffff;
	vm7 =	veq.s32 v14, v0;
	vm2 =	veq.s32 v15, v0;
	vm14 =	veq.s32 v14, v2  }
0x3d: {  	v50 =	vld.idx.msk [tilespmem:v46+s2+$0x0], $0xffff;
	vm15 =	veq.s32 v15, v2;
	v35 =	vor.u32 v0, v34;
	v38 =	vor.u32 v0, v37  }
0x3e: {  	v28 =	vld.idx.msk [tilespmem:v28+s2+$0x0], $0xffff;
	v43 =	vor.u32 v0, v42;
	v49 =	vor.u32 v2, v34;
	v51 =	vor.u32 v2, v37  }
0x3f: {  	v56 =	vld.idx.msk [tilespmem:v48+s2+$0x0], $0xffff;
	vm7 =	vmor vm7, vm2;
	vm2 =	veq.s32 v12, v0;
	v54 =	vor.u32 v2, v42  }
0x40: {  	v24 =	vld.idx.msk [tilespmem:v1+s12+$0x0], $0xffff;
	vm5 =	vmor vm14, vm15;
	v61 =	vor.u32 v3, v34;
	v40 =	vshll.u32 v13, $0x6  }
0x41: {  	v26 =	vld.idx.msk [tilespmem:v10+s12+$0x0], $0xffff;
	v34 =	vor.u32 v4, v34;
	vm14 =	veq.s32 v14, v3;
	v41 =	vor.u32 v0, v40  }
0x42: {  	vm15 =	veq.s32 v15, v3;
	v36 =	vadd.f32 v39, v36;
	v32 =	vmul.f32 v32, v30;
	v35 =	vld.idx.msk [tilespmem:v35+s2+$0x0], $0xffff  }
0x43: {  	vm10 =	veq.s32 v13, v0;
	vm9 =	veq.s32 v13, v2;
	v28 =	vmul.f32 v28, v30;
	v38 =	vld.idx.msk [tilespmem:v38+s2+$0x0], $0xffff  }
0x44: {  	v43 =	vld.idx.msk [tilespmem:v43+s2+$0x0], $0xffff;
	vm6 =	vmor vm10, vm2;
	vm2 =	veq.s32 v27, v4;
	v52 =	vor.u32 v2, v40  }
0x45: {  	v57 =	vld.idx.msk [tilespmem:v51+s2+$0x0], $0xffff;
	vm10 =	veq.s32 v12, v2;
	v48 =	vor.u32 v3, v40;
	v51 =	vor.u32 v4, v40  }
0x46: {  	v32 =	vadd.f32 v32, v44;
	vm6 =	vmor vm7, vm6;
	vm7 =	vmor vm9, vm10;
	v62 =	vld.idx.msk [tilespmem:v41+s2+$0x0], $0xffff  }
0x47: {  	v53 =	vld.idx.msk [tilespmem:v47+s2+$0x0], $0xffff;
	v44 =	vor.u32 v3, v37;
	v37 =	vor.u32 v4, v37;
	vm9 =	veq.s32 v13, v3  }
0x48: {  	v46 =	vld.idx.msk [tilespmem:v33+s2+$0x0], $0xffff;
	vm10 =	veq.s32 v12, v3;
	vm4 =	vmor vm4, vm6;
	vm6 =	vmor vm12, vm13  }
0x49: {  	v39 =	vld.idx.msk [tilespmem:v49+s2+$0x0], $0xffff;
	vm5 =	vmor vm5, vm7;
	vm12 =	veq.s32 v17, v3;
	vm13 =	veq.s32 v16, v3  }
0x4a: {  	v32 =	vadd.f32 v36, v32;
	v35 =	vmul.f32 v35, v19;
	v38 =	vmul.f32 v38, v20;
	v41 =	vld.idx.msk [tilespmem:v63+s2+$0x0], $0xffff  }
0x4b: {  	vm6 =	vmor vm3, vm6;
	v43 =	vmul.f32 v43, v26;
	v27 =	vld.idx.msk [tilespmem:v52+s2+$0x0], $0xffff;
	v29 =	vmul.f32 v62, v24  }
0x4c: {  	v58 =	vld.idx.msk [tilespmem:v54+s2+$0x0], $0xffff;
	v36 =	vmul.f32 v56, v23;
	vm3 =	veq.s32 v25, v4;
	vm5 =	vmor vm6, vm5  }
0x4d: {  	v49 =	vld.idx.msk [tilespmem:v61+s2+$0x0], $0xffff;
	vm6 =	vmor vm12, vm13;
	v35 =	vadd.f32 v38, v35;
	v29 =	vadd.f32 v43, v29  }
0x4e: {  	v34 =	vld.idx.msk [tilespmem:v34+s2+$0x0], $0xffff;
	vm12 =	veq.s32 v16, v4;
	v38 =	vmul.f32 v50, v30;
	v50 =	vor.u32 v3, v42  }
0x4f: {  	vm13 =	veq.s32 v14, v4;
	v39 =	vmul.f32 v39, v19;
	v63 =	vld.idx.msk [tilespmem:v31+s2+$0x0], $0xffff;
	v29 =	vadd.f32 v29, v35  }
0x50: {  	v52 =	vor.u32 v4, v42;
	v31 =	vld.idx.msk [tilespmem:v44+s2+$0x0], $0xffff;
	v55 =	vmul.f32 v41, v30;
	v27 =	vmul.f32 v27, v24  }
0x51: {  	v41 =	vmul.f32 v58, v26;
	v62 =	vld.idx.msk [tilespmem:v59+s2+$0x0], $0xffff;
	v29 =	vadd.f32 v29, v32;
	v32 =	vmul.f32 v57, v20  }
0x52: {  	vm2 =	vmor vm2, vm3;
	vm3 =	veq.s32 v13, v4;
	vm1 =	vmor vm1, vm6;
	v37 =	vld.idx.msk [tilespmem:v37+s2+$0x0], $0xffff  }
0x53: {  	v43 =	vmul.f32 v53, v21;
	v27 =	vadd.f32 v41, v27;
	v54 =	vld.idx.msk [tilespmem:v50+s2+$0x0], $0xffff;
	v32 =	vadd.f32 v32, v39  }
0x54: {  	vm6 =	vmor vm11, vm12;
	v22 =	vadd.f32 v38, v22;
	v35 =	vadd.f32 v55, v45;
	v45 =	vld.idx.msk [tilespmem:v60+s2+$0x0], $0xffff  }
0x55: {  	v14 =	vmul.f32 v31, v20;
	v36 =	vadd.f32 v36, v43;
	v27 =	vadd.f32 v27, v32;
	v32 =	vld.idx.msk [tilespmem:v48+s2+$0x0], $0xffff  }
0x56: {  	v58 =	vld.idx.msk [tilespmem:v52+s2+$0x0], $0xffff;
	v60 =	vadd.f32 v28, v18;
	v53 =	vmul.f32 v62, v21;
	v21 =	vmul.f32 v63, v21  }
0x57: {  	v56 =	vld.idx.msk [tilespmem:v51+s2+$0x0], $0xffff;
	v35 =	vadd.f32 v36, v35;
	v57 =	vmul.f32 v49, v19;
	v19 =	vmul.f32 v34, v19  }
0x58: {  	v20 =	vmul.f32 v37, v20;
	v30 =	vmul.f32 v54, v26;
	v29 =	vsel vm4, $0xFF800000, v29  }
0x59: {  	vm4 =	vmor vm14, vm15;
	vm14 =	veq.s32 v15, v4;
	v55 =	vmul.f32 v45, v23  }
0x5a: {  	v14 =	vadd.f32 v14, v57;
	v23 =	vmul.f32 v46, v23;
	v15 =	vmul.f32 v32, v24  }
0x5b: {  	v59 =	vmul.f32 v58, v26;
	v13 =	vadd.f32 v20, v19;
	v17 =	vadd.f32 v55, v53  }
0x5c: {  	v61 =	vadd.f32 v23, v21;
	v24 =	vmul.f32 v56, v24;
	v15 =	vadd.f32 v30, v15  }
0x5d: {  	vm2 =	vmor vm2, vm6;
	v63 =	vld.idx.msk [tilespmem:v11+s12+$0x0], $0xffff;
	v27 =	vadd.f32 v27, v35;
	v17 =	vadd.f32 v17, v22  }
0x5e: {  	vm15 =	veq.s32 v12, v4;
	v62 =	vadd.f32 v59, v24;
	v14 =	vadd.f32 v15, v14  }
0x5f: {  	v12 =	vadd.f32 v61, v60;
	v27 =	vsel vm5, $0xFF800000, v27;
	vm5 =	vmor vm9, vm10;
	v15 =	vld.idx.msk [tilespmem:v11+s11+$0x0], $0xffff  }
0x60: {  	vm4 =	vmor vm4, vm5;
	v13 =	vadd.f32 v62, v13;
	[tilespmem:$0x4070] =	vst v29;
	v14 =	vadd.f32 v14, v17  }
0x61: {  	vm3 =	vmor vm3, vm15;
	vm1 =	vmor vm1, vm4;
	vm4 =	vmor vm13, vm14;
	[tilespmem:$0x4080] =	vst v27  }
0x62: {  	vm3 =	vmor vm4, vm3;
	[tilespmem:$0x40B0] =	vst v63;
	v12 =	vadd.f32 v13, v12;
	v13 =	vsel vm1, $0xFF800000, v14  }
0x63: {  	vm1 =	vmor vm2, vm3;
	[tilespmem:$0x4090] =	vst v13  }
0x64: {  	v12 =	vsel vm1, $0xFF800000, v12;
	v13 =	vld [tilespmem:$0x2010];
	[tilespmem:$0x40D0] =	vst v15  }
0x65: {  	s20 =	simm.s32 $0x3020;
	s21 =	simm.s32 $0x2020;
	s22 =	simm.s32 $0x0;
	[tilespmem:$0x40A0] =	vst v12;
	v12 =	vld [tilespmem:$0x2000]  }
.LBB2_2:
0x66: {  	s23 =	smin.u32 s22, $0xFF  }
0x67: {  	s26 =	sshll.u32 s23, $0x3  }
0x68: {  	v14 =	vmov s26;
	_ =	sdelay $0x1  }
0x69: {  	s23 =	sadd.s32 $0x1, s22  }
0x6a: {  	s25 =	sand.u32 $0x1, s23;
	v15 =	vor.u32 $0x1, v14  }
0x6b: {  	s24 =	smul.u32 $0x140, s25  }
0x6c: {  	v25 =	vld.idx.msk [tilespmem:v14+s11+$0x0], $0xffff  }
0x6d: {  	s24 =	sshrl.u32 s24, $0x2  }
0x6e: {  	v20 =	vld [tilespmem:s24+$0x4020]  }
0x6f: {  	v22 =	vld.idx.msk [tilespmem:v15+s11+$0x0], $0xffff  }
0x70: {  	v42 =	vor.u32 $0x7, v14;
	v21 =	vld [tilespmem:s24+$0x4030]  }
0x71: {  	v30 =	vld [tilespmem:s24+$0x4040];
	v16 =	vshll.u32 v25, $0x6  }
0x72: {  	v23 =	vor.u32 $0x2, v14;
	v31 =	vld [tilespmem:s24+$0x4050];
	v17 =	vor.u32 v0, v16  }
0x73: {  	v32 =	vor.u32 $0x3, v14;
	v35 =	vor.u32 $0x4, v14;
	v27 =	vld.idx.msk [tilespmem:v14+s12+$0x0], $0xffff;
	v18 =	vor.u32 v2, v16  }
0x74: {  	v37 =	vor.u32 $0x5, v14;
	v36 =	vld.idx.msk [tilespmem:v15+s12+$0x0], $0xffff;
	v19 =	vor.u32 v3, v16;
	v28 =	vshll.u32 v22, $0x6  }
0x75: {  	v39 =	vor.u32 $0x6, v14;
	v14 =	vld.idx.msk [tilespmem:v42+s11+$0x0], $0xffff;
	v16 =	vor.u32 v4, v16;
	v61 =	vor.u32 v0, v28  }
0x76: {  	v29 =	vor.u32 v2, v28;
	v15 =	vor.u32 v3, v28;
	v55 =	vor.u32 v4, v28;
	v28 =	vld.idx.msk [tilespmem:v42+s12+$0x0], $0xffff  }
0x77: {  	v24 =	vld.idx.msk [tilespmem:v17+s2+$0x0], $0xffff  }
0x78: {  	v26 =	vld.idx.msk [tilespmem:v18+s2+$0x0], $0xffff  }
0x79: {  	v33 =	vld.idx.msk [tilespmem:v19+s2+$0x0], $0xffff  }
0x7a: {  	v34 =	vld.idx.msk [tilespmem:v16+s2+$0x0], $0xffff  }
0x7b: {  	v19 =	vld.idx.msk [tilespmem:v23+s11+$0x0], $0xffff  }
0x7c: {  	v18 =	vld.idx.msk [tilespmem:v32+s11+$0x0], $0xffff  }
0x7d: {  	(xrf1) =	vsort.dscd.msk.f32 $0xffff, v20, v0;
	v16 =	vld.idx.msk [tilespmem:v35+s11+$0x0], $0xffff  }
0x7e: {  	(xrf1) =	vsort.ascd.msk.f32 $0xffff, v21, v2;
	v17 =	vld.idx.msk [tilespmem:v37+s11+$0x0], $0xffff  }
0x7f: {  	vm4 =	veq.s32 v25, v0;
	vm3 =	veq.s32 v25, v2;
	v53 =	vshll.u32 v14, $0x6;
	v38 =	vld.idx.msk [tilespmem:v61+s2+$0x0], $0xffff  }
0x80: {  	vm2 =	veq.s32 v25, v3;
	vm1 =	veq.s32 v25, v4;
	v54 =	vor.u32 v0, v53;
	v40 =	vld.idx.msk [tilespmem:v29+s2+$0x0], $0xffff  }
0x81: {  	vm5 =	veq.s32 v22, v0;
	vm13 =	veq.s32 v14, v0;
	vm14 =	veq.s32 v22, v2;
	v44 =	vld.idx.msk [tilespmem:v15+s2+$0x0], $0xffff  }
0x82: {  	vm10 =	veq.s32 v14, v2;
	vm9 =	veq.s32 v14, v3;
	vm4 =	vmor vm4, vm5;
	v15 =	vld.idx.msk [tilespmem:v39+s11+$0x0], $0xffff  }
0x83: {  	(xrf1) =	vsort.dscd.msk.f32 $0xffff, v30, v3;
	vm3 =	vmor vm3, vm14;
	v29 =	vld.idx.msk [tilespmem:v23+s12+$0x0], $0xffff;
	v41 =	vshll.u32 v19, $0x6;
	v45 =	vshll.u32 v18, $0x6  }
0x84: {  	(xrf1) =	vsort.ascd.msk.f32 $0xffff, v31, v4;
	v23 =	vld.idx.msk [tilespmem:v32+s12+$0x0], $0xffff;
	v47 =	vshll.u32 v16, $0x6;
	v49 =	vshll.u32 v17, $0x6;
	v51 =	vmul.f32 v24, v27  }
0x85: {  	v58 =	vld.idx.msk [tilespmem:v54+s2+$0x0], $0xffff;
	v52 =	vmul.f32 v26, v27;
	v21 =	vmul.f32 v33, v27;
	v43 =	vor.u32 v0, v41  }
0x86: {  	v59 =	vld.idx.msk [tilespmem:v55+s2+$0x0], $0xffff;
	v20 =	vmul.f32 v34, v27;
	vm6 =	veq.s32 v19, v0;
	v46 =	vor.u32 v0, v45  }
0x87: {  	v24 =	vld.idx.msk [tilespmem:v35+s12+$0x0], $0xffff;
	vm7 =	veq.s32 v18, v0;
	vm8 =	veq.s32 v16, v0;
	v48 =	vor.u32 v0, v47  }
0x88: {  	v26 =	vld.idx.msk [tilespmem:v37+s12+$0x0], $0xffff;
	vm11 =	veq.s32 v17, v0;
	v62 =	vor.u32 v0, v49;
	v50 =	vshll.u32 v15, $0x6  }
0x89: {  	v27 =	vld.idx.msk [tilespmem:v39+s12+$0x0], $0xffff;
	vm15 =	veq.s32 v19, v2;
	v34 =	vmul.f32 v38, v36;
	v63 =	vor.u32 v0, v50  }
0x8a: {  	vm14 =	veq.s32 v17, v2;
	v37 =	vmul.f32 v40, v36;
	v25 =	vmul.f32 v44, v36;
	v43 =	vld.idx.msk [tilespmem:v43+s2+$0x0], $0xffff  }
0x8b: {  	v56 =	vor.u32 v2, v41;
	v57 =	vor.u32 v2, v45;
	vm6 =	vmor vm6, vm7;
	v46 =	vld.idx.msk [tilespmem:v46+s2+$0x0], $0xffff  }
0x8c: {  	vm12 =	veq.s32 v15, v0;
	vm8 =	vmor vm8, vm11;
	v61 =	vor.u32 v2, v47;
	v48 =	vld.idx.msk [tilespmem:v48+s2+$0x0], $0xffff  }
0x8d: {  	v54 =	vor.u32 v2, v49;
	v30 =	vmul.f32 v58, v28;
	v31 =	vmul.f32 v59, v36;
	v32 =	vld.idx.msk [tilespmem:v62+s2+$0x0], $0xffff  }
0x8e: {  	v42 =	vor.u32 v4, v45;
	vm11 =	veq.s32 v19, v3;
	vm7 =	vmor vm12, vm13;
	v35 =	vld.idx.msk [tilespmem:v63+s2+$0x0], $0xffff  }
0x8f: {  	v55 =	vor.u32 v2, v50;
	vm6 =	vmor vm4, vm6;
	vm4 =	veq.s32 v22, v3  }
0x90: {  	vm12 =	veq.s32 v18, v2;
	vm13 =	veq.s32 v16, v2;
	v34 =	vadd.f32 v34, v51  }
0x91: {  	vm7 =	vmor vm8, vm7;
	vm5 =	vmor vm13, vm14;
	v60 =	vmul.f32 v43, v29  }
0x92: {  	v37 =	vadd.f32 v37, v52;
	v62 =	vmul.f32 v46, v23;
	v63 =	vmul.f32 v48, v24  }
0x93: {  	v51 =	vor.u32 v3, v50;
	v32 =	vmul.f32 v32, v26;
	v35 =	vmul.f32 v35, v27  }
0x94: {  	vm13 =	veq.s32 v16, v3;
	v39 =	vld.idx.msk [tilespmem:v56+s2+$0x0], $0xffff;
	v56 =	vor.u32 v2, v53;
	v33 =	vadd.f32 v62, v60  }
0x95: {  	vm14 =	veq.s32 v17, v3;
	v40 =	vld.idx.msk [tilespmem:v57+s2+$0x0], $0xffff;
	v32 =	vadd.f32 v32, v63;
	v30 =	vadd.f32 v30, v35  }
0x96: {  	v21 =	vadd.f32 v25, v21;
	vm6 =	vmor vm6, vm7;
	vm7 =	vmor vm15, vm12;
	v38 =	vld.idx.msk [tilespmem:v61+s2+$0x0], $0xffff;
	v44, v61, _ =	vpop (xrf1)  }
0x97: {  	vm15 =	veq.s32 v15, v2;
	v58 =	vld.idx.msk [tilespmem:v55+s2+$0x0], $0xffff;
	v33 =	vadd.f32 v33, v34;
	v30 =	vadd.f32 v30, v32;
	v63, v62, _ =	vpop (xrf1)  }
0x98: {  	vm12 =	veq.s32 v18, v3;
	v57 =	vld.idx.msk [tilespmem:v54+s2+$0x0], $0xffff;
	v43 =	vor.u32 v3, v47;
	v60, v54, _ =	vpop (xrf1);
	v44 =	vsel vm0, v44, v63  }
0x99: {  	v59 =	vld.idx.msk [tilespmem:v56+s2+$0x0], $0xffff;
	v30 =	vadd.f32 v30, v33;
	v33 =	vor.u32 v3, v45;
	v55, v56, _ =	vpop (xrf1);
	v45 =	vsel vm0, v61, v62  }
0x9a: {  	(xrf1) =	vsort.dscd.msk.f32 $0xffff, v44, v45;
	v61 =	vsel vm0, v60, v55;
	v62 =	vsel vm0, v54, v56  }
0x9b: {  	vm2 =	vmor vm2, vm4;
	v35 =	vmul.f32 v39, v29;
	v34 =	vor.u32 v4, v41;
	(xrf1) =	vsort.ascd.msk.f32 $0xffff, v61, v62  }
0x9c: {  	v39 =	vmul.f32 v40, v23;
	v40 =	vmul.f32 v58, v27;
	v58 =	vor.u32 v4, v53  }
0x9d: {  	vm4 =	vmor vm13, vm14;
	vm13 =	veq.s32 v17, v4;
	v32 =	vor.u32 v3, v41  }
0x9e: {  	vm14 =	veq.s32 v15, v4;
	vm7 =	vmor vm3, vm7;
	v52 =	vld.idx.msk [tilespmem:v43+s2+$0x0], $0xffff;
	v63 =	vor.u32 v3, v49  }
0x9f: {  	v38 =	vmul.f32 v38, v24;
	v36 =	vmul.f32 v57, v26;
	v48 =	vor.u32 v4, v49;
	v49 =	vld.idx.msk [tilespmem:v42+s2+$0x0], $0xffff  }
0xa0: {  	vm3 =	veq.s32 v22, v4;
	v41 =	vmul.f32 v59, v28;
	v35 =	vadd.f32 v39, v35;
	v34 =	vld.idx.msk [tilespmem:v34+s2+$0x0], $0xffff  }
0xa1: {  	vm1 =	vmor vm1, vm3;
	v46 =	vor.u32 v4, v47;
	v36 =	vadd.f32 v36, v38;
	v62 =	vld.idx.msk [tilespmem:v58+s2+$0x0], $0xffff  }
0xa2: {  	s29 =	smin.u32 s22, $0x1;
	v35 =	vadd.f32 v35, v37;
	v45 =	vadd.f32 v41, v40;
	v54 =	vor.u32 v4, v50;
	v32 =	vld.idx.msk [tilespmem:v32+s2+$0x0], $0xffff  }
0xa3: {  	s28 =	ssub.s32 s22, s29;
	v56 =	vor.u32 v3, v53;
	v50 =	vor.u32 s26, v11;
	v30 =	vsel vm6, $0xFF800000, v30;
	v57 =	vld.idx.msk [tilespmem:v63+s2+$0x0], $0xffff  }
0xa4: {  	s28 =	sshll.u32 s28, $0x4;
	vm6 =	vmor vm15, vm10;
	vm15 =	veq.s32 v15, v3;
	vm10 =	veq.s32 v19, v4;
	v47 =	vld.idx.msk [tilespmem:v33+s2+$0x0], $0xffff  }
0xa5: {  	v15 =	vadd.f32 v31, v20;
	v58 =	vmov s28;
	v36 =	vadd.f32 v45, v36;
	v33 =	vld.idx.msk [tilespmem:v48+s2+$0x0], $0xffff  }
0xa6: {  	v59 =	vld.idx.msk [tilespmem:v51+s2+$0x0], $0xffff;
	vm5 =	vmor vm5, vm6;
	vm6 =	vmor vm11, vm12;
	vm11 =	veq.s32 v18, v4  }
0xa7: {  	v55 =	vld.idx.msk [tilespmem:v46+s2+$0x0], $0xffff;
	vm12 =	veq.s32 v16, v4;
	vm5 =	vmor vm7, vm5;
	v32 =	vmul.f32 v32, v29  }
0xa8: {  	vm3 =	vmor vm10, vm11;
	v61 =	vld.idx.msk [tilespmem:v56+s2+$0x0], $0xffff;
	v29 =	vmul.f32 v34, v29;
	v46 =	vmul.f32 v57, v26;
	v45, v44, _ =	vpop (xrf1)  }
0xa9: {  	v35 =	vadd.f32 v36, v35;
	v38 =	vld.idx.msk [tilespmem:v54+s2+$0x0], $0xffff;
	v60 =	vmul.f32 v47, v23;
	v23 =	vmul.f32 v49, v23;
	v49, v48, _ =	vpop (xrf1)  }
0xaa: {  	v26 =	vmul.f32 v33, v26;
	v33 =	vsel vm0, v45, v49;
	v34 =	vsel vm0, v44, v48  }
0xab: {  	vm2 =	vmor vm2, vm6;
	v63 =	vmul.f32 v52, v24;
	vm1 =	vmor vm1, vm3;
	(xrf1) =	vsort.dscd.msk.f32 $0xffff, v33, v34  }
0xac: {  	v24 =	vmul.f32 v55, v24;
	v35 =	vsel vm5, $0xFF800000, v35;
	v18 =	vmul.f32 v62, v28  }
0xad: {  	vm5 =	vmor vm15, vm9;
	v47 =	vmul.f32 v59, v27;
	v22 =	vmul.f32 v61, v28  }
0xae: {  	v27 =	vmul.f32 v38, v27;
	v16 =	vadd.f32 v46, v63;
	v19 =	vadd.f32 v60, v32  }
0xaf: {  	s30 =	sand.u32 $0x1, s22;
	vm15 =	veq.s32 v14, v4;
	v51 =	vadd.f32 v23, v29;
	v17 =	vadd.f32 v22, v47  }
0xb0: {  	s31 =	smul.u32 $0x140, s30;
	s25 =	sshll.u32 s25, $0x4;
	vm4 =	vmor vm4, vm5;
	v57 =	vld.idx.msk [tilespmem:v50+s12+$0x0], $0xffff;
	v53 =	vadd.f32 v26, v24;
	v18 =	vadd.f32 v18, v27  }
0xb1: {  	v52 =	vld [tilespmem:s25+$0x40C0];
	vm5 =	vmor vm14, vm15;
	v14 =	vadd.f32 v19, v21;
	v16 =	vadd.f32 v17, v16  }
0xb2: {  	v54 =	vld [tilespmem:s24+$0x4060];
	s24 =	sshrl.u32 s31, $0x2;
	vm2 =	vmor vm2, vm4;
	v15 =	vadd.f32 v51, v15;
	v55 =	vadd.f32 v18, v53  }
0xb3: {  	v56 =	vld.idx.msk [tilespmem:v50+s11+$0x0], $0xffff;
	vm4 =	vmor vm12, vm13;
	[tilespmem:s24+$0x4020] =	vst v30;
	v59 =	vor.u32 $0x8, v58;
	v14 =	vadd.f32 v16, v14  }
0xb4: {  	[tilespmem:s24+$0x4030] =	vst v35;
	vm3 =	vmor vm4, vm5;
	v17 =	vbroadcast v59, $0x0;
	v15 =	vadd.f32 v55, v15  }
0xb5: {  	s26 =	sshll.u32 s29, $0x6;
	vm1 =	vmor vm1, vm3;
	[tilespmem:s24+$0x4060] =	vst v57;
	v14 =	vsel vm2, $0xFF800000, v14  }
0xb6: {  	s26 =	ssub.s32 $0x0, s26;
	v15 =	vsel vm1, $0xFF800000, v15;
	[tilespmem:s24+$0x4040] =	vst v14;
	v14 =	vor.u32 v11, v17  }
0xb7: {  	p0 =	sne.s32 s22, $0x100;
	s29 =	sshll.u32 s30, $0x4;
	s26 =	sshra.s32 s26, $0x2;
	[tilespmem:s24+$0x4050] =	vst v15  }
.Ltmp0:
0xb8: {  	s30 =	sadd.s32 s26, s21;
	v60 =	vadd.f32 v54, v13;
	v15 =	vadd.s32 v12, v52;
	[tilespmem:s29+$0x40C0] =	vst v56;
	(pc) =	sbr.rel @p0 .LBB2_2-.Ltmp0, $4  }
0xb9: {  	s31 =	sadd.s32 s26, s20;
	[tilespmem:s30+$0x0] =	vst v15;
	v61, v62, _ =	vpop (xrf1)  }
0xba: {  	[tilespmem:s31+$0x0] =	vst v60;
	v15 =	vadd.s32 v12, v62;
	v63 =	vadd.f32 v61, v13  }
0xbb: {  	[tilespmem:v14+s16+$0x0] =	vst.idx.msk $0xff, v15  }
0xbc: {  	s22 =	smov.u32 s23;
	s21 =	sadd.s32 $0x10, s21;
	s20 =	sadd.s32 $0x10, s20;
	[tilespmem:v14+s17+$0x0] =	vst.idx.msk $0xff, v63  }
0xbd: {  	[hbm4b:s8+s2] =	stream.linear.scatter [tilespmem:s16], [sflag:$0x2], $0x1000, $0x38;
	[tilespmem:$0x40E0] =	vst v63  }
0xbe: {  	s19 =	sadd.s32 $0x1, s19;
	_ =	swait.ge [sflag:s18], $0x1000  }
0xbf: {  	p0 =	sne.s32 s19, s10;
	[sflag:s18] =	ssyncset.done $0x0  }
.Ltmp1:
0xc0: {  	[sflag:s18] =	ssyncadd.s32 $0xFFFFF000;
	(pc) =	sbr.rel @p0 .LBB2_1-.Ltmp1, $4  }
0xc1: {  	[hbm4b:s9+s2] =	stream.linear.scatter [tilespmem:s17], [sflag:$0x2], $0x1000, $0x38;
	[tilespmem:$0x40E0] =	vst v63  }
0xc2: {  	_ =	swait.ge [sflag:s18], $0x1000  }
0xc3: {  	[sflag:s18] =	ssyncset.done $0x0  }
0xc4: {  	[sflag:s18] =	ssyncadd.s32 $0xFFFFF000  }
0xc5: {  	_ =	sfence.sel $0x180000  }
0xc6: {  	[bflag:$0x0] =	sbarrier.arrive $0xFFFF  }
0xc7: {  	p0 =	sne.s32 s1, $0x0;
	_ =	strace $0x90000050  }
0xc8: {  	s0 =	sadd.s32 @!p0 $0x100000, s0;
	[bflag:$0x2] =	sbarrier.arrive $0xFFFF  }
0xc9: {  	[sflag:s0] =	ssyncadd.tile.s32 @!p0 $0x1;
	_ =	shalt  }
.Lfunc_end2:
_tile_overlayer_lowered:
.L_overlay_start_2:
0xca: {  	(tag) =	ssettag $0x2  }
0xcb: {  	s0 =	rddreg [dreg:$0x0];
	s2 =	stileid.u32  }
0xcc: {  	s1 =	rddreg [dreg:$0x1];
	p0 =	sne.s32 s2, $0x0  }
0xcd: {  	s3 =	rddreg [dreg:$0x2];
	[bflag:$0x3] =	sbarrier.arrive $0xFFFF;
	s2 =	simm.s32 @!p0 $0x1C02  }
0xce: {  	[timem:s3], [sflag:s2] =	dma.local @!p0 [hbm:s0], s1  }
0xcf: {  	s0 =	simm.s32 @!p0 $0x2  }
0xd0: {  	_ =	swait.ge @!p0 [sflag:s0], s1  }
0xd1: {  	s1 =	ssub.s32 @!p0 $0x0, s1;
	[sflag:s0] =	ssyncset.done @!p0 $0x0  }
0xd2: {  	[sflag:s0] =	ssyncadd.s32 @!p0 s1  }
0xd3: {  	[bflag:$0x3] =	sbarrier.arrive $0xFFFF  }
0xd4: {  	_ =	shalt  }

// kernel: kernel.6.cloned.1.call-start
scs
__scs_entry_jumppad:
0x0: {  	(pc) =	sbr.rel $0x88, $3  }
0x1: {  	(tag) =	ssettag $0x0;
	lr =	simm.s32 $0x1  }
0x2: {  	[smem:$0x3F9D] =	sst lr;
	_ =	strace $0xD0000000  }
0x3: {  	_ = 	snop  }
0x4: {  	_ = 	snop  }
0x5: {  	_ = 	snop  }
0x6: {  	_ = 	snop  }
0x7: {  	_ = 	snop  }
__scs_overlays_trampoline_lowered:
0x8: {  	[smem:$0x3FAC] =	sst s0  }
0x9: {  	[smem:$0x3FAD] =	sst s1  }
0xa: {  	[smem:$0x3FAE] =	sst s2  }
0xb: {  	[smem:$0x3FAF] =	sst s3  }
0xc: {  	[smem:$0x3FB0] =	sst s4  }
0xd: {  	[smem:$0x3FB1] =	sst s5  }
0xe: {  	[smem:$0x3FB2] =	sst s6  }
0xf: {  	[smem:$0x3FB3] =	sst s7  }
0x10: {  	[smem:$0x3FB4] =	sst s8  }
0x11: {  	[smem:$0x3FB5] =	sst s9;
	s0 =	simm.s32 @!p0 $0x0  }
0x12: {  	s1 =	sld [smem:$0x3F9B];
	s0 =	simm.s32 @p0 $0x1  }
0x13: {  	[smem:$0x3FB6] =	sst s0;
	s0 =	simm.s32 @!p1 $0x0  }
0x14: {  	s2 =	sld [smem:$0x3F9A];
	s0 =	simm.s32 @p1 $0x1  }
0x15: {  	[smem:$0x3FB7] =	sst s0;
	s0 =	simm.s32 @!p2 $0x0  }
0x16: {  	s3 =	sld [smem:$0x3FDB];
	s0 =	simm.s32 @p2 $0x1  }
0x17: {  	s4 =	simm.s32 $0x1BF5;
	[smem:$0x3FB9] =	sst s0  }
0x18: {  	s0 =	sld [smem:$0x3F9C];
	_ =	swait.ge [sflag:s4], $0x0  }
0x19: {  	s7 =	sld [smem:$0x3F9D]  }
0x1a: {  	s8 =	sadd.s32 $0xFFFFE003, lr  }
0x1b: {  	s9 =	sadd.s32 $0xFFFFFEF7, lr;
	s5 =	simm.s32 $0xFFFFFFFF;
	p2 =	slt.u32 s8, $0xFFFFF086  }
0x1c: {  	p1 =	slt.u32 s9, $0xF7A;
	s5 =	simm.s32 @!p2 $0x0  }
0x1d: {  	s5 =	simm.s32 @p1 $0x1;
	p0 =	seq.s32 s7, s2  }
0x1e: {  	s7 =	smul.u32 @!p0 $0xF7A, s2;
	p2 =	seq.s32 @!p0 s5, $0x0  }
0x1f: {  	s9 =	smul.u32 $0xF7A, s1;
	s8 =	simm.s32 @!p0 $0x1BF5;
	p2 =	por !p2, p0  }
0x20: {  	[sflag:s8] =	ssyncset.s32 @!p0 $0xFFFFF086;
	s6 =	sadd.s32 @!p0 s3, s7;
	s7 =	simm.s32 @!p0 $0x108  }
0x21: {  	s3 =	sadd.s32 s3, s9;
	s6 =	sadd.s32 @!p0 $0x88, s6;
	s7 =	simm.s32 @p2 $0x1082  }
0x22: {  	[simem:s7], [sflag:s8] =	dma.local @!p0 [hbm:s6], $0xF7A  }
0x23: {  	s9 =	sor.u32 $0xD0000000, s2;
	s6 =	simm.s32 $0x108;
	_ =	swait.ge @!p0 [sflag:s8], $0x0  }
0x24: {  	s3 =	sadd.s32 $0x88, s3;
	s6 =	simm.s32 @!p1 $0x1082;
	[sflag:s4] =	ssyncset.s32 $0xFFFFF086  }
0x25: {  	[simem:s6], [sflag:s4] =	dma.local [hbm:s3], $0xF7A  }
0x26: {  	[smem:$0x3F9D] =	sst s1;
	(tag) =	ssettag s2;
	_ =	strace s9  }
0x27: {  	s1 =	sld [smem:$0x3FAD]  }
0x28: {  	s2 =	sld [smem:$0x3FAE]  }
0x29: {  	s4 =	sld [smem:$0x3FB0]  }
0x2a: {  	p0 =	seq.s32 s5, $0x0;
	s5 =	sld [smem:$0x3FB1]  }
0x2b: {  	s6 =	sld [smem:$0x3FB2]  }
0x2c: {  	s7 =	sld [smem:$0x3FB3]  }
0x2d: {  	s3 =	simm.s32 $0x108;
	s8 =	sld [smem:$0x3FB4]  }
0x2e: {  	s3 =	simm.s32 @!p0 $0x1082;
	s9 =	sld [smem:$0x3FB5]  }
0x2f: {  	lr =	sadd.s32 s0, s3;
	s0 =	sld [smem:$0x3FAC]  }
0x30: {  	s3 =	sld [smem:$0x3FAF]  }
0x31: {  	[smem:$0x3FB8] =	sst s10  }
0x32: {  	s10 =	sld [smem:$0x3FB6];
	_ =	sdelay $0x3  }
0x33: {  	p0 =	seq.s32 s10, $0x1;
	s10 =	sld [smem:$0x3FB8];
	_ =	sdelay $0x3  }
0x34: {  	[smem:$0x3FB8] =	sst s10  }
0x35: {  	s10 =	sld [smem:$0x3FB7];
	_ =	sdelay $0x3  }
0x36: {  	p1 =	seq.s32 s10, $0x1;
	s10 =	sld [smem:$0x3FB8];
	_ =	sdelay $0x3  }
0x37: {  	[smem:$0x3FB8] =	sst s10  }
0x38: {  	s10 =	sld [smem:$0x3FB9]  }
0x39: {  	_ = 	snop;
	(pc) =	sbr.ind lr, $3  }
0x3a: {  	_ = 	snop  }
0x3b: {  	_ = 	snop  }
0x3c: {  	p2 =	seq.s32 s10, $0x1;
	s10 =	sld [smem:$0x3FB8]  }
0x3d: {  	_ =	shalt  }
0x3e: {  	_ =	shalt  }
0x3f: {  	_ =	shalt  }
0x40: {  	_ =	shalt  }
0x41: {  	_ =	shalt  }
0x42: {  	_ =	shalt  }
0x43: {  	_ =	shalt  }
0x44: {  	_ =	shalt  }
0x45: {  	_ =	shalt  }
0x46: {  	_ =	shalt  }
0x47: {  	_ =	shalt  }
0x48: {  	_ =	shalt  }
0x49: {  	_ =	shalt  }
0x4a: {  	_ =	shalt  }
0x4b: {  	_ =	shalt  }
0x4c: {  	_ =	shalt  }
0x4d: {  	_ =	shalt  }
0x4e: {  	_ =	shalt  }
0x4f: {  	_ =	shalt  }
0x50: {  	_ =	shalt  }
0x51: {  	_ =	shalt  }
0x52: {  	_ =	shalt  }
0x53: {  	_ =	shalt  }
0x54: {  	_ =	shalt  }
0x55: {  	_ =	shalt  }
0x56: {  	_ =	shalt  }
0x57: {  	_ =	shalt  }
0x58: {  	_ =	shalt  }
0x59: {  	_ =	shalt  }
0x5a: {  	_ =	shalt  }
0x5b: {  	_ =	shalt  }
0x5c: {  	_ =	shalt  }
0x5d: {  	_ =	shalt  }
0x5e: {  	_ =	shalt  }
0x5f: {  	_ =	shalt  }
0x60: {  	_ =	shalt  }
0x61: {  	_ =	shalt  }
0x62: {  	_ =	shalt  }
0x63: {  	_ =	shalt  }
0x64: {  	_ =	shalt  }
0x65: {  	_ =	shalt  }
0x66: {  	_ =	shalt  }
0x67: {  	_ =	shalt  }
0x68: {  	_ =	shalt  }
0x69: {  	_ =	shalt  }
0x6a: {  	_ =	shalt  }
0x6b: {  	_ =	shalt  }
0x6c: {  	_ =	shalt  }
0x6d: {  	_ =	shalt  }
0x6e: {  	_ =	shalt  }
0x6f: {  	_ =	shalt  }
0x70: {  	_ =	shalt  }
0x71: {  	_ =	shalt  }
0x72: {  	_ =	shalt  }
0x73: {  	_ =	shalt  }
0x74: {  	_ =	shalt  }
0x75: {  	_ =	shalt  }
0x76: {  	_ =	shalt  }
0x77: {  	_ =	shalt  }
0x78: {  	_ =	shalt  }
0x79: {  	_ =	shalt  }
0x7a: {  	_ =	shalt  }
0x7b: {  	_ =	shalt  }
0x7c: {  	_ =	shalt  }
0x7d: {  	_ =	shalt  }
0x7e: {  	_ =	shalt  }
0x7f: {  	_ =	shalt  }
0x80: {  	_ =	shalt  }
0x81: {  	_ =	shalt  }
0x82: {  	_ =	shalt  }
0x83: {  	_ =	shalt  }
0x84: {  	_ =	shalt  }
0x85: {  	_ =	shalt  }
0x86: {  	_ =	shalt  }
0x87: {  	_ =	shalt  }
.Lfunc_end0:
.L_simem_size_0:
called_computation_lowered:
.L_overlay_start_0:
0x88: {  	s2 =	sld [smem:$0x3FD9]  }
0x89: {  	s3 =	sld [smem:$0x3FFE];
	_ =	sdelay $0x1  }
0x8a: {  	s1 =	srdreg.scid  }
0x8b: {  	s0 =	sand.u32 $0x1, s1  }
0x8c: {  	s16 =	sshll.u32 s0, $0xA;
	s2 =	sadd.s32 s3, s2  }
0x8d: {  	s2 =	sadd.s32 s2, s16  }
0x8e: {  	[smem:$0x3FC4] =	sst s2  }
0x8f: {  	_ = 	snop  }
0x90: {  	(tm) =	ssettm $0x1  }
0x91: {  	s17 =	sld [smem:$0x3FFB];
	_ =	sdelay $0x3  }
0x92: {  	_ =	strace s17  }
0x93: {  	s2 =	sld [smem:$0x3FFC];
	_ =	sdelay $0x3  }
0x94: {  	_ =	strace s2  }
0x95: {  	s2 =	sld [smem:$0x3FFD];
	_ =	sdelay $0x3  }
0x96: {  	_ =	strace s2  }
0x97: {  	_ =	strace $0x8FFFFFFF  }
0x98: {  	s18 =	sld [smem:$0x3FDB];
	_ =	sdelay $0x1  }
0x99: {  	s19 =	simm.s32 $_scs_section_size  }
0x9a: {  	s4 =	simm.s32 $_size__tile_overlayer_lowered;
	s5 =	simm.s32 $_tile_overlayer_lowered  }
0x9b: {  	s22 =	simm.s32 $0x1BFF;
	s21 =	sshll.u32 s5, $0x1;
	s2 =	sadd.s32 s19, s18  }
0x9c: {  	s6 =	simm.s32 $0x0;
	s20 =	sshll.u32 s4, $0x1;
	s4 =	sadd.s32 s21, s2  }
0x9d: {  	[timem:s6], [sflag:s22] =	dma.local [hbm:s4], s20  }
0x9e: {  	_ =	swait.ge [sflag:s22], s20  }
0x9f: {  	s3 =	ssub.s32 $0x0, s20;
	[sflag:s22] =	ssyncset.done $0x0  }
0xa0: {  	[sflag:s22] =	ssyncadd.s32 s3;
	_ =	sdelay $0x1  }
0xa1: {  	s23 =	simm.s32 $0x1B8B  }
0xa2: {  	_ =	swait.ge [sflag:s23], $0x1  }
0xa3: {  	[sflag:s23] =	ssyncset.done $0x0  }
0xa4: {  	s25 =	simm.s32 $0x1B8E;
	s24 =	sld [smem:$0x3FFE];
	[sflag:s23] =	ssyncadd.s32 $0xFFFFFFFF  }
0xa5: {  	s26 =	simm.s32 $execute0_lowered;
	[smem:$0x3FD2] =	sst s25  }
0xa6: {  	s4 =	sshll.u32 s26, $0x1;
	_ =	strace $0x80000046;
	[dreg:$0x1] =	wrdreg $0xFFFFFFFF  }
0xa7: {  	s28 =	simm.s32 $_size_execute0_lowered;
	s2 =	sadd.s32 s2, s4;
	[dreg:$0x0] =	wrdreg $0x0  }
0xa8: {  	s4 =	sshll.u32 s28, $0x1;
	[dreg:$0x2] =	wrdreg s2  }
0xa9: {  	[dreg:$0x3] =	wrdreg s4  }
0xaa: {  	[dreg:$0x4] =	wrdreg $0xC0  }
0xab: {  	_ =	task [dreg:s6], $0x5FFFF  }
0xac: {  	[dreg:$0x1] =	wrdreg $0xFFFFFFFF  }
0xad: {  	[dreg:$0x0] =	wrdreg $0x60  }
0xae: {  	[dreg:$0x2] =	wrdreg s24  }
0xaf: {  	[dreg:$0x3] =	wrdreg $0x9  }
0xb0: {  	_ =	task.clear_ibuf [dreg:s6], $0x4FFFF;
	_ =	strace $0x90000046  }
0xb1: {  	s29 =	simm.s32 $0x9;
	_ =	strace $0x80000048  }
0xb2: {  	_ =	swait.ge [sflag:s29], $0x1  }
0xb3: {  	[sflag:s29] =	ssyncadd.s32 $0xFFFFFFFF  }
0xb4: {  	_ =	strace $0x90000048  }
0xb5: {  	_ =	sfence  }
0xb6: {  	s30 =	sld [smem:$0x0];
	_ =	sdelay $0x2  }
0xb7: {  	s31 =	sshll.u32 s1, $0xD;
	s1 =	sshrl.u32 s1, $0x2  }
0xb8: {  	s3 =	sand.u32 $0x4000, s31;
	s1 =	sadd.s32 s1, s30  }
0xb9: {  	s0 =	sor.u32 s3, s0;
	s1 =	sshll.u32 s1, $0x11  }
0xba: {  	s0 =	sor.u32 s1, s0  }
0xbb: {  	s0 =	sadd.s32 $0x8F2B, s0  }
0xbc: {  	[sflag:s0] =	ssyncadd.remote.s32 $0x1  }
0xbd: {  	_ =	sfence.sel $0xFFFF  }
0xbe: {  	[dreg:$0x0] =	wrdreg $0xFFFFFFFF;
	(pc) =	sbr.abs _section_cstart, $3  }
0xbf: {  	[dreg:$0x1] =	wrdreg $0xFFFFFFFF  }
0xc0: {  	_ =	task.clear_ibuf [dreg:s6], $0x2FFFF;
	_ =	strace $0x9FFFFFFF  }
0xc1: {  	(tm) =	ssettm $0x7FFFFFFF  }
tec
execute0_lowered:
.L_overlay_start_1:
0x0: {  	(tag) =	ssettag $0x1  }
0x1: {  	s6 =	rddreg [dreg:$0x0];
	s2 =	srdreg.scid  }
0x2: {  	s0 =	rddreg [dreg:$0x1];
	s1 =	stileid.u32  }
0x3: {  	s12 =	simm.s32 $0x1800;
	s13 =	simm.s32 $0x2000;
	s14 =	simm.s32 $0x2010  }
0x4: {  	s15 =	simm.s32 $0x1;
	s16 =	simm.s32 $0x2020;
	s17 =	simm.s32 $0x3020  }
0x5: {  	s18 =	simm.s32 $0x2;
	s19 =	simm.s32 $0x0;
	s5 =	sand.u32 $0x1, s2  }
0x6: {  	s2 =	simm.s32 $0x0;
	s3 =	sshll.u32 s1, $0x9;
	s4 =	sshll.u32 s5, $0x8  }
0x7: {  	[smem:$0x7FF] =	sst s2;
	s9 =	ssub.s32 $0x2, s5;
	s5 =	sadd.s32 $0x7000, s6  }
0x8: {  	v0 =	vlaneseq.u32;
	s7 =	sor.u32 s4, s3;
	_ =	strace $0x80000047;
	s3 =	sadd.s32 $0x2C00, s6  }
0x9: {  	v1 =	vimm.s32 $0x6;
	v5 =	vimm.s32 $0x1;
	v6 =	vimm.s32 $0x2;
	s31 =	sshrl.u32 s9, $0x1;
	s8 =	sadd.s32 s7, s6;
	s7 =	sshll.u32 s7, $0x1  }
0xa: {  	v7 =	vimm.s32 $0x3;
	v8 =	vimm.s32 $0x4;
	v9 =	vimm.s32 $0x5;
	s4 =	sadd.s32 $0x6E00, s6;
	s11 =	ssub.s32 s9, s31;
	s10 =	sadd.s32 s7, s6  }
0xb: {  	v10 =	vimm.s32 $0x7;
	vm0 =	vmmov $0xff;
	v2 =	vor.u32 $0x10, v0;
	s6 =	sadd.s32 $0x2E00, s8;
	s7 =	sadd.s32 $0x4E00, s8;
	s8 =	sadd.s32 $0xB200, s10  }
0xc: {  	v3 =	vor.u32 $0x20, v0;
	v4 =	vor.u32 $0x30, v0;
	v11 =	vand.u32 $0x7, v0;
	s9 =	sadd.s32 $0x7200, s10;
	s10 =	smax.u32 s11, $0x1;
	s11 =	simm.s32 $0x1000  }
.LBB2_1:
0xd: {  	[tilespmem:s2], [sflag:$0x1] =	stream.linear.gather [hbm4b:s3+s2], $0x1000, $0x38;
	[tilespmem:$0x40E0] =	vst v63  }
0xe: {  	_ = 	snop  }
0xf: {  	[tilespmem:s11], [sflag:$0x1] =	stream.linear.gather [hbm4b:s6+s2], $0x800, $0x38;
	[tilespmem:$0x40E0] =	vst v63  }
0x10: {  	_ = 	snop  }
0x11: {  	[tilespmem:s12], [sflag:$0x1] =	stream.linear.gather [hbm4b:s7+s2], $0x800, $0x38;
	[tilespmem:$0x40E0] =	vst v63  }
0x12: {  	_ = 	snop  }
0x13: {  	[tilespmem:s13], [sflag:$0x1] =	stream.linear.gather [hbm4b:s4+s2], $0x10, $0x38;
	[tilespmem:$0x40E0] =	vst v63  }
0x14: {  	_ = 	snop  }
0x15: {  	[tilespmem:s14], [sflag:$0x1] =	stream.linear.gather [hbm4b:s5+s2], $0x10, $0x38;
	[tilespmem:$0x40E0] =	vst v63  }
0x16: {  	_ =	swait.ge [sflag:s15], $0x1000  }
0x17: {  	[sflag:s15] =	ssyncset.done $0x0  }
0x18: {  	[sflag:s15] =	ssyncadd.s32 $0xFFFFF000  }
0x19: {  	_ =	swait.ge [sflag:s15], $0x800  }
0x1a: {  	[sflag:s15] =	ssyncset.done $0x0  }
0x1b: {  	[sflag:s15] =	ssyncadd.s32 $0xFFFFF800  }
0x1c: {  	_ =	swait.ge [sflag:s15], $0x800  }
0x1d: {  	[sflag:s15] =	ssyncset.done $0x0  }
0x1e: {  	[sflag:s15] =	ssyncadd.s32 $0xFFFFF800  }
0x1f: {  	_ =	swait.ge [sflag:s15], $0x10  }
0x20: {  	[sflag:s15] =	ssyncset.done $0x0  }
0x21: {  	[sflag:s15] =	ssyncadd.s32 $0xFFFFFFF0  }
0x22: {  	_ =	swait.ge [sflag:s15], $0x10  }
0x23: {  	[sflag:s15] =	ssyncset.done $0x0  }
0x24: {  	[sflag:s15] =	ssyncadd.s32 $0xFFFFFFF0  }
0x25: {  	v27 =	vld.msk [tilespmem:s11+$0x0], $0xffff;
	_ =	sdelay $0x4  }
0x26: {  	v25 =	vld.idx.msk [tilespmem:v5+s11+$0x0], $0xffff;
	v12 =	vshll.u32 v27, $0x6  }
0x27: {  	v17 =	vld.idx.msk [tilespmem:v6+s11+$0x0], $0xffff;
	v13 =	vor.u32 v0, v12  }
0x28: {  	v16 =	vld.idx.msk [tilespmem:v7+s11+$0x0], $0xffff;
	v14 =	vor.u32 v2, v12  }
0x29: {  	v18 =	vld.msk [tilespmem:s12+$0x0], $0xffff;
	v15 =	vor.u32 v3, v12  }
0x2a: {  	v21 =	vld.idx.msk [tilespmem:v6+s12+$0x0], $0xffff;
	v12 =	vor.u32 v4, v12  }
0x2b: {  	v23 =	vld.idx.msk [tilespmem:v7+s12+$0x0], $0xffff  }
0x2c: {  	v28 =	vshll.u32 v25, $0x6;
	v22 =	vld.idx.msk [tilespmem:v13+s2+$0x0], $0xffff  }
0x2d: {  	v31 =	vshll.u32 v17, $0x6;
	v33 =	vshll.u32 v16, $0x6;
	vm2 =	veq.s32 v27, v0;
	v24 =	vld.idx.msk [tilespmem:v14+s2+$0x0], $0xffff  }
0x2e: {  	vm3 =	veq.s32 v27, v2;
	vm1 =	veq.s32 v27, v3;
	v19 =	vor.u32 v0, v31;
	v26 =	vld.idx.msk [tilespmem:v15+s2+$0x0], $0xffff  }
0x2f: {  	vm4 =	veq.s32 v25, v0;
	vm5 =	veq.s32 v17, v0;
	v20 =	vor.u32 v0, v33;
	v29 =	vld.idx.msk [tilespmem:v12+s2+$0x0], $0xffff  }
0x30: {  	vm6 =	veq.s32 v16, v0;
	vm11 =	veq.s32 v25, v2;
	vm12 =	veq.s32 v17, v2;
	v14 =	vld.idx.msk [tilespmem:v8+s11+$0x0], $0xffff  }
0x31: {  	vm13 =	veq.s32 v16, v2;
	v63 =	vor.u32 v2, v28;
	v46 =	vor.u32 v3, v28;
	v15 =	vld.idx.msk [tilespmem:v9+s11+$0x0], $0xffff  }
0x32: {  	v47 =	vor.u32 v2, v31;
	v48 =	vor.u32 v2, v33;
	vm4 =	vmor vm2, vm4;
	v12 =	vld.idx.msk [tilespmem:v10+s11+$0x0], $0xffff  }
0x33: {  	vm5 =	vmor vm5, vm6;
	vm3 =	vmor vm3, vm11;
	v13 =	vor.u32 v0, v28;
	v36 =	vld.idx.msk [tilespmem:v19+s2+$0x0], $0xffff  }
0x34: {  	vm11 =	veq.s32 v25, v3;
	v59 =	vor.u32 v3, v31;
	v31 =	vor.u32 v4, v31;
	v39 =	vld.idx.msk [tilespmem:v20+s2+$0x0], $0xffff  }
0x35: {  	v60 =	vor.u32 v3, v33;
	v33 =	vor.u32 v4, v33;
	vm4 =	vmor vm4, vm5  }
0x36: {  	v30 =	vld.idx.msk [tilespmem:v5+s12+$0x0], $0xffff;
	vm1 =	vmor vm1, vm11;
	vm11 =	veq.s32 v17, v4;
	v28 =	vor.u32 v4, v28  }
0x37: {  	v19 =	vld.idx.msk [tilespmem:v8+s12+$0x0], $0xffff;
	v34 =	vshll.u32 v14, $0x6;
	v44 =	vmul.f32 v22, v18;
	v45 =	vmul.f32 v24, v18  }
0x38: {  	v32 =	vld.idx.msk [tilespmem:v13+s2+$0x0], $0xffff;
	v37 =	vshll.u32 v15, $0x6;
	v22 =	vmul.f32 v26, v18;
	v18 =	vmul.f32 v29, v18  }
0x39: {  	v13 =	vld.idx.msk [tilespmem:v1+s11+$0x0], $0xffff;
	v42 =	vshll.u32 v12, $0x6;
	v36 =	vmul.f32 v36, v21;
	v39 =	vmul.f32 v39, v23  }
0x3a: {  	v20 =	vld.idx.msk [tilespmem:v9+s12+$0x0], $0xffff;
	vm7 =	veq.s32 v14, v0;
	vm2 =	veq.s32 v15, v0;
	vm14 =	veq.s32 v14, v2  }
0x3b: {  	v50 =	vld.idx.msk [tilespmem:v46+s2+$0x0], $0xffff;
	vm15 =	veq.s32 v15, v2;
	v35 =	vor.u32 v0, v34;
	v38 =	vor.u32 v0, v37  }
0x3c: {  	v28 =	vld.idx.msk [tilespmem:v28+s2+$0x0], $0xffff;
	v43 =	vor.u32 v0, v42;
	v49 =	vor.u32 v2, v34;
	v51 =	vor.u32 v2, v37  }
0x3d: {  	v56 =	vld.idx.msk [tilespmem:v48+s2+$0x0], $0xffff;
	vm7 =	vmor vm7, vm2;
	vm2 =	veq.s32 v12, v0;
	v54 =	vor.u32 v2, v42  }
0x3e: {  	v24 =	vld.idx.msk [tilespmem:v1+s12+$0x0], $0xffff;
	vm5 =	vmor vm14, vm15;
	v61 =	vor.u32 v3, v34;
	v40 =	vshll.u32 v13, $0x6  }
0x3f: {  	v26 =	vld.idx.msk [tilespmem:v10+s12+$0x0], $0xffff;
	v34 =	vor.u32 v4, v34;
	vm14 =	veq.s32 v14, v3;
	v41 =	vor.u32 v0, v40  }
0x40: {  	vm15 =	veq.s32 v15, v3;
	v36 =	vadd.f32 v39, v36;
	v32 =	vmul.f32 v32, v30;
	v35 =	vld.idx.msk [tilespmem:v35+s2+$0x0], $0xffff  }
0x41: {  	vm10 =	veq.s32 v13, v0;
	vm9 =	veq.s32 v13, v2;
	v28 =	vmul.f32 v28, v30;
	v38 =	vld.idx.msk [tilespmem:v38+s2+$0x0], $0xffff  }
0x42: {  	v43 =	vld.idx.msk [tilespmem:v43+s2+$0x0], $0xffff;
	vm6 =	vmor vm10, vm2;
	vm2 =	veq.s32 v27, v4;
	v52 =	vor.u32 v2, v40  }
0x43: {  	v57 =	vld.idx.msk [tilespmem:v51+s2+$0x0], $0xffff;
	vm10 =	veq.s32 v12, v2;
	v48 =	vor.u32 v3, v40;
	v51 =	vor.u32 v4, v40  }
0x44: {  	v32 =	vadd.f32 v32, v44;
	vm6 =	vmor vm7, vm6;
	vm7 =	vmor vm9, vm10;
	v62 =	vld.idx.msk [tilespmem:v41+s2+$0x0], $0xffff  }
0x45: {  	v53 =	vld.idx.msk [tilespmem:v47+s2+$0x0], $0xffff;
	v44 =	vor.u32 v3, v37;
	v37 =	vor.u32 v4, v37;
	vm9 =	veq.s32 v13, v3  }
0x46: {  	v46 =	vld.idx.msk [tilespmem:v33+s2+$0x0], $0xffff;
	vm10 =	veq.s32 v12, v3;
	vm4 =	vmor vm4, vm6;
	vm6 =	vmor vm12, vm13  }
0x47: {  	v39 =	vld.idx.msk [tilespmem:v49+s2+$0x0], $0xffff;
	vm5 =	vmor vm5, vm7;
	vm12 =	veq.s32 v17, v3;
	vm13 =	veq.s32 v16, v3  }
0x48: {  	v32 =	vadd.f32 v36, v32;
	v35 =	vmul.f32 v35, v19;
	v38 =	vmul.f32 v38, v20;
	v41 =	vld.idx.msk [tilespmem:v63+s2+$0x0], $0xffff  }
0x49: {  	vm6 =	vmor vm3, vm6;
	v43 =	vmul.f32 v43, v26;
	v27 =	vld.idx.msk [tilespmem:v52+s2+$0x0], $0xffff;
	v29 =	vmul.f32 v62, v24  }
0x4a: {  	v58 =	vld.idx.msk [tilespmem:v54+s2+$0x0], $0xffff;
	v36 =	vmul.f32 v56, v23;
	vm3 =	veq.s32 v25, v4;
	vm5 =	vmor vm6, vm5  }
0x4b: {  	v49 =	vld.idx.msk [tilespmem:v61+s2+$0x0], $0xffff;
	vm6 =	vmor vm12, vm13;
	v35 =	vadd.f32 v38, v35;
	v29 =	vadd.f32 v43, v29  }
0x4c: {  	v34 =	vld.idx.msk [tilespmem:v34+s2+$0x0], $0xffff;
	vm12 =	veq.s32 v16, v4;
	v38 =	vmul.f32 v50, v30;
	v50 =	vor.u32 v3, v42  }
0x4d: {  	vm13 =	veq.s32 v14, v4;
	v39 =	vmul.f32 v39, v19;
	v63 =	vld.idx.msk [tilespmem:v31+s2+$0x0], $0xffff;
	v29 =	vadd.f32 v29, v35  }
0x4e: {  	v52 =	vor.u32 v4, v42;
	v31 =	vld.idx.msk [tilespmem:v44+s2+$0x0], $0xffff;
	v55 =	vmul.f32 v41, v30;
	v27 =	vmul.f32 v27, v24  }
0x4f: {  	v41 =	vmul.f32 v58, v26;
	v62 =	vld.idx.msk [tilespmem:v59+s2+$0x0], $0xffff;
	v29 =	vadd.f32 v29, v32;
	v32 =	vmul.f32 v57, v20  }
0x50: {  	vm2 =	vmor vm2, vm3;
	vm3 =	veq.s32 v13, v4;
	vm1 =	vmor vm1, vm6;
	v37 =	vld.idx.msk [tilespmem:v37+s2+$0x0], $0xffff  }
0x51: {  	v43 =	vmul.f32 v53, v21;
	v27 =	vadd.f32 v41, v27;
	v54 =	vld.idx.msk [tilespmem:v50+s2+$0x0], $0xffff;
	v32 =	vadd.f32 v32, v39  }
0x52: {  	vm6 =	vmor vm11, vm12;
	v22 =	vadd.f32 v38, v22;
	v35 =	vadd.f32 v55, v45;
	v45 =	vld.idx.msk [tilespmem:v60+s2+$0x0], $0xffff  }
0x53: {  	v14 =	vmul.f32 v31, v20;
	v36 =	vadd.f32 v36, v43;
	v27 =	vadd.f32 v27, v32;
	v32 =	vld.idx.msk [tilespmem:v48+s2+$0x0], $0xffff  }
0x54: {  	v58 =	vld.idx.msk [tilespmem:v52+s2+$0x0], $0xffff;
	v60 =	vadd.f32 v28, v18;
	v53 =	vmul.f32 v62, v21;
	v21 =	vmul.f32 v63, v21  }
0x55: {  	v56 =	vld.idx.msk [tilespmem:v51+s2+$0x0], $0xffff;
	v35 =	vadd.f32 v36, v35;
	v57 =	vmul.f32 v49, v19;
	v19 =	vmul.f32 v34, v19  }
0x56: {  	v20 =	vmul.f32 v37, v20;
	v30 =	vmul.f32 v54, v26;
	v29 =	vsel vm4, $0xFF800000, v29  }
0x57: {  	vm4 =	vmor vm14, vm15;
	vm14 =	veq.s32 v15, v4;
	v55 =	vmul.f32 v45, v23  }
0x58: {  	v14 =	vadd.f32 v14, v57;
	v23 =	vmul.f32 v46, v23;
	v15 =	vmul.f32 v32, v24  }
0x59: {  	v59 =	vmul.f32 v58, v26;
	v13 =	vadd.f32 v20, v19;
	v17 =	vadd.f32 v55, v53  }
0x5a: {  	v61 =	vadd.f32 v23, v21;
	v24 =	vmul.f32 v56, v24;
	v15 =	vadd.f32 v30, v15  }
0x5b: {  	vm2 =	vmor vm2, vm6;
	v63 =	vld.idx.msk [tilespmem:v11+s12+$0x0], $0xffff;
	v27 =	vadd.f32 v27, v35;
	v17 =	vadd.f32 v17, v22  }
0x5c: {  	vm15 =	veq.s32 v12, v4;
	v62 =	vadd.f32 v59, v24;
	v14 =	vadd.f32 v15, v14  }
0x5d: {  	v12 =	vadd.f32 v61, v60;
	v27 =	vsel vm5, $0xFF800000, v27;
	vm5 =	vmor vm9, vm10;
	v15 =	vld.idx.msk [tilespmem:v11+s11+$0x0], $0xffff  }
0x5e: {  	vm4 =	vmor vm4, vm5;
	v13 =	vadd.f32 v62, v13;
	[tilespmem:$0x4070] =	vst v29;
	v14 =	vadd.f32 v14, v17  }
0x5f: {  	vm3 =	vmor vm3, vm15;
	vm1 =	vmor vm1, vm4;
	vm4 =	vmor vm13, vm14;
	[tilespmem:$0x4080] =	vst v27  }
0x60: {  	vm3 =	vmor vm4, vm3;
	[tilespmem:$0x40B0] =	vst v63;
	v12 =	vadd.f32 v13, v12;
	v13 =	vsel vm1, $0xFF800000, v14  }
0x61: {  	vm1 =	vmor vm2, vm3;
	[tilespmem:$0x4090] =	vst v13  }
0x62: {  	v12 =	vsel vm1, $0xFF800000, v12;
	v13 =	vld [tilespmem:$0x2010];
	[tilespmem:$0x40D0] =	vst v15  }
0x63: {  	s20 =	simm.s32 $0x3020;
	s21 =	simm.s32 $0x2020;
	s22 =	simm.s32 $0x0;
	[tilespmem:$0x40A0] =	vst v12;
	v12 =	vld [tilespmem:$0x2000]  }
.LBB2_2:
0x64: {  	s23 =	smin.u32 s22, $0xFF  }
0x65: {  	s26 =	sshll.u32 s23, $0x3  }
0x66: {  	v14 =	vmov s26;
	_ =	sdelay $0x1  }
0x67: {  	s23 =	sadd.s32 $0x1, s22  }
0x68: {  	s25 =	sand.u32 $0x1, s23;
	v15 =	vor.u32 $0x1, v14  }
0x69: {  	s24 =	smul.u32 $0x140, s25  }
0x6a: {  	v25 =	vld.idx.msk [tilespmem:v14+s11+$0x0], $0xffff  }
0x6b: {  	s24 =	sshrl.u32 s24, $0x2  }
0x6c: {  	v20 =	vld [tilespmem:s24+$0x4020]  }
0x6d: {  	v22 =	vld.idx.msk [tilespmem:v15+s11+$0x0], $0xffff  }
0x6e: {  	v42 =	vor.u32 $0x7, v14;
	v21 =	vld [tilespmem:s24+$0x4030]  }
0x6f: {  	v30 =	vld [tilespmem:s24+$0x4040];
	v16 =	vshll.u32 v25, $0x6  }
0x70: {  	v23 =	vor.u32 $0x2, v14;
	v31 =	vld [tilespmem:s24+$0x4050];
	v17 =	vor.u32 v0, v16  }
0x71: {  	v32 =	vor.u32 $0x3, v14;
	v35 =	vor.u32 $0x4, v14;
	v27 =	vld.idx.msk [tilespmem:v14+s12+$0x0], $0xffff;
	v18 =	vor.u32 v2, v16  }
0x72: {  	v37 =	vor.u32 $0x5, v14;
	v36 =	vld.idx.msk [tilespmem:v15+s12+$0x0], $0xffff;
	v19 =	vor.u32 v3, v16;
	v28 =	vshll.u32 v22, $0x6  }
0x73: {  	v39 =	vor.u32 $0x6, v14;
	v14 =	vld.idx.msk [tilespmem:v42+s11+$0x0], $0xffff;
	v16 =	vor.u32 v4, v16;
	v61 =	vor.u32 v0, v28  }
0x74: {  	v29 =	vor.u32 v2, v28;
	v15 =	vor.u32 v3, v28;
	v55 =	vor.u32 v4, v28;
	v28 =	vld.idx.msk [tilespmem:v42+s12+$0x0], $0xffff  }
0x75: {  	v24 =	vld.idx.msk [tilespmem:v17+s2+$0x0], $0xffff  }
0x76: {  	v26 =	vld.idx.msk [tilespmem:v18+s2+$0x0], $0xffff  }
0x77: {  	v33 =	vld.idx.msk [tilespmem:v19+s2+$0x0], $0xffff  }
0x78: {  	v34 =	vld.idx.msk [tilespmem:v16+s2+$0x0], $0xffff  }
0x79: {  	v19 =	vld.idx.msk [tilespmem:v23+s11+$0x0], $0xffff  }
0x7a: {  	v18 =	vld.idx.msk [tilespmem:v32+s11+$0x0], $0xffff  }
0x7b: {  	(xrf1) =	vsort.dscd.msk.f32 $0xffff, v20, v0;
	v16 =	vld.idx.msk [tilespmem:v35+s11+$0x0], $0xffff  }
0x7c: {  	(xrf1) =	vsort.ascd.msk.f32 $0xffff, v21, v2;
	v17 =	vld.idx.msk [tilespmem:v37+s11+$0x0], $0xffff  }
0x7d: {  	vm4 =	veq.s32 v25, v0;
	vm3 =	veq.s32 v25, v2;
	v53 =	vshll.u32 v14, $0x6;
	v38 =	vld.idx.msk [tilespmem:v61+s2+$0x0], $0xffff  }
0x7e: {  	vm2 =	veq.s32 v25, v3;
	vm1 =	veq.s32 v25, v4;
	v54 =	vor.u32 v0, v53;
	v40 =	vld.idx.msk [tilespmem:v29+s2+$0x0], $0xffff  }
0x7f: {  	vm5 =	veq.s32 v22, v0;
	vm13 =	veq.s32 v14, v0;
	vm14 =	veq.s32 v22, v2;
	v44 =	vld.idx.msk [tilespmem:v15+s2+$0x0], $0xffff  }
0x80: {  	vm10 =	veq.s32 v14, v2;
	vm9 =	veq.s32 v14, v3;
	vm4 =	vmor vm4, vm5;
	v15 =	vld.idx.msk [tilespmem:v39+s11+$0x0], $0xffff  }
0x81: {  	(xrf1) =	vsort.dscd.msk.f32 $0xffff, v30, v3;
	vm3 =	vmor vm3, vm14;
	v29 =	vld.idx.msk [tilespmem:v23+s12+$0x0], $0xffff;
	v41 =	vshll.u32 v19, $0x6;
	v45 =	vshll.u32 v18, $0x6  }
0x82: {  	(xrf1) =	vsort.ascd.msk.f32 $0xffff, v31, v4;
	v23 =	vld.idx.msk [tilespmem:v32+s12+$0x0], $0xffff;
	v47 =	vshll.u32 v16, $0x6;
	v49 =	vshll.u32 v17, $0x6;
	v51 =	vmul.f32 v24, v27  }
0x83: {  	v58 =	vld.idx.msk [tilespmem:v54+s2+$0x0], $0xffff;
	v52 =	vmul.f32 v26, v27;
	v21 =	vmul.f32 v33, v27;
	v43 =	vor.u32 v0, v41  }
0x84: {  	v59 =	vld.idx.msk [tilespmem:v55+s2+$0x0], $0xffff;
	v20 =	vmul.f32 v34, v27;
	vm6 =	veq.s32 v19, v0;
	v46 =	vor.u32 v0, v45  }
0x85: {  	v24 =	vld.idx.msk [tilespmem:v35+s12+$0x0], $0xffff;
	vm7 =	veq.s32 v18, v0;
	vm8 =	veq.s32 v16, v0;
	v48 =	vor.u32 v0, v47  }
0x86: {  	v26 =	vld.idx.msk [tilespmem:v37+s12+$0x0], $0xffff;
	vm11 =	veq.s32 v17, v0;
	v62 =	vor.u32 v0, v49;
	v50 =	vshll.u32 v15, $0x6  }
0x87: {  	v27 =	vld.idx.msk [tilespmem:v39+s12+$0x0], $0xffff;
	vm15 =	veq.s32 v19, v2;
	v34 =	vmul.f32 v38, v36;
	v63 =	vor.u32 v0, v50  }
0x88: {  	vm14 =	veq.s32 v17, v2;
	v37 =	vmul.f32 v40, v36;
	v25 =	vmul.f32 v44, v36;
	v43 =	vld.idx.msk [tilespmem:v43+s2+$0x0], $0xffff  }
0x89: {  	v56 =	vor.u32 v2, v41;
	v57 =	vor.u32 v2, v45;
	vm6 =	vmor vm6, vm7;
	v46 =	vld.idx.msk [tilespmem:v46+s2+$0x0], $0xffff  }
0x8a: {  	vm12 =	veq.s32 v15, v0;
	vm8 =	vmor vm8, vm11;
	v61 =	vor.u32 v2, v47;
	v48 =	vld.idx.msk [tilespmem:v48+s2+$0x0], $0xffff  }
0x8b: {  	v54 =	vor.u32 v2, v49;
	v30 =	vmul.f32 v58, v28;
	v31 =	vmul.f32 v59, v36;
	v32 =	vld.idx.msk [tilespmem:v62+s2+$0x0], $0xffff  }
0x8c: {  	v42 =	vor.u32 v4, v45;
	vm11 =	veq.s32 v19, v3;
	vm7 =	vmor vm12, vm13;
	v35 =	vld.idx.msk [tilespmem:v63+s2+$0x0], $0xffff  }
0x8d: {  	v55 =	vor.u32 v2, v50;
	vm6 =	vmor vm4, vm6;
	vm4 =	veq.s32 v22, v3  }
0x8e: {  	vm12 =	veq.s32 v18, v2;
	vm13 =	veq.s32 v16, v2;
	v34 =	vadd.f32 v34, v51  }
0x8f: {  	vm7 =	vmor vm8, vm7;
	vm5 =	vmor vm13, vm14;
	v60 =	vmul.f32 v43, v29  }
0x90: {  	v37 =	vadd.f32 v37, v52;
	v62 =	vmul.f32 v46, v23;
	v63 =	vmul.f32 v48, v24  }
0x91: {  	v51 =	vor.u32 v3, v50;
	v32 =	vmul.f32 v32, v26;
	v35 =	vmul.f32 v35, v27  }
0x92: {  	vm13 =	veq.s32 v16, v3;
	v39 =	vld.idx.msk [tilespmem:v56+s2+$0x0], $0xffff;
	v56 =	vor.u32 v2, v53;
	v33 =	vadd.f32 v62, v60  }
0x93: {  	vm14 =	veq.s32 v17, v3;
	v40 =	vld.idx.msk [tilespmem:v57+s2+$0x0], $0xffff;
	v32 =	vadd.f32 v32, v63;
	v30 =	vadd.f32 v30, v35  }
0x94: {  	v21 =	vadd.f32 v25, v21;
	vm6 =	vmor vm6, vm7;
	vm7 =	vmor vm15, vm12;
	v38 =	vld.idx.msk [tilespmem:v61+s2+$0x0], $0xffff;
	v44, v61, _ =	vpop (xrf1)  }
0x95: {  	vm15 =	veq.s32 v15, v2;
	v58 =	vld.idx.msk [tilespmem:v55+s2+$0x0], $0xffff;
	v33 =	vadd.f32 v33, v34;
	v30 =	vadd.f32 v30, v32;
	v63, v62, _ =	vpop (xrf1)  }
0x96: {  	vm12 =	veq.s32 v18, v3;
	v57 =	vld.idx.msk [tilespmem:v54+s2+$0x0], $0xffff;
	v43 =	vor.u32 v3, v47;
	v60, v54, _ =	vpop (xrf1);
	v44 =	vsel vm0, v44, v63  }
0x97: {  	v59 =	vld.idx.msk [tilespmem:v56+s2+$0x0], $0xffff;
	v30 =	vadd.f32 v30, v33;
	v33 =	vor.u32 v3, v45;
	v55, v56, _ =	vpop (xrf1);
	v45 =	vsel vm0, v61, v62  }
0x98: {  	(xrf1) =	vsort.dscd.msk.f32 $0xffff, v44, v45;
	v61 =	vsel vm0, v60, v55;
	v62 =	vsel vm0, v54, v56  }
0x99: {  	vm2 =	vmor vm2, vm4;
	v35 =	vmul.f32 v39, v29;
	v34 =	vor.u32 v4, v41;
	(xrf1) =	vsort.ascd.msk.f32 $0xffff, v61, v62  }
0x9a: {  	v39 =	vmul.f32 v40, v23;
	v40 =	vmul.f32 v58, v27;
	v58 =	vor.u32 v4, v53  }
0x9b: {  	vm4 =	vmor vm13, vm14;
	vm13 =	veq.s32 v17, v4;
	v32 =	vor.u32 v3, v41  }
0x9c: {  	vm14 =	veq.s32 v15, v4;
	vm7 =	vmor vm3, vm7;
	v52 =	vld.idx.msk [tilespmem:v43+s2+$0x0], $0xffff;
	v63 =	vor.u32 v3, v49  }
0x9d: {  	v38 =	vmul.f32 v38, v24;
	v36 =	vmul.f32 v57, v26;
	v48 =	vor.u32 v4, v49;
	v49 =	vld.idx.msk [tilespmem:v42+s2+$0x0], $0xffff  }
0x9e: {  	vm3 =	veq.s32 v22, v4;
	v41 =	vmul.f32 v59, v28;
	v35 =	vadd.f32 v39, v35;
	v34 =	vld.idx.msk [tilespmem:v34+s2+$0x0], $0xffff  }
0x9f: {  	vm1 =	vmor vm1, vm3;
	v46 =	vor.u32 v4, v47;
	v36 =	vadd.f32 v36, v38;
	v62 =	vld.idx.msk [tilespmem:v58+s2+$0x0], $0xffff  }
0xa0: {  	s29 =	smin.u32 s22, $0x1;
	v35 =	vadd.f32 v35, v37;
	v45 =	vadd.f32 v41, v40;
	v54 =	vor.u32 v4, v50;
	v32 =	vld.idx.msk [tilespmem:v32+s2+$0x0], $0xffff  }
0xa1: {  	s28 =	ssub.s32 s22, s29;
	v56 =	vor.u32 v3, v53;
	v50 =	vor.u32 s26, v11;
	v30 =	vsel vm6, $0xFF800000, v30;
	v57 =	vld.idx.msk [tilespmem:v63+s2+$0x0], $0xffff  }
0xa2: {  	s28 =	sshll.u32 s28, $0x4;
	vm6 =	vmor vm15, vm10;
	vm15 =	veq.s32 v15, v3;
	vm10 =	veq.s32 v19, v4;
	v47 =	vld.idx.msk [tilespmem:v33+s2+$0x0], $0xffff  }
0xa3: {  	v15 =	vadd.f32 v31, v20;
	v58 =	vmov s28;
	v36 =	vadd.f32 v45, v36;
	v33 =	vld.idx.msk [tilespmem:v48+s2+$0x0], $0xffff  }
0xa4: {  	v59 =	vld.idx.msk [tilespmem:v51+s2+$0x0], $0xffff;
	vm5 =	vmor vm5, vm6;
	vm6 =	vmor vm11, vm12;
	vm11 =	veq.s32 v18, v4  }
0xa5: {  	v55 =	vld.idx.msk [tilespmem:v46+s2+$0x0], $0xffff;
	vm12 =	veq.s32 v16, v4;
	vm5 =	vmor vm7, vm5;
	v32 =	vmul.f32 v32, v29  }
0xa6: {  	vm3 =	vmor vm10, vm11;
	v61 =	vld.idx.msk [tilespmem:v56+s2+$0x0], $0xffff;
	v29 =	vmul.f32 v34, v29;
	v46 =	vmul.f32 v57, v26;
	v45, v44, _ =	vpop (xrf1)  }
0xa7: {  	v35 =	vadd.f32 v36, v35;
	v38 =	vld.idx.msk [tilespmem:v54+s2+$0x0], $0xffff;
	v60 =	vmul.f32 v47, v23;
	v23 =	vmul.f32 v49, v23;
	v49, v48, _ =	vpop (xrf1)  }
0xa8: {  	v26 =	vmul.f32 v33, v26;
	v33 =	vsel vm0, v45, v49;
	v34 =	vsel vm0, v44, v48  }
0xa9: {  	vm2 =	vmor vm2, vm6;
	v63 =	vmul.f32 v52, v24;
	vm1 =	vmor vm1, vm3;
	(xrf1) =	vsort.dscd.msk.f32 $0xffff, v33, v34  }
0xaa: {  	v24 =	vmul.f32 v55, v24;
	v35 =	vsel vm5, $0xFF800000, v35;
	v18 =	vmul.f32 v62, v28  }
0xab: {  	vm5 =	vmor vm15, vm9;
	v47 =	vmul.f32 v59, v27;
	v22 =	vmul.f32 v61, v28  }
0xac: {  	v27 =	vmul.f32 v38, v27;
	v16 =	vadd.f32 v46, v63;
	v19 =	vadd.f32 v60, v32  }
0xad: {  	s30 =	sand.u32 $0x1, s22;
	vm15 =	veq.s32 v14, v4;
	v51 =	vadd.f32 v23, v29;
	v17 =	vadd.f32 v22, v47  }
0xae: {  	s31 =	smul.u32 $0x140, s30;
	s25 =	sshll.u32 s25, $0x4;
	vm4 =	vmor vm4, vm5;
	v57 =	vld.idx.msk [tilespmem:v50+s12+$0x0], $0xffff;
	v53 =	vadd.f32 v26, v24;
	v18 =	vadd.f32 v18, v27  }
0xaf: {  	v52 =	vld [tilespmem:s25+$0x40C0];
	vm5 =	vmor vm14, vm15;
	v14 =	vadd.f32 v19, v21;
	v16 =	vadd.f32 v17, v16  }
0xb0: {  	v54 =	vld [tilespmem:s24+$0x4060];
	s24 =	sshrl.u32 s31, $0x2;
	vm2 =	vmor vm2, vm4;
	v15 =	vadd.f32 v51, v15;
	v55 =	vadd.f32 v18, v53  }
0xb1: {  	v56 =	vld.idx.msk [tilespmem:v50+s11+$0x0], $0xffff;
	vm4 =	vmor vm12, vm13;
	[tilespmem:s24+$0x4020] =	vst v30;
	v59 =	vor.u32 $0x8, v58;
	v14 =	vadd.f32 v16, v14  }
0xb2: {  	[tilespmem:s24+$0x4030] =	vst v35;
	vm3 =	vmor vm4, vm5;
	v17 =	vbroadcast v59, $0x0;
	v15 =	vadd.f32 v55, v15  }
0xb3: {  	s26 =	sshll.u32 s29, $0x6;
	vm1 =	vmor vm1, vm3;
	[tilespmem:s24+$0x4060] =	vst v57;
	v14 =	vsel vm2, $0xFF800000, v14  }
0xb4: {  	s26 =	ssub.s32 $0x0, s26;
	v15 =	vsel vm1, $0xFF800000, v15;
	[tilespmem:s24+$0x4040] =	vst v14;
	v14 =	vor.u32 v11, v17  }
0xb5: {  	p0 =	sne.s32 s22, $0x100;
	s29 =	sshll.u32 s30, $0x4;
	s26 =	sshra.s32 s26, $0x2;
	[tilespmem:s24+$0x4050] =	vst v15  }
.Ltmp0:
0xb6: {  	s30 =	sadd.s32 s26, s21;
	v60 =	vadd.f32 v54, v13;
	v15 =	vadd.s32 v12, v52;
	[tilespmem:s29+$0x40C0] =	vst v56;
	(pc) =	sbr.rel @p0 .LBB2_2-.Ltmp0, $4  }
0xb7: {  	s31 =	sadd.s32 s26, s20;
	[tilespmem:s30+$0x0] =	vst v15;
	v61, v62, _ =	vpop (xrf1)  }
0xb8: {  	[tilespmem:s31+$0x0] =	vst v60;
	v15 =	vadd.s32 v12, v62;
	v63 =	vadd.f32 v61, v13  }
0xb9: {  	[tilespmem:v14+s16+$0x0] =	vst.idx.msk $0xff, v15  }
0xba: {  	s22 =	smov.u32 s23;
	s21 =	sadd.s32 $0x10, s21;
	s20 =	sadd.s32 $0x10, s20;
	[tilespmem:v14+s17+$0x0] =	vst.idx.msk $0xff, v63  }
0xbb: {  	[hbm4b:s8+s2] =	stream.linear.scatter [tilespmem:s16], [sflag:$0x2], $0x1000, $0x38;
	[tilespmem:$0x40E0] =	vst v63  }
0xbc: {  	s19 =	sadd.s32 $0x1, s19;
	_ =	swait.ge [sflag:s18], $0x1000  }
0xbd: {  	p0 =	sne.s32 s19, s10;
	[sflag:s18] =	ssyncset.done $0x0  }
.Ltmp1:
0xbe: {  	[sflag:s18] =	ssyncadd.s32 $0xFFFFF000;
	(pc) =	sbr.rel @p0 .LBB2_1-.Ltmp1, $4  }
0xbf: {  	[hbm4b:s9+s2] =	stream.linear.scatter [tilespmem:s17], [sflag:$0x2], $0x1000, $0x38;
	[tilespmem:$0x40E0] =	vst v63  }
0xc0: {  	_ =	swait.ge [sflag:s18], $0x1000  }
0xc1: {  	[sflag:s18] =	ssyncset.done $0x0  }
0xc2: {  	[sflag:s18] =	ssyncadd.s32 $0xFFFFF000  }
0xc3: {  	_ =	sfence.sel $0x180000  }
0xc4: {  	[bflag:$0x0] =	sbarrier.arrive $0xFFFF  }
0xc5: {  	p0 =	sne.s32 s1, $0x0;
	_ =	strace $0x90000047  }
0xc6: {  	s0 =	sadd.s32 @!p0 $0x100000, s0;
	[bflag:$0x2] =	sbarrier.arrive $0xFFFF  }
0xc7: {  	[sflag:s0] =	ssyncadd.tile.s32 @!p0 $0x1;
	_ =	shalt  }
.Lfunc_end2:
_tile_overlayer_lowered:
.L_overlay_start_2:
0xc8: {  	(tag) =	ssettag $0x2  }
0xc9: {  	s0 =	rddreg [dreg:$0x0];
	s2 =	stileid.u32  }
0xca: {  	s1 =	rddreg [dreg:$0x1];
	p0 =	sne.s32 s2, $0x0  }
0xcb: {  	s3 =	rddreg [dreg:$0x2];
	[bflag:$0x3] =	sbarrier.arrive $0xFFFF;
	s2 =	simm.s32 @!p0 $0x1C02  }
0xcc: {  	[timem:s3], [sflag:s2] =	dma.local @!p0 [hbm:s0], s1  }
0xcd: {  	s0 =	simm.s32 @!p0 $0x2  }
0xce: {  	_ =	swait.ge @!p0 [sflag:s0], s1  }
0xcf: {  	s1 =	ssub.s32 @!p0 $0x0, s1;
	[sflag:s0] =	ssyncset.done @!p0 $0x0  }
0xd0: {  	[sflag:s0] =	ssyncadd.s32 @!p0 s1  }
0xd1: {  	[bflag:$0x3] =	sbarrier.arrive $0xFFFF  }
0xd2: {  	_ =	shalt  }

// kernel: kernel.9.cloned.1.call-start
scs
__scs_entry_jumppad:
0x0: {  	(pc) =	sbr.rel $0x88, $3  }
0x1: {  	(tag) =	ssettag $0x0;
	lr =	simm.s32 $0x1  }
0x2: {  	[smem:$0x3F9D] =	sst lr;
	_ =	strace $0xD0000000  }
0x3: {  	_ = 	snop  }
0x4: {  	_ = 	snop  }
0x5: {  	_ = 	snop  }
0x6: {  	_ = 	snop  }
0x7: {  	_ = 	snop  }
__scs_overlays_trampoline_lowered:
0x8: {  	[smem:$0x3FAC] =	sst s0  }
0x9: {  	[smem:$0x3FAD] =	sst s1  }
0xa: {  	[smem:$0x3FAE] =	sst s2  }
0xb: {  	[smem:$0x3FAF] =	sst s3  }
0xc: {  	[smem:$0x3FB0] =	sst s4  }
0xd: {  	[smem:$0x3FB1] =	sst s5  }
0xe: {  	[smem:$0x3FB2] =	sst s6  }
0xf: {  	[smem:$0x3FB3] =	sst s7  }
0x10: {  	[smem:$0x3FB4] =	sst s8  }
0x11: {  	[smem:$0x3FB5] =	sst s9;
	s0 =	simm.s32 @!p0 $0x0  }
0x12: {  	s1 =	sld [smem:$0x3F9B];
	s0 =	simm.s32 @p0 $0x1  }
0x13: {  	[smem:$0x3FB6] =	sst s0;
	s0 =	simm.s32 @!p1 $0x0  }
0x14: {  	s2 =	sld [smem:$0x3F9A];
	s0 =	simm.s32 @p1 $0x1  }
0x15: {  	[smem:$0x3FB7] =	sst s0;
	s0 =	simm.s32 @!p2 $0x0  }
0x16: {  	s3 =	sld [smem:$0x3FDB];
	s0 =	simm.s32 @p2 $0x1  }
0x17: {  	s4 =	simm.s32 $0x1BF5;
	[smem:$0x3FB9] =	sst s0  }
0x18: {  	s0 =	sld [smem:$0x3F9C];
	_ =	swait.ge [sflag:s4], $0x0  }
0x19: {  	s7 =	sld [smem:$0x3F9D]  }
0x1a: {  	s8 =	sadd.s32 $0xFFFFE003, lr  }
0x1b: {  	s9 =	sadd.s32 $0xFFFFFEF7, lr;
	s5 =	simm.s32 $0xFFFFFFFF;
	p2 =	slt.u32 s8, $0xFFFFF086  }
0x1c: {  	p1 =	slt.u32 s9, $0xF7A;
	s5 =	simm.s32 @!p2 $0x0  }
0x1d: {  	s5 =	simm.s32 @p1 $0x1;
	p0 =	seq.s32 s7, s2  }
0x1e: {  	s7 =	smul.u32 @!p0 $0xF7A, s2;
	p2 =	seq.s32 @!p0 s5, $0x0  }
0x1f: {  	s9 =	smul.u32 $0xF7A, s1;
	s8 =	simm.s32 @!p0 $0x1BF5;
	p2 =	por !p2, p0  }
0x20: {  	[sflag:s8] =	ssyncset.s32 @!p0 $0xFFFFF086;
	s6 =	sadd.s32 @!p0 s3, s7;
	s7 =	simm.s32 @!p0 $0x108  }
0x21: {  	s3 =	sadd.s32 s3, s9;
	s6 =	sadd.s32 @!p0 $0x88, s6;
	s7 =	simm.s32 @p2 $0x1082  }
0x22: {  	[simem:s7], [sflag:s8] =	dma.local @!p0 [hbm:s6], $0xF7A  }
0x23: {  	s9 =	sor.u32 $0xD0000000, s2;
	s6 =	simm.s32 $0x108;
	_ =	swait.ge @!p0 [sflag:s8], $0x0  }
0x24: {  	s3 =	sadd.s32 $0x88, s3;
	s6 =	simm.s32 @!p1 $0x1082;
	[sflag:s4] =	ssyncset.s32 $0xFFFFF086  }
0x25: {  	[simem:s6], [sflag:s4] =	dma.local [hbm:s3], $0xF7A  }
0x26: {  	[smem:$0x3F9D] =	sst s1;
	(tag) =	ssettag s2;
	_ =	strace s9  }
0x27: {  	s1 =	sld [smem:$0x3FAD]  }
0x28: {  	s2 =	sld [smem:$0x3FAE]  }
0x29: {  	s4 =	sld [smem:$0x3FB0]  }
0x2a: {  	p0 =	seq.s32 s5, $0x0;
	s5 =	sld [smem:$0x3FB1]  }
0x2b: {  	s6 =	sld [smem:$0x3FB2]  }
0x2c: {  	s7 =	sld [smem:$0x3FB3]  }
0x2d: {  	s3 =	simm.s32 $0x108;
	s8 =	sld [smem:$0x3FB4]  }
0x2e: {  	s3 =	simm.s32 @!p0 $0x1082;
	s9 =	sld [smem:$0x3FB5]  }
0x2f: {  	lr =	sadd.s32 s0, s3;
	s0 =	sld [smem:$0x3FAC]  }
0x30: {  	s3 =	sld [smem:$0x3FAF]  }
0x31: {  	[smem:$0x3FB8] =	sst s10  }
0x32: {  	s10 =	sld [smem:$0x3FB6];
	_ =	sdelay $0x3  }
0x33: {  	p0 =	seq.s32 s10, $0x1;
	s10 =	sld [smem:$0x3FB8];
	_ =	sdelay $0x3  }
0x34: {  	[smem:$0x3FB8] =	sst s10  }
0x35: {  	s10 =	sld [smem:$0x3FB7];
	_ =	sdelay $0x3  }
0x36: {  	p1 =	seq.s32 s10, $0x1;
	s10 =	sld [smem:$0x3FB8];
	_ =	sdelay $0x3  }
0x37: {  	[smem:$0x3FB8] =	sst s10  }
0x38: {  	s10 =	sld [smem:$0x3FB9]  }
0x39: {  	_ = 	snop;
	(pc) =	sbr.ind lr, $3  }
0x3a: {  	_ = 	snop  }
0x3b: {  	_ = 	snop  }
0x3c: {  	p2 =	seq.s32 s10, $0x1;
	s10 =	sld [smem:$0x3FB8]  }
0x3d: {  	_ =	shalt  }
0x3e: {  	_ =	shalt  }
0x3f: {  	_ =	shalt  }
0x40: {  	_ =	shalt  }
0x41: {  	_ =	shalt  }
0x42: {  	_ =	shalt  }
0x43: {  	_ =	shalt  }
0x44: {  	_ =	shalt  }
0x45: {  	_ =	shalt  }
0x46: {  	_ =	shalt  }
0x47: {  	_ =	shalt  }
0x48: {  	_ =	shalt  }
0x49: {  	_ =	shalt  }
0x4a: {  	_ =	shalt  }
0x4b: {  	_ =	shalt  }
0x4c: {  	_ =	shalt  }
0x4d: {  	_ =	shalt  }
0x4e: {  	_ =	shalt  }
0x4f: {  	_ =	shalt  }
0x50: {  	_ =	shalt  }
0x51: {  	_ =	shalt  }
0x52: {  	_ =	shalt  }
0x53: {  	_ =	shalt  }
0x54: {  	_ =	shalt  }
0x55: {  	_ =	shalt  }
0x56: {  	_ =	shalt  }
0x57: {  	_ =	shalt  }
0x58: {  	_ =	shalt  }
0x59: {  	_ =	shalt  }
0x5a: {  	_ =	shalt  }
0x5b: {  	_ =	shalt  }
0x5c: {  	_ =	shalt  }
0x5d: {  	_ =	shalt  }
0x5e: {  	_ =	shalt  }
0x5f: {  	_ =	shalt  }
0x60: {  	_ =	shalt  }
0x61: {  	_ =	shalt  }
0x62: {  	_ =	shalt  }
0x63: {  	_ =	shalt  }
0x64: {  	_ =	shalt  }
0x65: {  	_ =	shalt  }
0x66: {  	_ =	shalt  }
0x67: {  	_ =	shalt  }
0x68: {  	_ =	shalt  }
0x69: {  	_ =	shalt  }
0x6a: {  	_ =	shalt  }
0x6b: {  	_ =	shalt  }
0x6c: {  	_ =	shalt  }
0x6d: {  	_ =	shalt  }
0x6e: {  	_ =	shalt  }
0x6f: {  	_ =	shalt  }
0x70: {  	_ =	shalt  }
0x71: {  	_ =	shalt  }
0x72: {  	_ =	shalt  }
0x73: {  	_ =	shalt  }
0x74: {  	_ =	shalt  }
0x75: {  	_ =	shalt  }
0x76: {  	_ =	shalt  }
0x77: {  	_ =	shalt  }
0x78: {  	_ =	shalt  }
0x79: {  	_ =	shalt  }
0x7a: {  	_ =	shalt  }
0x7b: {  	_ =	shalt  }
0x7c: {  	_ =	shalt  }
0x7d: {  	_ =	shalt  }
0x7e: {  	_ =	shalt  }
0x7f: {  	_ =	shalt  }
0x80: {  	_ =	shalt  }
0x81: {  	_ =	shalt  }
0x82: {  	_ =	shalt  }
0x83: {  	_ =	shalt  }
0x84: {  	_ =	shalt  }
0x85: {  	_ =	shalt  }
0x86: {  	_ =	shalt  }
0x87: {  	_ =	shalt  }
.Lfunc_end0:
.L_simem_size_0:
called_computation.1_lowered:
.L_overlay_start_0:
0x88: {  	s2 =	sld [smem:$0x3FD9]  }
0x89: {  	s3 =	sld [smem:$0x3FFE];
	_ =	sdelay $0x1  }
0x8a: {  	s1 =	srdreg.scid  }
0x8b: {  	s0 =	sand.u32 $0x1, s1  }
0x8c: {  	s17 =	sshll.u32 s0, $0xA;
	s2 =	sadd.s32 s3, s2  }
0x8d: {  	s2 =	sadd.s32 s2, s17  }
0x8e: {  	[smem:$0x3FC4] =	sst s2  }
0x8f: {  	_ = 	snop  }
0x90: {  	(tm) =	ssettm $0x1  }
0x91: {  	s18 =	sld [smem:$0x3FFB];
	_ =	sdelay $0x3  }
0x92: {  	_ =	strace s18  }
0x93: {  	s2 =	sld [smem:$0x3FFC];
	_ =	sdelay $0x3  }
0x94: {  	_ =	strace s2  }
0x95: {  	s2 =	sld [smem:$0x3FFD];
	_ =	sdelay $0x3  }
0x96: {  	_ =	strace s2  }
0x97: {  	_ =	strace $0x8FFFFFFF  }
0x98: {  	s19 =	sld [smem:$0x3FDB];
	_ =	sdelay $0x1  }
0x99: {  	s20 =	simm.s32 $_scs_section_size  }
0x9a: {  	s4 =	simm.s32 $_size__tile_overlayer_lowered;
	s5 =	simm.s32 $_tile_overlayer_lowered  }
0x9b: {  	s6 =	simm.s32 $0x1BFF;
	s21 =	sshll.u32 s5, $0x1;
	s3 =	sadd.s32 s20, s19  }
0x9c: {  	s22 =	simm.s32 $0x0;
	s4 =	sshll.u32 s4, $0x1;
	s5 =	sadd.s32 s21, s3  }
0x9d: {  	[timem:s22], [sflag:s6] =	dma.local [hbm:s5], s4  }
0x9e: {  	_ =	swait.ge [sflag:s6], s4  }
0x9f: {  	s4 =	ssub.s32 $0x0, s4;
	[sflag:s6] =	ssyncset.done $0x0  }
0xa0: {  	[sflag:s6] =	ssyncadd.s32 s4;
	_ =	sdelay $0x1  }
0xa1: {  	s23 =	simm.s32 $0x1B8B  }
0xa2: {  	_ =	swait.ge [sflag:s23], $0x1  }
0xa3: {  	[sflag:s23] =	ssyncset.done $0x0  }
0xa4: {  	[sflag:s23] =	ssyncadd.s32 $0xFFFFFFFF  }
0xa5: {  	s4 =	sld [smem:$0x0]  }
0xa6: {  	s5 =	sand.u32 $0xFFFFFFFE, s1  }
0xa7: {  	p0 =	sne.s32 s1, s5  }
0xa8: {  	s5 =	sshll.u32 @p0 s5, $0xE  }
0xa9: {  	s5 =	sadd.s32 @p0 $0x11B8D, s5;
	s6 =	sshll.u32 @p0 s4, $0x11  }
0xaa: {  	s5 =	sor.u32 @p0 s6, s5  }
0xab: {  	[sflag:s5] =	ssyncadd.remote.s32 @p0 $0x1;
	_ =	sdelay $0x1  }
0xac: {  	s5 =	simm.s32 @p0 $0x1B8D  }
0xad: {  	_ =	swait.eq @p0 [sflag:s5], $0x1  }
0xae: {  	[sflag:s5] =	ssyncadd.s32 @p0 $0xFFFFFFFF  }
0xaf: {  	s6 =	sshll.u32 @!p0 s1, $0xE  }
0xb0: {  	s6 =	sor.u32 @!p0 $0x4000, s6;
	s5 =	simm.s32 @!p0 $0x1B8D  }
0xb1: {  	s4 =	sshll.u32 @!p0 s4, $0x11;
	s6 =	sadd.s32 @!p0 $0x11B8D, s6;
	_ =	swait.eq @!p0 [sflag:s5], $0x1  }
0xb2: {  	s4 =	sor.u32 @!p0 s4, s6;
	[sflag:s5] =	ssyncadd.s32 @!p0 $0xFFFFFFFF  }
0xb3: {  	s25 =	simm.s32 $0x1B8E;
	s24 =	sld [smem:$0x3FFE];
	[sflag:s4] =	ssyncadd.remote.s32 @!p0 $0x1  }
0xb4: {  	s26 =	simm.s32 $execute0_lowered;
	[smem:$0x3FD2] =	sst s25  }
0xb5: {  	s5 =	sshll.u32 s26, $0x1;
	_ =	strace $0x8000004C;
	[dreg:$0x1] =	wrdreg $0xFFFFFFFF  }
0xb6: {  	s28 =	simm.s32 $_size_execute0_lowered;
	s3 =	sadd.s32 s3, s5;
	[dreg:$0x0] =	wrdreg $0x0  }
0xb7: {  	s5 =	sshll.u32 s28, $0x1;
	[dreg:$0x2] =	wrdreg s3  }
0xb8: {  	[dreg:$0x3] =	wrdreg s5  }
0xb9: {  	[dreg:$0x4] =	wrdreg $0xC0  }
0xba: {  	_ =	task [dreg:s22], $0x5FFFF  }
0xbb: {  	[dreg:$0x1] =	wrdreg $0xFFFFFFFF  }
0xbc: {  	[dreg:$0x0] =	wrdreg $0x60  }
0xbd: {  	[dreg:$0x2] =	wrdreg s24  }
0xbe: {  	[dreg:$0x3] =	wrdreg $0xA  }
0xbf: {  	_ =	task.clear_ibuf [dreg:s22], $0x4FFFF;
	_ =	strace $0x9000004C  }
0xc0: {  	s29 =	simm.s32 $0xA;
	_ =	strace $0x8000004E  }
0xc1: {  	_ =	swait.ge [sflag:s29], $0x1  }
0xc2: {  	[sflag:s29] =	ssyncadd.s32 $0xFFFFFFFF  }
0xc3: {  	_ =	strace $0x9000004E  }
0xc4: {  	_ =	sfence  }
0xc5: {  	s30 =	sld [smem:$0x0];
	_ =	sdelay $0x2  }
0xc6: {  	s31 =	sshll.u32 s1, $0xD;
	s1 =	sshrl.u32 s1, $0x2  }
0xc7: {  	s4 =	sand.u32 $0x4000, s31;
	s1 =	sadd.s32 s1, s30  }
0xc8: {  	s0 =	sor.u32 s4, s0;
	s1 =	sshll.u32 s1, $0x11  }
0xc9: {  	s0 =	sor.u32 s1, s0  }
0xca: {  	s0 =	sadd.s32 $0x8F2B, s0  }
0xcb: {  	[sflag:s0] =	ssyncadd.remote.s32 $0x1  }
0xcc: {  	_ =	sfence.sel $0xFFFF  }
0xcd: {  	[dreg:$0x0] =	wrdreg $0xFFFFFFFF;
	(pc) =	sbr.abs _section_cstart, $3  }
0xce: {  	[dreg:$0x1] =	wrdreg $0xFFFFFFFF  }
0xcf: {  	_ =	task.clear_ibuf [dreg:s22], $0x2FFFF;
	_ =	strace $0x9FFFFFFF  }
0xd0: {  	(tm) =	ssettm $0x7FFFFFFF  }
0xd1: {  	_ =	shalt  }
tec
execute0_lowered:
.L_overlay_start_1:
0x0: {  	(tag) =	ssettag $0x1  }
0x1: {  	s6 =	rddreg [dreg:$0x0];
	s2 =	srdreg.scid  }
0x2: {  	s0 =	rddreg [dreg:$0x1];
	s1 =	stileid.u32  }
0x3: {  	s12 =	simm.s32 $0x1800;
	s13 =	simm.s32 $0x2000;
	s14 =	simm.s32 $0x2010  }
0x4: {  	s15 =	simm.s32 $0x1;
	s16 =	simm.s32 $0x2020;
	s17 =	simm.s32 $0x3020  }
0x5: {  	s18 =	simm.s32 $0x2;
	s19 =	simm.s32 $0x0;
	s5 =	sand.u32 $0x1, s2  }
0x6: {  	s2 =	simm.s32 $0x0;
	s3 =	sshll.u32 s1, $0x9;
	s4 =	sshll.u32 s5, $0x8  }
0x7: {  	[smem:$0x7FF] =	sst s2;
	s9 =	ssub.s32 $0x2, s5;
	s5 =	sadd.s32 $0x7000, s6  }
0x8: {  	v0 =	vlaneseq.u32;
	s7 =	sor.u32 s4, s3;
	_ =	strace $0x8000004D;
	s3 =	sadd.s32 $0x2C00, s6  }
0x9: {  	v1 =	vimm.s32 $0x6;
	v5 =	vimm.s32 $0x1;
	v6 =	vimm.s32 $0x2;
	s31 =	sshrl.u32 s9, $0x1;
	s8 =	sadd.s32 s7, s6;
	s7 =	sshll.u32 s7, $0x1  }
0xa: {  	v7 =	vimm.s32 $0x3;
	v8 =	vimm.s32 $0x4;
	v9 =	vimm.s32 $0x5;
	s4 =	sadd.s32 $0x6E00, s6;
	s11 =	ssub.s32 s9, s31;
	s10 =	sadd.s32 s7, s6  }
0xb: {  	v10 =	vimm.s32 $0x7;
	vm0 =	vmmov $0xff;
	v2 =	vor.u32 $0x10, v0;
	s6 =	sadd.s32 $0x1B200, s8;
	s7 =	sadd.s32 $0x1D200, s8;
	s8 =	sadd.s32 $0x23200, s10  }
0xc: {  	v3 =	vor.u32 $0x20, v0;
	v4 =	vor.u32 $0x30, v0;
	v11 =	vand.u32 $0x7, v0;
	s9 =	sadd.s32 $0x1F200, s10;
	s10 =	smax.u32 s11, $0x1;
	s11 =	simm.s32 $0x1000  }
.LBB2_1:
0xd: {  	[tilespmem:s2], [sflag:$0x1] =	stream.linear.gather [hbm4b:s3+s2], $0x1000, $0x38;
	[tilespmem:$0x40E0] =	vst v63  }
0xe: {  	_ = 	snop  }
0xf: {  	[tilespmem:s11], [sflag:$0x1] =	stream.linear.gather [hbm4b:s6+s2], $0x800, $0x38;
	[tilespmem:$0x40E0] =	vst v63  }
0x10: {  	_ = 	snop  }
0x11: {  	[tilespmem:s12], [sflag:$0x1] =	stream.linear.gather [hbm4b:s7+s2], $0x800, $0x38;
	[tilespmem:$0x40E0] =	vst v63  }
0x12: {  	_ = 	snop  }
0x13: {  	[tilespmem:s13], [sflag:$0x1] =	stream.linear.gather [hbm4b:s4+s2], $0x10, $0x38;
	[tilespmem:$0x40E0] =	vst v63  }
0x14: {  	_ = 	snop  }
0x15: {  	[tilespmem:s14], [sflag:$0x1] =	stream.linear.gather [hbm4b:s5+s2], $0x10, $0x38;
	[tilespmem:$0x40E0] =	vst v63  }
0x16: {  	_ =	swait.ge [sflag:s15], $0x1000  }
0x17: {  	[sflag:s15] =	ssyncset.done $0x0  }
0x18: {  	[sflag:s15] =	ssyncadd.s32 $0xFFFFF000  }
0x19: {  	_ =	swait.ge [sflag:s15], $0x800  }
0x1a: {  	[sflag:s15] =	ssyncset.done $0x0  }
0x1b: {  	[sflag:s15] =	ssyncadd.s32 $0xFFFFF800  }
0x1c: {  	_ =	swait.ge [sflag:s15], $0x800  }
0x1d: {  	[sflag:s15] =	ssyncset.done $0x0  }
0x1e: {  	[sflag:s15] =	ssyncadd.s32 $0xFFFFF800  }
0x1f: {  	_ =	swait.ge [sflag:s15], $0x10  }
0x20: {  	[sflag:s15] =	ssyncset.done $0x0  }
0x21: {  	[sflag:s15] =	ssyncadd.s32 $0xFFFFFFF0  }
0x22: {  	_ =	swait.ge [sflag:s15], $0x10  }
0x23: {  	[sflag:s15] =	ssyncset.done $0x0  }
0x24: {  	[sflag:s15] =	ssyncadd.s32 $0xFFFFFFF0  }
0x25: {  	v27 =	vld.msk [tilespmem:s11+$0x0], $0xffff;
	_ =	sdelay $0x4  }
0x26: {  	v25 =	vld.idx.msk [tilespmem:v5+s11+$0x0], $0xffff;
	v12 =	vshll.u32 v27, $0x6  }
0x27: {  	v17 =	vld.idx.msk [tilespmem:v6+s11+$0x0], $0xffff;
	v13 =	vor.u32 v0, v12  }
0x28: {  	v16 =	vld.idx.msk [tilespmem:v7+s11+$0x0], $0xffff;
	v14 =	vor.u32 v2, v12  }
0x29: {  	v18 =	vld.msk [tilespmem:s12+$0x0], $0xffff;
	v15 =	vor.u32 v3, v12  }
0x2a: {  	v21 =	vld.idx.msk [tilespmem:v6+s12+$0x0], $0xffff;
	v12 =	vor.u32 v4, v12  }
0x2b: {  	v23 =	vld.idx.msk [tilespmem:v7+s12+$0x0], $0xffff  }
0x2c: {  	v28 =	vshll.u32 v25, $0x6;
	v22 =	vld.idx.msk [tilespmem:v13+s2+$0x0], $0xffff  }
0x2d: {  	v31 =	vshll.u32 v17, $0x6;
	v33 =	vshll.u32 v16, $0x6;
	vm2 =	veq.s32 v27, v0;
	v24 =	vld.idx.msk [tilespmem:v14+s2+$0x0], $0xffff  }
0x2e: {  	vm3 =	veq.s32 v27, v2;
	vm1 =	veq.s32 v27, v3;
	v19 =	vor.u32 v0, v31;
	v26 =	vld.idx.msk [tilespmem:v15+s2+$0x0], $0xffff  }
0x2f: {  	vm4 =	veq.s32 v25, v0;
	vm5 =	veq.s32 v17, v0;
	v20 =	vor.u32 v0, v33;
	v29 =	vld.idx.msk [tilespmem:v12+s2+$0x0], $0xffff  }
0x30: {  	vm6 =	veq.s32 v16, v0;
	vm11 =	veq.s32 v25, v2;
	vm12 =	veq.s32 v17, v2;
	v14 =	vld.idx.msk [tilespmem:v8+s11+$0x0], $0xffff  }
0x31: {  	vm13 =	veq.s32 v16, v2;
	v63 =	vor.u32 v2, v28;
	v46 =	vor.u32 v3, v28;
	v15 =	vld.idx.msk [tilespmem:v9+s11+$0x0], $0xffff  }
0x32: {  	v47 =	vor.u32 v2, v31;
	v48 =	vor.u32 v2, v33;
	vm4 =	vmor vm2, vm4;
	v12 =	vld.idx.msk [tilespmem:v10+s11+$0x0], $0xffff  }
0x33: {  	vm5 =	vmor vm5, vm6;
	vm3 =	vmor vm3, vm11;
	v13 =	vor.u32 v0, v28;
	v36 =	vld.idx.msk [tilespmem:v19+s2+$0x0], $0xffff  }
0x34: {  	vm11 =	veq.s32 v25, v3;
	v59 =	vor.u32 v3, v31;
	v31 =	vor.u32 v4, v31;
	v39 =	vld.idx.msk [tilespmem:v20+s2+$0x0], $0xffff  }
0x35: {  	v60 =	vor.u32 v3, v33;
	v33 =	vor.u32 v4, v33;
	vm4 =	vmor vm4, vm5  }
0x36: {  	v30 =	vld.idx.msk [tilespmem:v5+s12+$0x0], $0xffff;
	vm1 =	vmor vm1, vm11;
	vm11 =	veq.s32 v17, v4;
	v28 =	vor.u32 v4, v28  }
0x37: {  	v19 =	vld.idx.msk [tilespmem:v8+s12+$0x0], $0xffff;
	v34 =	vshll.u32 v14, $0x6;
	v44 =	vmul.f32 v22, v18;
	v45 =	vmul.f32 v24, v18  }
0x38: {  	v32 =	vld.idx.msk [tilespmem:v13+s2+$0x0], $0xffff;
	v37 =	vshll.u32 v15, $0x6;
	v22 =	vmul.f32 v26, v18;
	v18 =	vmul.f32 v29, v18  }
0x39: {  	v13 =	vld.idx.msk [tilespmem:v1+s11+$0x0], $0xffff;
	v42 =	vshll.u32 v12, $0x6;
	v36 =	vmul.f32 v36, v21;
	v39 =	vmul.f32 v39, v23  }
0x3a: {  	v20 =	vld.idx.msk [tilespmem:v9+s12+$0x0], $0xffff;
	vm7 =	veq.s32 v14, v0;
	vm2 =	veq.s32 v15, v0;
	vm14 =	veq.s32 v14, v2  }
0x3b: {  	v50 =	vld.idx.msk [tilespmem:v46+s2+$0x0], $0xffff;
	vm15 =	veq.s32 v15, v2;
	v35 =	vor.u32 v0, v34;
	v38 =	vor.u32 v0, v37  }
0x3c: {  	v28 =	vld.idx.msk [tilespmem:v28+s2+$0x0], $0xffff;
	v43 =	vor.u32 v0, v42;
	v49 =	vor.u32 v2, v34;
	v51 =	vor.u32 v2, v37  }
0x3d: {  	v56 =	vld.idx.msk [tilespmem:v48+s2+$0x0], $0xffff;
	vm7 =	vmor vm7, vm2;
	vm2 =	veq.s32 v12, v0;
	v54 =	vor.u32 v2, v42  }
0x3e: {  	v24 =	vld.idx.msk [tilespmem:v1+s12+$0x0], $0xffff;
	vm5 =	vmor vm14, vm15;
	v61 =	vor.u32 v3, v34;
	v40 =	vshll.u32 v13, $0x6  }
0x3f: {  	v26 =	vld.idx.msk [tilespmem:v10+s12+$0x0], $0xffff;
	v34 =	vor.u32 v4, v34;
	vm14 =	veq.s32 v14, v3;
	v41 =	vor.u32 v0, v40  }
0x40: {  	vm15 =	veq.s32 v15, v3;
	v36 =	vadd.f32 v39, v36;
	v32 =	vmul.f32 v32, v30;
	v35 =	vld.idx.msk [tilespmem:v35+s2+$0x0], $0xffff  }
0x41: {  	vm10 =	veq.s32 v13, v0;
	vm9 =	veq.s32 v13, v2;
	v28 =	vmul.f32 v28, v30;
	v38 =	vld.idx.msk [tilespmem:v38+s2+$0x0], $0xffff  }
0x42: {  	v43 =	vld.idx.msk [tilespmem:v43+s2+$0x0], $0xffff;
	vm6 =	vmor vm10, vm2;
	vm2 =	veq.s32 v27, v4;
	v52 =	vor.u32 v2, v40  }
0x43: {  	v57 =	vld.idx.msk [tilespmem:v51+s2+$0x0], $0xffff;
	vm10 =	veq.s32 v12, v2;
	v48 =	vor.u32 v3, v40;
	v51 =	vor.u32 v4, v40  }
0x44: {  	v32 =	vadd.f32 v32, v44;
	vm6 =	vmor vm7, vm6;
	vm7 =	vmor vm9, vm10;
	v62 =	vld.idx.msk [tilespmem:v41+s2+$0x0], $0xffff  }
0x45: {  	v53 =	vld.idx.msk [tilespmem:v47+s2+$0x0], $0xffff;
	v44 =	vor.u32 v3, v37;
	v37 =	vor.u32 v4, v37;
	vm9 =	veq.s32 v13, v3  }
0x46: {  	v46 =	vld.idx.msk [tilespmem:v33+s2+$0x0], $0xffff;
	vm10 =	veq.s32 v12, v3;
	vm4 =	vmor vm4, vm6;
	vm6 =	vmor vm12, vm13  }
0x47: {  	v39 =	vld.idx.msk [tilespmem:v49+s2+$0x0], $0xffff;
	vm5 =	vmor vm5, vm7;
	vm12 =	veq.s32 v17, v3;
	vm13 =	veq.s32 v16, v3  }
0x48: {  	v32 =	vadd.f32 v36, v32;
	v35 =	vmul.f32 v35, v19;
	v38 =	vmul.f32 v38, v20;
	v41 =	vld.idx.msk [tilespmem:v63+s2+$0x0], $0xffff  }
0x49: {  	vm6 =	vmor vm3, vm6;
	v43 =	vmul.f32 v43, v26;
	v27 =	vld.idx.msk [tilespmem:v52+s2+$0x0], $0xffff;
	v29 =	vmul.f32 v62, v24  }
0x4a: {  	v58 =	vld.idx.msk [tilespmem:v54+s2+$0x0], $0xffff;
	v36 =	vmul.f32 v56, v23;
	vm3 =	veq.s32 v25, v4;
	vm5 =	vmor vm6, vm5  }
0x4b: {  	v49 =	vld.idx.msk [tilespmem:v61+s2+$0x0], $0xffff;
	vm6 =	vmor vm12, vm13;
	v35 =	vadd.f32 v38, v35;
	v29 =	vadd.f32 v43, v29  }
0x4c: {  	v34 =	vld.idx.msk [tilespmem:v34+s2+$0x0], $0xffff;
	vm12 =	veq.s32 v16, v4;
	v38 =	vmul.f32 v50, v30;
	v50 =	vor.u32 v3, v42  }
0x4d: {  	vm13 =	veq.s32 v14, v4;
	v39 =	vmul.f32 v39, v19;
	v63 =	vld.idx.msk [tilespmem:v31+s2+$0x0], $0xffff;
	v29 =	vadd.f32 v29, v35  }
0x4e: {  	v52 =	vor.u32 v4, v42;
	v31 =	vld.idx.msk [tilespmem:v44+s2+$0x0], $0xffff;
	v55 =	vmul.f32 v41, v30;
	v27 =	vmul.f32 v27, v24  }
0x4f: {  	v41 =	vmul.f32 v58, v26;
	v62 =	vld.idx.msk [tilespmem:v59+s2+$0x0], $0xffff;
	v29 =	vadd.f32 v29, v32;
	v32 =	vmul.f32 v57, v20  }
0x50: {  	vm2 =	vmor vm2, vm3;
	vm3 =	veq.s32 v13, v4;
	vm1 =	vmor vm1, vm6;
	v37 =	vld.idx.msk [tilespmem:v37+s2+$0x0], $0xffff  }
0x51: {  	v43 =	vmul.f32 v53, v21;
	v27 =	vadd.f32 v41, v27;
	v54 =	vld.idx.msk [tilespmem:v50+s2+$0x0], $0xffff;
	v32 =	vadd.f32 v32, v39  }
0x52: {  	vm6 =	vmor vm11, vm12;
	v22 =	vadd.f32 v38, v22;
	v35 =	vadd.f32 v55, v45;
	v45 =	vld.idx.msk [tilespmem:v60+s2+$0x0], $0xffff  }
0x53: {  	v14 =	vmul.f32 v31, v20;
	v36 =	vadd.f32 v36, v43;
	v27 =	vadd.f32 v27, v32;
	v32 =	vld.idx.msk [tilespmem:v48+s2+$0x0], $0xffff  }
0x54: {  	v58 =	vld.idx.msk [tilespmem:v52+s2+$0x0], $0xffff;
	v60 =	vadd.f32 v28, v18;
	v53 =	vmul.f32 v62, v21;
	v21 =	vmul.f32 v63, v21  }
0x55: {  	v56 =	vld.idx.msk [tilespmem:v51+s2+$0x0], $0xffff;
	v35 =	vadd.f32 v36, v35;
	v57 =	vmul.f32 v49, v19;
	v19 =	vmul.f32 v34, v19  }
0x56: {  	v20 =	vmul.f32 v37, v20;
	v30 =	vmul.f32 v54, v26;
	v29 =	vsel vm4, $0xFF800000, v29  }
0x57: {  	vm4 =	vmor vm14, vm15;
	vm14 =	veq.s32 v15, v4;
	v55 =	vmul.f32 v45, v23  }
0x58: {  	v14 =	vadd.f32 v14, v57;
	v23 =	vmul.f32 v46, v23;
	v15 =	vmul.f32 v32, v24  }
0x59: {  	v59 =	vmul.f32 v58, v26;
	v13 =	vadd.f32 v20, v19;
	v17 =	vadd.f32 v55, v53  }
0x5a: {  	v61 =	vadd.f32 v23, v21;
	v24 =	vmul.f32 v56, v24;
	v15 =	vadd.f32 v30, v15  }
0x5b: {  	vm2 =	vmor vm2, vm6;
	v63 =	vld.idx.msk [tilespmem:v11+s12+$0x0], $0xffff;
	v27 =	vadd.f32 v27, v35;
	v17 =	vadd.f32 v17, v22  }
0x5c: {  	vm15 =	veq.s32 v12, v4;
	v62 =	vadd.f32 v59, v24;
	v14 =	vadd.f32 v15, v14  }
0x5d: {  	v12 =	vadd.f32 v61, v60;
	v27 =	vsel vm5, $0xFF800000, v27;
	vm5 =	vmor vm9, vm10;
	v15 =	vld.idx.msk [tilespmem:v11+s11+$0x0], $0xffff  }
0x5e: {  	vm4 =	vmor vm4, vm5;
	v13 =	vadd.f32 v62, v13;
	[tilespmem:$0x4070] =	vst v29;
	v14 =	vadd.f32 v14, v17  }
0x5f: {  	vm3 =	vmor vm3, vm15;
	vm1 =	vmor vm1, vm4;
	vm4 =	vmor vm13, vm14;
	[tilespmem:$0x4080] =	vst v27  }
0x60: {  	vm3 =	vmor vm4, vm3;
	[tilespmem:$0x40B0] =	vst v63;
	v12 =	vadd.f32 v13, v12;
	v13 =	vsel vm1, $0xFF800000, v14  }
0x61: {  	vm1 =	vmor vm2, vm3;
	[tilespmem:$0x4090] =	vst v13  }
0x62: {  	v12 =	vsel vm1, $0xFF800000, v12;
	v13 =	vld [tilespmem:$0x2010];
	[tilespmem:$0x40D0] =	vst v15  }
0x63: {  	s20 =	simm.s32 $0x3020;
	s21 =	simm.s32 $0x2020;
	s22 =	simm.s32 $0x0;
	[tilespmem:$0x40A0] =	vst v12;
	v12 =	vld [tilespmem:$0x2000]  }
.LBB2_2:
0x64: {  	s23 =	smin.u32 s22, $0xFF  }
0x65: {  	s26 =	sshll.u32 s23, $0x3  }
0x66: {  	v14 =	vmov s26;
	_ =	sdelay $0x1  }
0x67: {  	s23 =	sadd.s32 $0x1, s22  }
0x68: {  	s25 =	sand.u32 $0x1, s23;
	v15 =	vor.u32 $0x1, v14  }
0x69: {  	s24 =	smul.u32 $0x140, s25  }
0x6a: {  	v25 =	vld.idx.msk [tilespmem:v14+s11+$0x0], $0xffff  }
0x6b: {  	s24 =	sshrl.u32 s24, $0x2  }
0x6c: {  	v20 =	vld [tilespmem:s24+$0x4020]  }
0x6d: {  	v22 =	vld.idx.msk [tilespmem:v15+s11+$0x0], $0xffff  }
0x6e: {  	v42 =	vor.u32 $0x7, v14;
	v21 =	vld [tilespmem:s24+$0x4030]  }
0x6f: {  	v30 =	vld [tilespmem:s24+$0x4040];
	v16 =	vshll.u32 v25, $0x6  }
0x70: {  	v23 =	vor.u32 $0x2, v14;
	v31 =	vld [tilespmem:s24+$0x4050];
	v17 =	vor.u32 v0, v16  }
0x71: {  	v32 =	vor.u32 $0x3, v14;
	v35 =	vor.u32 $0x4, v14;
	v27 =	vld.idx.msk [tilespmem:v14+s12+$0x0], $0xffff;
	v18 =	vor.u32 v2, v16  }
0x72: {  	v37 =	vor.u32 $0x5, v14;
	v36 =	vld.idx.msk [tilespmem:v15+s12+$0x0], $0xffff;
	v19 =	vor.u32 v3, v16;
	v28 =	vshll.u32 v22, $0x6  }
0x73: {  	v39 =	vor.u32 $0x6, v14;
	v14 =	vld.idx.msk [tilespmem:v42+s11+$0x0], $0xffff;
	v16 =	vor.u32 v4, v16;
	v61 =	vor.u32 v0, v28  }
0x74: {  	v29 =	vor.u32 v2, v28;
	v15 =	vor.u32 v3, v28;
	v55 =	vor.u32 v4, v28;
	v28 =	vld.idx.msk [tilespmem:v42+s12+$0x0], $0xffff  }
0x75: {  	v24 =	vld.idx.msk [tilespmem:v17+s2+$0x0], $0xffff  }
0x76: {  	v26 =	vld.idx.msk [tilespmem:v18+s2+$0x0], $0xffff  }
0x77: {  	v33 =	vld.idx.msk [tilespmem:v19+s2+$0x0], $0xffff  }
0x78: {  	v34 =	vld.idx.msk [tilespmem:v16+s2+$0x0], $0xffff  }
0x79: {  	v19 =	vld.idx.msk [tilespmem:v23+s11+$0x0], $0xffff  }
0x7a: {  	v18 =	vld.idx.msk [tilespmem:v32+s11+$0x0], $0xffff  }
0x7b: {  	(xrf1) =	vsort.dscd.msk.f32 $0xffff, v20, v0;
	v16 =	vld.idx.msk [tilespmem:v35+s11+$0x0], $0xffff  }
0x7c: {  	(xrf1) =	vsort.ascd.msk.f32 $0xffff, v21, v2;
	v17 =	vld.idx.msk [tilespmem:v37+s11+$0x0], $0xffff  }
0x7d: {  	vm4 =	veq.s32 v25, v0;
	vm3 =	veq.s32 v25, v2;
	v53 =	vshll.u32 v14, $0x6;
	v38 =	vld.idx.msk [tilespmem:v61+s2+$0x0], $0xffff  }
0x7e: {  	vm2 =	veq.s32 v25, v3;
	vm1 =	veq.s32 v25, v4;
	v54 =	vor.u32 v0, v53;
	v40 =	vld.idx.msk [tilespmem:v29+s2+$0x0], $0xffff  }
0x7f: {  	vm5 =	veq.s32 v22, v0;
	vm13 =	veq.s32 v14, v0;
	vm14 =	veq.s32 v22, v2;
	v44 =	vld.idx.msk [tilespmem:v15+s2+$0x0], $0xffff  }
0x80: {  	vm10 =	veq.s32 v14, v2;
	vm9 =	veq.s32 v14, v3;
	vm4 =	vmor vm4, vm5;
	v15 =	vld.idx.msk [tilespmem:v39+s11+$0x0], $0xffff  }
0x81: {  	(xrf1) =	vsort.dscd.msk.f32 $0xffff, v30, v3;
	vm3 =	vmor vm3, vm14;
	v29 =	vld.idx.msk [tilespmem:v23+s12+$0x0], $0xffff;
	v41 =	vshll.u32 v19, $0x6;
	v45 =	vshll.u32 v18, $0x6  }
0x82: {  	(xrf1) =	vsort.ascd.msk.f32 $0xffff, v31, v4;
	v23 =	vld.idx.msk [tilespmem:v32+s12+$0x0], $0xffff;
	v47 =	vshll.u32 v16, $0x6;
	v49 =	vshll.u32 v17, $0x6;
	v51 =	vmul.f32 v24, v27  }
0x83: {  	v58 =	vld.idx.msk [tilespmem:v54+s2+$0x0], $0xffff;
	v52 =	vmul.f32 v26, v27;
	v21 =	vmul.f32 v33, v27;
	v43 =	vor.u32 v0, v41  }
0x84: {  	v59 =	vld.idx.msk [tilespmem:v55+s2+$0x0], $0xffff;
	v20 =	vmul.f32 v34, v27;
	vm6 =	veq.s32 v19, v0;
	v46 =	vor.u32 v0, v45  }
0x85: {  	v24 =	vld.idx.msk [tilespmem:v35+s12+$0x0], $0xffff;
	vm7 =	veq.s32 v18, v0;
	vm8 =	veq.s32 v16, v0;
	v48 =	vor.u32 v0, v47  }
0x86: {  	v26 =	vld.idx.msk [tilespmem:v37+s12+$0x0], $0xffff;
	vm11 =	veq.s32 v17, v0;
	v62 =	vor.u32 v0, v49;
	v50 =	vshll.u32 v15, $0x6  }
0x87: {  	v27 =	vld.idx.msk [tilespmem:v39+s12+$0x0], $0xffff;
	vm15 =	veq.s32 v19, v2;
	v34 =	vmul.f32 v38, v36;
	v63 =	vor.u32 v0, v50  }
0x88: {  	vm14 =	veq.s32 v17, v2;
	v37 =	vmul.f32 v40, v36;
	v25 =	vmul.f32 v44, v36;
	v43 =	vld.idx.msk [tilespmem:v43+s2+$0x0], $0xffff  }
0x89: {  	v56 =	vor.u32 v2, v41;
	v57 =	vor.u32 v2, v45;
	vm6 =	vmor vm6, vm7;
	v46 =	vld.idx.msk [tilespmem:v46+s2+$0x0], $0xffff  }
0x8a: {  	vm12 =	veq.s32 v15, v0;
	vm8 =	vmor vm8, vm11;
	v61 =	vor.u32 v2, v47;
	v48 =	vld.idx.msk [tilespmem:v48+s2+$0x0], $0xffff  }
0x8b: {  	v54 =	vor.u32 v2, v49;
	v30 =	vmul.f32 v58, v28;
	v31 =	vmul.f32 v59, v36;
	v32 =	vld.idx.msk [tilespmem:v62+s2+$0x0], $0xffff  }
0x8c: {  	v42 =	vor.u32 v4, v45;
	vm11 =	veq.s32 v19, v3;
	vm7 =	vmor vm12, vm13;
	v35 =	vld.idx.msk [tilespmem:v63+s2+$0x0], $0xffff  }
0x8d: {  	v55 =	vor.u32 v2, v50;
	vm6 =	vmor vm4, vm6;
	vm4 =	veq.s32 v22, v3  }
0x8e: {  	vm12 =	veq.s32 v18, v2;
	vm13 =	veq.s32 v16, v2;
	v34 =	vadd.f32 v34, v51  }
0x8f: {  	vm7 =	vmor vm8, vm7;
	vm5 =	vmor vm13, vm14;
	v60 =	vmul.f32 v43, v29  }
0x90: {  	v37 =	vadd.f32 v37, v52;
	v62 =	vmul.f32 v46, v23;
	v63 =	vmul.f32 v48, v24  }
0x91: {  	v51 =	vor.u32 v3, v50;
	v32 =	vmul.f32 v32, v26;
	v35 =	vmul.f32 v35, v27  }
0x92: {  	vm13 =	veq.s32 v16, v3;
	v39 =	vld.idx.msk [tilespmem:v56+s2+$0x0], $0xffff;
	v56 =	vor.u32 v2, v53;
	v33 =	vadd.f32 v62, v60  }
0x93: {  	vm14 =	veq.s32 v17, v3;
	v40 =	vld.idx.msk [tilespmem:v57+s2+$0x0], $0xffff;
	v32 =	vadd.f32 v32, v63;
	v30 =	vadd.f32 v30, v35  }
0x94: {  	v21 =	vadd.f32 v25, v21;
	vm6 =	vmor vm6, vm7;
	vm7 =	vmor vm15, vm12;
	v38 =	vld.idx.msk [tilespmem:v61+s2+$0x0], $0xffff;
	v44, v61, _ =	vpop (xrf1)  }
0x95: {  	vm15 =	veq.s32 v15, v2;
	v58 =	vld.idx.msk [tilespmem:v55+s2+$0x0], $0xffff;
	v33 =	vadd.f32 v33, v34;
	v30 =	vadd.f32 v30, v32;
	v63, v62, _ =	vpop (xrf1)  }
0x96: {  	vm12 =	veq.s32 v18, v3;
	v57 =	vld.idx.msk [tilespmem:v54+s2+$0x0], $0xffff;
	v43 =	vor.u32 v3, v47;
	v60, v54, _ =	vpop (xrf1);
	v44 =	vsel vm0, v44, v63  }
0x97: {  	v59 =	vld.idx.msk [tilespmem:v56+s2+$0x0], $0xffff;
	v30 =	vadd.f32 v30, v33;
	v33 =	vor.u32 v3, v45;
	v55, v56, _ =	vpop (xrf1);
	v45 =	vsel vm0, v61, v62  }
0x98: {  	(xrf1) =	vsort.dscd.msk.f32 $0xffff, v44, v45;
	v61 =	vsel vm0, v60, v55;
	v62 =	vsel vm0, v54, v56  }
0x99: {  	vm2 =	vmor vm2, vm4;
	v35 =	vmul.f32 v39, v29;
	v34 =	vor.u32 v4, v41;
	(xrf1) =	vsort.ascd.msk.f32 $0xffff, v61, v62  }
0x9a: {  	v39 =	vmul.f32 v40, v23;
	v40 =	vmul.f32 v58, v27;
	v58 =	vor.u32 v4, v53  }
0x9b: {  	vm4 =	vmor vm13, vm14;
	vm13 =	veq.s32 v17, v4;
	v32 =	vor.u32 v3, v41  }
0x9c: {  	vm14 =	veq.s32 v15, v4;
	vm7 =	vmor vm3, vm7;
	v52 =	vld.idx.msk [tilespmem:v43+s2+$0x0], $0xffff;
	v63 =	vor.u32 v3, v49  }
0x9d: {  	v38 =	vmul.f32 v38, v24;
	v36 =	vmul.f32 v57, v26;
	v48 =	vor.u32 v4, v49;
	v49 =	vld.idx.msk [tilespmem:v42+s2+$0x0], $0xffff  }
0x9e: {  	vm3 =	veq.s32 v22, v4;
	v41 =	vmul.f32 v59, v28;
	v35 =	vadd.f32 v39, v35;
	v34 =	vld.idx.msk [tilespmem:v34+s2+$0x0], $0xffff  }
0x9f: {  	vm1 =	vmor vm1, vm3;
	v46 =	vor.u32 v4, v47;
	v36 =	vadd.f32 v36, v38;
	v62 =	vld.idx.msk [tilespmem:v58+s2+$0x0], $0xffff  }
0xa0: {  	s29 =	smin.u32 s22, $0x1;
	v35 =	vadd.f32 v35, v37;
	v45 =	vadd.f32 v41, v40;
	v54 =	vor.u32 v4, v50;
	v32 =	vld.idx.msk [tilespmem:v32+s2+$0x0], $0xffff  }
0xa1: {  	s28 =	ssub.s32 s22, s29;
	v56 =	vor.u32 v3, v53;
	v50 =	vor.u32 s26, v11;
	v30 =	vsel vm6, $0xFF800000, v30;
	v57 =	vld.idx.msk [tilespmem:v63+s2+$0x0], $0xffff  }
0xa2: {  	s28 =	sshll.u32 s28, $0x4;
	vm6 =	vmor vm15, vm10;
	vm15 =	veq.s32 v15, v3;
	vm10 =	veq.s32 v19, v4;
	v47 =	vld.idx.msk [tilespmem:v33+s2+$0x0], $0xffff  }
0xa3: {  	v15 =	vadd.f32 v31, v20;
	v58 =	vmov s28;
	v36 =	vadd.f32 v45, v36;
	v33 =	vld.idx.msk [tilespmem:v48+s2+$0x0], $0xffff  }
0xa4: {  	v59 =	vld.idx.msk [tilespmem:v51+s2+$0x0], $0xffff;
	vm5 =	vmor vm5, vm6;
	vm6 =	vmor vm11, vm12;
	vm11 =	veq.s32 v18, v4  }
0xa5: {  	v55 =	vld.idx.msk [tilespmem:v46+s2+$0x0], $0xffff;
	vm12 =	veq.s32 v16, v4;
	vm5 =	vmor vm7, vm5;
	v32 =	vmul.f32 v32, v29  }
0xa6: {  	vm3 =	vmor vm10, vm11;
	v61 =	vld.idx.msk [tilespmem:v56+s2+$0x0], $0xffff;
	v29 =	vmul.f32 v34, v29;
	v46 =	vmul.f32 v57, v26;
	v45, v44, _ =	vpop (xrf1)  }
0xa7: {  	v35 =	vadd.f32 v36, v35;
	v38 =	vld.idx.msk [tilespmem:v54+s2+$0x0], $0xffff;
	v60 =	vmul.f32 v47, v23;
	v23 =	vmul.f32 v49, v23;
	v49, v48, _ =	vpop (xrf1)  }
0xa8: {  	v26 =	vmul.f32 v33, v26;
	v33 =	vsel vm0, v45, v49;
	v34 =	vsel vm0, v44, v48  }
0xa9: {  	vm2 =	vmor vm2, vm6;
	v63 =	vmul.f32 v52, v24;
	vm1 =	vmor vm1, vm3;
	(xrf1) =	vsort.dscd.msk.f32 $0xffff, v33, v34  }
0xaa: {  	v24 =	vmul.f32 v55, v24;
	v35 =	vsel vm5, $0xFF800000, v35;
	v18 =	vmul.f32 v62, v28  }
0xab: {  	vm5 =	vmor vm15, vm9;
	v47 =	vmul.f32 v59, v27;
	v22 =	vmul.f32 v61, v28  }
0xac: {  	v27 =	vmul.f32 v38, v27;
	v16 =	vadd.f32 v46, v63;
	v19 =	vadd.f32 v60, v32  }
0xad: {  	s30 =	sand.u32 $0x1, s22;
	vm15 =	veq.s32 v14, v4;
	v51 =	vadd.f32 v23, v29;
	v17 =	vadd.f32 v22, v47  }
0xae: {  	s31 =	smul.u32 $0x140, s30;
	s25 =	sshll.u32 s25, $0x4;
	vm4 =	vmor vm4, vm5;
	v57 =	vld.idx.msk [tilespmem:v50+s12+$0x0], $0xffff;
	v53 =	vadd.f32 v26, v24;
	v18 =	vadd.f32 v18, v27  }
0xaf: {  	v52 =	vld [tilespmem:s25+$0x40C0];
	vm5 =	vmor vm14, vm15;
	v14 =	vadd.f32 v19, v21;
	v16 =	vadd.f32 v17, v16  }
0xb0: {  	v54 =	vld [tilespmem:s24+$0x4060];
	s24 =	sshrl.u32 s31, $0x2;
	vm2 =	vmor vm2, vm4;
	v15 =	vadd.f32 v51, v15;
	v55 =	vadd.f32 v18, v53  }
0xb1: {  	v56 =	vld.idx.msk [tilespmem:v50+s11+$0x0], $0xffff;
	vm4 =	vmor vm12, vm13;
	[tilespmem:s24+$0x4020] =	vst v30;
	v59 =	vor.u32 $0x8, v58;
	v14 =	vadd.f32 v16, v14  }
0xb2: {  	[tilespmem:s24+$0x4030] =	vst v35;
	vm3 =	vmor vm4, vm5;
	v17 =	vbroadcast v59, $0x0;
	v15 =	vadd.f32 v55, v15  }
0xb3: {  	s26 =	sshll.u32 s29, $0x6;
	vm1 =	vmor vm1, vm3;
	[tilespmem:s24+$0x4060] =	vst v57;
	v14 =	vsel vm2, $0xFF800000, v14  }
0xb4: {  	s26 =	ssub.s32 $0x0, s26;
	v15 =	vsel vm1, $0xFF800000, v15;
	[tilespmem:s24+$0x4040] =	vst v14;
	v14 =	vor.u32 v11, v17  }
0xb5: {  	p0 =	sne.s32 s22, $0x100;
	s29 =	sshll.u32 s30, $0x4;
	s26 =	sshra.s32 s26, $0x2;
	[tilespmem:s24+$0x4050] =	vst v15  }
.Ltmp0:
0xb6: {  	s30 =	sadd.s32 s26, s21;
	v60 =	vadd.f32 v54, v13;
	v15 =	vadd.s32 v12, v52;
	[tilespmem:s29+$0x40C0] =	vst v56;
	(pc) =	sbr.rel @p0 .LBB2_2-.Ltmp0, $4  }
0xb7: {  	s31 =	sadd.s32 s26, s20;
	[tilespmem:s30+$0x0] =	vst v15;
	v61, v62, _ =	vpop (xrf1)  }
0xb8: {  	[tilespmem:s31+$0x0] =	vst v60;
	v15 =	vadd.s32 v12, v62;
	v63 =	vadd.f32 v61, v13  }
0xb9: {  	[tilespmem:v14+s16+$0x0] =	vst.idx.msk $0xff, v15  }
0xba: {  	s22 =	smov.u32 s23;
	s21 =	sadd.s32 $0x10, s21;
	s20 =	sadd.s32 $0x10, s20;
	[tilespmem:v14+s17+$0x0] =	vst.idx.msk $0xff, v63  }
0xbb: {  	[hbm4b:s8+s2] =	stream.linear.scatter [tilespmem:s16], [sflag:$0x2], $0x1000, $0x38;
	[tilespmem:$0x40E0] =	vst v63  }
0xbc: {  	s19 =	sadd.s32 $0x1, s19;
	_ =	swait.ge [sflag:s18], $0x1000  }
0xbd: {  	p0 =	sne.s32 s19, s10;
	[sflag:s18] =	ssyncset.done $0x0  }
.Ltmp1:
0xbe: {  	[sflag:s18] =	ssyncadd.s32 $0xFFFFF000;
	(pc) =	sbr.rel @p0 .LBB2_1-.Ltmp1, $4  }
0xbf: {  	[hbm4b:s9+s2] =	stream.linear.scatter [tilespmem:s17], [sflag:$0x2], $0x1000, $0x38;
	[tilespmem:$0x40E0] =	vst v63  }
0xc0: {  	_ =	swait.ge [sflag:s18], $0x1000  }
0xc1: {  	[sflag:s18] =	ssyncset.done $0x0  }
0xc2: {  	[sflag:s18] =	ssyncadd.s32 $0xFFFFF000  }
0xc3: {  	_ =	sfence.sel $0x180000  }
0xc4: {  	[bflag:$0x0] =	sbarrier.arrive $0xFFFF  }
0xc5: {  	p0 =	sne.s32 s1, $0x0;
	_ =	strace $0x9000004D  }
0xc6: {  	s0 =	sadd.s32 @!p0 $0x100000, s0;
	[bflag:$0x2] =	sbarrier.arrive $0xFFFF  }
0xc7: {  	[sflag:s0] =	ssyncadd.tile.s32 @!p0 $0x1;
	_ =	shalt  }
.Lfunc_end2:
_tile_overlayer_lowered:
.L_overlay_start_2:
0xc8: {  	(tag) =	ssettag $0x2  }
0xc9: {  	s0 =	rddreg [dreg:$0x0];
	s2 =	stileid.u32  }
0xca: {  	s1 =	rddreg [dreg:$0x1];
	p0 =	sne.s32 s2, $0x0  }
0xcb: {  	s3 =	rddreg [dreg:$0x2];
	[bflag:$0x3] =	sbarrier.arrive $0xFFFF;
	s2 =	simm.s32 @!p0 $0x1C02  }
0xcc: {  	[timem:s3], [sflag:s2] =	dma.local @!p0 [hbm:s0], s1  }
0xcd: {  	s0 =	simm.s32 @!p0 $0x2  }
0xce: {  	_ =	swait.ge @!p0 [sflag:s0], s1  }
0xcf: {  	s1 =	ssub.s32 @!p0 $0x0, s1;
	[sflag:s0] =	ssyncset.done @!p0 $0x0  }
0xd0: {  	[sflag:s0] =	ssyncadd.s32 @!p0 s1  }
0xd1: {  	[bflag:$0x3] =	sbarrier.arrive $0xFFFF  }
0xd2: {  	_ =	shalt  }

</sc_bundles>
